<compile_context>
chip_gen: v7x
topology: tpu7x:2x2x1
jax: 0.10.2.dev20260603
libtpu: 0.0.44.dev20260713+nightly
codegen_flags: <defaults>
</compile_context>

<pallas_src>
import functools

import jax
import jax.numpy as jnp
from jax import lax
from jax.experimental import pallas as pl
from jax.experimental.pallas import tpu as pltpu
from jax.experimental.pallas import tpu_sc as plsc

ALPHA = 0.5
LANES = 16
NTILES = 16
CHUNK = 128
BLK = 4
BLKE = 2048


def _ceil_to(v, m):
    return -(-v // m) * m



@functools.lru_cache(maxsize=None)
def _make_deg_kernel(n_pad, e_pad):
    ept = e_pad // NTILES
    nblk = ept // BLKE
    seg = n_pad // NTILES
    mesh = plsc.VectorSubcoreMesh(core_axis_name="c", subcore_axis_name="s")
    assert nblk % 2 == 0

    @functools.partial(
        pl.kernel,
        out_type=[jax.ShapeDtypeStruct((n_pad,), jnp.float32),
                  jax.ShapeDtypeStruct((n_pad,), jnp.float32)],
        mesh=mesh,
        compiler_params=pltpu.CompilerParams(
            needs_layout_passes=False, use_tc_tiling_on_sc=False),
        scratch_types=[
            pltpu.VMEM((2, BLKE), jnp.int32),
            pltpu.VMEM((n_pad,), jnp.float32),
            pltpu.VMEM((seg,), jnp.float32),
            pltpu.VMEM((seg,), jnp.float32),
            pltpu.VMEM_SHARED((NTILES, n_pad), jnp.float32),
            pltpu.SemaphoreType.DMA,
            pltpu.SemaphoreType.DMA,
        ],
    )
    def deg_kernel(row_idx, col_idx, out_deg, in_deg,
                   eb, hist, tsum, tin, acc_sh, isem0, isem1):
        c = lax.axis_index("c")
        s = lax.axis_index("s")
        isems = (isem0, isem1)
        zeros16 = jnp.zeros((16,), jnp.float32)
        ones16 = jnp.ones((16,), jnp.float32)

        def zero_hist(i, carry):
            hist[pl.ds(i * 16, 16)] = zeros16
            return carry

        def run(idx3, out):
            lax.fori_loop(0, n_pad // 16, zero_hist, 0)
            pltpu.async_copy(idx3.at[s, 0], eb.at[0], isems[0])
            pltpu.async_copy(idx3.at[s, 1], eb.at[1], isems[1])

            def hist_block(m_val, p):
                def step(kk, carry):
                    for u in range(4):
                        idx = eb[p, pl.ds((kk * 4 + u) * 16, 16)]
                        plsc.addupdate_scatter(hist, [idx], ones16)
                    return carry

                lax.fori_loop(0, BLKE // 64, step, 0)

                @pl.when(m_val < nblk - 2)
                def _():
                    pltpu.async_copy(idx3.at[s, m_val + 2], eb.at[p],
                                     isems[p])

            def outer(t, carry):
                for p in (0, 1):
                    m_val = t * 2 + p
                    pltpu.make_async_copy(idx3.at[s, p], eb.at[p],
                                          isems[p]).wait()
                    hist_block(m_val, p)
                return carry

            lax.fori_loop(0, nblk // 2, outer, 0)
            pltpu.sync_copy(hist, acc_sh.at[s])
            plsc.subcore_barrier()

            base = s * seg
            pltpu.sync_copy(acc_sh.at[0, pl.ds(base, seg)], tsum)
            for k in range(1, NTILES):
                pltpu.sync_copy(acc_sh.at[k, pl.ds(base, seg)], tin)

                def addstep(i, carry):
                    tsum[pl.ds(i * 16, 16)] = (tsum[pl.ds(i * 16, 16)]
                                               + tin[pl.ds(i * 16, 16)])
                    return carry

                lax.fori_loop(0, seg // 16, addstep, 0)
            pltpu.sync_copy(tsum, out.at[pl.ds(base, seg)])

        @pl.when(c == 0)
        def _():
            run(row_idx, out_deg)

        @pl.when(c == 1)
        def _():
            run(col_idx, in_deg)

    return deg_kernel



@functools.lru_cache(maxsize=None)
def _make_agg_kernel(n_pad, e_pad, d):
    chunks = e_pad // (NTILES * CHUNK)
    bpt = chunks // BLK
    t_iters = chunks // 8
    rows_per_tile = n_pad // NTILES
    mesh = plsc.VectorSubcoreMesh(core_axis_name="c", subcore_axis_name="s")
    assert chunks % 8 == 0

    @functools.partial(
        pl.kernel,
        out_type=[jax.ShapeDtypeStruct((n_pad, d), jnp.float32),
                  jax.ShapeDtypeStruct((n_pad, d), jnp.float32)],
        mesh=mesh,
        scratch_types=[
            pltpu.VMEM((2, BLK, CHUNK), jnp.int32),
            pltpu.VMEM((2, BLK, CHUNK), jnp.int32),
            pltpu.VMEM((2, CHUNK, d), jnp.float32),
            pltpu.VMEM_SHARED((n_pad, d), jnp.float32),
            pltpu.SemaphoreType.DMA,
            pltpu.SemaphoreType.DMA,
            pltpu.SemaphoreType.DMA,
            pltpu.SemaphoreType.DMA,
        ],
    )
    def agg_kernel(zeros, z_src, z_dst, row3, col3, out_src, out_dst,
                   ig, isc, rows_v, acc, isem0, isem1, gsem0, gsem1):
        c = lax.axis_index("c")
        s = lax.axis_index("s")
        base = s * rows_per_tile
        isems = (isem0, isem1)
        gsems = (gsem0, gsem1)
        pltpu.sync_copy(zeros.at[pl.ds(base, rows_per_tile)],
                        acc.at[pl.ds(base, rows_per_tile)])
        plsc.subcore_barrier()

        def run(table, g3, s3, out):
            blk0 = s * bpt

            def fire_gather(p, j, b):
                pltpu.async_copy(table.at[ig.at[p, j]], rows_v.at[b],
                                 gsems[b])

            pltpu.sync_copy(g3.at[blk0], ig.at[0])
            pltpu.sync_copy(s3.at[blk0], isc.at[0])
            pltpu.async_copy(g3.at[blk0 + 1], ig.at[1], isems[1])
            pltpu.async_copy(s3.at[blk0 + 1], isc.at[1], isems[1])
            fire_gather(0, 0, 0)
            fire_gather(0, 1, 1)

            def body(t, carry):
                not_last = t < t_iters - 1
                for jj in range(8):
                    p = jj // 4
                    j = jj % 4
                    b = jj % 2
                    if jj == 2:
                        pltpu.make_async_copy(g3.at[blk0], ig.at[1],
                                              isems[1]).wait()
                        pltpu.make_async_copy(s3.at[blk0], isc.at[1],
                                              isems[1]).wait()
                    if jj == 6:
                        @pl.when(not_last)
                        def _():
                            pltpu.make_async_copy(g3.at[blk0], ig.at[0],
                                                  isems[0]).wait()
                            pltpu.make_async_copy(s3.at[blk0], isc.at[0],
                                                  isems[0]).wait()
                    pltpu.make_async_copy(table.at[ig.at[p, j]],
                                          rows_v.at[b], gsems[b]).wait()
                    pltpu.sync_copy(rows_v.at[b], acc.at[isc.at[p, j]],
                                    add=True)
                    if jj == 3:
                        @pl.when(not_last)
                        def _():
                            blk = blk0 + 2 * t + 2
                            pltpu.async_copy(g3.at[blk], ig.at[0], isems[0])
                            pltpu.async_copy(s3.at[blk], isc.at[0], isems[0])
                    if jj == 7:
                        @pl.when(not_last)
                        def _():
                            blk = blk0 + 2 * t + 3
                            pltpu.async_copy(g3.at[blk], ig.at[1], isems[1])
                            pltpu.async_copy(s3.at[blk], isc.at[1], isems[1])
                    pf = ((jj + 2) // 4) % 2
                    jf = (jj + 2) % 4
                    if jj < 6:
                        fire_gather(pf, jf, b)
                    else:
                        @pl.when(not_last)
                        def _():
                            fire_gather(pf, jf, b)
                return carry

            lax.fori_loop(0, t_iters, body, 0)
            plsc.subcore_barrier()
            pltpu.sync_copy(acc.at[pl.ds(base, rows_per_tile)],
                            out.at[pl.ds(base, rows_per_tile)])

        @pl.when(c == 0)
        def _():
            run(z_src, col3, row3, out_src)

        @pl.when(c == 1)
        def _():
            run(z_dst, row3, col3, out_dst)

    return agg_kernel



def _mm_body(x_ref, ws_ref, wd_ref, ideg_ref, odeg_ref, zs_ref, zd_ref):
    xb = x_ref[...]
    dn = (((1,), (1,)), ((), ()))
    ys = lax.dot_general(xb, ws_ref[...], dn,
                         preferred_element_type=jnp.float32,
                         precision=lax.Precision.HIGHEST)
    yd = lax.dot_general(xb, wd_ref[...], dn,
                         preferred_element_type=jnp.float32,
                         precision=lax.Precision.HIGHEST)
    ideg = ideg_ref[...]
    odeg = odeg_ref[...]
    iinv = jnp.where(ideg > 0, lax.rsqrt(ideg), 0.0)
    oinv = jnp.where(odeg > 0, lax.rsqrt(odeg), 0.0)
    zs_ref[...] = (ALPHA * iinv) * ys
    zd_ref[...] = ((1.0 - ALPHA) * oinv) * yd


def _fin_body(as_ref, ad_ref, odeg_ref, ideg_ref, bs_ref, bd_ref, out_ref):
    odeg = odeg_ref[...]
    ideg = ideg_ref[...]
    oinv = jnp.where(odeg > 0, lax.rsqrt(odeg), 0.0)
    iinv = jnp.where(ideg > 0, lax.rsqrt(ideg), 0.0)
    bias = ALPHA * bs_ref[...] + (1.0 - ALPHA) * bd_ref[...]
    out_ref[...] = oinv * as_ref[...] + iinv * ad_ref[...] + bias



def kernel(x, edge_index, W_src, b_src, W_dst, b_dst):
    n, d = x.shape
    e = edge_index.shape[1]
    n_pad = _ceil_to(n + 1, 1024)
    e_pad = _ceil_to(e, NTILES * CHUNK * 8)

    row = edge_index[0]
    col = edge_index[1]
    idx_fill = jnp.full((e_pad - e,), n, jnp.int32)
    row_p = jnp.concatenate([row, idx_fill])
    col_p = jnp.concatenate([col, idx_fill])
    row3 = row_p.reshape(e_pad // (BLK * CHUNK), BLK, CHUNK)
    col3 = col_p.reshape(e_pad // (BLK * CHUNK), BLK, CHUNK)
    rowe = row_p.reshape(NTILES, e_pad // (NTILES * BLKE), BLKE)
    cole = col_p.reshape(NTILES, e_pad // (NTILES * BLKE), BLKE)
    x_pad = jnp.pad(x.astype(jnp.float32), ((0, n_pad - n), (0, 0)))
    zeros = jnp.zeros((n_pad, d), jnp.float32)

    odeg1, ideg1 = _make_deg_kernel(n_pad, e_pad)(rowe, cole)
    odeg = odeg1.reshape(n_pad, 1)
    ideg = ideg1.reshape(n_pad, 1)

    blk = 256
    grid = (n_pad // blk,)
    row_spec = pl.BlockSpec((blk, d), lambda i: (i, 0))
    deg_spec = pl.BlockSpec((blk, 1), lambda i: (i, 0))
    w_spec = pl.BlockSpec((d, d), lambda i: (0, 0))
    z_src, z_dst = pl.pallas_call(
        _mm_body,
        grid=grid,
        in_specs=[row_spec, w_spec, w_spec, deg_spec, deg_spec],
        out_specs=[row_spec, row_spec],
        out_shape=[jax.ShapeDtypeStruct((n_pad, d), jnp.float32)] * 2,
    )(x_pad, W_src, W_dst, ideg, odeg)

    acc_src, acc_dst = _make_agg_kernel(n_pad, e_pad, d)(
        zeros, z_src, z_dst, row3, col3)

    bias_spec = pl.BlockSpec((1, d), lambda i: (0, 0))
    out_pad = pl.pallas_call(
        _fin_body,
        grid=grid,
        in_specs=[row_spec, row_spec, deg_spec, deg_spec, bias_spec,
                  bias_spec],
        out_specs=row_spec,
        out_shape=jax.ShapeDtypeStruct((n_pad, d), jnp.float32),
    )(acc_src, acc_dst, odeg, ideg,
      b_src.reshape(1, d), b_dst.reshape(1, d))

    return out_pad[:n]

# --- scband reference (transcript-rebuilt; emitter-appended) ---
"""Pipeline reference for scband-dir-gcnconv-45535243272404 (READ-ONLY COPY).

The authoritative reference and input builder live on the scoring server;
editing this copy changes nothing except your own understanding.
"""

import jax, jax.numpy as jnp
import numpy as np

N = 10000
E = 320000
D = 128
ALPHA = 0.5


def _dir_norm_weights(row, col, n):
    # directed_norm: D_out^{-1/2} A D_in^{-1/2}
    out_deg = jnp.zeros((n,), jnp.float32).at[row].add(1.0)
    in_deg = jnp.zeros((n,), jnp.float32).at[col].add(1.0)
    out_inv_sqrt = jnp.where(out_deg > 0, out_deg ** -0.5, 0.0)
    in_inv_sqrt = jnp.where(in_deg > 0, in_deg ** -0.5, 0.0)
    return out_inv_sqrt[row] * in_inv_sqrt[col]


def setup_inputs(seed: int = 0) -> dict:
    key = jax.random.key(seed)
    k1, k2, k3, k4, k5, k6 = jax.random.split(key, 6)
    x = jax.random.normal(k1, (N, D), dtype=jnp.float32)
    edge_index = jax.random.randint(k2, (2, E), 0, N, dtype=jnp.int32)
    s = 1.0 / np.sqrt(D)
    W_src = jax.random.uniform(k3, (D, D), minval=-s, maxval=s, dtype=jnp.float32)
    b_src = jax.random.uniform(k4, (D,), minval=-s, maxval=s, dtype=jnp.float32)
    W_dst = jax.random.uniform(k5, (D, D), minval=-s, maxval=s, dtype=jnp.float32)
    b_dst = jax.random.uniform(k6, (D,), minval=-s, maxval=s, dtype=jnp.float32)
    return {"x": x, "edge_index": edge_index, "W_src": W_src, "b_src": b_src, "W_dst": W_dst, "b_dst": b_dst}


def reference(x, edge_index, W_src, b_src, W_dst, b_dst):
    row = edge_index[0]
    col = edge_index[1]
    n = x.shape[0]
    # adj_norm @ x : (adj @ x)[i] = sum over edges (i->j) w_e * x[j]
    w = _dir_norm_weights(row, col, n)
    agg = jnp.zeros_like(x).at[row].add(w[:, None] * x[col])
    # adj_t (row=col, col=row), re-normalized with its own directed norm
    w_t = _dir_norm_weights(col, row, n)
    agg_t = jnp.zeros_like(x).at[col].add(w_t[:, None] * x[row])
    out = ALPHA * (agg @ W_src.T + b_src) + (1.0 - ALPHA) * (agg_t @ W_dst.T + b_dst)
    return out

if __name__ == "__main__":
    import jax
    _d = setup_inputs()
    print(jax.jit(kernel)(*tuple(_d.values())))

</pallas_src>

<mosaic_0001>
#map = affine_map<(d0, d1) -> (0, 0, 0)>
#map1 = affine_map<(d0, d1) -> (0)>
module attributes {stable_mosaic.version = 14 : i64} {
  func.func @deg_kernel(%arg0: i32, %arg1: i32, %arg2: memref<16x10x2048xi32, #tpu.memory_space<hbm>>, %arg3: memref<16x10x2048xi32, #tpu.memory_space<hbm>>, %arg4: memref<10240xf32, #tpu.memory_space<hbm>>, %arg5: memref<10240xf32, #tpu.memory_space<hbm>>, %arg6: memref<2x2048xi32, #tpu.memory_space<vmem>>, %arg7: memref<10240xf32, #tpu.memory_space<vmem>>, %arg8: memref<640xf32, #tpu.memory_space<vmem>>, %arg9: memref<640xf32, #tpu.memory_space<vmem>>, %arg10: memref<16x10240xf32, #tpu.memory_space<vmem_shared>>, %arg11: memref<!tpu.dma_semaphore, #tpu.memory_space<semaphore_mem>>, %arg12: memref<!tpu.dma_semaphore, #tpu.memory_space<semaphore_mem>>) attributes {dimension_semantics = [#tpu.dimension_semantics<core_parallel>, #tpu.dimension_semantics<subcore_parallel>], iteration_bounds = array<i64: 2, 16>, scalar_prefetch = 0 : i64, scratch_operands = 7 : i64, tpu.core_type = #tpu.core_type<sc_vector_subcore>, window_params = [{transform_indices = #map}, {transform_indices = #map}, {transform_indices = #map1}, {transform_indices = #map1}]} {
    %broadcast_in_dim3A = arith.constant 0.000000e+00 : f32
    %broadcast_in_dim3A_0 = vector.broadcast %broadcast_in_dim3A : f32 to vector<16xf32>
    %broadcast_in_dim3A_1 = arith.constant 1.000000e+00 : f32
    %broadcast_in_dim3A_2 = vector.broadcast %broadcast_in_dim3A_1 : f32 to vector<16xf32>
    %eq3A = arith.constant 0 : i32
    %eq3A_3 = arith.cmpi eq, %arg0, %eq3A : i32
    %convert_element_type3A = arith.extui %eq3A_3 : i1 to i32
    %cond3A = arith.constant 0 : i32
    %cond3A_4 = arith.cmpi ne, %convert_element_type3A, %cond3A : i32
    scf.if %cond3A_4 {
      %scan3A = arith.constant 0 : i32
      %scan3A_10 = arith.constant 0 : i32
      %scan3A_11 = arith.constant 640 : i32
      %scan3A_12 = arith.addi %scan3A_10, %scan3A_11 : i32
      %scan3A_13 = arith.constant 1 : i32
      scf.for %scan3A_154 = %scan3A_10 to %scan3A_12 step %scan3A_13  : i32 {
        %mul3A_155 = arith.constant 16 : i32
        %mul3A_156 = arith.muli %scan3A_154, %mul3A_155 : i32
        %swap3A = arith.index_cast %mul3A_156 : i32 to index
        %swap3A_157 = tpu.vector_load %arg7[%swap3A] {strides = array<i32>} : memref<10240xf32, #tpu.memory_space<vmem>>, vector<16xf32>,
        tpu.vector_store %arg7[%swap3A], %broadcast_in_dim3A_0 {strides = array<i32>} : memref<10240xf32, #tpu.memory_space<vmem>>, vector<16xf32>,
      }
      %scan3A_14 = arith.constant 640 : i32
      %dma_start3A = arith.constant 0 : i32
      %dma_start3A_15 = arith.constant 0 : i32
      %dma_start3A_16 = arith.constant 0 : i32
      %dma_start3A_17 = tpu.memref_slice %arg6[%dma_start3A_15, %dma_start3A_16] : memref<2x2048xi32, #tpu.memory_space<vmem>> -> memref<1x2048xi32, #tpu.memory_space<vmem>>
      %dma_start3A_18 = tpu.memref_squeeze %dma_start3A_17 : memref<1x2048xi32, #tpu.memory_space<vmem>> -> memref<2048xi32, #tpu.memory_space<vmem>>
      %dma_start3A_19 = arith.constant 0 : i32
      %dma_start3A_20 = tpu.memref_slice %arg2[%arg1, %dma_start3A, %dma_start3A_19] : memref<16x10x2048xi32, #tpu.memory_space<hbm>> -> memref<1x1x2048xi32, #tpu.memory_space<hbm>>
      %dma_start3A_21 = tpu.memref_squeeze %dma_start3A_20 : memref<1x1x2048xi32, #tpu.memory_space<hbm>> -> memref<2048xi32, #tpu.memory_space<hbm>>
      %dma_start3A_22 = arith.constant 0 : i32
      %dma_start3A_23 = tpu.memref_slice %arg6[%dma_start3A_15, %dma_start3A_22] : memref<2x2048xi32, #tpu.memory_space<vmem>> -> memref<1x2048xi32, #tpu.memory_space<vmem>>
      %dma_start3A_24 = tpu.memref_squeeze %dma_start3A_23 : memref<1x2048xi32, #tpu.memory_space<vmem>> -> memref<2048xi32, #tpu.memory_space<vmem>>
      %dma_start3A_25 = arith.constant 0 : i32
      %dma_start3A_26 = tpu.memref_slice %arg2[%arg1, %dma_start3A, %dma_start3A_25] : memref<16x10x2048xi32, #tpu.memory_space<hbm>> -> memref<1x1x2048xi32, #tpu.memory_space<hbm>>
      %dma_start3A_27 = tpu.memref_squeeze %dma_start3A_26 : memref<1x1x2048xi32, #tpu.memory_space<hbm>> -> memref<2048xi32, #tpu.memory_space<hbm>>
      tpu.enqueue_dma source(%dma_start3A_27 : memref<2048xi32, #tpu.memory_space<hbm>>) target(%dma_start3A_24 : memref<2048xi32, #tpu.memory_space<vmem>>) target_semaphore(%arg11 : memref<!tpu.dma_semaphore, #tpu.memory_space<semaphore_mem>>)
      %dma_start3A_28 = arith.constant 1 : i32
      %dma_start3A_29 = arith.constant 1 : i32
      %dma_start3A_30 = arith.constant 0 : i32
      %dma_start3A_31 = tpu.memref_slice %arg6[%dma_start3A_29, %dma_start3A_30] : memref<2x2048xi32, #tpu.memory_space<vmem>> -> memref<1x2048xi32, #tpu.memory_space<vmem>>
      %dma_start3A_32 = tpu.memref_squeeze %dma_start3A_31 : memref<1x2048xi32, #tpu.memory_space<vmem>> -> memref<2048xi32, #tpu.memory_space<vmem>>
      %dma_start3A_33 = arith.constant 0 : i32
      %dma_start3A_34 = tpu.memref_slice %arg2[%arg1, %dma_start3A_28, %dma_start3A_33] : memref<16x10x2048xi32, #tpu.memory_space<hbm>> -> memref<1x1x2048xi32, #tpu.memory_space<hbm>>
      %dma_start3A_35 = tpu.memref_squeeze %dma_start3A_34 : memref<1x1x2048xi32, #tpu.memory_space<hbm>> -> memref<2048xi32, #tpu.memory_space<hbm>>
      %dma_start3A_36 = arith.constant 0 : i32
      %dma_start3A_37 = tpu.memref_slice %arg6[%dma_start3A_29, %dma_start3A_36] : memref<2x2048xi32, #tpu.memory_space<vmem>> -> memref<1x2048xi32, #tpu.memory_space<vmem>>
      %dma_start3A_38 = tpu.memref_squeeze %dma_start3A_37 : memref<1x2048xi32, #tpu.memory_space<vmem>> -> memref<2048xi32, #tpu.memory_space<vmem>>
      %dma_start3A_39 = arith.constant 0 : i32
      %dma_start3A_40 = tpu.memref_slice %arg2[%arg1, %dma_start3A_28, %dma_start3A_39] : memref<16x10x2048xi32, #tpu.memory_space<hbm>> -> memref<1x1x2048xi32, #tpu.memory_space<hbm>>
      %dma_start3A_41 = tpu.memref_squeeze %dma_start3A_40 : memref<1x1x2048xi32, #tpu.memory_space<hbm>> -> memref<2048xi32, #tpu.memory_space<hbm>>
      tpu.enqueue_dma source(%dma_start3A_41 : memref<2048xi32, #tpu.memory_space<hbm>>) target(%dma_start3A_38 : memref<2048xi32, #tpu.memory_space<vmem>>) target_semaphore(%arg12 : memref<!tpu.dma_semaphore, #tpu.memory_space<semaphore_mem>>)
      %scan3A_42 = arith.constant 0 : i32
      %scan3A_43 = arith.constant 0 : i32
      %scan3A_44 = arith.constant 5 : i32
      %scan3A_45 = arith.addi %scan3A_43, %scan3A_44 : i32
      %scan3A_46 = arith.constant 1 : i32
      scf.for %scan3A_154 = %scan3A_43 to %scan3A_45 step %scan3A_46  : i32 {
        %mul3A_155 = arith.constant 2 : i32
        %mul3A_156 = arith.muli %scan3A_154, %mul3A_155 : i32
        %add3A = arith.constant 0 : i32
        %add3A_157 = arith.addi %mul3A_156, %add3A : i32
        %dma_wait3A = arith.constant 0 : i32
        %dma_wait3A_158 = arith.constant 0 : i32
        %dma_wait3A_159 = arith.constant 0 : i32
        %dma_wait3A_160 = tpu.memref_slice %arg6[%dma_wait3A_158, %dma_wait3A_159] : memref<2x2048xi32, #tpu.memory_space<vmem>> -> memref<1x2048xi32, #tpu.memory_space<vmem>>
        %dma_wait3A_161 = tpu.memref_squeeze %dma_wait3A_160 : memref<1x2048xi32, #tpu.memory_space<vmem>> -> memref<2048xi32, #tpu.memory_space<vmem>>
        %dma_wait3A_162 = arith.constant 0 : i32
        %dma_wait3A_163 = tpu.memref_slice %arg2[%arg1, %dma_wait3A, %dma_wait3A_162] : memref<16x10x2048xi32, #tpu.memory_space<hbm>> -> memref<1x1x2048xi32, #tpu.memory_space<hbm>>
        %dma_wait3A_164 = tpu.memref_squeeze %dma_wait3A_163 : memref<1x1x2048xi32, #tpu.memory_space<hbm>> -> memref<2048xi32, #tpu.memory_space<hbm>>
        %dma_wait3A_165 = arith.constant 0 : i32
        %dma_wait3A_166 = tpu.memref_slice %arg6[%dma_wait3A_158, %dma_wait3A_165] : memref<2x2048xi32, #tpu.memory_space<vmem>> -> memref<1x2048xi32, #tpu.memory_space<vmem>>
        %dma_wait3A_167 = tpu.memref_squeeze %dma_wait3A_166 : memref<1x2048xi32, #tpu.memory_space<vmem>> -> memref<2048xi32, #tpu.memory_space<vmem>>
        %dma_wait3A_168 = arith.constant 0 : i32
        %dma_wait3A_169 = tpu.memref_slice %arg2[%arg1, %dma_wait3A, %dma_wait3A_168] : memref<16x10x2048xi32, #tpu.memory_space<hbm>> -> memref<1x1x2048xi32, #tpu.memory_space<hbm>>
        %dma_wait3A_170 = tpu.memref_squeeze %dma_wait3A_169 : memref<1x1x2048xi32, #tpu.memory_space<hbm>> -> memref<2048xi32, #tpu.memory_space<hbm>>
        tpu.wait_dma2 semaphore(%arg11 : memref<!tpu.dma_semaphore, #tpu.memory_space<semaphore_mem>>) src(%dma_wait3A_170 : memref<2048xi32, #tpu.memory_space<hbm>>) dst(%dma_wait3A_167 : memref<2048xi32, #tpu.memory_space<vmem>>)
        %scan3A_171 = arith.constant 0 : i32
        %scan3A_172 = arith.constant 0 : i32
        %scan3A_173 = arith.constant 32 : i32
        %scan3A_174 = arith.addi %scan3A_172, %scan3A_173 : i32
        %scan3A_175 = arith.constant 1 : i32
        scf.for %scan3A_210 = %scan3A_172 to %scan3A_174 step %scan3A_175  : i32 {
          %mul3A_211 = arith.constant 4 : i32
          %mul3A_212 = arith.muli %scan3A_210, %mul3A_211 : i32
          %add3A_213 = arith.constant 0 : i32
          %add3A_214 = arith.addi %mul3A_212, %add3A_213 : i32
          %mul3A_215 = arith.constant 16 : i32
          %mul3A_216 = arith.muli %add3A_214, %mul3A_215 : i32
          %get3A = arith.constant 0 : i32
          %get3A_217 = arith.index_cast %get3A : i32 to index
          %get3A_218 = arith.index_cast %mul3A_216 : i32 to index
          %get3A_219 = tpu.vector_load %arg6[%get3A_217, %get3A_218] {strides = array<i32>} : memref<2x2048xi32, #tpu.memory_space<vmem>>, vector<16xi32>,
          tpu.vector_store_idx %arg7[%get3A_219], %broadcast_in_dim3A_2 {add = true} : memref<10240xf32, #tpu.memory_space<vmem>>[vector<16xi32>], vector<16xf32>,
          %mul3A_220 = arith.constant 4 : i32
          %mul3A_221 = arith.muli %scan3A_210, %mul3A_220 : i32
          %add3A_222 = arith.constant 1 : i32
          %add3A_223 = arith.addi %mul3A_221, %add3A_222 : i32
          %mul3A_224 = arith.constant 16 : i32
          %mul3A_225 = arith.muli %add3A_223, %mul3A_224 : i32
          %get3A_226 = arith.constant 0 : i32
          %get3A_227 = arith.index_cast %get3A_226 : i32 to index
          %get3A_228 = arith.index_cast %mul3A_225 : i32 to index
          %get3A_229 = tpu.vector_load %arg6[%get3A_227, %get3A_228] {strides = array<i32>} : memref<2x2048xi32, #tpu.memory_space<vmem>>, vector<16xi32>,
          tpu.vector_store_idx %arg7[%get3A_229], %broadcast_in_dim3A_2 {add = true} : memref<10240xf32, #tpu.memory_space<vmem>>[vector<16xi32>], vector<16xf32>,
          %mul3A_230 = arith.constant 4 : i32
          %mul3A_231 = arith.muli %scan3A_210, %mul3A_230 : i32
          %add3A_232 = arith.constant 2 : i32
          %add3A_233 = arith.addi %mul3A_231, %add3A_232 : i32
          %mul3A_234 = arith.constant 16 : i32
          %mul3A_235 = arith.muli %add3A_233, %mul3A_234 : i32
          %get3A_236 = arith.constant 0 : i32
          %get3A_237 = arith.index_cast %get3A_236 : i32 to index
          %get3A_238 = arith.index_cast %mul3A_235 : i32 to index
          %get3A_239 = tpu.vector_load %arg6[%get3A_237, %get3A_238] {strides = array<i32>} : memref<2x2048xi32, #tpu.memory_space<vmem>>, vector<16xi32>,
          tpu.vector_store_idx %arg7[%get3A_239], %broadcast_in_dim3A_2 {add = true} : memref<10240xf32, #tpu.memory_space<vmem>>[vector<16xi32>], vector<16xf32>,
          %mul3A_240 = arith.constant 4 : i32
          %mul3A_241 = arith.muli %scan3A_210, %mul3A_240 : i32
          %add3A_242 = arith.constant 3 : i32
          %add3A_243 = arith.addi %mul3A_241, %add3A_242 : i32
          %mul3A_244 = arith.constant 16 : i32
          %mul3A_245 = arith.muli %add3A_243, %mul3A_244 : i32
          %get3A_246 = arith.constant 0 : i32
          %get3A_247 = arith.index_cast %get3A_246 : i32 to index
          %get3A_248 = arith.index_cast %mul3A_245 : i32 to index
          %get3A_249 = tpu.vector_load %arg6[%get3A_247, %get3A_248] {strides = array<i32>} : memref<2x2048xi32, #tpu.memory_space<vmem>>, vector<16xi32>,
          tpu.vector_store_idx %arg7[%get3A_249], %broadcast_in_dim3A_2 {add = true} : memref<10240xf32, #tpu.memory_space<vmem>>[vector<16xi32>], vector<16xf32>,
        }
        %scan3A_176 = arith.constant 32 : i32
        %lt3A = arith.constant 8 : i32
        %lt3A_177 = arith.cmpi slt, %add3A_157, %lt3A : i32
        %convert_element_type3A_178 = arith.extui %lt3A_177 : i1 to i32
        %cond3A_179 = arith.constant 0 : i32
        %cond3A_180 = arith.cmpi ne, %convert_element_type3A_178, %cond3A_179 : i32
        scf.if %cond3A_180 {
          %add3A_210 = arith.constant 2 : i32
          %add3A_211 = arith.addi %add3A_157, %add3A_210 : i32
          %dma_start3A_212 = arith.constant 0 : i32
          %dma_start3A_213 = arith.constant 0 : i32
          %dma_start3A_214 = tpu.memref_slice %arg6[%dma_start3A_212, %dma_start3A_213] : memref<2x2048xi32, #tpu.memory_space<vmem>> -> memref<1x2048xi32, #tpu.memory_space<vmem>>
          %dma_start3A_215 = tpu.memref_squeeze %dma_start3A_214 : memref<1x2048xi32, #tpu.memory_space<vmem>> -> memref<2048xi32, #tpu.memory_space<vmem>>
          %dma_start3A_216 = arith.constant 0 : i32
          %dma_start3A_217 = tpu.memref_slice %arg2[%arg1, %add3A_211, %dma_start3A_216] : memref<16x10x2048xi32, #tpu.memory_space<hbm>> -> memref<1x1x2048xi32, #tpu.memory_space<hbm>>
          %dma_start3A_218 = tpu.memref_squeeze %dma_start3A_217 : memref<1x1x2048xi32, #tpu.memory_space<hbm>> -> memref<2048xi32, #tpu.memory_space<hbm>>
          %dma_start3A_219 = arith.constant 0 : i32
          %dma_start3A_220 = tpu.memref_slice %arg6[%dma_start3A_212, %dma_start3A_219] : memref<2x2048xi32, #tpu.memory_space<vmem>> -> memref<1x2048xi32, #tpu.memory_space<vmem>>
          %dma_start3A_221 = tpu.memref_squeeze %dma_start3A_220 : memref<1x2048xi32, #tpu.memory_space<vmem>> -> memref<2048xi32, #tpu.memory_space<vmem>>
          %dma_start3A_222 = arith.constant 0 : i32
          %dma_start3A_223 = tpu.memref_slice %arg2[%arg1, %add3A_211, %dma_start3A_222] : memref<16x10x2048xi32, #tpu.memory_space<hbm>> -> memref<1x1x2048xi32, #tpu.memory_space<hbm>>
          %dma_start3A_224 = tpu.memref_squeeze %dma_start3A_223 : memref<1x1x2048xi32, #tpu.memory_space<hbm>> -> memref<2048xi32, #tpu.memory_space<hbm>>
          tpu.enqueue_dma source(%dma_start3A_224 : memref<2048xi32, #tpu.memory_space<hbm>>) target(%dma_start3A_221 : memref<2048xi32, #tpu.memory_space<vmem>>) target_semaphore(%arg11 : memref<!tpu.dma_semaphore, #tpu.memory_space<semaphore_mem>>)
        } else {
        }
        %mul3A_181 = arith.constant 2 : i32
        %mul3A_182 = arith.muli %scan3A_154, %mul3A_181 : i32
        %add3A_183 = arith.constant 1 : i32
        %add3A_184 = arith.addi %mul3A_182, %add3A_183 : i32
        %dma_wait3A_185 = arith.constant 1 : i32
        %dma_wait3A_186 = arith.constant 1 : i32
        %dma_wait3A_187 = arith.constant 0 : i32
        %dma_wait3A_188 = tpu.memref_slice %arg6[%dma_wait3A_186, %dma_wait3A_187] : memref<2x2048xi32, #tpu.memory_space<vmem>> -> memref<1x2048xi32, #tpu.memory_space<vmem>>
        %dma_wait3A_189 = tpu.memref_squeeze %dma_wait3A_188 : memref<1x2048xi32, #tpu.memory_space<vmem>> -> memref<2048xi32, #tpu.memory_space<vmem>>
        %dma_wait3A_190 = arith.constant 0 : i32
        %dma_wait3A_191 = tpu.memref_slice %arg2[%arg1, %dma_wait3A_185, %dma_wait3A_190] : memref<16x10x2048xi32, #tpu.memory_space<hbm>> -> memref<1x1x2048xi32, #tpu.memory_space<hbm>>
        %dma_wait3A_192 = tpu.memref_squeeze %dma_wait3A_191 : memref<1x1x2048xi32, #tpu.memory_space<hbm>> -> memref<2048xi32, #tpu.memory_space<hbm>>
        %dma_wait3A_193 = arith.constant 0 : i32
        %dma_wait3A_194 = tpu.memref_slice %arg6[%dma_wait3A_186, %dma_wait3A_193] : memref<2x2048xi32, #tpu.memory_space<vmem>> -> memref<1x2048xi32, #tpu.memory_space<vmem>>
        %dma_wait3A_195 = tpu.memref_squeeze %dma_wait3A_194 : memref<1x2048xi32, #tpu.memory_space<vmem>> -> memref<2048xi32, #tpu.memory_space<vmem>>
        %dma_wait3A_196 = arith.constant 0 : i32
        %dma_wait3A_197 = tpu.memref_slice %arg2[%arg1, %dma_wait3A_185, %dma_wait3A_196] : memref<16x10x2048xi32, #tpu.memory_space<hbm>> -> memref<1x1x2048xi32, #tpu.memory_space<hbm>>
        %dma_wait3A_198 = tpu.memref_squeeze %dma_wait3A_197 : memref<1x1x2048xi32, #tpu.memory_space<hbm>> -> memref<2048xi32, #tpu.memory_space<hbm>>
        tpu.wait_dma2 semaphore(%arg12 : memref<!tpu.dma_semaphore, #tpu.memory_space<semaphore_mem>>) src(%dma_wait3A_198 : memref<2048xi32, #tpu.memory_space<hbm>>) dst(%dma_wait3A_195 : memref<2048xi32, #tpu.memory_space<vmem>>)
        %scan3A_199 = arith.constant 0 : i32
        %scan3A_200 = arith.constant 0 : i32
        %scan3A_201 = arith.constant 32 : i32
        %scan3A_202 = arith.addi %scan3A_200, %scan3A_201 : i32
        %scan3A_203 = arith.constant 1 : i32
        scf.for %scan3A_210 = %scan3A_200 to %scan3A_202 step %scan3A_203  : i32 {
          %mul3A_211 = arith.constant 4 : i32
          %mul3A_212 = arith.muli %scan3A_210, %mul3A_211 : i32
          %add3A_213 = arith.constant 0 : i32
          %add3A_214 = arith.addi %mul3A_212, %add3A_213 : i32
          %mul3A_215 = arith.constant 16 : i32
          %mul3A_216 = arith.muli %add3A_214, %mul3A_215 : i32
          %get3A = arith.constant 1 : i32
          %get3A_217 = arith.index_cast %get3A : i32 to index
          %get3A_218 = arith.index_cast %mul3A_216 : i32 to index
          %get3A_219 = tpu.vector_load %arg6[%get3A_217, %get3A_218] {strides = array<i32>} : memref<2x2048xi32, #tpu.memory_space<vmem>>, vector<16xi32>,
          tpu.vector_store_idx %arg7[%get3A_219], %broadcast_in_dim3A_2 {add = true} : memref<10240xf32, #tpu.memory_space<vmem>>[vector<16xi32>], vector<16xf32>,
          %mul3A_220 = arith.constant 4 : i32
          %mul3A_221 = arith.muli %scan3A_210, %mul3A_220 : i32
          %add3A_222 = arith.constant 1 : i32
          %add3A_223 = arith.addi %mul3A_221, %add3A_222 : i32
          %mul3A_224 = arith.constant 16 : i32
          %mul3A_225 = arith.muli %add3A_223, %mul3A_224 : i32
          %get3A_226 = arith.constant 1 : i32
          %get3A_227 = arith.index_cast %get3A_226 : i32 to index
          %get3A_228 = arith.index_cast %mul3A_225 : i32 to index
          %get3A_229 = tpu.vector_load %arg6[%get3A_227, %get3A_228] {strides = array<i32>} : memref<2x2048xi32, #tpu.memory_space<vmem>>, vector<16xi32>,
          tpu.vector_store_idx %arg7[%get3A_229], %broadcast_in_dim3A_2 {add = true} : memref<10240xf32, #tpu.memory_space<vmem>>[vector<16xi32>], vector<16xf32>,
          %mul3A_230 = arith.constant 4 : i32
          %mul3A_231 = arith.muli %scan3A_210, %mul3A_230 : i32
          %add3A_232 = arith.constant 2 : i32
          %add3A_233 = arith.addi %mul3A_231, %add3A_232 : i32
          %mul3A_234 = arith.constant 16 : i32
          %mul3A_235 = arith.muli %add3A_233, %mul3A_234 : i32
          %get3A_236 = arith.constant 1 : i32
          %get3A_237 = arith.index_cast %get3A_236 : i32 to index
          %get3A_238 = arith.index_cast %mul3A_235 : i32 to index
          %get3A_239 = tpu.vector_load %arg6[%get3A_237, %get3A_238] {strides = array<i32>} : memref<2x2048xi32, #tpu.memory_space<vmem>>, vector<16xi32>,
          tpu.vector_store_idx %arg7[%get3A_239], %broadcast_in_dim3A_2 {add = true} : memref<10240xf32, #tpu.memory_space<vmem>>[vector<16xi32>], vector<16xf32>,
          %mul3A_240 = arith.constant 4 : i32
          %mul3A_241 = arith.muli %scan3A_210, %mul3A_240 : i32
          %add3A_242 = arith.constant 3 : i32
          %add3A_243 = arith.addi %mul3A_241, %add3A_242 : i32
          %mul3A_244 = arith.constant 16 : i32
          %mul3A_245 = arith.muli %add3A_243, %mul3A_244 : i32
          %get3A_246 = arith.constant 1 : i32
          %get3A_247 = arith.index_cast %get3A_246 : i32 to index
          %get3A_248 = arith.index_cast %mul3A_245 : i32 to index
          %get3A_249 = tpu.vector_load %arg6[%get3A_247, %get3A_248] {strides = array<i32>} : memref<2x2048xi32, #tpu.memory_space<vmem>>, vector<16xi32>,
          tpu.vector_store_idx %arg7[%get3A_249], %broadcast_in_dim3A_2 {add = true} : memref<10240xf32, #tpu.memory_space<vmem>>[vector<16xi32>], vector<16xf32>,
        }
        %scan3A_204 = arith.constant 32 : i32
        %lt3A_205 = arith.constant 8 : i32
        %lt3A_206 = arith.cmpi slt, %add3A_184, %lt3A_205 : i32
        %convert_element_type3A_207 = arith.extui %lt3A_206 : i1 to i32
        %cond3A_208 = arith.constant 0 : i32
        %cond3A_209 = arith.cmpi ne, %convert_element_type3A_207, %cond3A_208 : i32
        scf.if %cond3A_209 {
          %add3A_210 = arith.constant 2 : i32
          %add3A_211 = arith.addi %add3A_184, %add3A_210 : i32
          %dma_start3A_212 = arith.constant 1 : i32
          %dma_start3A_213 = arith.constant 0 : i32
          %dma_start3A_214 = tpu.memref_slice %arg6[%dma_start3A_212, %dma_start3A_213] : memref<2x2048xi32, #tpu.memory_space<vmem>> -> memref<1x2048xi32, #tpu.memory_space<vmem>>
          %dma_start3A_215 = tpu.memref_squeeze %dma_start3A_214 : memref<1x2048xi32, #tpu.memory_space<vmem>> -> memref<2048xi32, #tpu.memory_space<vmem>>
          %dma_start3A_216 = arith.constant 0 : i32
          %dma_start3A_217 = tpu.memref_slice %arg2[%arg1, %add3A_211, %dma_start3A_216] : memref<16x10x2048xi32, #tpu.memory_space<hbm>> -> memref<1x1x2048xi32, #tpu.memory_space<hbm>>
          %dma_start3A_218 = tpu.memref_squeeze %dma_start3A_217 : memref<1x1x2048xi32, #tpu.memory_space<hbm>> -> memref<2048xi32, #tpu.memory_space<hbm>>
          %dma_start3A_219 = arith.constant 0 : i32
          %dma_start3A_220 = tpu.memref_slice %arg6[%dma_start3A_212, %dma_start3A_219] : memref<2x2048xi32, #tpu.memory_space<vmem>> -> memref<1x2048xi32, #tpu.memory_space<vmem>>
          %dma_start3A_221 = tpu.memref_squeeze %dma_start3A_220 : memref<1x2048xi32, #tpu.memory_space<vmem>> -> memref<2048xi32, #tpu.memory_space<vmem>>
          %dma_start3A_222 = arith.constant 0 : i32
          %dma_start3A_223 = tpu.memref_slice %arg2[%arg1, %add3A_211, %dma_start3A_222] : memref<16x10x2048xi32, #tpu.memory_space<hbm>> -> memref<1x1x2048xi32, #tpu.memory_space<hbm>>
          %dma_start3A_224 = tpu.memref_squeeze %dma_start3A_223 : memref<1x1x2048xi32, #tpu.memory_space<hbm>> -> memref<2048xi32, #tpu.memory_space<hbm>>
          tpu.enqueue_dma source(%dma_start3A_224 : memref<2048xi32, #tpu.memory_space<hbm>>) target(%dma_start3A_221 : memref<2048xi32, #tpu.memory_space<vmem>>) target_semaphore(%arg12 : memref<!tpu.dma_semaphore, #tpu.memory_space<semaphore_mem>>)
        } else {
        }
      }
      %scan3A_47 = arith.constant 5 : i32
      "tpu.region"() ({
        %run_scoped3A_154 = tpu.sem_alloc : memref<!tpu.dma_semaphore, #tpu.memory_space<semaphore_mem>>
        %dma_start3A_155 = arith.constant 0 : i32
        %dma_start3A_156 = tpu.memref_slice %arg10[%arg1, %dma_start3A_155] : memref<16x10240xf32, #tpu.memory_space<vmem_shared>> -> memref<1x10240xf32, #tpu.memory_space<vmem_shared>>
        %dma_start3A_157 = tpu.memref_squeeze %dma_start3A_156 : memref<1x10240xf32, #tpu.memory_space<vmem_shared>> -> memref<10240xf32, #tpu.memory_space<vmem_shared>>
        %dma_start3A_158 = arith.constant 0 : i32
        %dma_start3A_159 = tpu.memref_slice %arg10[%arg1, %dma_start3A_158] : memref<16x10240xf32, #tpu.memory_space<vmem_shared>> -> memref<1x10240xf32, #tpu.memory_space<vmem_shared>>
        %dma_start3A_160 = tpu.memref_squeeze %dma_start3A_159 : memref<1x10240xf32, #tpu.memory_space<vmem_shared>> -> memref<10240xf32, #tpu.memory_space<vmem_shared>>
        tpu.enqueue_dma source(%arg7 : memref<10240xf32, #tpu.memory_space<vmem>>) target(%dma_start3A_160 : memref<10240xf32, #tpu.memory_space<vmem_shared>>) target_semaphore(%run_scoped3A_154 : memref<!tpu.dma_semaphore, #tpu.memory_space<semaphore_mem>>)
        %dma_wait3A = arith.constant 0 : i32
        %dma_wait3A_161 = tpu.memref_slice %arg10[%arg1, %dma_wait3A] : memref<16x10240xf32, #tpu.memory_space<vmem_shared>> -> memref<1x10240xf32, #tpu.memory_space<vmem_shared>>
        %dma_wait3A_162 = tpu.memref_squeeze %dma_wait3A_161 : memref<1x10240xf32, #tpu.memory_space<vmem_shared>> -> memref<10240xf32, #tpu.memory_space<vmem_shared>>
        %dma_wait3A_163 = arith.constant 0 : i32
        %dma_wait3A_164 = tpu.memref_slice %arg10[%arg1, %dma_wait3A_163] : memref<16x10240xf32, #tpu.memory_space<vmem_shared>> -> memref<1x10240xf32, #tpu.memory_space<vmem_shared>>
        %dma_wait3A_165 = tpu.memref_squeeze %dma_wait3A_164 : memref<1x10240xf32, #tpu.memory_space<vmem_shared>> -> memref<10240xf32, #tpu.memory_space<vmem_shared>>
        tpu.wait_dma2 semaphore(%run_scoped3A_154 : memref<!tpu.dma_semaphore, #tpu.memory_space<semaphore_mem>>) src(%arg7 : memref<10240xf32, #tpu.memory_space<vmem>>) dst(%dma_wait3A_165 : memref<10240xf32, #tpu.memory_space<vmem_shared>>)
        tpu.yield
      }) : () -> ()
      %barrier3A = arith.constant 0 : index
      tpu.barrier barrier_id(%barrier3A)
      %mul3A = arith.constant 640 : i32
      %mul3A_48 = arith.muli %arg1, %mul3A : i32
      %run_scoped3A = arith.constant 0 : i32
      "tpu.region"() ({
        %run_scoped3A_154 = tpu.sem_alloc : memref<!tpu.dma_semaphore, #tpu.memory_space<semaphore_mem>>
        %dma_start3A_155 = tpu.memref_slice %arg10[%run_scoped3A, %mul3A_48] : memref<16x10240xf32, #tpu.memory_space<vmem_shared>> -> memref<1x640xf32, #tpu.memory_space<vmem_shared>>
        %dma_start3A_156 = tpu.memref_squeeze %dma_start3A_155 : memref<1x640xf32, #tpu.memory_space<vmem_shared>> -> memref<640xf32, #tpu.memory_space<vmem_shared>>
        %dma_start3A_157 = tpu.memref_slice %arg10[%run_scoped3A, %mul3A_48] : memref<16x10240xf32, #tpu.memory_space<vmem_shared>> -> memref<1x640xf32, #tpu.memory_space<vmem_shared>>
        %dma_start3A_158 = tpu.memref_squeeze %dma_start3A_157 : memref<1x640xf32, #tpu.memory_space<vmem_shared>> -> memref<640xf32, #tpu.memory_space<vmem_shared>>
        tpu.enqueue_dma source(%dma_start3A_158 : memref<640xf32, #tpu.memory_space<vmem_shared>>) target(%arg8 : memref<640xf32, #tpu.memory_space<vmem>>) target_semaphore(%run_scoped3A_154 : memref<!tpu.dma_semaphore, #tpu.memory_space<semaphore_mem>>)
        %dma_wait3A = tpu.memref_slice %arg10[%run_scoped3A, %mul3A_48] : memref<16x10240xf32, #tpu.memory_space<vmem_shared>> -> memref<1x640xf32, #tpu.memory_space<vmem_shared>>
        %dma_wait3A_159 = tpu.memref_squeeze %dma_wait3A : memref<1x640xf32, #tpu.memory_space<vmem_shared>> -> memref<640xf32, #tpu.memory_space<vmem_shared>>
        %dma_wait3A_160 = tpu.memref_slice %arg10[%run_scoped3A, %mul3A_48] : memref<16x10240xf32, #tpu.memory_space<vmem_shared>> -> memref<1x640xf32, #tpu.memory_space<vmem_shared>>
        %dma_wait3A_161 = tpu.memref_squeeze %dma_wait3A_160 : memref<1x640xf32, #tpu.memory_space<vmem_shared>> -> memref<640xf32, #tpu.memory_space<vmem_shared>>
        tpu.wait_dma2 semaphore(%run_scoped3A_154 : memref<!tpu.dma_semaphore, #tpu.memory_space<semaphore_mem>>) src(%dma_wait3A_161 : memref<640xf32, #tpu.memory_space<vmem_shared>>) dst(%arg8 : memref<640xf32, #tpu.memory_space<vmem>>)
        tpu.yield
      }) : () -> ()
      %run_scoped3A_49 = arith.constant 1 : i32
      "tpu.region"() ({
        %run_scoped3A_154 = tpu.sem_alloc : memref<!tpu.dma_semaphore, #tpu.memory_space<semaphore_mem>>
        %dma_start3A_155 = tpu.memref_slice %arg10[%run_scoped3A_49, %mul3A_48] : memref<16x10240xf32, #tpu.memory_space<vmem_shared>> -> memref<1x640xf32, #tpu.memory_space<vmem_shared>>
        %dma_start3A_156 = tpu.memref_squeeze %dma_start3A_155 : memref<1x640xf32, #tpu.memory_space<vmem_shared>> -> memref<640xf32, #tpu.memory_space<vmem_shared>>
        %dma_start3A_157 = tpu.memref_slice %arg10[%run_scoped3A_49, %mul3A_48] : memref<16x10240xf32, #tpu.memory_space<vmem_shared>> -> memref<1x640xf32, #tpu.memory_space<vmem_shared>>
        %dma_start3A_158 = tpu.memref_squeeze %dma_start3A_157 : memref<1x640xf32, #tpu.memory_space<vmem_shared>> -> memref<640xf32, #tpu.memory_space<vmem_shared>>
        tpu.enqueue_dma source(%dma_start3A_158 : memref<640xf32, #tpu.memory_space<vmem_shared>>) target(%arg9 : memref<640xf32, #tpu.memory_space<vmem>>) target_semaphore(%run_scoped3A_154 : memref<!tpu.dma_semaphore, #tpu.memory_space<semaphore_mem>>)
        %dma_wait3A = tpu.memref_slice %arg10[%run_scoped3A_49, %mul3A_48] : memref<16x10240xf32, #tpu.memory_space<vmem_shared>> -> memref<1x640xf32, #tpu.memory_space<vmem_shared>>
        %dma_wait3A_159 = tpu.memref_squeeze %dma_wait3A : memref<1x640xf32, #tpu.memory_space<vmem_shared>> -> memref<640xf32, #tpu.memory_space<vmem_shared>>
        %dma_wait3A_160 = tpu.memref_slice %arg10[%run_scoped3A_49, %mul3A_48] : memref<16x10240xf32, #tpu.memory_space<vmem_shared>> -> memref<1x640xf32, #tpu.memory_space<vmem_shared>>
        %dma_wait3A_161 = tpu.memref_squeeze %dma_wait3A_160 : memref<1x640xf32, #tpu.memory_space<vmem_shared>> -> memref<640xf32, #tpu.memory_space<vmem_shared>>
        tpu.wait_dma2 semaphore(%run_scoped3A_154 : memref<!tpu.dma_semaphore, #tpu.memory_space<semaphore_mem>>) src(%dma_wait3A_161 : memref<640xf32, #tpu.memory_space<vmem_shared>>) dst(%arg9 : memref<640xf32, #tpu.memory_space<vmem>>)
        tpu.yield
      }) : () -> ()
      %scan3A_50 = arith.constant 0 : i32
      %scan3A_51 = arith.constant 0 : i32
      %scan3A_52 = arith.constant 40 : i32
      %scan3A_53 = arith.addi %scan3A_51, %scan3A_52 : i32
      %scan3A_54 = arith.constant 1 : i32
      scf.for %scan3A_154 = %scan3A_51 to %scan3A_53 step %scan3A_54  : i32 {
        %mul3A_155 = arith.constant 16 : i32
        %mul3A_156 = arith.muli %scan3A_154, %mul3A_155 : i32
        %get3A = arith.index_cast %mul3A_156 : i32 to index
        %get3A_157 = tpu.vector_load %arg8[%get3A] {strides = array<i32>} : memref<640xf32, #tpu.memory_space<vmem>>, vector<16xf32>,
        %mul3A_158 = arith.constant 16 : i32
        %mul3A_159 = arith.muli %scan3A_154, %mul3A_158 : i32
        %get3A_160 = arith.index_cast %mul3A_159 : i32 to index
        %get3A_161 = tpu.vector_load %arg9[%get3A_160] {strides = array<i32>} : memref<640xf32, #tpu.memory_space<vmem>>, vector<16xf32>,
        %add3A = arith.addf %get3A_157, %get3A_161 : vector<16xf32>
        %mul3A_162 = arith.constant 16 : i32
        %mul3A_163 = arith.muli %scan3A_154, %mul3A_162 : i32
        %swap3A = arith.index_cast %mul3A_163 : i32 to index
        %swap3A_164 = tpu.vector_load %arg8[%swap3A] {strides = array<i32>} : memref<640xf32, #tpu.memory_space<vmem>>, vector<16xf32>,
        tpu.vector_store %arg8[%swap3A], %add3A {strides = array<i32>} : memref<640xf32, #tpu.memory_space<vmem>>, vector<16xf32>,
      }
      %scan3A_55 = arith.constant 40 : i32
      %run_scoped3A_56 = arith.constant 2 : i32
      "tpu.region"() ({
        %run_scoped3A_154 = tpu.sem_alloc : memref<!tpu.dma_semaphore, #tpu.memory_space<semaphore_mem>>
        %dma_start3A_155 = tpu.memref_slice %arg10[%run_scoped3A_56, %mul3A_48] : memref<16x10240xf32, #tpu.memory_space<vmem_shared>> -> memref<1x640xf32, #tpu.memory_space<vmem_shared>>
        %dma_start3A_156 = tpu.memref_squeeze %dma_start3A_155 : memref<1x640xf32, #tpu.memory_space<vmem_shared>> -> memref<640xf32, #tpu.memory_space<vmem_shared>>
        %dma_start3A_157 = tpu.memref_slice %arg10[%run_scoped3A_56, %mul3A_48] : memref<16x10240xf32, #tpu.memory_space<vmem_shared>> -> memref<1x640xf32, #tpu.memory_space<vmem_shared>>
        %dma_start3A_158 = tpu.memref_squeeze %dma_start3A_157 : memref<1x640xf32, #tpu.memory_space<vmem_shared>> -> memref<640xf32, #tpu.memory_space<vmem_shared>>
        tpu.enqueue_dma source(%dma_start3A_158 : memref<640xf32, #tpu.memory_space<vmem_shared>>) target(%arg9 : memref<640xf32, #tpu.memory_space<vmem>>) target_semaphore(%run_scoped3A_154 : memref<!tpu.dma_semaphore, #tpu.memory_space<semaphore_mem>>)
        %dma_wait3A = tpu.memref_slice %arg10[%run_scoped3A_56, %mul3A_48] : memref<16x10240xf32, #tpu.memory_space<vmem_shared>> -> memref<1x640xf32, #tpu.memory_space<vmem_shared>>
        %dma_wait3A_159 = tpu.memref_squeeze %dma_wait3A : memref<1x640xf32, #tpu.memory_space<vmem_shared>> -> memref<640xf32, #tpu.memory_space<vmem_shared>>
        %dma_wait3A_160 = tpu.memref_slice %arg10[%run_scoped3A_56, %mul3A_48] : memref<16x10240xf32, #tpu.memory_space<vmem_shared>> -> memref<1x640xf32, #tpu.memory_space<vmem_shared>>
        %dma_wait3A_161 = tpu.memref_squeeze %dma_wait3A_160 : memref<1x640xf32, #tpu.memory_space<vmem_shared>> -> memref<640xf32, #tpu.memory_space<vmem_shared>>
        tpu.wait_dma2 semaphore(%run_scoped3A_154 : memref<!tpu.dma_semaphore, #tpu.memory_space<semaphore_mem>>) src(%dma_wait3A_161 : memref<640xf32, #tpu.memory_space<vmem_shared>>) dst(%arg9 : memref<640xf32, #tpu.memory_space<vmem>>)
        tpu.yield
      }) : () -> ()
      %scan3A_57 = arith.constant 0 : i32
      %scan3A_58 = arith.constant 0 : i32
      %scan3A_59 = arith.constant 40 : i32
      %scan3A_60 = arith.addi %scan3A_58, %scan3A_59 : i32
      %scan3A_61 = arith.constant 1 : i32
      scf.for %scan3A_154 = %scan3A_58 to %scan3A_60 step %scan3A_61  : i32 {
        %mul3A_155 = arith.constant 16 : i32
        %mul3A_156 = arith.muli %scan3A_154, %mul3A_155 : i32
        %get3A = arith.index_cast %mul3A_156 : i32 to index
        %get3A_157 = tpu.vector_load %arg8[%get3A] {strides = array<i32>} : memref<640xf32, #tpu.memory_space<vmem>>, vector<16xf32>,
        %mul3A_158 = arith.constant 16 : i32
        %mul3A_159 = arith.muli %scan3A_154, %mul3A_158 : i32
        %get3A_160 = arith.index_cast %mul3A_159 : i32 to index
        %get3A_161 = tpu.vector_load %arg9[%get3A_160] {strides = array<i32>} : memref<640xf32, #tpu.memory_space<vmem>>, vector<16xf32>,
        %add3A = arith.addf %get3A_157, %get3A_161 : vector<16xf32>
        %mul3A_162 = arith.constant 16 : i32
        %mul3A_163 = arith.muli %scan3A_154, %mul3A_162 : i32
        %swap3A = arith.index_cast %mul3A_163 : i32 to index
        %swap3A_164 = tpu.vector_load %arg8[%swap3A] {strides = array<i32>} : memref<640xf32, #tpu.memory_space<vmem>>, vector<16xf32>,
        tpu.vector_store %arg8[%swap3A], %add3A {strides = array<i32>} : memref<640xf32, #tpu.memory_space<vmem>>, vector<16xf32>,
      }
      %scan3A_62 = arith.constant 40 : i32
      %run_scoped3A_63 = arith.constant 3 : i32
      "tpu.region"() ({
        %run_scoped3A_154 = tpu.sem_alloc : memref<!tpu.dma_semaphore, #tpu.memory_space<semaphore_mem>>
        %dma_start3A_155 = tpu.memref_slice %arg10[%run_scoped3A_63, %mul3A_48] : memref<16x10240xf32, #tpu.memory_space<vmem_shared>> -> memref<1x640xf32, #tpu.memory_space<vmem_shared>>
        %dma_start3A_156 = tpu.memref_squeeze %dma_start3A_155 : memref<1x640xf32, #tpu.memory_space<vmem_shared>> -> memref<640xf32, #tpu.memory_space<vmem_shared>>
        %dma_start3A_157 = tpu.memref_slice %arg10[%run_scoped3A_63, %mul3A_48] : memref<16x10240xf32, #tpu.memory_space<vmem_shared>> -> memref<1x640xf32, #tpu.memory_space<vmem_shared>>
        %dma_start3A_158 = tpu.memref_squeeze %dma_start3A_157 : memref<1x640xf32, #tpu.memory_space<vmem_shared>> -> memref<640xf32, #tpu.memory_space<vmem_shared>>
        tpu.enqueue_dma source(%dma_start3A_158 : memref<640xf32, #tpu.memory_space<vmem_shared>>) target(%arg9 : memref<640xf32, #tpu.memory_space<vmem>>) target_semaphore(%run_scoped3A_154 : memref<!tpu.dma_semaphore, #tpu.memory_space<semaphore_mem>>)
        %dma_wait3A = tpu.memref_slice %arg10[%run_scoped3A_63, %mul3A_48] : memref<16x10240xf32, #tpu.memory_space<vmem_shared>> -> memref<1x640xf32, #tpu.memory_space<vmem_shared>>
        %dma_wait3A_159 = tpu.memref_squeeze %dma_wait3A : memref<1x640xf32, #tpu.memory_space<vmem_shared>> -> memref<640xf32, #tpu.memory_space<vmem_shared>>
        %dma_wait3A_160 = tpu.memref_slice %arg10[%run_scoped3A_63, %mul3A_48] : memref<16x10240xf32, #tpu.memory_space<vmem_shared>> -> memref<1x640xf32, #tpu.memory_space<vmem_shared>>
        %dma_wait3A_161 = tpu.memref_squeeze %dma_wait3A_160 : memref<1x640xf32, #tpu.memory_space<vmem_shared>> -> memref<640xf32, #tpu.memory_space<vmem_shared>>
        tpu.wait_dma2 semaphore(%run_scoped3A_154 : memref<!tpu.dma_semaphore, #tpu.memory_space<semaphore_mem>>) src(%dma_wait3A_161 : memref<640xf32, #tpu.memory_space<vmem_shared>>) dst(%arg9 : memref<640xf32, #tpu.memory_space<vmem>>)
        tpu.yield
      }) : () -> ()
      %scan3A_64 = arith.constant 0 : i32
      %scan3A_65 = arith.constant 0 : i32
      %scan3A_66 = arith.constant 40 : i32
      %scan3A_67 = arith.addi %scan3A_65, %scan3A_66 : i32
      %scan3A_68 = arith.constant 1 : i32
      scf.for %scan3A_154 = %scan3A_65 to %scan3A_67 step %scan3A_68  : i32 {
        %mul3A_155 = arith.constant 16 : i32
        %mul3A_156 = arith.muli %scan3A_154, %mul3A_155 : i32
        %get3A = arith.index_cast %mul3A_156 : i32 to index
        %get3A_157 = tpu.vector_load %arg8[%get3A] {strides = array<i32>} : memref<640xf32, #tpu.memory_space<vmem>>, vector<16xf32>,
        %mul3A_158 = arith.constant 16 : i32
        %mul3A_159 = arith.muli %scan3A_154, %mul3A_158 : i32
        %get3A_160 = arith.index_cast %mul3A_159 : i32 to index
        %get3A_161 = tpu.vector_load %arg9[%get3A_160] {strides = array<i32>} : memref<640xf32, #tpu.memory_space<vmem>>, vector<16xf32>,
        %add3A = arith.addf %get3A_157, %get3A_161 : vector<16xf32>
        %mul3A_162 = arith.constant 16 : i32
        %mul3A_163 = arith.muli %scan3A_154, %mul3A_162 : i32
        %swap3A = arith.index_cast %mul3A_163 : i32 to index
        %swap3A_164 = tpu.vector_load %arg8[%swap3A] {strides = array<i32>} : memref<640xf32, #tpu.memory_space<vmem>>, vector<16xf32>,
        tpu.vector_store %arg8[%swap3A], %add3A {strides = array<i32>} : memref<640xf32, #tpu.memory_space<vmem>>, vector<16xf32>,
      }
      %scan3A_69 = arith.constant 40 : i32
      %run_scoped3A_70 = arith.constant 4 : i32
      "tpu.region"() ({
        %run_scoped3A_154 = tpu.sem_alloc : memref<!tpu.dma_semaphore, #tpu.memory_space<semaphore_mem>>
        %dma_start3A_155 = tpu.memref_slice %arg10[%run_scoped3A_70, %mul3A_48] : memref<16x10240xf32, #tpu.memory_space<vmem_shared>> -> memref<1x640xf32, #tpu.memory_space<vmem_shared>>
        %dma_start3A_156 = tpu.memref_squeeze %dma_start3A_155 : memref<1x640xf32, #tpu.memory_space<vmem_shared>> -> memref<640xf32, #tpu.memory_space<vmem_shared>>
        %dma_start3A_157 = tpu.memref_slice %arg10[%run_scoped3A_70, %mul3A_48] : memref<16x10240xf32, #tpu.memory_space<vmem_shared>> -> memref<1x640xf32, #tpu.memory_space<vmem_shared>>
        %dma_start3A_158 = tpu.memref_squeeze %dma_start3A_157 : memref<1x640xf32, #tpu.memory_space<vmem_shared>> -> memref<640xf32, #tpu.memory_space<vmem_shared>>
        tpu.enqueue_dma source(%dma_start3A_158 : memref<640xf32, #tpu.memory_space<vmem_shared>>) target(%arg9 : memref<640xf32, #tpu.memory_space<vmem>>) target_semaphore(%run_scoped3A_154 : memref<!tpu.dma_semaphore, #tpu.memory_space<semaphore_mem>>)
        %dma_wait3A = tpu.memref_slice %arg10[%run_scoped3A_70, %mul3A_48] : memref<16x10240xf32, #tpu.memory_space<vmem_shared>> -> memref<1x640xf32, #tpu.memory_space<vmem_shared>>
        %dma_wait3A_159 = tpu.memref_squeeze %dma_wait3A : memref<1x640xf32, #tpu.memory_space<vmem_shared>> -> memref<640xf32, #tpu.memory_space<vmem_shared>>
        %dma_wait3A_160 = tpu.memref_slice %arg10[%run_scoped3A_70, %mul3A_48] : memref<16x10240xf32, #tpu.memory_space<vmem_shared>> -> memref<1x640xf32, #tpu.memory_space<vmem_shared>>
        %dma_wait3A_161 = tpu.memref_squeeze %dma_wait3A_160 : memref<1x640xf32, #tpu.memory_space<vmem_shared>> -> memref<640xf32, #tpu.memory_space<vmem_shared>>
        tpu.wait_dma2 semaphore(%run_scoped3A_154 : memref<!tpu.dma_semaphore, #tpu.memory_space<semaphore_mem>>) src(%dma_wait3A_161 : memref<640xf32, #tpu.memory_space<vmem_shared>>) dst(%arg9 : memref<640xf32, #tpu.memory_space<vmem>>)
        tpu.yield
      }) : () -> ()
      %scan3A_71 = arith.constant 0 : i32
      %scan3A_72 = arith.constant 0 : i32
      %scan3A_73 = arith.constant 40 : i32
      %scan3A_74 = arith.addi %scan3A_72, %scan3A_73 : i32
      %scan3A_75 = arith.constant 1 : i32
      scf.for %scan3A_154 = %scan3A_72 to %scan3A_74 step %scan3A_75  : i32 {
        %mul3A_155 = arith.constant 16 : i32
        %mul3A_156 = arith.muli %scan3A_154, %mul3A_155 : i32
        %get3A = arith.index_cast %mul3A_156 : i32 to index
        %get3A_157 = tpu.vector_load %arg8[%get3A] {strides = array<i32>} : memref<640xf32, #tpu.memory_space<vmem>>, vector<16xf32>,
        %mul3A_158 = arith.constant 16 : i32
        %mul3A_159 = arith.muli %scan3A_154, %mul3A_158 : i32
        %get3A_160 = arith.index_cast %mul3A_159 : i32 to index
        %get3A_161 = tpu.vector_load %arg9[%get3A_160] {strides = array<i32>} : memref<640xf32, #tpu.memory_space<vmem>>, vector<16xf32>,
        %add3A = arith.addf %get3A_157, %get3A_161 : vector<16xf32>
        %mul3A_162 = arith.constant 16 : i32
        %mul3A_163 = arith.muli %scan3A_154, %mul3A_162 : i32
        %swap3A = arith.index_cast %mul3A_163 : i32 to index
        %swap3A_164 = tpu.vector_load %arg8[%swap3A] {strides = array<i32>} : memref<640xf32, #tpu.memory_space<vmem>>, vector<16xf32>,
        tpu.vector_store %arg8[%swap3A], %add3A {strides = array<i32>} : memref<640xf32, #tpu.memory_space<vmem>>, vector<16xf32>,
      }
      %scan3A_76 = arith.constant 40 : i32
      %run_scoped3A_77 = arith.constant 5 : i32
      "tpu.region"() ({
        %run_scoped3A_154 = tpu.sem_alloc : memref<!tpu.dma_semaphore, #tpu.memory_space<semaphore_mem>>
        %dma_start3A_155 = tpu.memref_slice %arg10[%run_scoped3A_77, %mul3A_48] : memref<16x10240xf32, #tpu.memory_space<vmem_shared>> -> memref<1x640xf32, #tpu.memory_space<vmem_shared>>
        %dma_start3A_156 = tpu.memref_squeeze %dma_start3A_155 : memref<1x640xf32, #tpu.memory_space<vmem_shared>> -> memref<640xf32, #tpu.memory_space<vmem_shared>>
        %dma_start3A_157 = tpu.memref_slice %arg10[%run_scoped3A_77, %mul3A_48] : memref<16x10240xf32, #tpu.memory_space<vmem_shared>> -> memref<1x640xf32, #tpu.memory_space<vmem_shared>>
        %dma_start3A_158 = tpu.memref_squeeze %dma_start3A_157 : memref<1x640xf32, #tpu.memory_space<vmem_shared>> -> memref<640xf32, #tpu.memory_space<vmem_shared>>
        tpu.enqueue_dma source(%dma_start3A_158 : memref<640xf32, #tpu.memory_space<vmem_shared>>) target(%arg9 : memref<640xf32, #tpu.memory_space<vmem>>) target_semaphore(%run_scoped3A_154 : memref<!tpu.dma_semaphore, #tpu.memory_space<semaphore_mem>>)
        %dma_wait3A = tpu.memref_slice %arg10[%run_scoped3A_77, %mul3A_48] : memref<16x10240xf32, #tpu.memory_space<vmem_shared>> -> memref<1x640xf32, #tpu.memory_space<vmem_shared>>
        %dma_wait3A_159 = tpu.memref_squeeze %dma_wait3A : memref<1x640xf32, #tpu.memory_space<vmem_shared>> -> memref<640xf32, #tpu.memory_space<vmem_shared>>
        %dma_wait3A_160 = tpu.memref_slice %arg10[%run_scoped3A_77, %mul3A_48] : memref<16x10240xf32, #tpu.memory_space<vmem_shared>> -> memref<1x640xf32, #tpu.memory_space<vmem_shared>>
        %dma_wait3A_161 = tpu.memref_squeeze %dma_wait3A_160 : memref<1x640xf32, #tpu.memory_space<vmem_shared>> -> memref<640xf32, #tpu.memory_space<vmem_shared>>
        tpu.wait_dma2 semaphore(%run_scoped3A_154 : memref<!tpu.dma_semaphore, #tpu.memory_space<semaphore_mem>>) src(%dma_wait3A_161 : memref<640xf32, #tpu.memory_space<vmem_shared>>) dst(%arg9 : memref<640xf32, #tpu.memory_space<vmem>>)
        tpu.yield
      }) : () -> ()
      %scan3A_78 = arith.constant 0 : i32
      %scan3A_79 = arith.constant 0 : i32
      %scan3A_80 = arith.constant 40 : i32
      %scan3A_81 = arith.addi %scan3A_79, %scan3A_80 : i32
      %scan3A_82 = arith.constant 1 : i32
      scf.for %scan3A_154 = %scan3A_79 to %scan3A_81 step %scan3A_82  : i32 {
        %mul3A_155 = arith.constant 16 : i32
        %mul3A_156 = arith.muli %scan3A_154, %mul3A_155 : i32
        %get3A = arith.index_cast %mul3A_156 : i32 to index
        %get3A_157 = tpu.vector_load %arg8[%get3A] {strides = array<i32>} : memref<640xf32, #tpu.memory_space<vmem>>, vector<16xf32>,
        %mul3A_158 = arith.constant 16 : i32
        %mul3A_159 = arith.muli %scan3A_154, %mul3A_158 : i32
        %get3A_160 = arith.index_cast %mul3A_159 : i32 to index
        %get3A_161 = tpu.vector_load %arg9[%get3A_160] {strides = array<i32>} : memref<640xf32, #tpu.memory_space<vmem>>, vector<16xf32>,
        %add3A = arith.addf %get3A_157, %get3A_161 : vector<16xf32>
        %mul3A_162 = arith.constant 16 : i32
        %mul3A_163 = arith.muli %scan3A_154, %mul3A_162 : i32
        %swap3A = arith.index_cast %mul3A_163 : i32 to index
        %swap3A_164 = tpu.vector_load %arg8[%swap3A] {strides = array<i32>} : memref<640xf32, #tpu.memory_space<vmem>>, vector<16xf32>,
        tpu.vector_store %arg8[%swap3A], %add3A {strides = array<i32>} : memref<640xf32, #tpu.memory_space<vmem>>, vector<16xf32>,
      }
      %scan3A_83 = arith.constant 40 : i32
      %run_scoped3A_84 = arith.constant 6 : i32
      "tpu.region"() ({
        %run_scoped3A_154 = tpu.sem_alloc : memref<!tpu.dma_semaphore, #tpu.memory_space<semaphore_mem>>
        %dma_start3A_155 = tpu.memref_slice %arg10[%run_scoped3A_84, %mul3A_48] : memref<16x10240xf32, #tpu.memory_space<vmem_shared>> -> memref<1x640xf32, #tpu.memory_space<vmem_shared>>
        %dma_start3A_156 = tpu.memref_squeeze %dma_start3A_155 : memref<1x640xf32, #tpu.memory_space<vmem_shared>> -> memref<640xf32, #tpu.memory_space<vmem_shared>>
        %dma_start3A_157 = tpu.memref_slice %arg10[%run_scoped3A_84, %mul3A_48] : memref<16x10240xf32, #tpu.memory_space<vmem_shared>> -> memref<1x640xf32, #tpu.memory_space<vmem_shared>>
        %dma_start3A_158 = tpu.memref_squeeze %dma_start3A_157 : memref<1x640xf32, #tpu.memory_space<vmem_shared>> -> memref<640xf32, #tpu.memory_space<vmem_shared>>
        tpu.enqueue_dma source(%dma_start3A_158 : memref<640xf32, #tpu.memory_space<vmem_shared>>) target(%arg9 : memref<640xf32, #tpu.memory_space<vmem>>) target_semaphore(%run_scoped3A_154 : memref<!tpu.dma_semaphore, #tpu.memory_space<semaphore_mem>>)
        %dma_wait3A = tpu.memref_slice %arg10[%run_scoped3A_84, %mul3A_48] : memref<16x10240xf32, #tpu.memory_space<vmem_shared>> -> memref<1x640xf32, #tpu.memory_space<vmem_shared>>
        %dma_wait3A_159 = tpu.memref_squeeze %dma_wait3A : memref<1x640xf32, #tpu.memory_space<vmem_shared>> -> memref<640xf32, #tpu.memory_space<vmem_shared>>
        %dma_wait3A_160 = tpu.memref_slice %arg10[%run_scoped3A_84, %mul3A_48] : memref<16x10240xf32, #tpu.memory_space<vmem_shared>> -> memref<1x640xf32, #tpu.memory_space<vmem_shared>>
        %dma_wait3A_161 = tpu.memref_squeeze %dma_wait3A_160 : memref<1x640xf32, #tpu.memory_space<vmem_shared>> -> memref<640xf32, #tpu.memory_space<vmem_shared>>
        tpu.wait_dma2 semaphore(%run_scoped3A_154 : memref<!tpu.dma_semaphore, #tpu.memory_space<semaphore_mem>>) src(%dma_wait3A_161 : memref<640xf32, #tpu.memory_space<vmem_shared>>) dst(%arg9 : memref<640xf32, #tpu.memory_space<vmem>>)
        tpu.yield
      }) : () -> ()
      %scan3A_85 = arith.constant 0 : i32
      %scan3A_86 = arith.constant 0 : i32
      %scan3A_87 = arith.constant 40 : i32
      %scan3A_88 = arith.addi %scan3A_86, %scan3A_87 : i32
      %scan3A_89 = arith.constant 1 : i32
      scf.for %scan3A_154 = %scan3A_86 to %scan3A_88 step %scan3A_89  : i32 {
        %mul3A_155 = arith.constant 16 : i32
        %mul3A_156 = arith.muli %scan3A_154, %mul3A_155 : i32
        %get3A = arith.index_cast %mul3A_156 : i32 to index
        %get3A_157 = tpu.vector_load %arg8[%get3A] {strides = array<i32>} : memref<640xf32, #tpu.memory_space<vmem>>, vector<16xf32>,
        %mul3A_158 = arith.constant 16 : i32
        %mul3A_159 = arith.muli %scan3A_154, %mul3A_158 : i32
        %get3A_160 = arith.index_cast %mul3A_159 : i32 to index
        %get3A_161 = tpu.vector_load %arg9[%get3A_160] {strides = array<i32>} : memref<640xf32, #tpu.memory_space<vmem>>, vector<16xf32>,
        %add3A = arith.addf %get3A_157, %get3A_161 : vector<16xf32>
        %mul3A_162 = arith.constant 16 : i32
        %mul3A_163 = arith.muli %scan3A_154, %mul3A_162 : i32
        %swap3A = arith.index_cast %mul3A_163 : i32 to index
        %swap3A_164 = tpu.vector_load %arg8[%swap3A] {strides = array<i32>} : memref<640xf32, #tpu.memory_space<vmem>>, vector<16xf32>,
        tpu.vector_store %arg8[%swap3A], %add3A {strides = array<i32>} : memref<640xf32, #tpu.memory_space<vmem>>, vector<16xf32>,
      }
      %scan3A_90 = arith.constant 40 : i32
      %run_scoped3A_91 = arith.constant 7 : i32
      "tpu.region"() ({
        %run_scoped3A_154 = tpu.sem_alloc : memref<!tpu.dma_semaphore, #tpu.memory_space<semaphore_mem>>
        %dma_start3A_155 = tpu.memref_slice %arg10[%run_scoped3A_91, %mul3A_48] : memref<16x10240xf32, #tpu.memory_space<vmem_shared>> -> memref<1x640xf32, #tpu.memory_space<vmem_shared>>
        %dma_start3A_156 = tpu.memref_squeeze %dma_start3A_155 : memref<1x640xf32, #tpu.memory_space<vmem_shared>> -> memref<640xf32, #tpu.memory_space<vmem_shared>>
        %dma_start3A_157 = tpu.memref_slice %arg10[%run_scoped3A_91, %mul3A_48] : memref<16x10240xf32, #tpu.memory_space<vmem_shared>> -> memref<1x640xf32, #tpu.memory_space<vmem_shared>>
        %dma_start3A_158 = tpu.memref_squeeze %dma_start3A_157 : memref<1x640xf32, #tpu.memory_space<vmem_shared>> -> memref<640xf32, #tpu.memory_space<vmem_shared>>
        tpu.enqueue_dma source(%dma_start3A_158 : memref<640xf32, #tpu.memory_space<vmem_shared>>) target(%arg9 : memref<640xf32, #tpu.memory_space<vmem>>) target_semaphore(%run_scoped3A_154 : memref<!tpu.dma_semaphore, #tpu.memory_space<semaphore_mem>>)
        %dma_wait3A = tpu.memref_slice %arg10[%run_scoped3A_91, %mul3A_48] : memref<16x10240xf32, #tpu.memory_space<vmem_shared>> -> memref<1x640xf32, #tpu.memory_space<vmem_shared>>
        %dma_wait3A_159 = tpu.memref_squeeze %dma_wait3A : memref<1x640xf32, #tpu.memory_space<vmem_shared>> -> memref<640xf32, #tpu.memory_space<vmem_shared>>
        %dma_wait3A_160 = tpu.memref_slice %arg10[%run_scoped3A_91, %mul3A_48] : memref<16x10240xf32, #tpu.memory_space<vmem_shared>> -> memref<1x640xf32, #tpu.memory_space<vmem_shared>>
        %dma_wait3A_161 = tpu.memref_squeeze %dma_wait3A_160 : memref<1x640xf32, #tpu.memory_space<vmem_shared>> -> memref<640xf32, #tpu.memory_space<vmem_shared>>
        tpu.wait_dma2 semaphore(%run_scoped3A_154 : memref<!tpu.dma_semaphore, #tpu.memory_space<semaphore_mem>>) src(%dma_wait3A_161 : memref<640xf32, #tpu.memory_space<vmem_shared>>) dst(%arg9 : memref<640xf32, #tpu.memory_space<vmem>>)
        tpu.yield
      }) : () -> ()
      %scan3A_92 = arith.constant 0 : i32
      %scan3A_93 = arith.constant 0 : i32
      %scan3A_94 = arith.constant 40 : i32
      %scan3A_95 = arith.addi %scan3A_93, %scan3A_94 : i32
      %scan3A_96 = arith.constant 1 : i32
      scf.for %scan3A_154 = %scan3A_93 to %scan3A_95 step %scan3A_96  : i32 {
        %mul3A_155 = arith.constant 16 : i32
        %mul3A_156 = arith.muli %scan3A_154, %mul3A_155 : i32
        %get3A = arith.index_cast %mul3A_156 : i32 to index
        %get3A_157 = tpu.vector_load %arg8[%get3A] {strides = array<i32>} : memref<640xf32, #tpu.memory_space<vmem>>, vector<16xf32>,
        %mul3A_158 = arith.constant 16 : i32
        %mul3A_159 = arith.muli %scan3A_154, %mul3A_158 : i32
        %get3A_160 = arith.index_cast %mul3A_159 : i32 to index
        %get3A_161 = tpu.vector_load %arg9[%get3A_160] {strides = array<i32>} : memref<640xf32, #tpu.memory_space<vmem>>, vector<16xf32>,
        %add3A = arith.addf %get3A_157, %get3A_161 : vector<16xf32>
        %mul3A_162 = arith.constant 16 : i32
        %mul3A_163 = arith.muli %scan3A_154, %mul3A_162 : i32
        %swap3A = arith.index_cast %mul3A_163 : i32 to index
        %swap3A_164 = tpu.vector_load %arg8[%swap3A] {strides = array<i32>} : memref<640xf32, #tpu.memory_space<vmem>>, vector<16xf32>,
        tpu.vector_store %arg8[%swap3A], %add3A {strides = array<i32>} : memref<640xf32, #tpu.memory_space<vmem>>, vector<16xf32>,
      }
      %scan3A_97 = arith.constant 40 : i32
      %run_scoped3A_98 = arith.constant 8 : i32
      "tpu.region"() ({
        %run_scoped3A_154 = tpu.sem_alloc : memref<!tpu.dma_semaphore, #tpu.memory_space<semaphore_mem>>
        %dma_start3A_155 = tpu.memref_slice %arg10[%run_scoped3A_98, %mul3A_48] : memref<16x10240xf32, #tpu.memory_space<vmem_shared>> -> memref<1x640xf32, #tpu.memory_space<vmem_shared>>
        %dma_start3A_156 = tpu.memref_squeeze %dma_start3A_155 : memref<1x640xf32, #tpu.memory_space<vmem_shared>> -> memref<640xf32, #tpu.memory_space<vmem_shared>>
        %dma_start3A_157 = tpu.memref_slice %arg10[%run_scoped3A_98, %mul3A_48] : memref<16x10240xf32, #tpu.memory_space<vmem_shared>> -> memref<1x640xf32, #tpu.memory_space<vmem_shared>>
        %dma_start3A_158 = tpu.memref_squeeze %dma_start3A_157 : memref<1x640xf32, #tpu.memory_space<vmem_shared>> -> memref<640xf32, #tpu.memory_space<vmem_shared>>
        tpu.enqueue_dma source(%dma_start3A_158 : memref<640xf32, #tpu.memory_space<vmem_shared>>) target(%arg9 : memref<640xf32, #tpu.memory_space<vmem>>) target_semaphore(%run_scoped3A_154 : memref<!tpu.dma_semaphore, #tpu.memory_space<semaphore_mem>>)
        %dma_wait3A = tpu.memref_slice %arg10[%run_scoped3A_98, %mul3A_48] : memref<16x10240xf32, #tpu.memory_space<vmem_shared>> -> memref<1x640xf32, #tpu.memory_space<vmem_shared>>
        %dma_wait3A_159 = tpu.memref_squeeze %dma_wait3A : memref<1x640xf32, #tpu.memory_space<vmem_shared>> -> memref<640xf32, #tpu.memory_space<vmem_shared>>
        %dma_wait3A_160 = tpu.memref_slice %arg10[%run_scoped3A_98, %mul3A_48] : memref<16x10240xf32, #tpu.memory_space<vmem_shared>> -> memref<1x640xf32, #tpu.memory_space<vmem_shared>>
        %dma_wait3A_161 = tpu.memref_squeeze %dma_wait3A_160 : memref<1x640xf32, #tpu.memory_space<vmem_shared>> -> memref<640xf32, #tpu.memory_space<vmem_shared>>
        tpu.wait_dma2 semaphore(%run_scoped3A_154 : memref<!tpu.dma_semaphore, #tpu.memory_space<semaphore_mem>>) src(%dma_wait3A_161 : memref<640xf32, #tpu.memory_space<vmem_shared>>) dst(%arg9 : memref<640xf32, #tpu.memory_space<vmem>>)
        tpu.yield
      }) : () -> ()
      %scan3A_99 = arith.constant 0 : i32
      %scan3A_100 = arith.constant 0 : i32
      %scan3A_101 = arith.constant 40 : i32
      %scan3A_102 = arith.addi %scan3A_100, %scan3A_101 : i32
      %scan3A_103 = arith.constant 1 : i32
      scf.for %scan3A_154 = %scan3A_100 to %scan3A_102 step %scan3A_103  : i32 {
        %mul3A_155 = arith.constant 16 : i32
        %mul3A_156 = arith.muli %scan3A_154, %mul3A_155 : i32
        %get3A = arith.index_cast %mul3A_156 : i32 to index
        %get3A_157 = tpu.vector_load %arg8[%get3A] {strides = array<i32>} : memref<640xf32, #tpu.memory_space<vmem>>, vector<16xf32>,
        %mul3A_158 = arith.constant 16 : i32
        %mul3A_159 = arith.muli %scan3A_154, %mul3A_158 : i32
        %get3A_160 = arith.index_cast %mul3A_159 : i32 to index
        %get3A_161 = tpu.vector_load %arg9[%get3A_160] {strides = array<i32>} : memref<640xf32, #tpu.memory_space<vmem>>, vector<16xf32>,
        %add3A = arith.addf %get3A_157, %get3A_161 : vector<16xf32>
        %mul3A_162 = arith.constant 16 : i32
        %mul3A_163 = arith.muli %scan3A_154, %mul3A_162 : i32
        %swap3A = arith.index_cast %mul3A_163 : i32 to index
        %swap3A_164 = tpu.vector_load %arg8[%swap3A] {strides = array<i32>} : memref<640xf32, #tpu.memory_space<vmem>>, vector<16xf32>,
        tpu.vector_store %arg8[%swap3A], %add3A {strides = array<i32>} : memref<640xf32, #tpu.memory_space<vmem>>, vector<16xf32>,
      }
      %scan3A_104 = arith.constant 40 : i32
      %run_scoped3A_105 = arith.constant 9 : i32
      "tpu.region"() ({
        %run_scoped3A_154 = tpu.sem_alloc : memref<!tpu.dma_semaphore, #tpu.memory_space<semaphore_mem>>
        %dma_start3A_155 = tpu.memref_slice %arg10[%run_scoped3A_105, %mul3A_48] : memref<16x10240xf32, #tpu.memory_space<vmem_shared>> -> memref<1x640xf32, #tpu.memory_space<vmem_shared>>
        %dma_start3A_156 = tpu.memref_squeeze %dma_start3A_155 : memref<1x640xf32, #tpu.memory_space<vmem_shared>> -> memref<640xf32, #tpu.memory_space<vmem_shared>>
        %dma_start3A_157 = tpu.memref_slice %arg10[%run_scoped3A_105, %mul3A_48] : memref<16x10240xf32, #tpu.memory_space<vmem_shared>> -> memref<1x640xf32, #tpu.memory_space<vmem_shared>>
        %dma_start3A_158 = tpu.memref_squeeze %dma_start3A_157 : memref<1x640xf32, #tpu.memory_space<vmem_shared>> -> memref<640xf32, #tpu.memory_space<vmem_shared>>
        tpu.enqueue_dma source(%dma_start3A_158 : memref<640xf32, #tpu.memory_space<vmem_shared>>) target(%arg9 : memref<640xf32, #tpu.memory_space<vmem>>) target_semaphore(%run_scoped3A_154 : memref<!tpu.dma_semaphore, #tpu.memory_space<semaphore_mem>>)
        %dma_wait3A = tpu.memref_slice %arg10[%run_scoped3A_105, %mul3A_48] : memref<16x10240xf32, #tpu.memory_space<vmem_shared>> -> memref<1x640xf32, #tpu.memory_space<vmem_shared>>
        %dma_wait3A_159 = tpu.memref_squeeze %dma_wait3A : memref<1x640xf32, #tpu.memory_space<vmem_shared>> -> memref<640xf32, #tpu.memory_space<vmem_shared>>
        %dma_wait3A_160 = tpu.memref_slice %arg10[%run_scoped3A_105, %mul3A_48] : memref<16x10240xf32, #tpu.memory_space<vmem_shared>> -> memref<1x640xf32, #tpu.memory_space<vmem_shared>>
        %dma_wait3A_161 = tpu.memref_squeeze %dma_wait3A_160 : memref<1x640xf32, #tpu.memory_space<vmem_shared>> -> memref<640xf32, #tpu.memory_space<vmem_shared>>
        tpu.wait_dma2 semaphore(%run_scoped3A_154 : memref<!tpu.dma_semaphore, #tpu.memory_space<semaphore_mem>>) src(%dma_wait3A_161 : memref<640xf32, #tpu.memory_space<vmem_shared>>) dst(%arg9 : memref<640xf32, #tpu.memory_space<vmem>>)
        tpu.yield
      }) : () -> ()
      %scan3A_106 = arith.constant 0 : i32
      %scan3A_107 = arith.constant 0 : i32
      %scan3A_108 = arith.constant 40 : i32
      %scan3A_109 = arith.addi %scan3A_107, %scan3A_108 : i32
      %scan3A_110 = arith.constant 1 : i32
      scf.for %scan3A_154 = %scan3A_107 to %scan3A_109 step %scan3A_110  : i32 {
        %mul3A_155 = arith.constant 16 : i32
        %mul3A_156 = arith.muli %scan3A_154, %mul3A_155 : i32
        %get3A = arith.index_cast %mul3A_156 : i32 to index
        %get3A_157 = tpu.vector_load %arg8[%get3A] {strides = array<i32>} : memref<640xf32, #tpu.memory_space<vmem>>, vector<16xf32>,
        %mul3A_158 = arith.constant 16 : i32
        %mul3A_159 = arith.muli %scan3A_154, %mul3A_158 : i32
        %get3A_160 = arith.index_cast %mul3A_159 : i32 to index
        %get3A_161 = tpu.vector_load %arg9[%get3A_160] {strides = array<i32>} : memref<640xf32, #tpu.memory_space<vmem>>, vector<16xf32>,
        %add3A = arith.addf %get3A_157, %get3A_161 : vector<16xf32>
        %mul3A_162 = arith.constant 16 : i32
        %mul3A_163 = arith.muli %scan3A_154, %mul3A_162 : i32
        %swap3A = arith.index_cast %mul3A_163 : i32 to index
        %swap3A_164 = tpu.vector_load %arg8[%swap3A] {strides = array<i32>} : memref<640xf32, #tpu.memory_space<vmem>>, vector<16xf32>,
        tpu.vector_store %arg8[%swap3A], %add3A {strides = array<i32>} : memref<640xf32, #tpu.memory_space<vmem>>, vector<16xf32>,
      }
      %scan3A_111 = arith.constant 40 : i32
      %run_scoped3A_112 = arith.constant 10 : i32
      "tpu.region"() ({
        %run_scoped3A_154 = tpu.sem_alloc : memref<!tpu.dma_semaphore, #tpu.memory_space<semaphore_mem>>
        %dma_start3A_155 = tpu.memref_slice %arg10[%run_scoped3A_112, %mul3A_48] : memref<16x10240xf32, #tpu.memory_space<vmem_shared>> -> memref<1x640xf32, #tpu.memory_space<vmem_shared>>
        %dma_start3A_156 = tpu.memref_squeeze %dma_start3A_155 : memref<1x640xf32, #tpu.memory_space<vmem_shared>> -> memref<640xf32, #tpu.memory_space<vmem_shared>>
        %dma_start3A_157 = tpu.memref_slice %arg10[%run_scoped3A_112, %mul3A_48] : memref<16x10240xf32, #tpu.memory_space<vmem_shared>> -> memref<1x640xf32, #tpu.memory_space<vmem_shared>>
        %dma_start3A_158 = tpu.memref_squeeze %dma_start3A_157 : memref<1x640xf32, #tpu.memory_space<vmem_shared>> -> memref<640xf32, #tpu.memory_space<vmem_shared>>
        tpu.enqueue_dma source(%dma_start3A_158 : memref<640xf32, #tpu.memory_space<vmem_shared>>) target(%arg9 : memref<640xf32, #tpu.memory_space<vmem>>) target_semaphore(%run_scoped3A_154 : memref<!tpu.dma_semaphore, #tpu.memory_space<semaphore_mem>>)
        %dma_wait3A = tpu.memref_slice %arg10[%run_scoped3A_112, %mul3A_48] : memref<16x10240xf32, #tpu.memory_space<vmem_shared>> -> memref<1x640xf32, #tpu.memory_space<vmem_shared>>
        %dma_wait3A_159 = tpu.memref_squeeze %dma_wait3A : memref<1x640xf32, #tpu.memory_space<vmem_shared>> -> memref<640xf32, #tpu.memory_space<vmem_shared>>
        %dma_wait3A_160 = tpu.memref_slice %arg10[%run_scoped3A_112, %mul3A_48] : memref<16x10240xf32, #tpu.memory_space<vmem_shared>> -> memref<1x640xf32, #tpu.memory_space<vmem_shared>>
        %dma_wait3A_161 = tpu.memref_squeeze %dma_wait3A_160 : memref<1x640xf32, #tpu.memory_space<vmem_shared>> -> memref<640xf32, #tpu.memory_space<vmem_shared>>
        tpu.wait_dma2 semaphore(%run_scoped3A_154 : memref<!tpu.dma_semaphore, #tpu.memory_space<semaphore_mem>>) src(%dma_wait3A_161 : memref<640xf32, #tpu.memory_space<vmem_shared>>) dst(%arg9 : memref<640xf32, #tpu.memory_space<vmem>>)
        tpu.yield
      }) : () -> ()
      %scan3A_113 = arith.constant 0 : i32
      %scan3A_114 = arith.constant 0 : i32
      %scan3A_115 = arith.constant 40 : i32
      %scan3A_116 = arith.addi %scan3A_114, %scan3A_115 : i32
      %scan3A_117 = arith.constant 1 : i32
      scf.for %scan3A_154 = %scan3A_114 to %scan3A_116 step %scan3A_117  : i32 {
        %mul3A_155 = arith.constant 16 : i32
        %mul3A_156 = arith.muli %scan3A_154, %mul3A_155 : i32
        %get3A = arith.index_cast %mul3A_156 : i32 to index
        %get3A_157 = tpu.vector_load %arg8[%get3A] {strides = array<i32>} : memref<640xf32, #tpu.memory_space<vmem>>, vector<16xf32>,
        %mul3A_158 = arith.constant 16 : i32
        %mul3A_159 = arith.muli %scan3A_154, %mul3A_158 : i32
        %get3A_160 = arith.index_cast %mul3A_159 : i32 to index
        %get3A_161 = tpu.vector_load %arg9[%get3A_160] {strides = array<i32>} : memref<640xf32, #tpu.memory_space<vmem>>, vector<16xf32>,
        %add3A = arith.addf %get3A_157, %get3A_161 : vector<16xf32>
        %mul3A_162 = arith.constant 16 : i32
        %mul3A_163 = arith.muli %scan3A_154, %mul3A_162 : i32
        %swap3A = arith.index_cast %mul3A_163 : i32 to index
        %swap3A_164 = tpu.vector_load %arg8[%swap3A] {strides = array<i32>} : memref<640xf32, #tpu.memory_space<vmem>>, vector<16xf32>,
        tpu.vector_store %arg8[%swap3A], %add3A {strides = array<i32>} : memref<640xf32, #tpu.memory_space<vmem>>, vector<16xf32>,
      }
      %scan3A_118 = arith.constant 40 : i32
      %run_scoped3A_119 = arith.constant 11 : i32
      "tpu.region"() ({
        %run_scoped3A_154 = tpu.sem_alloc : memref<!tpu.dma_semaphore, #tpu.memory_space<semaphore_mem>>
        %dma_start3A_155 = tpu.memref_slice %arg10[%run_scoped3A_119, %mul3A_48] : memref<16x10240xf32, #tpu.memory_space<vmem_shared>> -> memref<1x640xf32, #tpu.memory_space<vmem_shared>>
        %dma_start3A_156 = tpu.memref_squeeze %dma_start3A_155 : memref<1x640xf32, #tpu.memory_space<vmem_shared>> -> memref<640xf32, #tpu.memory_space<vmem_shared>>
        %dma_start3A_157 = tpu.memref_slice %arg10[%run_scoped3A_119, %mul3A_48] : memref<16x10240xf32, #tpu.memory_space<vmem_shared>> -> memref<1x640xf32, #tpu.memory_space<vmem_shared>>
        %dma_start3A_158 = tpu.memref_squeeze %dma_start3A_157 : memref<1x640xf32, #tpu.memory_space<vmem_shared>> -> memref<640xf32, #tpu.memory_space<vmem_shared>>
        tpu.enqueue_dma source(%dma_start3A_158 : memref<640xf32, #tpu.memory_space<vmem_shared>>) target(%arg9 : memref<640xf32, #tpu.memory_space<vmem>>) target_semaphore(%run_scoped3A_154 : memref<!tpu.dma_semaphore, #tpu.memory_space<semaphore_mem>>)
        %dma_wait3A = tpu.memref_slice %arg10[%run_scoped3A_119, %mul3A_48] : memref<16x10240xf32, #tpu.memory_space<vmem_shared>> -> memref<1x640xf32, #tpu.memory_space<vmem_shared>>
        %dma_wait3A_159 = tpu.memref_squeeze %dma_wait3A : memref<1x640xf32, #tpu.memory_space<vmem_shared>> -> memref<640xf32, #tpu.memory_space<vmem_shared>>
        %dma_wait3A_160 = tpu.memref_slice %arg10[%run_scoped3A_119, %mul3A_48] : memref<16x10240xf32, #tpu.memory_space<vmem_shared>> -> memref<1x640xf32, #tpu.memory_space<vmem_shared>>
        %dma_wait3A_161 = tpu.memref_squeeze %dma_wait3A_160 : memref<1x640xf32, #tpu.memory_space<vmem_shared>> -> memref<640xf32, #tpu.memory_space<vmem_shared>>
        tpu.wait_dma2 semaphore(%run_scoped3A_154 : memref<!tpu.dma_semaphore, #tpu.memory_space<semaphore_mem>>) src(%dma_wait3A_161 : memref<640xf32, #tpu.memory_space<vmem_shared>>) dst(%arg9 : memref<640xf32, #tpu.memory_space<vmem>>)
        tpu.yield
      }) : () -> ()
      %scan3A_120 = arith.constant 0 : i32
      %scan3A_121 = arith.constant 0 : i32
      %scan3A_122 = arith.constant 40 : i32
      %scan3A_123 = arith.addi %scan3A_121, %scan3A_122 : i32
      %scan3A_124 = arith.constant 1 : i32
      scf.for %scan3A_154 = %scan3A_121 to %scan3A_123 step %scan3A_124  : i32 {
        %mul3A_155 = arith.constant 16 : i32
        %mul3A_156 = arith.muli %scan3A_154, %mul3A_155 : i32
        %get3A = arith.index_cast %mul3A_156 : i32 to index
        %get3A_157 = tpu.vector_load %arg8[%get3A] {strides = array<i32>} : memref<640xf32, #tpu.memory_space<vmem>>, vector<16xf32>,
        %mul3A_158 = arith.constant 16 : i32
        %mul3A_159 = arith.muli %scan3A_154, %mul3A_158 : i32
        %get3A_160 = arith.index_cast %mul3A_159 : i32 to index
        %get3A_161 = tpu.vector_load %arg9[%get3A_160] {strides = array<i32>} : memref<640xf32, #tpu.memory_space<vmem>>, vector<16xf32>,
        %add3A = arith.addf %get3A_157, %get3A_161 : vector<16xf32>
        %mul3A_162 = arith.constant 16 : i32
        %mul3A_163 = arith.muli %scan3A_154, %mul3A_162 : i32
        %swap3A = arith.index_cast %mul3A_163 : i32 to index
        %swap3A_164 = tpu.vector_load %arg8[%swap3A] {strides = array<i32>} : memref<640xf32, #tpu.memory_space<vmem>>, vector<16xf32>,
        tpu.vector_store %arg8[%swap3A], %add3A {strides = array<i32>} : memref<640xf32, #tpu.memory_space<vmem>>, vector<16xf32>,
      }
      %scan3A_125 = arith.constant 40 : i32
      %run_scoped3A_126 = arith.constant 12 : i32
      "tpu.region"() ({
        %run_scoped3A_154 = tpu.sem_alloc : memref<!tpu.dma_semaphore, #tpu.memory_space<semaphore_mem>>
        %dma_start3A_155 = tpu.memref_slice %arg10[%run_scoped3A_126, %mul3A_48] : memref<16x10240xf32, #tpu.memory_space<vmem_shared>> -> memref<1x640xf32, #tpu.memory_space<vmem_shared>>
        %dma_start3A_156 = tpu.memref_squeeze %dma_start3A_155 : memref<1x640xf32, #tpu.memory_space<vmem_shared>> -> memref<640xf32, #tpu.memory_space<vmem_shared>>
        %dma_start3A_157 = tpu.memref_slice %arg10[%run_scoped3A_126, %mul3A_48] : memref<16x10240xf32, #tpu.memory_space<vmem_shared>> -> memref<1x640xf32, #tpu.memory_space<vmem_shared>>
        %dma_start3A_158 = tpu.memref_squeeze %dma_start3A_157 : memref<1x640xf32, #tpu.memory_space<vmem_shared>> -> memref<640xf32, #tpu.memory_space<vmem_shared>>
        tpu.enqueue_dma source(%dma_start3A_158 : memref<640xf32, #tpu.memory_space<vmem_shared>>) target(%arg9 : memref<640xf32, #tpu.memory_space<vmem>>) target_semaphore(%run_scoped3A_154 : memref<!tpu.dma_semaphore, #tpu.memory_space<semaphore_mem>>)
        %dma_wait3A = tpu.memref_slice %arg10[%run_scoped3A_126, %mul3A_48] : memref<16x10240xf32, #tpu.memory_space<vmem_shared>> -> memref<1x640xf32, #tpu.memory_space<vmem_shared>>
        %dma_wait3A_159 = tpu.memref_squeeze %dma_wait3A : memref<1x640xf32, #tpu.memory_space<vmem_shared>> -> memref<640xf32, #tpu.memory_space<vmem_shared>>
        %dma_wait3A_160 = tpu.memref_slice %arg10[%run_scoped3A_126, %mul3A_48] : memref<16x10240xf32, #tpu.memory_space<vmem_shared>> -> memref<1x640xf32, #tpu.memory_space<vmem_shared>>
        %dma_wait3A_161 = tpu.memref_squeeze %dma_wait3A_160 : memref<1x640xf32, #tpu.memory_space<vmem_shared>> -> memref<640xf32, #tpu.memory_space<vmem_shared>>
        tpu.wait_dma2 semaphore(%run_scoped3A_154 : memref<!tpu.dma_semaphore, #tpu.memory_space<semaphore_mem>>) src(%dma_wait3A_161 : memref<640xf32, #tpu.memory_space<vmem_shared>>) dst(%arg9 : memref<640xf32, #tpu.memory_space<vmem>>)
        tpu.yield
      }) : () -> ()
      %scan3A_127 = arith.constant 0 : i32
      %scan3A_128 = arith.constant 0 : i32
      %scan3A_129 = arith.constant 40 : i32
      %scan3A_130 = arith.addi %scan3A_128, %scan3A_129 : i32
      %scan3A_131 = arith.constant 1 : i32
      scf.for %scan3A_154 = %scan3A_128 to %scan3A_130 step %scan3A_131  : i32 {
        %mul3A_155 = arith.constant 16 : i32
        %mul3A_156 = arith.muli %scan3A_154, %mul3A_155 : i32
        %get3A = arith.index_cast %mul3A_156 : i32 to index
        %get3A_157 = tpu.vector_load %arg8[%get3A] {strides = array<i32>} : memref<640xf32, #tpu.memory_space<vmem>>, vector<16xf32>,
        %mul3A_158 = arith.constant 16 : i32
        %mul3A_159 = arith.muli %scan3A_154, %mul3A_158 : i32
        %get3A_160 = arith.index_cast %mul3A_159 : i32 to index
        %get3A_161 = tpu.vector_load %arg9[%get3A_160] {strides = array<i32>} : memref<640xf32, #tpu.memory_space<vmem>>, vector<16xf32>,
        %add3A = arith.addf %get3A_157, %get3A_161 : vector<16xf32>
        %mul3A_162 = arith.constant 16 : i32
        %mul3A_163 = arith.muli %scan3A_154, %mul3A_162 : i32
        %swap3A = arith.index_cast %mul3A_163 : i32 to index
        %swap3A_164 = tpu.vector_load %arg8[%swap3A] {strides = array<i32>} : memref<640xf32, #tpu.memory_space<vmem>>, vector<16xf32>,
        tpu.vector_store %arg8[%swap3A], %add3A {strides = array<i32>} : memref<640xf32, #tpu.memory_space<vmem>>, vector<16xf32>,
      }
      %scan3A_132 = arith.constant 40 : i32
      %run_scoped3A_133 = arith.constant 13 : i32
      "tpu.region"() ({
        %run_scoped3A_154 = tpu.sem_alloc : memref<!tpu.dma_semaphore, #tpu.memory_space<semaphore_mem>>
        %dma_start3A_155 = tpu.memref_slice %arg10[%run_scoped3A_133, %mul3A_48] : memref<16x10240xf32, #tpu.memory_space<vmem_shared>> -> memref<1x640xf32, #tpu.memory_space<vmem_shared>>
        %dma_start3A_156 = tpu.memref_squeeze %dma_start3A_155 : memref<1x640xf32, #tpu.memory_space<vmem_shared>> -> memref<640xf32, #tpu.memory_space<vmem_shared>>
        %dma_start3A_157 = tpu.memref_slice %arg10[%run_scoped3A_133, %mul3A_48] : memref<16x10240xf32, #tpu.memory_space<vmem_shared>> -> memref<1x640xf32, #tpu.memory_space<vmem_shared>>
        %dma_start3A_158 = tpu.memref_squeeze %dma_start3A_157 : memref<1x640xf32, #tpu.memory_space<vmem_shared>> -> memref<640xf32, #tpu.memory_space<vmem_shared>>
        tpu.enqueue_dma source(%dma_start3A_158 : memref<640xf32, #tpu.memory_space<vmem_shared>>) target(%arg9 : memref<640xf32, #tpu.memory_space<vmem>>) target_semaphore(%run_scoped3A_154 : memref<!tpu.dma_semaphore, #tpu.memory_space<semaphore_mem>>)
        %dma_wait3A = tpu.memref_slice %arg10[%run_scoped3A_133, %mul3A_48] : memref<16x10240xf32, #tpu.memory_space<vmem_shared>> -> memref<1x640xf32, #tpu.memory_space<vmem_shared>>
        %dma_wait3A_159 = tpu.memref_squeeze %dma_wait3A : memref<1x640xf32, #tpu.memory_space<vmem_shared>> -> memref<640xf32, #tpu.memory_space<vmem_shared>>
        %dma_wait3A_160 = tpu.memref_slice %arg10[%run_scoped3A_133, %mul3A_48] : memref<16x10240xf32, #tpu.memory_space<vmem_shared>> -> memref<1x640xf32, #tpu.memory_space<vmem_shared>>
        %dma_wait3A_161 = tpu.memref_squeeze %dma_wait3A_160 : memref<1x640xf32, #tpu.memory_space<vmem_shared>> -> memref<640xf32, #tpu.memory_space<vmem_shared>>
        tpu.wait_dma2 semaphore(%run_scoped3A_154 : memref<!tpu.dma_semaphore, #tpu.memory_space<semaphore_mem>>) src(%dma_wait3A_161 : memref<640xf32, #tpu.memory_space<vmem_shared>>) dst(%arg9 : memref<640xf32, #tpu.memory_space<vmem>>)
        tpu.yield
      }) : () -> ()
      %scan3A_134 = arith.constant 0 : i32
      %scan3A_135 = arith.constant 0 : i32
      %scan3A_136 = arith.constant 40 : i32
      %scan3A_137 = arith.addi %scan3A_135, %scan3A_136 : i32
      %scan3A_138 = arith.constant 1 : i32
      scf.for %scan3A_154 = %scan3A_135 to %scan3A_137 step %scan3A_138  : i32 {
        %mul3A_155 = arith.constant 16 : i32
        %mul3A_156 = arith.muli %scan3A_154, %mul3A_155 : i32
        %get3A = arith.index_cast %mul3A_156 : i32 to index
        %get3A_157 = tpu.vector_load %arg8[%get3A] {strides = array<i32>} : memref<640xf32, #tpu.memory_space<vmem>>, vector<16xf32>,
        %mul3A_158 = arith.constant 16 : i32
        %mul3A_159 = arith.muli %scan3A_154, %mul3A_158 : i32
        %get3A_160 = arith.index_cast %mul3A_159 : i32 to index
        %get3A_161 = tpu.vector_load %arg9[%get3A_160] {strides = array<i32>} : memref<640xf32, #tpu.memory_space<vmem>>, vector<16xf32>,
        %add3A = arith.addf %get3A_157, %get3A_161 : vector<16xf32>
        %mul3A_162 = arith.constant 16 : i32
        %mul3A_163 = arith.muli %scan3A_154, %mul3A_162 : i32
        %swap3A = arith.index_cast %mul3A_163 : i32 to index
        %swap3A_164 = tpu.vector_load %arg8[%swap3A] {strides = array<i32>} : memref<640xf32, #tpu.memory_space<vmem>>, vector<16xf32>,
        tpu.vector_store %arg8[%swap3A], %add3A {strides = array<i32>} : memref<640xf32, #tpu.memory_space<vmem>>, vector<16xf32>,
      }
      %scan3A_139 = arith.constant 40 : i32
      %run_scoped3A_140 = arith.constant 14 : i32
      "tpu.region"() ({
        %run_scoped3A_154 = tpu.sem_alloc : memref<!tpu.dma_semaphore, #tpu.memory_space<semaphore_mem>>
        %dma_start3A_155 = tpu.memref_slice %arg10[%run_scoped3A_140, %mul3A_48] : memref<16x10240xf32, #tpu.memory_space<vmem_shared>> -> memref<1x640xf32, #tpu.memory_space<vmem_shared>>
        %dma_start3A_156 = tpu.memref_squeeze %dma_start3A_155 : memref<1x640xf32, #tpu.memory_space<vmem_shared>> -> memref<640xf32, #tpu.memory_space<vmem_shared>>
        %dma_start3A_157 = tpu.memref_slice %arg10[%run_scoped3A_140, %mul3A_48] : memref<16x10240xf32, #tpu.memory_space<vmem_shared>> -> memref<1x640xf32, #tpu.memory_space<vmem_shared>>
        %dma_start3A_158 = tpu.memref_squeeze %dma_start3A_157 : memref<1x640xf32, #tpu.memory_space<vmem_shared>> -> memref<640xf32, #tpu.memory_space<vmem_shared>>
        tpu.enqueue_dma source(%dma_start3A_158 : memref<640xf32, #tpu.memory_space<vmem_shared>>) target(%arg9 : memref<640xf32, #tpu.memory_space<vmem>>) target_semaphore(%run_scoped3A_154 : memref<!tpu.dma_semaphore, #tpu.memory_space<semaphore_mem>>)
        %dma_wait3A = tpu.memref_slice %arg10[%run_scoped3A_140, %mul3A_48] : memref<16x10240xf32, #tpu.memory_space<vmem_shared>> -> memref<1x640xf32, #tpu.memory_space<vmem_shared>>
        %dma_wait3A_159 = tpu.memref_squeeze %dma_wait3A : memref<1x640xf32, #tpu.memory_space<vmem_shared>> -> memref<640xf32, #tpu.memory_space<vmem_shared>>
        %dma_wait3A_160 = tpu.memref_slice %arg10[%run_scoped3A_140, %mul3A_48] : memref<16x10240xf32, #tpu.memory_space<vmem_shared>> -> memref<1x640xf32, #tpu.memory_space<vmem_shared>>
        %dma_wait3A_161 = tpu.memref_squeeze %dma_wait3A_160 : memref<1x640xf32, #tpu.memory_space<vmem_shared>> -> memref<640xf32, #tpu.memory_space<vmem_shared>>
        tpu.wait_dma2 semaphore(%run_scoped3A_154 : memref<!tpu.dma_semaphore, #tpu.memory_space<semaphore_mem>>) src(%dma_wait3A_161 : memref<640xf32, #tpu.memory_space<vmem_shared>>) dst(%arg9 : memref<640xf32, #tpu.memory_space<vmem>>)
        tpu.yield
      }) : () -> ()
      %scan3A_141 = arith.constant 0 : i32
      %scan3A_142 = arith.constant 0 : i32
      %scan3A_143 = arith.constant 40 : i32
      %scan3A_144 = arith.addi %scan3A_142, %scan3A_143 : i32
      %scan3A_145 = arith.constant 1 : i32
      scf.for %scan3A_154 = %scan3A_142 to %scan3A_144 step %scan3A_145  : i32 {
        %mul3A_155 = arith.constant 16 : i32
        %mul3A_156 = arith.muli %scan3A_154, %mul3A_155 : i32
        %get3A = arith.index_cast %mul3A_156 : i32 to index
        %get3A_157 = tpu.vector_load %arg8[%get3A] {strides = array<i32>} : memref<640xf32, #tpu.memory_space<vmem>>, vector<16xf32>,
        %mul3A_158 = arith.constant 16 : i32
        %mul3A_159 = arith.muli %scan3A_154, %mul3A_158 : i32
        %get3A_160 = arith.index_cast %mul3A_159 : i32 to index
        %get3A_161 = tpu.vector_load %arg9[%get3A_160] {strides = array<i32>} : memref<640xf32, #tpu.memory_space<vmem>>, vector<16xf32>,
        %add3A = arith.addf %get3A_157, %get3A_161 : vector<16xf32>
        %mul3A_162 = arith.constant 16 : i32
        %mul3A_163 = arith.muli %scan3A_154, %mul3A_162 : i32
        %swap3A = arith.index_cast %mul3A_163 : i32 to index
        %swap3A_164 = tpu.vector_load %arg8[%swap3A] {strides = array<i32>} : memref<640xf32, #tpu.memory_space<vmem>>, vector<16xf32>,
        tpu.vector_store %arg8[%swap3A], %add3A {strides = array<i32>} : memref<640xf32, #tpu.memory_space<vmem>>, vector<16xf32>,
      }
      %scan3A_146 = arith.constant 40 : i32
      %run_scoped3A_147 = arith.constant 15 : i32
      "tpu.region"() ({
        %run_scoped3A_154 = tpu.sem_alloc : memref<!tpu.dma_semaphore, #tpu.memory_space<semaphore_mem>>
        %dma_start3A_155 = tpu.memref_slice %arg10[%run_scoped3A_147, %mul3A_48] : memref<16x10240xf32, #tpu.memory_space<vmem_shared>> -> memref<1x640xf32, #tpu.memory_space<vmem_shared>>
        %dma_start3A_156 = tpu.memref_squeeze %dma_start3A_155 : memref<1x640xf32, #tpu.memory_space<vmem_shared>> -> memref<640xf32, #tpu.memory_space<vmem_shared>>
        %dma_start3A_157 = tpu.memref_slice %arg10[%run_scoped3A_147, %mul3A_48] : memref<16x10240xf32, #tpu.memory_space<vmem_shared>> -> memref<1x640xf32, #tpu.memory_space<vmem_shared>>
        %dma_start3A_158 = tpu.memref_squeeze %dma_start3A_157 : memref<1x640xf32, #tpu.memory_space<vmem_shared>> -> memref<640xf32, #tpu.memory_space<vmem_shared>>
        tpu.enqueue_dma source(%dma_start3A_158 : memref<640xf32, #tpu.memory_space<vmem_shared>>) target(%arg9 : memref<640xf32, #tpu.memory_space<vmem>>) target_semaphore(%run_scoped3A_154 : memref<!tpu.dma_semaphore, #tpu.memory_space<semaphore_mem>>)
        %dma_wait3A = tpu.memref_slice %arg10[%run_scoped3A_147, %mul3A_48] : memref<16x10240xf32, #tpu.memory_space<vmem_shared>> -> memref<1x640xf32, #tpu.memory_space<vmem_shared>>
        %dma_wait3A_159 = tpu.memref_squeeze %dma_wait3A : memref<1x640xf32, #tpu.memory_space<vmem_shared>> -> memref<640xf32, #tpu.memory_space<vmem_shared>>
        %dma_wait3A_160 = tpu.memref_slice %arg10[%run_scoped3A_147, %mul3A_48] : memref<16x10240xf32, #tpu.memory_space<vmem_shared>> -> memref<1x640xf32, #tpu.memory_space<vmem_shared>>
        %dma_wait3A_161 = tpu.memref_squeeze %dma_wait3A_160 : memref<1x640xf32, #tpu.memory_space<vmem_shared>> -> memref<640xf32, #tpu.memory_space<vmem_shared>>
        tpu.wait_dma2 semaphore(%run_scoped3A_154 : memref<!tpu.dma_semaphore, #tpu.memory_space<semaphore_mem>>) src(%dma_wait3A_161 : memref<640xf32, #tpu.memory_space<vmem_shared>>) dst(%arg9 : memref<640xf32, #tpu.memory_space<vmem>>)
        tpu.yield
      }) : () -> ()
      %scan3A_148 = arith.constant 0 : i32
      %scan3A_149 = arith.constant 0 : i32
      %scan3A_150 = arith.constant 40 : i32
      %scan3A_151 = arith.addi %scan3A_149, %scan3A_150 : i32
      %scan3A_152 = arith.constant 1 : i32
      scf.for %scan3A_154 = %scan3A_149 to %scan3A_151 step %scan3A_152  : i32 {
        %mul3A_155 = arith.constant 16 : i32
        %mul3A_156 = arith.muli %scan3A_154, %mul3A_155 : i32
        %get3A = arith.index_cast %mul3A_156 : i32 to index
        %get3A_157 = tpu.vector_load %arg8[%get3A] {strides = array<i32>} : memref<640xf32, #tpu.memory_space<vmem>>, vector<16xf32>,
        %mul3A_158 = arith.constant 16 : i32
        %mul3A_159 = arith.muli %scan3A_154, %mul3A_158 : i32
        %get3A_160 = arith.index_cast %mul3A_159 : i32 to index
        %get3A_161 = tpu.vector_load %arg9[%get3A_160] {strides = array<i32>} : memref<640xf32, #tpu.memory_space<vmem>>, vector<16xf32>,
        %add3A = arith.addf %get3A_157, %get3A_161 : vector<16xf32>
        %mul3A_162 = arith.constant 16 : i32
        %mul3A_163 = arith.muli %scan3A_154, %mul3A_162 : i32
        %swap3A = arith.index_cast %mul3A_163 : i32 to index
        %swap3A_164 = tpu.vector_load %arg8[%swap3A] {strides = array<i32>} : memref<640xf32, #tpu.memory_space<vmem>>, vector<16xf32>,
        tpu.vector_store %arg8[%swap3A], %add3A {strides = array<i32>} : memref<640xf32, #tpu.memory_space<vmem>>, vector<16xf32>,
      }
      %scan3A_153 = arith.constant 40 : i32
      "tpu.region"() ({
        %run_scoped3A_154 = tpu.sem_alloc : memref<!tpu.dma_semaphore, #tpu.memory_space<semaphore_mem>>
        %dma_start3A_155 = tpu.memref_slice %arg4[%mul3A_48] : memref<10240xf32, #tpu.memory_space<hbm>> -> memref<640xf32, #tpu.memory_space<hbm>>
        %dma_start3A_156 = tpu.memref_slice %arg4[%mul3A_48] : memref<10240xf32, #tpu.memory_space<hbm>> -> memref<640xf32, #tpu.memory_space<hbm>>
        tpu.enqueue_dma source(%arg8 : memref<640xf32, #tpu.memory_space<vmem>>) target(%dma_start3A_156 : memref<640xf32, #tpu.memory_space<hbm>>) target_semaphore(%run_scoped3A_154 : memref<!tpu.dma_semaphore, #tpu.memory_space<semaphore_mem>>)
        %dma_wait3A = tpu.memref_slice %arg4[%mul3A_48] : memref<10240xf32, #tpu.memory_space<hbm>> -> memref<640xf32, #tpu.memory_space<hbm>>
        %dma_wait3A_157 = tpu.memref_slice %arg4[%mul3A_48] : memref<10240xf32, #tpu.memory_space<hbm>> -> memref<640xf32, #tpu.memory_space<hbm>>
        tpu.wait_dma2 semaphore(%run_scoped3A_154 : memref<!tpu.dma_semaphore, #tpu.memory_space<semaphore_mem>>) src(%arg8 : memref<640xf32, #tpu.memory_space<vmem>>) dst(%dma_wait3A_157 : memref<640xf32, #tpu.memory_space<hbm>>)
        tpu.yield
      }) : () -> ()
    } else {
    }
    %eq3A_5 = arith.constant 1 : i32
    %eq3A_6 = arith.cmpi eq, %arg0, %eq3A_5 : i32
    %convert_element_type3A_7 = arith.extui %eq3A_6 : i1 to i32
    %cond3A_8 = arith.constant 0 : i32
    %cond3A_9 = arith.cmpi ne, %convert_element_type3A_7, %cond3A_8 : i32
    scf.if %cond3A_9 {
      %scan3A = arith.constant 0 : i32
      %scan3A_10 = arith.constant 0 : i32
      %scan3A_11 = arith.constant 640 : i32
      %scan3A_12 = arith.addi %scan3A_10, %scan3A_11 : i32
      %scan3A_13 = arith.constant 1 : i32
      scf.for %scan3A_154 = %scan3A_10 to %scan3A_12 step %scan3A_13  : i32 {
        %mul3A_155 = arith.constant 16 : i32
        %mul3A_156 = arith.muli %scan3A_154, %mul3A_155 : i32
        %swap3A = arith.index_cast %mul3A_156 : i32 to index
        %swap3A_157 = tpu.vector_load %arg7[%swap3A] {strides = array<i32>} : memref<10240xf32, #tpu.memory_space<vmem>>, vector<16xf32>,
        tpu.vector_store %arg7[%swap3A], %broadcast_in_dim3A_0 {strides = array<i32>} : memref<10240xf32, #tpu.memory_space<vmem>>, vector<16xf32>,
      }
      %scan3A_14 = arith.constant 640 : i32
      %dma_start3A = arith.constant 0 : i32
      %dma_start3A_15 = arith.constant 0 : i32
      %dma_start3A_16 = arith.constant 0 : i32
      %dma_start3A_17 = tpu.memref_slice %arg6[%dma_start3A_15, %dma_start3A_16] : memref<2x2048xi32, #tpu.memory_space<vmem>> -> memref<1x2048xi32, #tpu.memory_space<vmem>>
      %dma_start3A_18 = tpu.memref_squeeze %dma_start3A_17 : memref<1x2048xi32, #tpu.memory_space<vmem>> -> memref<2048xi32, #tpu.memory_space<vmem>>
      %dma_start3A_19 = arith.constant 0 : i32
      %dma_start3A_20 = tpu.memref_slice %arg3[%arg1, %dma_start3A, %dma_start3A_19] : memref<16x10x2048xi32, #tpu.memory_space<hbm>> -> memref<1x1x2048xi32, #tpu.memory_space<hbm>>
      %dma_start3A_21 = tpu.memref_squeeze %dma_start3A_20 : memref<1x1x2048xi32, #tpu.memory_space<hbm>> -> memref<2048xi32, #tpu.memory_space<hbm>>
      %dma_start3A_22 = arith.constant 0 : i32
      %dma_start3A_23 = tpu.memref_slice %arg6[%dma_start3A_15, %dma_start3A_22] : memref<2x2048xi32, #tpu.memory_space<vmem>> -> memref<1x2048xi32, #tpu.memory_space<vmem>>
      %dma_start3A_24 = tpu.memref_squeeze %dma_start3A_23 : memref<1x2048xi32, #tpu.memory_space<vmem>> -> memref<2048xi32, #tpu.memory_space<vmem>>
      %dma_start3A_25 = arith.constant 0 : i32
      %dma_start3A_26 = tpu.memref_slice %arg3[%arg1, %dma_start3A, %dma_start3A_25] : memref<16x10x2048xi32, #tpu.memory_space<hbm>> -> memref<1x1x2048xi32, #tpu.memory_space<hbm>>
      %dma_start3A_27 = tpu.memref_squeeze %dma_start3A_26 : memref<1x1x2048xi32, #tpu.memory_space<hbm>> -> memref<2048xi32, #tpu.memory_space<hbm>>
      tpu.enqueue_dma source(%dma_start3A_27 : memref<2048xi32, #tpu.memory_space<hbm>>) target(%dma_start3A_24 : memref<2048xi32, #tpu.memory_space<vmem>>) target_semaphore(%arg11 : memref<!tpu.dma_semaphore, #tpu.memory_space<semaphore_mem>>)
      %dma_start3A_28 = arith.constant 1 : i32
      %dma_start3A_29 = arith.constant 1 : i32
      %dma_start3A_30 = arith.constant 0 : i32
      %dma_start3A_31 = tpu.memref_slice %arg6[%dma_start3A_29, %dma_start3A_30] : memref<2x2048xi32, #tpu.memory_space<vmem>> -> memref<1x2048xi32, #tpu.memory_space<vmem>>
      %dma_start3A_32 = tpu.memref_squeeze %dma_start3A_31 : memref<1x2048xi32, #tpu.memory_space<vmem>> -> memref<2048xi32, #tpu.memory_space<vmem>>
      %dma_start3A_33 = arith.constant 0 : i32
      %dma_start3A_34 = tpu.memref_slice %arg3[%arg1, %dma_start3A_28, %dma_start3A_33] : memref<16x10x2048xi32, #tpu.memory_space<hbm>> -> memref<1x1x2048xi32, #tpu.memory_space<hbm>>
      %dma_start3A_35 = tpu.memref_squeeze %dma_start3A_34 : memref<1x1x2048xi32, #tpu.memory_space<hbm>> -> memref<2048xi32, #tpu.memory_space<hbm>>
      %dma_start3A_36 = arith.constant 0 : i32
      %dma_start3A_37 = tpu.memref_slice %arg6[%dma_start3A_29, %dma_start3A_36] : memref<2x2048xi32, #tpu.memory_space<vmem>> -> memref<1x2048xi32, #tpu.memory_space<vmem>>
      %dma_start3A_38 = tpu.memref_squeeze %dma_start3A_37 : memref<1x2048xi32, #tpu.memory_space<vmem>> -> memref<2048xi32, #tpu.memory_space<vmem>>
      %dma_start3A_39 = arith.constant 0 : i32
      %dma_start3A_40 = tpu.memref_slice %arg3[%arg1, %dma_start3A_28, %dma_start3A_39] : memref<16x10x2048xi32, #tpu.memory_space<hbm>> -> memref<1x1x2048xi32, #tpu.memory_space<hbm>>
      %dma_start3A_41 = tpu.memref_squeeze %dma_start3A_40 : memref<1x1x2048xi32, #tpu.memory_space<hbm>> -> memref<2048xi32, #tpu.memory_space<hbm>>
      tpu.enqueue_dma source(%dma_start3A_41 : memref<2048xi32, #tpu.memory_space<hbm>>) target(%dma_start3A_38 : memref<2048xi32, #tpu.memory_space<vmem>>) target_semaphore(%arg12 : memref<!tpu.dma_semaphore, #tpu.memory_space<semaphore_mem>>)
      %scan3A_42 = arith.constant 0 : i32
      %scan3A_43 = arith.constant 0 : i32
      %scan3A_44 = arith.constant 5 : i32
      %scan3A_45 = arith.addi %scan3A_43, %scan3A_44 : i32
      %scan3A_46 = arith.constant 1 : i32
      scf.for %scan3A_154 = %scan3A_43 to %scan3A_45 step %scan3A_46  : i32 {
        %mul3A_155 = arith.constant 2 : i32
        %mul3A_156 = arith.muli %scan3A_154, %mul3A_155 : i32
        %add3A = arith.constant 0 : i32
        %add3A_157 = arith.addi %mul3A_156, %add3A : i32
        %dma_wait3A = arith.constant 0 : i32
        %dma_wait3A_158 = arith.constant 0 : i32
        %dma_wait3A_159 = arith.constant 0 : i32
        %dma_wait3A_160 = tpu.memref_slice %arg6[%dma_wait3A_158, %dma_wait3A_159] : memref<2x2048xi32, #tpu.memory_space<vmem>> -> memref<1x2048xi32, #tpu.memory_space<vmem>>
        %dma_wait3A_161 = tpu.memref_squeeze %dma_wait3A_160 : memref<1x2048xi32, #tpu.memory_space<vmem>> -> memref<2048xi32, #tpu.memory_space<vmem>>
        %dma_wait3A_162 = arith.constant 0 : i32
        %dma_wait3A_163 = tpu.memref_slice %arg3[%arg1, %dma_wait3A, %dma_wait3A_162] : memref<16x10x2048xi32, #tpu.memory_space<hbm>> -> memref<1x1x2048xi32, #tpu.memory_space<hbm>>
        %dma_wait3A_164 = tpu.memref_squeeze %dma_wait3A_163 : memref<1x1x2048xi32, #tpu.memory_space<hbm>> -> memref<2048xi32, #tpu.memory_space<hbm>>
        %dma_wait3A_165 = arith.constant 0 : i32
        %dma_wait3A_166 = tpu.memref_slice %arg6[%dma_wait3A_158, %dma_wait3A_165] : memref<2x2048xi32, #tpu.memory_space<vmem>> -> memref<1x2048xi32, #tpu.memory_space<vmem>>
        %dma_wait3A_167 = tpu.memref_squeeze %dma_wait3A_166 : memref<1x2048xi32, #tpu.memory_space<vmem>> -> memref<2048xi32, #tpu.memory_space<vmem>>
        %dma_wait3A_168 = arith.constant 0 : i32
        %dma_wait3A_169 = tpu.memref_slice %arg3[%arg1, %dma_wait3A, %dma_wait3A_168] : memref<16x10x2048xi32, #tpu.memory_space<hbm>> -> memref<1x1x2048xi32, #tpu.memory_space<hbm>>
        %dma_wait3A_170 = tpu.memref_squeeze %dma_wait3A_169 : memref<1x1x2048xi32, #tpu.memory_space<hbm>> -> memref<2048xi32, #tpu.memory_space<hbm>>
        tpu.wait_dma2 semaphore(%arg11 : memref<!tpu.dma_semaphore, #tpu.memory_space<semaphore_mem>>) src(%dma_wait3A_170 : memref<2048xi32, #tpu.memory_space<hbm>>) dst(%dma_wait3A_167 : memref<2048xi32, #tpu.memory_space<vmem>>)
        %scan3A_171 = arith.constant 0 : i32
        %scan3A_172 = arith.constant 0 : i32
        %scan3A_173 = arith.constant 32 : i32
        %scan3A_174 = arith.addi %scan3A_172, %scan3A_173 : i32
        %scan3A_175 = arith.constant 1 : i32
        scf.for %scan3A_210 = %scan3A_172 to %scan3A_174 step %scan3A_175  : i32 {
          %mul3A_211 = arith.constant 4 : i32
          %mul3A_212 = arith.muli %scan3A_210, %mul3A_211 : i32
          %add3A_213 = arith.constant 0 : i32
          %add3A_214 = arith.addi %mul3A_212, %add3A_213 : i32
          %mul3A_215 = arith.constant 16 : i32
          %mul3A_216 = arith.muli %add3A_214, %mul3A_215 : i32
          %get3A = arith.constant 0 : i32
          %get3A_217 = arith.index_cast %get3A : i32 to index
          %get3A_218 = arith.index_cast %mul3A_216 : i32 to index
          %get3A_219 = tpu.vector_load %arg6[%get3A_217, %get3A_218] {strides = array<i32>} : memref<2x2048xi32, #tpu.memory_space<vmem>>, vector<16xi32>,
          tpu.vector_store_idx %arg7[%get3A_219], %broadcast_in_dim3A_2 {add = true} : memref<10240xf32, #tpu.memory_space<vmem>>[vector<16xi32>], vector<16xf32>,
          %mul3A_220 = arith.constant 4 : i32
          %mul3A_221 = arith.muli %scan3A_210, %mul3A_220 : i32
          %add3A_222 = arith.constant 1 : i32
          %add3A_223 = arith.addi %mul3A_221, %add3A_222 : i32
          %mul3A_224 = arith.constant 16 : i32
          %mul3A_225 = arith.muli %add3A_223, %mul3A_224 : i32
          %get3A_226 = arith.constant 0 : i32
          %get3A_227 = arith.index_cast %get3A_226 : i32 to index
          %get3A_228 = arith.index_cast %mul3A_225 : i32 to index
          %get3A_229 = tpu.vector_load %arg6[%get3A_227, %get3A_228] {strides = array<i32>} : memref<2x2048xi32, #tpu.memory_space<vmem>>, vector<16xi32>,
          tpu.vector_store_idx %arg7[%get3A_229], %broadcast_in_dim3A_2 {add = true} : memref<10240xf32, #tpu.memory_space<vmem>>[vector<16xi32>], vector<16xf32>,
          %mul3A_230 = arith.constant 4 : i32
          %mul3A_231 = arith.muli %scan3A_210, %mul3A_230 : i32
          %add3A_232 = arith.constant 2 : i32
          %add3A_233 = arith.addi %mul3A_231, %add3A_232 : i32
          %mul3A_234 = arith.constant 16 : i32
          %mul3A_235 = arith.muli %add3A_233, %mul3A_234 : i32
          %get3A_236 = arith.constant 0 : i32
          %get3A_237 = arith.index_cast %get3A_236 : i32 to index
          %get3A_238 = arith.index_cast %mul3A_235 : i32 to index
          %get3A_239 = tpu.vector_load %arg6[%get3A_237, %get3A_238] {strides = array<i32>} : memref<2x2048xi32, #tpu.memory_space<vmem>>, vector<16xi32>,
          tpu.vector_store_idx %arg7[%get3A_239], %broadcast_in_dim3A_2 {add = true} : memref<10240xf32, #tpu.memory_space<vmem>>[vector<16xi32>], vector<16xf32>,
          %mul3A_240 = arith.constant 4 : i32
          %mul3A_241 = arith.muli %scan3A_210, %mul3A_240 : i32
          %add3A_242 = arith.constant 3 : i32
          %add3A_243 = arith.addi %mul3A_241, %add3A_242 : i32
          %mul3A_244 = arith.constant 16 : i32
          %mul3A_245 = arith.muli %add3A_243, %mul3A_244 : i32
          %get3A_246 = arith.constant 0 : i32
          %get3A_247 = arith.index_cast %get3A_246 : i32 to index
          %get3A_248 = arith.index_cast %mul3A_245 : i32 to index
          %get3A_249 = tpu.vector_load %arg6[%get3A_247, %get3A_248] {strides = array<i32>} : memref<2x2048xi32, #tpu.memory_space<vmem>>, vector<16xi32>,
          tpu.vector_store_idx %arg7[%get3A_249], %broadcast_in_dim3A_2 {add = true} : memref<10240xf32, #tpu.memory_space<vmem>>[vector<16xi32>], vector<16xf32>,
        }
        %scan3A_176 = arith.constant 32 : i32
        %lt3A = arith.constant 8 : i32
        %lt3A_177 = arith.cmpi slt, %add3A_157, %lt3A : i32
        %convert_element_type3A_178 = arith.extui %lt3A_177 : i1 to i32
        %cond3A_179 = arith.constant 0 : i32
        %cond3A_180 = arith.cmpi ne, %convert_element_type3A_178, %cond3A_179 : i32
        scf.if %cond3A_180 {
          %add3A_210 = arith.constant 2 : i32
          %add3A_211 = arith.addi %add3A_157, %add3A_210 : i32
          %dma_start3A_212 = arith.constant 0 : i32
          %dma_start3A_213 = arith.constant 0 : i32
          %dma_start3A_214 = tpu.memref_slice %arg6[%dma_start3A_212, %dma_start3A_213] : memref<2x2048xi32, #tpu.memory_space<vmem>> -> memref<1x2048xi32, #tpu.memory_space<vmem>>
          %dma_start3A_215 = tpu.memref_squeeze %dma_start3A_214 : memref<1x2048xi32, #tpu.memory_space<vmem>> -> memref<2048xi32, #tpu.memory_space<vmem>>
          %dma_start3A_216 = arith.constant 0 : i32
          %dma_start3A_217 = tpu.memref_slice %arg3[%arg1, %add3A_211, %dma_start3A_216] : memref<16x10x2048xi32, #tpu.memory_space<hbm>> -> memref<1x1x2048xi32, #tpu.memory_space<hbm>>
          %dma_start3A_218 = tpu.memref_squeeze %dma_start3A_217 : memref<1x1x2048xi32, #tpu.memory_space<hbm>> -> memref<2048xi32, #tpu.memory_space<hbm>>
          %dma_start3A_219 = arith.constant 0 : i32
          %dma_start3A_220 = tpu.memref_slice %arg6[%dma_start3A_212, %dma_start3A_219] : memref<2x2048xi32, #tpu.memory_space<vmem>> -> memref<1x2048xi32, #tpu.memory_space<vmem>>
          %dma_start3A_221 = tpu.memref_squeeze %dma_start3A_220 : memref<1x2048xi32, #tpu.memory_space<vmem>> -> memref<2048xi32, #tpu.memory_space<vmem>>
          %dma_start3A_222 = arith.constant 0 : i32
          %dma_start3A_223 = tpu.memref_slice %arg3[%arg1, %add3A_211, %dma_start3A_222] : memref<16x10x2048xi32, #tpu.memory_space<hbm>> -> memref<1x1x2048xi32, #tpu.memory_space<hbm>>
          %dma_start3A_224 = tpu.memref_squeeze %dma_start3A_223 : memref<1x1x2048xi32, #tpu.memory_space<hbm>> -> memref<2048xi32, #tpu.memory_space<hbm>>
          tpu.enqueue_dma source(%dma_start3A_224 : memref<2048xi32, #tpu.memory_space<hbm>>) target(%dma_start3A_221 : memref<2048xi32, #tpu.memory_space<vmem>>) target_semaphore(%arg11 : memref<!tpu.dma_semaphore, #tpu.memory_space<semaphore_mem>>)
        } else {
        }
        %mul3A_181 = arith.constant 2 : i32
        %mul3A_182 = arith.muli %scan3A_154, %mul3A_181 : i32
        %add3A_183 = arith.constant 1 : i32
        %add3A_184 = arith.addi %mul3A_182, %add3A_183 : i32
        %dma_wait3A_185 = arith.constant 1 : i32
        %dma_wait3A_186 = arith.constant 1 : i32
        %dma_wait3A_187 = arith.constant 0 : i32
        %dma_wait3A_188 = tpu.memref_slice %arg6[%dma_wait3A_186, %dma_wait3A_187] : memref<2x2048xi32, #tpu.memory_space<vmem>> -> memref<1x2048xi32, #tpu.memory_space<vmem>>
        %dma_wait3A_189 = tpu.memref_squeeze %dma_wait3A_188 : memref<1x2048xi32, #tpu.memory_space<vmem>> -> memref<2048xi32, #tpu.memory_space<vmem>>
        %dma_wait3A_190 = arith.constant 0 : i32
        %dma_wait3A_191 = tpu.memref_slice %arg3[%arg1, %dma_wait3A_185, %dma_wait3A_190] : memref<16x10x2048xi32, #tpu.memory_space<hbm>> -> memref<1x1x2048xi32, #tpu.memory_space<hbm>>
        %dma_wait3A_192 = tpu.memref_squeeze %dma_wait3A_191 : memref<1x1x2048xi32, #tpu.memory_space<hbm>> -> memref<2048xi32, #tpu.memory_space<hbm>>
        %dma_wait3A_193 = arith.constant 0 : i32
        %dma_wait3A_194 = tpu.memref_slice %arg6[%dma_wait3A_186, %dma_wait3A_193] : memref<2x2048xi32, #tpu.memory_space<vmem>> -> memref<1x2048xi32, #tpu.memory_space<vmem>>
        %dma_wait3A_195 = tpu.memref_squeeze %dma_wait3A_194 : memref<1x2048xi32, #tpu.memory_space<vmem>> -> memref<2048xi32, #tpu.memory_space<vmem>>
        %dma_wait3A_196 = arith.constant 0 : i32
        %dma_wait3A_197 = tpu.memref_slice %arg3[%arg1, %dma_wait3A_185, %dma_wait3A_196] : memref<16x10x2048xi32, #tpu.memory_space<hbm>> -> memref<1x1x2048xi32, #tpu.memory_space<hbm>>
        %dma_wait3A_198 = tpu.memref_squeeze %dma_wait3A_197 : memref<1x1x2048xi32, #tpu.memory_space<hbm>> -> memref<2048xi32, #tpu.memory_space<hbm>>
        tpu.wait_dma2 semaphore(%arg12 : memref<!tpu.dma_semaphore, #tpu.memory_space<semaphore_mem>>) src(%dma_wait3A_198 : memref<2048xi32, #tpu.memory_space<hbm>>) dst(%dma_wait3A_195 : memref<2048xi32, #tpu.memory_space<vmem>>)
        %scan3A_199 = arith.constant 0 : i32
        %scan3A_200 = arith.constant 0 : i32
        %scan3A_201 = arith.constant 32 : i32
        %scan3A_202 = arith.addi %scan3A_200, %scan3A_201 : i32
        %scan3A_203 = arith.constant 1 : i32
        scf.for %scan3A_210 = %scan3A_200 to %scan3A_202 step %scan3A_203  : i32 {
          %mul3A_211 = arith.constant 4 : i32
          %mul3A_212 = arith.muli %scan3A_210, %mul3A_211 : i32
          %add3A_213 = arith.constant 0 : i32
          %add3A_214 = arith.addi %mul3A_212, %add3A_213 : i32
          %mul3A_215 = arith.constant 16 : i32
          %mul3A_216 = arith.muli %add3A_214, %mul3A_215 : i32
          %get3A = arith.constant 1 : i32
          %get3A_217 = arith.index_cast %get3A : i32 to index
          %get3A_218 = arith.index_cast %mul3A_216 : i32 to index
          %get3A_219 = tpu.vector_load %arg6[%get3A_217, %get3A_218] {strides = array<i32>} : memref<2x2048xi32, #tpu.memory_space<vmem>>, vector<16xi32>,
          tpu.vector_store_idx %arg7[%get3A_219], %broadcast_in_dim3A_2 {add = true} : memref<10240xf32, #tpu.memory_space<vmem>>[vector<16xi32>], vector<16xf32>,
          %mul3A_220 = arith.constant 4 : i32
          %mul3A_221 = arith.muli %scan3A_210, %mul3A_220 : i32
          %add3A_222 = arith.constant 1 : i32
          %add3A_223 = arith.addi %mul3A_221, %add3A_222 : i32
          %mul3A_224 = arith.constant 16 : i32
          %mul3A_225 = arith.muli %add3A_223, %mul3A_224 : i32
          %get3A_226 = arith.constant 1 : i32
          %get3A_227 = arith.index_cast %get3A_226 : i32 to index
          %get3A_228 = arith.index_cast %mul3A_225 : i32 to index
          %get3A_229 = tpu.vector_load %arg6[%get3A_227, %get3A_228] {strides = array<i32>} : memref<2x2048xi32, #tpu.memory_space<vmem>>, vector<16xi32>,
          tpu.vector_store_idx %arg7[%get3A_229], %broadcast_in_dim3A_2 {add = true} : memref<10240xf32, #tpu.memory_space<vmem>>[vector<16xi32>], vector<16xf32>,
          %mul3A_230 = arith.constant 4 : i32
          %mul3A_231 = arith.muli %scan3A_210, %mul3A_230 : i32
          %add3A_232 = arith.constant 2 : i32
          %add3A_233 = arith.addi %mul3A_231, %add3A_232 : i32
          %mul3A_234 = arith.constant 16 : i32
          %mul3A_235 = arith.muli %add3A_233, %mul3A_234 : i32
          %get3A_236 = arith.constant 1 : i32
          %get3A_237 = arith.index_cast %get3A_236 : i32 to index
          %get3A_238 = arith.index_cast %mul3A_235 : i32 to index
          %get3A_239 = tpu.vector_load %arg6[%get3A_237, %get3A_238] {strides = array<i32>} : memref<2x2048xi32, #tpu.memory_space<vmem>>, vector<16xi32>,
          tpu.vector_store_idx %arg7[%get3A_239], %broadcast_in_dim3A_2 {add = true} : memref<10240xf32, #tpu.memory_space<vmem>>[vector<16xi32>], vector<16xf32>,
          %mul3A_240 = arith.constant 4 : i32
          %mul3A_241 = arith.muli %scan3A_210, %mul3A_240 : i32
          %add3A_242 = arith.constant 3 : i32
          %add3A_243 = arith.addi %mul3A_241, %add3A_242 : i32
          %mul3A_244 = arith.constant 16 : i32
          %mul3A_245 = arith.muli %add3A_243, %mul3A_244 : i32
          %get3A_246 = arith.constant 1 : i32
          %get3A_247 = arith.index_cast %get3A_246 : i32 to index
          %get3A_248 = arith.index_cast %mul3A_245 : i32 to index
          %get3A_249 = tpu.vector_load %arg6[%get3A_247, %get3A_248] {strides = array<i32>} : memref<2x2048xi32, #tpu.memory_space<vmem>>, vector<16xi32>,
          tpu.vector_store_idx %arg7[%get3A_249], %broadcast_in_dim3A_2 {add = true} : memref<10240xf32, #tpu.memory_space<vmem>>[vector<16xi32>], vector<16xf32>,
        }
        %scan3A_204 = arith.constant 32 : i32
        %lt3A_205 = arith.constant 8 : i32
        %lt3A_206 = arith.cmpi slt, %add3A_184, %lt3A_205 : i32
        %convert_element_type3A_207 = arith.extui %lt3A_206 : i1 to i32
        %cond3A_208 = arith.constant 0 : i32
        %cond3A_209 = arith.cmpi ne, %convert_element_type3A_207, %cond3A_208 : i32
        scf.if %cond3A_209 {
          %add3A_210 = arith.constant 2 : i32
          %add3A_211 = arith.addi %add3A_184, %add3A_210 : i32
          %dma_start3A_212 = arith.constant 1 : i32
          %dma_start3A_213 = arith.constant 0 : i32
          %dma_start3A_214 = tpu.memref_slice %arg6[%dma_start3A_212, %dma_start3A_213] : memref<2x2048xi32, #tpu.memory_space<vmem>> -> memref<1x2048xi32, #tpu.memory_space<vmem>>
          %dma_start3A_215 = tpu.memref_squeeze %dma_start3A_214 : memref<1x2048xi32, #tpu.memory_space<vmem>> -> memref<2048xi32, #tpu.memory_space<vmem>>
          %dma_start3A_216 = arith.constant 0 : i32
          %dma_start3A_217 = tpu.memref_slice %arg3[%arg1, %add3A_211, %dma_start3A_216] : memref<16x10x2048xi32, #tpu.memory_space<hbm>> -> memref<1x1x2048xi32, #tpu.memory_space<hbm>>
          %dma_start3A_218 = tpu.memref_squeeze %dma_start3A_217 : memref<1x1x2048xi32, #tpu.memory_space<hbm>> -> memref<2048xi32, #tpu.memory_space<hbm>>
          %dma_start3A_219 = arith.constant 0 : i32
          %dma_start3A_220 = tpu.memref_slice %arg6[%dma_start3A_212, %dma_start3A_219] : memref<2x2048xi32, #tpu.memory_space<vmem>> -> memref<1x2048xi32, #tpu.memory_space<vmem>>
          %dma_start3A_221 = tpu.memref_squeeze %dma_start3A_220 : memref<1x2048xi32, #tpu.memory_space<vmem>> -> memref<2048xi32, #tpu.memory_space<vmem>>
          %dma_start3A_222 = arith.constant 0 : i32
          %dma_start3A_223 = tpu.memref_slice %arg3[%arg1, %add3A_211, %dma_start3A_222] : memref<16x10x2048xi32, #tpu.memory_space<hbm>> -> memref<1x1x2048xi32, #tpu.memory_space<hbm>>
          %dma_start3A_224 = tpu.memref_squeeze %dma_start3A_223 : memref<1x1x2048xi32, #tpu.memory_space<hbm>> -> memref<2048xi32, #tpu.memory_space<hbm>>
          tpu.enqueue_dma source(%dma_start3A_224 : memref<2048xi32, #tpu.memory_space<hbm>>) target(%dma_start3A_221 : memref<2048xi32, #tpu.memory_space<vmem>>) target_semaphore(%arg12 : memref<!tpu.dma_semaphore, #tpu.memory_space<semaphore_mem>>)
        } else {
        }
      }
      %scan3A_47 = arith.constant 5 : i32
      "tpu.region"() ({
        %run_scoped3A_154 = tpu.sem_alloc : memref<!tpu.dma_semaphore, #tpu.memory_space<semaphore_mem>>
        %dma_start3A_155 = arith.constant 0 : i32
        %dma_start3A_156 = tpu.memref_slice %arg10[%arg1, %dma_start3A_155] : memref<16x10240xf32, #tpu.memory_space<vmem_shared>> -> memref<1x10240xf32, #tpu.memory_space<vmem_shared>>
        %dma_start3A_157 = tpu.memref_squeeze %dma_start3A_156 : memref<1x10240xf32, #tpu.memory_space<vmem_shared>> -> memref<10240xf32, #tpu.memory_space<vmem_shared>>
        %dma_start3A_158 = arith.constant 0 : i32
        %dma_start3A_159 = tpu.memref_slice %arg10[%arg1, %dma_start3A_158] : memref<16x10240xf32, #tpu.memory_space<vmem_shared>> -> memref<1x10240xf32, #tpu.memory_space<vmem_shared>>
        %dma_start3A_160 = tpu.memref_squeeze %dma_start3A_159 : memref<1x10240xf32, #tpu.memory_space<vmem_shared>> -> memref<10240xf32, #tpu.memory_space<vmem_shared>>
        tpu.enqueue_dma source(%arg7 : memref<10240xf32, #tpu.memory_space<vmem>>) target(%dma_start3A_160 : memref<10240xf32, #tpu.memory_space<vmem_shared>>) target_semaphore(%run_scoped3A_154 : memref<!tpu.dma_semaphore, #tpu.memory_space<semaphore_mem>>)
        %dma_wait3A = arith.constant 0 : i32
        %dma_wait3A_161 = tpu.memref_slice %arg10[%arg1, %dma_wait3A] : memref<16x10240xf32, #tpu.memory_space<vmem_shared>> -> memref<1x10240xf32, #tpu.memory_space<vmem_shared>>
        %dma_wait3A_162 = tpu.memref_squeeze %dma_wait3A_161 : memref<1x10240xf32, #tpu.memory_space<vmem_shared>> -> memref<10240xf32, #tpu.memory_space<vmem_shared>>
        %dma_wait3A_163 = arith.constant 0 : i32
        %dma_wait3A_164 = tpu.memref_slice %arg10[%arg1, %dma_wait3A_163] : memref<16x10240xf32, #tpu.memory_space<vmem_shared>> -> memref<1x10240xf32, #tpu.memory_space<vmem_shared>>
        %dma_wait3A_165 = tpu.memref_squeeze %dma_wait3A_164 : memref<1x10240xf32, #tpu.memory_space<vmem_shared>> -> memref<10240xf32, #tpu.memory_space<vmem_shared>>
        tpu.wait_dma2 semaphore(%run_scoped3A_154 : memref<!tpu.dma_semaphore, #tpu.memory_space<semaphore_mem>>) src(%arg7 : memref<10240xf32, #tpu.memory_space<vmem>>) dst(%dma_wait3A_165 : memref<10240xf32, #tpu.memory_space<vmem_shared>>)
        tpu.yield
      }) : () -> ()
      %barrier3A = arith.constant 0 : index
      tpu.barrier barrier_id(%barrier3A)
      %mul3A = arith.constant 640 : i32
      %mul3A_48 = arith.muli %arg1, %mul3A : i32
      %run_scoped3A = arith.constant 0 : i32
      "tpu.region"() ({
        %run_scoped3A_154 = tpu.sem_alloc : memref<!tpu.dma_semaphore, #tpu.memory_space<semaphore_mem>>
        %dma_start3A_155 = tpu.memref_slice %arg10[%run_scoped3A, %mul3A_48] : memref<16x10240xf32, #tpu.memory_space<vmem_shared>> -> memref<1x640xf32, #tpu.memory_space<vmem_shared>>
        %dma_start3A_156 = tpu.memref_squeeze %dma_start3A_155 : memref<1x640xf32, #tpu.memory_space<vmem_shared>> -> memref<640xf32, #tpu.memory_space<vmem_shared>>
        %dma_start3A_157 = tpu.memref_slice %arg10[%run_scoped3A, %mul3A_48] : memref<16x10240xf32, #tpu.memory_space<vmem_shared>> -> memref<1x640xf32, #tpu.memory_space<vmem_shared>>
        %dma_start3A_158 = tpu.memref_squeeze %dma_start3A_157 : memref<1x640xf32, #tpu.memory_space<vmem_shared>> -> memref<640xf32, #tpu.memory_space<vmem_shared>>
        tpu.enqueue_dma source(%dma_start3A_158 : memref<640xf32, #tpu.memory_space<vmem_shared>>) target(%arg8 : memref<640xf32, #tpu.memory_space<vmem>>) target_semaphore(%run_scoped3A_154 : memref<!tpu.dma_semaphore, #tpu.memory_space<semaphore_mem>>)
        %dma_wait3A = tpu.memref_slice %arg10[%run_scoped3A, %mul3A_48] : memref<16x10240xf32, #tpu.memory_space<vmem_shared>> -> memref<1x640xf32, #tpu.memory_space<vmem_shared>>
        %dma_wait3A_159 = tpu.memref_squeeze %dma_wait3A : memref<1x640xf32, #tpu.memory_space<vmem_shared>> -> memref<640xf32, #tpu.memory_space<vmem_shared>>
        %dma_wait3A_160 = tpu.memref_slice %arg10[%run_scoped3A, %mul3A_48] : memref<16x10240xf32, #tpu.memory_space<vmem_shared>> -> memref<1x640xf32, #tpu.memory_space<vmem_shared>>
        %dma_wait3A_161 = tpu.memref_squeeze %dma_wait3A_160 : memref<1x640xf32, #tpu.memory_space<vmem_shared>> -> memref<640xf32, #tpu.memory_space<vmem_shared>>
        tpu.wait_dma2 semaphore(%run_scoped3A_154 : memref<!tpu.dma_semaphore, #tpu.memory_space<semaphore_mem>>) src(%dma_wait3A_161 : memref<640xf32, #tpu.memory_space<vmem_shared>>) dst(%arg8 : memref<640xf32, #tpu.memory_space<vmem>>)
        tpu.yield
      }) : () -> ()
      %run_scoped3A_49 = arith.constant 1 : i32
      "tpu.region"() ({
        %run_scoped3A_154 = tpu.sem_alloc : memref<!tpu.dma_semaphore, #tpu.memory_space<semaphore_mem>>
        %dma_start3A_155 = tpu.memref_slice %arg10[%run_scoped3A_49, %mul3A_48] : memref<16x10240xf32, #tpu.memory_space<vmem_shared>> -> memref<1x640xf32, #tpu.memory_space<vmem_shared>>
        %dma_start3A_156 = tpu.memref_squeeze %dma_start3A_155 : memref<1x640xf32, #tpu.memory_space<vmem_shared>> -> memref<640xf32, #tpu.memory_space<vmem_shared>>
        %dma_start3A_157 = tpu.memref_slice %arg10[%run_scoped3A_49, %mul3A_48] : memref<16x10240xf32, #tpu.memory_space<vmem_shared>> -> memref<1x640xf32, #tpu.memory_space<vmem_shared>>
        %dma_start3A_158 = tpu.memref_squeeze %dma_start3A_157 : memref<1x640xf32, #tpu.memory_space<vmem_shared>> -> memref<640xf32, #tpu.memory_space<vmem_shared>>
        tpu.enqueue_dma source(%dma_start3A_158 : memref<640xf32, #tpu.memory_space<vmem_shared>>) target(%arg9 : memref<640xf32, #tpu.memory_space<vmem>>) target_semaphore(%run_scoped3A_154 : memref<!tpu.dma_semaphore, #tpu.memory_space<semaphore_mem>>)
        %dma_wait3A = tpu.memref_slice %arg10[%run_scoped3A_49, %mul3A_48] : memref<16x10240xf32, #tpu.memory_space<vmem_shared>> -> memref<1x640xf32, #tpu.memory_space<vmem_shared>>
        %dma_wait3A_159 = tpu.memref_squeeze %dma_wait3A : memref<1x640xf32, #tpu.memory_space<vmem_shared>> -> memref<640xf32, #tpu.memory_space<vmem_shared>>
        %dma_wait3A_160 = tpu.memref_slice %arg10[%run_scoped3A_49, %mul3A_48] : memref<16x10240xf32, #tpu.memory_space<vmem_shared>> -> memref<1x640xf32, #tpu.memory_space<vmem_shared>>
        %dma_wait3A_161 = tpu.memref_squeeze %dma_wait3A_160 : memref<1x640xf32, #tpu.memory_space<vmem_shared>> -> memref<640xf32, #tpu.memory_space<vmem_shared>>
        tpu.wait_dma2 semaphore(%run_scoped3A_154 : memref<!tpu.dma_semaphore, #tpu.memory_space<semaphore_mem>>) src(%dma_wait3A_161 : memref<640xf32, #tpu.memory_space<vmem_shared>>) dst(%arg9 : memref<640xf32, #tpu.memory_space<vmem>>)
        tpu.yield
      }) : () -> ()
      %scan3A_50 = arith.constant 0 : i32
      %scan3A_51 = arith.constant 0 : i32
      %scan3A_52 = arith.constant 40 : i32
      %scan3A_53 = arith.addi %scan3A_51, %scan3A_52 : i32
      %scan3A_54 = arith.constant 1 : i32
      scf.for %scan3A_154 = %scan3A_51 to %scan3A_53 step %scan3A_54  : i32 {
        %mul3A_155 = arith.constant 16 : i32
        %mul3A_156 = arith.muli %scan3A_154, %mul3A_155 : i32
        %get3A = arith.index_cast %mul3A_156 : i32 to index
        %get3A_157 = tpu.vector_load %arg8[%get3A] {strides = array<i32>} : memref<640xf32, #tpu.memory_space<vmem>>, vector<16xf32>,
        %mul3A_158 = arith.constant 16 : i32
        %mul3A_159 = arith.muli %scan3A_154, %mul3A_158 : i32
        %get3A_160 = arith.index_cast %mul3A_159 : i32 to index
        %get3A_161 = tpu.vector_load %arg9[%get3A_160] {strides = array<i32>} : memref<640xf32, #tpu.memory_space<vmem>>, vector<16xf32>,
        %add3A = arith.addf %get3A_157, %get3A_161 : vector<16xf32>
        %mul3A_162 = arith.constant 16 : i32
        %mul3A_163 = arith.muli %scan3A_154, %mul3A_162 : i32
        %swap3A = arith.index_cast %mul3A_163 : i32 to index
        %swap3A_164 = tpu.vector_load %arg8[%swap3A] {strides = array<i32>} : memref<640xf32, #tpu.memory_space<vmem>>, vector<16xf32>,
        tpu.vector_store %arg8[%swap3A], %add3A {strides = array<i32>} : memref<640xf32, #tpu.memory_space<vmem>>, vector<16xf32>,
      }
      %scan3A_55 = arith.constant 40 : i32
      %run_scoped3A_56 = arith.constant 2 : i32
      "tpu.region"() ({
        %run_scoped3A_154 = tpu.sem_alloc : memref<!tpu.dma_semaphore, #tpu.memory_space<semaphore_mem>>
        %dma_start3A_155 = tpu.memref_slice %arg10[%run_scoped3A_56, %mul3A_48] : memref<16x10240xf32, #tpu.memory_space<vmem_shared>> -> memref<1x640xf32, #tpu.memory_space<vmem_shared>>
        %dma_start3A_156 = tpu.memref_squeeze %dma_start3A_155 : memref<1x640xf32, #tpu.memory_space<vmem_shared>> -> memref<640xf32, #tpu.memory_space<vmem_shared>>
        %dma_start3A_157 = tpu.memref_slice %arg10[%run_scoped3A_56, %mul3A_48] : memref<16x10240xf32, #tpu.memory_space<vmem_shared>> -> memref<1x640xf32, #tpu.memory_space<vmem_shared>>
        %dma_start3A_158 = tpu.memref_squeeze %dma_start3A_157 : memref<1x640xf32, #tpu.memory_space<vmem_shared>> -> memref<640xf32, #tpu.memory_space<vmem_shared>>
        tpu.enqueue_dma source(%dma_start3A_158 : memref<640xf32, #tpu.memory_space<vmem_shared>>) target(%arg9 : memref<640xf32, #tpu.memory_space<vmem>>) target_semaphore(%run_scoped3A_154 : memref<!tpu.dma_semaphore, #tpu.memory_space<semaphore_mem>>)
        %dma_wait3A = tpu.memref_slice %arg10[%run_scoped3A_56, %mul3A_48] : memref<16x10240xf32, #tpu.memory_space<vmem_shared>> -> memref<1x640xf32, #tpu.memory_space<vmem_shared>>
        %dma_wait3A_159 = tpu.memref_squeeze %dma_wait3A : memref<1x640xf32, #tpu.memory_space<vmem_shared>> -> memref<640xf32, #tpu.memory_space<vmem_shared>>
        %dma_wait3A_160 = tpu.memref_slice %arg10[%run_scoped3A_56, %mul3A_48] : memref<16x10240xf32, #tpu.memory_space<vmem_shared>> -> memref<1x640xf32, #tpu.memory_space<vmem_shared>>
        %dma_wait3A_161 = tpu.memref_squeeze %dma_wait3A_160 : memref<1x640xf32, #tpu.memory_space<vmem_shared>> -> memref<640xf32, #tpu.memory_space<vmem_shared>>
        tpu.wait_dma2 semaphore(%run_scoped3A_154 : memref<!tpu.dma_semaphore, #tpu.memory_space<semaphore_mem>>) src(%dma_wait3A_161 : memref<640xf32, #tpu.memory_space<vmem_shared>>) dst(%arg9 : memref<640xf32, #tpu.memory_space<vmem>>)
        tpu.yield
      }) : () -> ()
      %scan3A_57 = arith.constant 0 : i32
      %scan3A_58 = arith.constant 0 : i32
      %scan3A_59 = arith.constant 40 : i32
      %scan3A_60 = arith.addi %scan3A_58, %scan3A_59 : i32
      %scan3A_61 = arith.constant 1 : i32
      scf.for %scan3A_154 = %scan3A_58 to %scan3A_60 step %scan3A_61  : i32 {
        %mul3A_155 = arith.constant 16 : i32
        %mul3A_156 = arith.muli %scan3A_154, %mul3A_155 : i32
        %get3A = arith.index_cast %mul3A_156 : i32 to index
        %get3A_157 = tpu.vector_load %arg8[%get3A] {strides = array<i32>} : memref<640xf32, #tpu.memory_space<vmem>>, vector<16xf32>,
        %mul3A_158 = arith.constant 16 : i32
        %mul3A_159 = arith.muli %scan3A_154, %mul3A_158 : i32
        %get3A_160 = arith.index_cast %mul3A_159 : i32 to index
        %get3A_161 = tpu.vector_load %arg9[%get3A_160] {strides = array<i32>} : memref<640xf32, #tpu.memory_space<vmem>>, vector<16xf32>,
        %add3A = arith.addf %get3A_157, %get3A_161 : vector<16xf32>
        %mul3A_162 = arith.constant 16 : i32
        %mul3A_163 = arith.muli %scan3A_154, %mul3A_162 : i32
        %swap3A = arith.index_cast %mul3A_163 : i32 to index
        %swap3A_164 = tpu.vector_load %arg8[%swap3A] {strides = array<i32>} : memref<640xf32, #tpu.memory_space<vmem>>, vector<16xf32>,
        tpu.vector_store %arg8[%swap3A], %add3A {strides = array<i32>} : memref<640xf32, #tpu.memory_space<vmem>>, vector<16xf32>,
      }
      %scan3A_62 = arith.constant 40 : i32
      %run_scoped3A_63 = arith.constant 3 : i32
      "tpu.region"() ({
        %run_scoped3A_154 = tpu.sem_alloc : memref<!tpu.dma_semaphore, #tpu.memory_space<semaphore_mem>>
        %dma_start3A_155 = tpu.memref_slice %arg10[%run_scoped3A_63, %mul3A_48] : memref<16x10240xf32, #tpu.memory_space<vmem_shared>> -> memref<1x640xf32, #tpu.memory_space<vmem_shared>>
        %dma_start3A_156 = tpu.memref_squeeze %dma_start3A_155 : memref<1x640xf32, #tpu.memory_space<vmem_shared>> -> memref<640xf32, #tpu.memory_space<vmem_shared>>
        %dma_start3A_157 = tpu.memref_slice %arg10[%run_scoped3A_63, %mul3A_48] : memref<16x10240xf32, #tpu.memory_space<vmem_shared>> -> memref<1x640xf32, #tpu.memory_space<vmem_shared>>
        %dma_start3A_158 = tpu.memref_squeeze %dma_start3A_157 : memref<1x640xf32, #tpu.memory_space<vmem_shared>> -> memref<640xf32, #tpu.memory_space<vmem_shared>>
        tpu.enqueue_dma source(%dma_start3A_158 : memref<640xf32, #tpu.memory_space<vmem_shared>>) target(%arg9 : memref<640xf32, #tpu.memory_space<vmem>>) target_semaphore(%run_scoped3A_154 : memref<!tpu.dma_semaphore, #tpu.memory_space<semaphore_mem>>)
        %dma_wait3A = tpu.memref_slice %arg10[%run_scoped3A_63, %mul3A_48] : memref<16x10240xf32, #tpu.memory_space<vmem_shared>> -> memref<1x640xf32, #tpu.memory_space<vmem_shared>>
        %dma_wait3A_159 = tpu.memref_squeeze %dma_wait3A : memref<1x640xf32, #tpu.memory_space<vmem_shared>> -> memref<640xf32, #tpu.memory_space<vmem_shared>>
        %dma_wait3A_160 = tpu.memref_slice %arg10[%run_scoped3A_63, %mul3A_48] : memref<16x10240xf32, #tpu.memory_space<vmem_shared>> -> memref<1x640xf32, #tpu.memory_space<vmem_shared>>
        %dma_wait3A_161 = tpu.memref_squeeze %dma_wait3A_160 : memref<1x640xf32, #tpu.memory_space<vmem_shared>> -> memref<640xf32, #tpu.memory_space<vmem_shared>>
        tpu.wait_dma2 semaphore(%run_scoped3A_154 : memref<!tpu.dma_semaphore, #tpu.memory_space<semaphore_mem>>) src(%dma_wait3A_161 : memref<640xf32, #tpu.memory_space<vmem_shared>>) dst(%arg9 : memref<640xf32, #tpu.memory_space<vmem>>)
        tpu.yield
      }) : () -> ()
      %scan3A_64 = arith.constant 0 : i32
      %scan3A_65 = arith.constant 0 : i32
      %scan3A_66 = arith.constant 40 : i32
      %scan3A_67 = arith.addi %scan3A_65, %scan3A_66 : i32
      %scan3A_68 = arith.constant 1 : i32
      scf.for %scan3A_154 = %scan3A_65 to %scan3A_67 step %scan3A_68  : i32 {
        %mul3A_155 = arith.constant 16 : i32
        %mul3A_156 = arith.muli %scan3A_154, %mul3A_155 : i32
        %get3A = arith.index_cast %mul3A_156 : i32 to index
        %get3A_157 = tpu.vector_load %arg8[%get3A] {strides = array<i32>} : memref<640xf32, #tpu.memory_space<vmem>>, vector<16xf32>,
        %mul3A_158 = arith.constant 16 : i32
        %mul3A_159 = arith.muli %scan3A_154, %mul3A_158 : i32
        %get3A_160 = arith.index_cast %mul3A_159 : i32 to index
        %get3A_161 = tpu.vector_load %arg9[%get3A_160] {strides = array<i32>} : memref<640xf32, #tpu.memory_space<vmem>>, vector<16xf32>,
        %add3A = arith.addf %get3A_157, %get3A_161 : vector<16xf32>
        %mul3A_162 = arith.constant 16 : i32
        %mul3A_163 = arith.muli %scan3A_154, %mul3A_162 : i32
        %swap3A = arith.index_cast %mul3A_163 : i32 to index
        %swap3A_164 = tpu.vector_load %arg8[%swap3A] {strides = array<i32>} : memref<640xf32, #tpu.memory_space<vmem>>, vector<16xf32>,
        tpu.vector_store %arg8[%swap3A], %add3A {strides = array<i32>} : memref<640xf32, #tpu.memory_space<vmem>>, vector<16xf32>,
      }
      %scan3A_69 = arith.constant 40 : i32
      %run_scoped3A_70 = arith.constant 4 : i32
      "tpu.region"() ({
        %run_scoped3A_154 = tpu.sem_alloc : memref<!tpu.dma_semaphore, #tpu.memory_space<semaphore_mem>>
        %dma_start3A_155 = tpu.memref_slice %arg10[%run_scoped3A_70, %mul3A_48] : memref<16x10240xf32, #tpu.memory_space<vmem_shared>> -> memref<1x640xf32, #tpu.memory_space<vmem_shared>>
        %dma_start3A_156 = tpu.memref_squeeze %dma_start3A_155 : memref<1x640xf32, #tpu.memory_space<vmem_shared>> -> memref<640xf32, #tpu.memory_space<vmem_shared>>
        %dma_start3A_157 = tpu.memref_slice %arg10[%run_scoped3A_70, %mul3A_48] : memref<16x10240xf32, #tpu.memory_space<vmem_shared>> -> memref<1x640xf32, #tpu.memory_space<vmem_shared>>
        %dma_start3A_158 = tpu.memref_squeeze %dma_start3A_157 : memref<1x640xf32, #tpu.memory_space<vmem_shared>> -> memref<640xf32, #tpu.memory_space<vmem_shared>>
        tpu.enqueue_dma source(%dma_start3A_158 : memref<640xf32, #tpu.memory_space<vmem_shared>>) target(%arg9 : memref<640xf32, #tpu.memory_space<vmem>>) target_semaphore(%run_scoped3A_154 : memref<!tpu.dma_semaphore, #tpu.memory_space<semaphore_mem>>)
        %dma_wait3A = tpu.memref_slice %arg10[%run_scoped3A_70, %mul3A_48] : memref<16x10240xf32, #tpu.memory_space<vmem_shared>> -> memref<1x640xf32, #tpu.memory_space<vmem_shared>>
        %dma_wait3A_159 = tpu.memref_squeeze %dma_wait3A : memref<1x640xf32, #tpu.memory_space<vmem_shared>> -> memref<640xf32, #tpu.memory_space<vmem_shared>>
        %dma_wait3A_160 = tpu.memref_slice %arg10[%run_scoped3A_70, %mul3A_48] : memref<16x10240xf32, #tpu.memory_space<vmem_shared>> -> memref<1x640xf32, #tpu.memory_space<vmem_shared>>
        %dma_wait3A_161 = tpu.memref_squeeze %dma_wait3A_160 : memref<1x640xf32, #tpu.memory_space<vmem_shared>> -> memref<640xf32, #tpu.memory_space<vmem_shared>>
        tpu.wait_dma2 semaphore(%run_scoped3A_154 : memref<!tpu.dma_semaphore, #tpu.memory_space<semaphore_mem>>) src(%dma_wait3A_161 : memref<640xf32, #tpu.memory_space<vmem_shared>>) dst(%arg9 : memref<640xf32, #tpu.memory_space<vmem>>)
        tpu.yield
      }) : () -> ()
      %scan3A_71 = arith.constant 0 : i32
      %scan3A_72 = arith.constant 0 : i32
      %scan3A_73 = arith.constant 40 : i32
      %scan3A_74 = arith.addi %scan3A_72, %scan3A_73 : i32
      %scan3A_75 = arith.constant 1 : i32
      scf.for %scan3A_154 = %scan3A_72 to %scan3A_74 step %scan3A_75  : i32 {
        %mul3A_155 = arith.constant 16 : i32
        %mul3A_156 = arith.muli %scan3A_154, %mul3A_155 : i32
        %get3A = arith.index_cast %mul3A_156 : i32 to index
        %get3A_157 = tpu.vector_load %arg8[%get3A] {strides = array<i32>} : memref<640xf32, #tpu.memory_space<vmem>>, vector<16xf32>,
        %mul3A_158 = arith.constant 16 : i32
        %mul3A_159 = arith.muli %scan3A_154, %mul3A_158 : i32
        %get3A_160 = arith.index_cast %mul3A_159 : i32 to index
        %get3A_161 = tpu.vector_load %arg9[%get3A_160] {strides = array<i32>} : memref<640xf32, #tpu.memory_space<vmem>>, vector<16xf32>,
        %add3A = arith.addf %get3A_157, %get3A_161 : vector<16xf32>
        %mul3A_162 = arith.constant 16 : i32
        %mul3A_163 = arith.muli %scan3A_154, %mul3A_162 : i32
        %swap3A = arith.index_cast %mul3A_163 : i32 to index
        %swap3A_164 = tpu.vector_load %arg8[%swap3A] {strides = array<i32>} : memref<640xf32, #tpu.memory_space<vmem>>, vector<16xf32>,
        tpu.vector_store %arg8[%swap3A], %add3A {strides = array<i32>} : memref<640xf32, #tpu.memory_space<vmem>>, vector<16xf32>,
      }
      %scan3A_76 = arith.constant 40 : i32
      %run_scoped3A_77 = arith.constant 5 : i32
      "tpu.region"() ({
        %run_scoped3A_154 = tpu.sem_alloc : memref<!tpu.dma_semaphore, #tpu.memory_space<semaphore_mem>>
        %dma_start3A_155 = tpu.memref_slice %arg10[%run_scoped3A_77, %mul3A_48] : memref<16x10240xf32, #tpu.memory_space<vmem_shared>> -> memref<1x640xf32, #tpu.memory_space<vmem_shared>>
        %dma_start3A_156 = tpu.memref_squeeze %dma_start3A_155 : memref<1x640xf32, #tpu.memory_space<vmem_shared>> -> memref<640xf32, #tpu.memory_space<vmem_shared>>
        %dma_start3A_157 = tpu.memref_slice %arg10[%run_scoped3A_77, %mul3A_48] : memref<16x10240xf32, #tpu.memory_space<vmem_shared>> -> memref<1x640xf32, #tpu.memory_space<vmem_shared>>
        %dma_start3A_158 = tpu.memref_squeeze %dma_start3A_157 : memref<1x640xf32, #tpu.memory_space<vmem_shared>> -> memref<640xf32, #tpu.memory_space<vmem_shared>>
        tpu.enqueue_dma source(%dma_start3A_158 : memref<640xf32, #tpu.memory_space<vmem_shared>>) target(%arg9 : memref<640xf32, #tpu.memory_space<vmem>>) target_semaphore(%run_scoped3A_154 : memref<!tpu.dma_semaphore, #tpu.memory_space<semaphore_mem>>)
        %dma_wait3A = tpu.memref_slice %arg10[%run_scoped3A_77, %mul3A_48] : memref<16x10240xf32, #tpu.memory_space<vmem_shared>> -> memref<1x640xf32, #tpu.memory_space<vmem_shared>>
        %dma_wait3A_159 = tpu.memref_squeeze %dma_wait3A : memref<1x640xf32, #tpu.memory_space<vmem_shared>> -> memref<640xf32, #tpu.memory_space<vmem_shared>>
        %dma_wait3A_160 = tpu.memref_slice %arg10[%run_scoped3A_77, %mul3A_48] : memref<16x10240xf32, #tpu.memory_space<vmem_shared>> -> memref<1x640xf32, #tpu.memory_space<vmem_shared>>
        %dma_wait3A_161 = tpu.memref_squeeze %dma_wait3A_160 : memref<1x640xf32, #tpu.memory_space<vmem_shared>> -> memref<640xf32, #tpu.memory_space<vmem_shared>>
        tpu.wait_dma2 semaphore(%run_scoped3A_154 : memref<!tpu.dma_semaphore, #tpu.memory_space<semaphore_mem>>) src(%dma_wait3A_161 : memref<640xf32, #tpu.memory_space<vmem_shared>>) dst(%arg9 : memref<640xf32, #tpu.memory_space<vmem>>)
        tpu.yield
      }) : () -> ()
      %scan3A_78 = arith.constant 0 : i32
      %scan3A_79 = arith.constant 0 : i32
      %scan3A_80 = arith.constant 40 : i32
      %scan3A_81 = arith.addi %scan3A_79, %scan3A_80 : i32
      %scan3A_82 = arith.constant 1 : i32
      scf.for %scan3A_154 = %scan3A_79 to %scan3A_81 step %scan3A_82  : i32 {
        %mul3A_155 = arith.constant 16 : i32
        %mul3A_156 = arith.muli %scan3A_154, %mul3A_155 : i32
        %get3A = arith.index_cast %mul3A_156 : i32 to index
        %get3A_157 = tpu.vector_load %arg8[%get3A] {strides = array<i32>} : memref<640xf32, #tpu.memory_space<vmem>>, vector<16xf32>,
        %mul3A_158 = arith.constant 16 : i32
        %mul3A_159 = arith.muli %scan3A_154, %mul3A_158 : i32
        %get3A_160 = arith.index_cast %mul3A_159 : i32 to index
        %get3A_161 = tpu.vector_load %arg9[%get3A_160] {strides = array<i32>} : memref<640xf32, #tpu.memory_space<vmem>>, vector<16xf32>,
        %add3A = arith.addf %get3A_157, %get3A_161 : vector<16xf32>
        %mul3A_162 = arith.constant 16 : i32
        %mul3A_163 = arith.muli %scan3A_154, %mul3A_162 : i32
        %swap3A = arith.index_cast %mul3A_163 : i32 to index
        %swap3A_164 = tpu.vector_load %arg8[%swap3A] {strides = array<i32>} : memref<640xf32, #tpu.memory_space<vmem>>, vector<16xf32>,
        tpu.vector_store %arg8[%swap3A], %add3A {strides = array<i32>} : memref<640xf32, #tpu.memory_space<vmem>>, vector<16xf32>,
      }
      %scan3A_83 = arith.constant 40 : i32
      %run_scoped3A_84 = arith.constant 6 : i32
      "tpu.region"() ({
        %run_scoped3A_154 = tpu.sem_alloc : memref<!tpu.dma_semaphore, #tpu.memory_space<semaphore_mem>>
        %dma_start3A_155 = tpu.memref_slice %arg10[%run_scoped3A_84, %mul3A_48] : memref<16x10240xf32, #tpu.memory_space<vmem_shared>> -> memref<1x640xf32, #tpu.memory_space<vmem_shared>>
        %dma_start3A_156 = tpu.memref_squeeze %dma_start3A_155 : memref<1x640xf32, #tpu.memory_space<vmem_shared>> -> memref<640xf32, #tpu.memory_space<vmem_shared>>
        %dma_start3A_157 = tpu.memref_slice %arg10[%run_scoped3A_84, %mul3A_48] : memref<16x10240xf32, #tpu.memory_space<vmem_shared>> -> memref<1x640xf32, #tpu.memory_space<vmem_shared>>
        %dma_start3A_158 = tpu.memref_squeeze %dma_start3A_157 : memref<1x640xf32, #tpu.memory_space<vmem_shared>> -> memref<640xf32, #tpu.memory_space<vmem_shared>>
        tpu.enqueue_dma source(%dma_start3A_158 : memref<640xf32, #tpu.memory_space<vmem_shared>>) target(%arg9 : memref<640xf32, #tpu.memory_space<vmem>>) target_semaphore(%run_scoped3A_154 : memref<!tpu.dma_semaphore, #tpu.memory_space<semaphore_mem>>)
        %dma_wait3A = tpu.memref_slice %arg10[%run_scoped3A_84, %mul3A_48] : memref<16x10240xf32, #tpu.memory_space<vmem_shared>> -> memref<1x640xf32, #tpu.memory_space<vmem_shared>>
        %dma_wait3A_159 = tpu.memref_squeeze %dma_wait3A : memref<1x640xf32, #tpu.memory_space<vmem_shared>> -> memref<640xf32, #tpu.memory_space<vmem_shared>>
        %dma_wait3A_160 = tpu.memref_slice %arg10[%run_scoped3A_84, %mul3A_48] : memref<16x10240xf32, #tpu.memory_space<vmem_shared>> -> memref<1x640xf32, #tpu.memory_space<vmem_shared>>
        %dma_wait3A_161 = tpu.memref_squeeze %dma_wait3A_160 : memref<1x640xf32, #tpu.memory_space<vmem_shared>> -> memref<640xf32, #tpu.memory_space<vmem_shared>>
        tpu.wait_dma2 semaphore(%run_scoped3A_154 : memref<!tpu.dma_semaphore, #tpu.memory_space<semaphore_mem>>) src(%dma_wait3A_161 : memref<640xf32, #tpu.memory_space<vmem_shared>>) dst(%arg9 : memref<640xf32, #tpu.memory_space<vmem>>)
        tpu.yield
      }) : () -> ()
      %scan3A_85 = arith.constant 0 : i32
      %scan3A_86 = arith.constant 0 : i32
      %scan3A_87 = arith.constant 40 : i32
      %scan3A_88 = arith.addi %scan3A_86, %scan3A_87 : i32
      %scan3A_89 = arith.constant 1 : i32
      scf.for %scan3A_154 = %scan3A_86 to %scan3A_88 step %scan3A_89  : i32 {
        %mul3A_155 = arith.constant 16 : i32
        %mul3A_156 = arith.muli %scan3A_154, %mul3A_155 : i32
        %get3A = arith.index_cast %mul3A_156 : i32 to index
        %get3A_157 = tpu.vector_load %arg8[%get3A] {strides = array<i32>} : memref<640xf32, #tpu.memory_space<vmem>>, vector<16xf32>,
        %mul3A_158 = arith.constant 16 : i32
        %mul3A_159 = arith.muli %scan3A_154, %mul3A_158 : i32
        %get3A_160 = arith.index_cast %mul3A_159 : i32 to index
        %get3A_161 = tpu.vector_load %arg9[%get3A_160] {strides = array<i32>} : memref<640xf32, #tpu.memory_space<vmem>>, vector<16xf32>,
        %add3A = arith.addf %get3A_157, %get3A_161 : vector<16xf32>
        %mul3A_162 = arith.constant 16 : i32
        %mul3A_163 = arith.muli %scan3A_154, %mul3A_162 : i32
        %swap3A = arith.index_cast %mul3A_163 : i32 to index
        %swap3A_164 = tpu.vector_load %arg8[%swap3A] {strides = array<i32>} : memref<640xf32, #tpu.memory_space<vmem>>, vector<16xf32>,
        tpu.vector_store %arg8[%swap3A], %add3A {strides = array<i32>} : memref<640xf32, #tpu.memory_space<vmem>>, vector<16xf32>,
      }
      %scan3A_90 = arith.constant 40 : i32
      %run_scoped3A_91 = arith.constant 7 : i32
      "tpu.region"() ({
        %run_scoped3A_154 = tpu.sem_alloc : memref<!tpu.dma_semaphore, #tpu.memory_space<semaphore_mem>>
        %dma_start3A_155 = tpu.memref_slice %arg10[%run_scoped3A_91, %mul3A_48] : memref<16x10240xf32, #tpu.memory_space<vmem_shared>> -> memref<1x640xf32, #tpu.memory_space<vmem_shared>>
        %dma_start3A_156 = tpu.memref_squeeze %dma_start3A_155 : memref<1x640xf32, #tpu.memory_space<vmem_shared>> -> memref<640xf32, #tpu.memory_space<vmem_shared>>
        %dma_start3A_157 = tpu.memref_slice %arg10[%run_scoped3A_91, %mul3A_48] : memref<16x10240xf32, #tpu.memory_space<vmem_shared>> -> memref<1x640xf32, #tpu.memory_space<vmem_shared>>
        %dma_start3A_158 = tpu.memref_squeeze %dma_start3A_157 : memref<1x640xf32, #tpu.memory_space<vmem_shared>> -> memref<640xf32, #tpu.memory_space<vmem_shared>>
        tpu.enqueue_dma source(%dma_start3A_158 : memref<640xf32, #tpu.memory_space<vmem_shared>>) target(%arg9 : memref<640xf32, #tpu.memory_space<vmem>>) target_semaphore(%run_scoped3A_154 : memref<!tpu.dma_semaphore, #tpu.memory_space<semaphore_mem>>)
        %dma_wait3A = tpu.memref_slice %arg10[%run_scoped3A_91, %mul3A_48] : memref<16x10240xf32, #tpu.memory_space<vmem_shared>> -> memref<1x640xf32, #tpu.memory_space<vmem_shared>>
        %dma_wait3A_159 = tpu.memref_squeeze %dma_wait3A : memref<1x640xf32, #tpu.memory_space<vmem_shared>> -> memref<640xf32, #tpu.memory_space<vmem_shared>>
        %dma_wait3A_160 = tpu.memref_slice %arg10[%run_scoped3A_91, %mul3A_48] : memref<16x10240xf32, #tpu.memory_space<vmem_shared>> -> memref<1x640xf32, #tpu.memory_space<vmem_shared>>
        %dma_wait3A_161 = tpu.memref_squeeze %dma_wait3A_160 : memref<1x640xf32, #tpu.memory_space<vmem_shared>> -> memref<640xf32, #tpu.memory_space<vmem_shared>>
        tpu.wait_dma2 semaphore(%run_scoped3A_154 : memref<!tpu.dma_semaphore, #tpu.memory_space<semaphore_mem>>) src(%dma_wait3A_161 : memref<640xf32, #tpu.memory_space<vmem_shared>>) dst(%arg9 : memref<640xf32, #tpu.memory_space<vmem>>)
        tpu.yield
      }) : () -> ()
      %scan3A_92 = arith.constant 0 : i32
      %scan3A_93 = arith.constant 0 : i32
      %scan3A_94 = arith.constant 40 : i32
      %scan3A_95 = arith.addi %scan3A_93, %scan3A_94 : i32
      %scan3A_96 = arith.constant 1 : i32
      scf.for %scan3A_154 = %scan3A_93 to %scan3A_95 step %scan3A_96  : i32 {
        %mul3A_155 = arith.constant 16 : i32
        %mul3A_156 = arith.muli %scan3A_154, %mul3A_155 : i32
        %get3A = arith.index_cast %mul3A_156 : i32 to index
        %get3A_157 = tpu.vector_load %arg8[%get3A] {strides = array<i32>} : memref<640xf32, #tpu.memory_space<vmem>>, vector<16xf32>,
        %mul3A_158 = arith.constant 16 : i32
        %mul3A_159 = arith.muli %scan3A_154, %mul3A_158 : i32
        %get3A_160 = arith.index_cast %mul3A_159 : i32 to index
        %get3A_161 = tpu.vector_load %arg9[%get3A_160] {strides = array<i32>} : memref<640xf32, #tpu.memory_space<vmem>>, vector<16xf32>,
        %add3A = arith.addf %get3A_157, %get3A_161 : vector<16xf32>
        %mul3A_162 = arith.constant 16 : i32
        %mul3A_163 = arith.muli %scan3A_154, %mul3A_162 : i32
        %swap3A = arith.index_cast %mul3A_163 : i32 to index
        %swap3A_164 = tpu.vector_load %arg8[%swap3A] {strides = array<i32>} : memref<640xf32, #tpu.memory_space<vmem>>, vector<16xf32>,
        tpu.vector_store %arg8[%swap3A], %add3A {strides = array<i32>} : memref<640xf32, #tpu.memory_space<vmem>>, vector<16xf32>,
      }
      %scan3A_97 = arith.constant 40 : i32
      %run_scoped3A_98 = arith.constant 8 : i32
      "tpu.region"() ({
        %run_scoped3A_154 = tpu.sem_alloc : memref<!tpu.dma_semaphore, #tpu.memory_space<semaphore_mem>>
        %dma_start3A_155 = tpu.memref_slice %arg10[%run_scoped3A_98, %mul3A_48] : memref<16x10240xf32, #tpu.memory_space<vmem_shared>> -> memref<1x640xf32, #tpu.memory_space<vmem_shared>>
        %dma_start3A_156 = tpu.memref_squeeze %dma_start3A_155 : memref<1x640xf32, #tpu.memory_space<vmem_shared>> -> memref<640xf32, #tpu.memory_space<vmem_shared>>
        %dma_start3A_157 = tpu.memref_slice %arg10[%run_scoped3A_98, %mul3A_48] : memref<16x10240xf32, #tpu.memory_space<vmem_shared>> -> memref<1x640xf32, #tpu.memory_space<vmem_shared>>
        %dma_start3A_158 = tpu.memref_squeeze %dma_start3A_157 : memref<1x640xf32, #tpu.memory_space<vmem_shared>> -> memref<640xf32, #tpu.memory_space<vmem_shared>>
        tpu.enqueue_dma source(%dma_start3A_158 : memref<640xf32, #tpu.memory_space<vmem_shared>>) target(%arg9 : memref<640xf32, #tpu.memory_space<vmem>>) target_semaphore(%run_scoped3A_154 : memref<!tpu.dma_semaphore, #tpu.memory_space<semaphore_mem>>)
        %dma_wait3A = tpu.memref_slice %arg10[%run_scoped3A_98, %mul3A_48] : memref<16x10240xf32, #tpu.memory_space<vmem_shared>> -> memref<1x640xf32, #tpu.memory_space<vmem_shared>>
        %dma_wait3A_159 = tpu.memref_squeeze %dma_wait3A : memref<1x640xf32, #tpu.memory_space<vmem_shared>> -> memref<640xf32, #tpu.memory_space<vmem_shared>>
        %dma_wait3A_160 = tpu.memref_slice %arg10[%run_scoped3A_98, %mul3A_48] : memref<16x10240xf32, #tpu.memory_space<vmem_shared>> -> memref<1x640xf32, #tpu.memory_space<vmem_shared>>
        %dma_wait3A_161 = tpu.memref_squeeze %dma_wait3A_160 : memref<1x640xf32, #tpu.memory_space<vmem_shared>> -> memref<640xf32, #tpu.memory_space<vmem_shared>>
        tpu.wait_dma2 semaphore(%run_scoped3A_154 : memref<!tpu.dma_semaphore, #tpu.memory_space<semaphore_mem>>) src(%dma_wait3A_161 : memref<640xf32, #tpu.memory_space<vmem_shared>>) dst(%arg9 : memref<640xf32, #tpu.memory_space<vmem>>)
        tpu.yield
      }) : () -> ()
      %scan3A_99 = arith.constant 0 : i32
      %scan3A_100 = arith.constant 0 : i32
      %scan3A_101 = arith.constant 40 : i32
      %scan3A_102 = arith.addi %scan3A_100, %scan3A_101 : i32
      %scan3A_103 = arith.constant 1 : i32
      scf.for %scan3A_154 = %scan3A_100 to %scan3A_102 step %scan3A_103  : i32 {
        %mul3A_155 = arith.constant 16 : i32
        %mul3A_156 = arith.muli %scan3A_154, %mul3A_155 : i32
        %get3A = arith.index_cast %mul3A_156 : i32 to index
        %get3A_157 = tpu.vector_load %arg8[%get3A] {strides = array<i32>} : memref<640xf32, #tpu.memory_space<vmem>>, vector<16xf32>,
        %mul3A_158 = arith.constant 16 : i32
        %mul3A_159 = arith.muli %scan3A_154, %mul3A_158 : i32
        %get3A_160 = arith.index_cast %mul3A_159 : i32 to index
        %get3A_161 = tpu.vector_load %arg9[%get3A_160] {strides = array<i32>} : memref<640xf32, #tpu.memory_space<vmem>>, vector<16xf32>,
        %add3A = arith.addf %get3A_157, %get3A_161 : vector<16xf32>
        %mul3A_162 = arith.constant 16 : i32
        %mul3A_163 = arith.muli %scan3A_154, %mul3A_162 : i32
        %swap3A = arith.index_cast %mul3A_163 : i32 to index
        %swap3A_164 = tpu.vector_load %arg8[%swap3A] {strides = array<i32>} : memref<640xf32, #tpu.memory_space<vmem>>, vector<16xf32>,
        tpu.vector_store %arg8[%swap3A], %add3A {strides = array<i32>} : memref<640xf32, #tpu.memory_space<vmem>>, vector<16xf32>,
      }
      %scan3A_104 = arith.constant 40 : i32
      %run_scoped3A_105 = arith.constant 9 : i32
      "tpu.region"() ({
        %run_scoped3A_154 = tpu.sem_alloc : memref<!tpu.dma_semaphore, #tpu.memory_space<semaphore_mem>>
        %dma_start3A_155 = tpu.memref_slice %arg10[%run_scoped3A_105, %mul3A_48] : memref<16x10240xf32, #tpu.memory_space<vmem_shared>> -> memref<1x640xf32, #tpu.memory_space<vmem_shared>>
        %dma_start3A_156 = tpu.memref_squeeze %dma_start3A_155 : memref<1x640xf32, #tpu.memory_space<vmem_shared>> -> memref<640xf32, #tpu.memory_space<vmem_shared>>
        %dma_start3A_157 = tpu.memref_slice %arg10[%run_scoped3A_105, %mul3A_48] : memref<16x10240xf32, #tpu.memory_space<vmem_shared>> -> memref<1x640xf32, #tpu.memory_space<vmem_shared>>
        %dma_start3A_158 = tpu.memref_squeeze %dma_start3A_157 : memref<1x640xf32, #tpu.memory_space<vmem_shared>> -> memref<640xf32, #tpu.memory_space<vmem_shared>>
        tpu.enqueue_dma source(%dma_start3A_158 : memref<640xf32, #tpu.memory_space<vmem_shared>>) target(%arg9 : memref<640xf32, #tpu.memory_space<vmem>>) target_semaphore(%run_scoped3A_154 : memref<!tpu.dma_semaphore, #tpu.memory_space<semaphore_mem>>)
        %dma_wait3A = tpu.memref_slice %arg10[%run_scoped3A_105, %mul3A_48] : memref<16x10240xf32, #tpu.memory_space<vmem_shared>> -> memref<1x640xf32, #tpu.memory_space<vmem_shared>>
        %dma_wait3A_159 = tpu.memref_squeeze %dma_wait3A : memref<1x640xf32, #tpu.memory_space<vmem_shared>> -> memref<640xf32, #tpu.memory_space<vmem_shared>>
        %dma_wait3A_160 = tpu.memref_slice %arg10[%run_scoped3A_105, %mul3A_48] : memref<16x10240xf32, #tpu.memory_space<vmem_shared>> -> memref<1x640xf32, #tpu.memory_space<vmem_shared>>
        %dma_wait3A_161 = tpu.memref_squeeze %dma_wait3A_160 : memref<1x640xf32, #tpu.memory_space<vmem_shared>> -> memref<640xf32, #tpu.memory_space<vmem_shared>>
        tpu.wait_dma2 semaphore(%run_scoped3A_154 : memref<!tpu.dma_semaphore, #tpu.memory_space<semaphore_mem>>) src(%dma_wait3A_161 : memref<640xf32, #tpu.memory_space<vmem_shared>>) dst(%arg9 : memref<640xf32, #tpu.memory_space<vmem>>)
        tpu.yield
      }) : () -> ()
      %scan3A_106 = arith.constant 0 : i32
      %scan3A_107 = arith.constant 0 : i32
      %scan3A_108 = arith.constant 40 : i32
      %scan3A_109 = arith.addi %scan3A_107, %scan3A_108 : i32
      %scan3A_110 = arith.constant 1 : i32
      scf.for %scan3A_154 = %scan3A_107 to %scan3A_109 step %scan3A_110  : i32 {
        %mul3A_155 = arith.constant 16 : i32
        %mul3A_156 = arith.muli %scan3A_154, %mul3A_155 : i32
        %get3A = arith.index_cast %mul3A_156 : i32 to index
        %get3A_157 = tpu.vector_load %arg8[%get3A] {strides = array<i32>} : memref<640xf32, #tpu.memory_space<vmem>>, vector<16xf32>,
        %mul3A_158 = arith.constant 16 : i32
        %mul3A_159 = arith.muli %scan3A_154, %mul3A_158 : i32
        %get3A_160 = arith.index_cast %mul3A_159 : i32 to index
        %get3A_161 = tpu.vector_load %arg9[%get3A_160] {strides = array<i32>} : memref<640xf32, #tpu.memory_space<vmem>>, vector<16xf32>,
        %add3A = arith.addf %get3A_157, %get3A_161 : vector<16xf32>
        %mul3A_162 = arith.constant 16 : i32
        %mul3A_163 = arith.muli %scan3A_154, %mul3A_162 : i32
        %swap3A = arith.index_cast %mul3A_163 : i32 to index
        %swap3A_164 = tpu.vector_load %arg8[%swap3A] {strides = array<i32>} : memref<640xf32, #tpu.memory_space<vmem>>, vector<16xf32>,
        tpu.vector_store %arg8[%swap3A], %add3A {strides = array<i32>} : memref<640xf32, #tpu.memory_space<vmem>>, vector<16xf32>,
      }
      %scan3A_111 = arith.constant 40 : i32
      %run_scoped3A_112 = arith.constant 10 : i32
      "tpu.region"() ({
        %run_scoped3A_154 = tpu.sem_alloc : memref<!tpu.dma_semaphore, #tpu.memory_space<semaphore_mem>>
        %dma_start3A_155 = tpu.memref_slice %arg10[%run_scoped3A_112, %mul3A_48] : memref<16x10240xf32, #tpu.memory_space<vmem_shared>> -> memref<1x640xf32, #tpu.memory_space<vmem_shared>>
        %dma_start3A_156 = tpu.memref_squeeze %dma_start3A_155 : memref<1x640xf32, #tpu.memory_space<vmem_shared>> -> memref<640xf32, #tpu.memory_space<vmem_shared>>
        %dma_start3A_157 = tpu.memref_slice %arg10[%run_scoped3A_112, %mul3A_48] : memref<16x10240xf32, #tpu.memory_space<vmem_shared>> -> memref<1x640xf32, #tpu.memory_space<vmem_shared>>
        %dma_start3A_158 = tpu.memref_squeeze %dma_start3A_157 : memref<1x640xf32, #tpu.memory_space<vmem_shared>> -> memref<640xf32, #tpu.memory_space<vmem_shared>>
        tpu.enqueue_dma source(%dma_start3A_158 : memref<640xf32, #tpu.memory_space<vmem_shared>>) target(%arg9 : memref<640xf32, #tpu.memory_space<vmem>>) target_semaphore(%run_scoped3A_154 : memref<!tpu.dma_semaphore, #tpu.memory_space<semaphore_mem>>)
        %dma_wait3A = tpu.memref_slice %arg10[%run_scoped3A_112, %mul3A_48] : memref<16x10240xf32, #tpu.memory_space<vmem_shared>> -> memref<1x640xf32, #tpu.memory_space<vmem_shared>>
        %dma_wait3A_159 = tpu.memref_squeeze %dma_wait3A : memref<1x640xf32, #tpu.memory_space<vmem_shared>> -> memref<640xf32, #tpu.memory_space<vmem_shared>>
        %dma_wait3A_160 = tpu.memref_slice %arg10[%run_scoped3A_112, %mul3A_48] : memref<16x10240xf32, #tpu.memory_space<vmem_shared>> -> memref<1x640xf32, #tpu.memory_space<vmem_shared>>
        %dma_wait3A_161 = tpu.memref_squeeze %dma_wait3A_160 : memref<1x640xf32, #tpu.memory_space<vmem_shared>> -> memref<640xf32, #tpu.memory_space<vmem_shared>>
        tpu.wait_dma2 semaphore(%run_scoped3A_154 : memref<!tpu.dma_semaphore, #tpu.memory_space<semaphore_mem>>) src(%dma_wait3A_161 : memref<640xf32, #tpu.memory_space<vmem_shared>>) dst(%arg9 : memref<640xf32, #tpu.memory_space<vmem>>)
        tpu.yield
      }) : () -> ()
      %scan3A_113 = arith.constant 0 : i32
      %scan3A_114 = arith.constant 0 : i32
      %scan3A_115 = arith.constant 40 : i32
      %scan3A_116 = arith.addi %scan3A_114, %scan3A_115 : i32
      %scan3A_117 = arith.constant 1 : i32
      scf.for %scan3A_154 = %scan3A_114 to %scan3A_116 step %scan3A_117  : i32 {
        %mul3A_155 = arith.constant 16 : i32
        %mul3A_156 = arith.muli %scan3A_154, %mul3A_155 : i32
        %get3A = arith.index_cast %mul3A_156 : i32 to index
        %get3A_157 = tpu.vector_load %arg8[%get3A] {strides = array<i32>} : memref<640xf32, #tpu.memory_space<vmem>>, vector<16xf32>,
        %mul3A_158 = arith.constant 16 : i32
        %mul3A_159 = arith.muli %scan3A_154, %mul3A_158 : i32
        %get3A_160 = arith.index_cast %mul3A_159 : i32 to index
        %get3A_161 = tpu.vector_load %arg9[%get3A_160] {strides = array<i32>} : memref<640xf32, #tpu.memory_space<vmem>>, vector<16xf32>,
        %add3A = arith.addf %get3A_157, %get3A_161 : vector<16xf32>
        %mul3A_162 = arith.constant 16 : i32
        %mul3A_163 = arith.muli %scan3A_154, %mul3A_162 : i32
        %swap3A = arith.index_cast %mul3A_163 : i32 to index
        %swap3A_164 = tpu.vector_load %arg8[%swap3A] {strides = array<i32>} : memref<640xf32, #tpu.memory_space<vmem>>, vector<16xf32>,
        tpu.vector_store %arg8[%swap3A], %add3A {strides = array<i32>} : memref<640xf32, #tpu.memory_space<vmem>>, vector<16xf32>,
      }
      %scan3A_118 = arith.constant 40 : i32
      %run_scoped3A_119 = arith.constant 11 : i32
      "tpu.region"() ({
        %run_scoped3A_154 = tpu.sem_alloc : memref<!tpu.dma_semaphore, #tpu.memory_space<semaphore_mem>>
        %dma_start3A_155 = tpu.memref_slice %arg10[%run_scoped3A_119, %mul3A_48] : memref<16x10240xf32, #tpu.memory_space<vmem_shared>> -> memref<1x640xf32, #tpu.memory_space<vmem_shared>>
        %dma_start3A_156 = tpu.memref_squeeze %dma_start3A_155 : memref<1x640xf32, #tpu.memory_space<vmem_shared>> -> memref<640xf32, #tpu.memory_space<vmem_shared>>
        %dma_start3A_157 = tpu.memref_slice %arg10[%run_scoped3A_119, %mul3A_48] : memref<16x10240xf32, #tpu.memory_space<vmem_shared>> -> memref<1x640xf32, #tpu.memory_space<vmem_shared>>
        %dma_start3A_158 = tpu.memref_squeeze %dma_start3A_157 : memref<1x640xf32, #tpu.memory_space<vmem_shared>> -> memref<640xf32, #tpu.memory_space<vmem_shared>>
        tpu.enqueue_dma source(%dma_start3A_158 : memref<640xf32, #tpu.memory_space<vmem_shared>>) target(%arg9 : memref<640xf32, #tpu.memory_space<vmem>>) target_semaphore(%run_scoped3A_154 : memref<!tpu.dma_semaphore, #tpu.memory_space<semaphore_mem>>)
        %dma_wait3A = tpu.memref_slice %arg10[%run_scoped3A_119, %mul3A_48] : memref<16x10240xf32, #tpu.memory_space<vmem_shared>> -> memref<1x640xf32, #tpu.memory_space<vmem_shared>>
        %dma_wait3A_159 = tpu.memref_squeeze %dma_wait3A : memref<1x640xf32, #tpu.memory_space<vmem_shared>> -> memref<640xf32, #tpu.memory_space<vmem_shared>>
        %dma_wait3A_160 = tpu.memref_slice %arg10[%run_scoped3A_119, %mul3A_48] : memref<16x10240xf32, #tpu.memory_space<vmem_shared>> -> memref<1x640xf32, #tpu.memory_space<vmem_shared>>
        %dma_wait3A_161 = tpu.memref_squeeze %dma_wait3A_160 : memref<1x640xf32, #tpu.memory_space<vmem_shared>> -> memref<640xf32, #tpu.memory_space<vmem_shared>>
        tpu.wait_dma2 semaphore(%run_scoped3A_154 : memref<!tpu.dma_semaphore, #tpu.memory_space<semaphore_mem>>) src(%dma_wait3A_161 : memref<640xf32, #tpu.memory_space<vmem_shared>>) dst(%arg9 : memref<640xf32, #tpu.memory_space<vmem>>)
        tpu.yield
      }) : () -> ()
      %scan3A_120 = arith.constant 0 : i32
      %scan3A_121 = arith.constant 0 : i32
      %scan3A_122 = arith.constant 40 : i32
      %scan3A_123 = arith.addi %scan3A_121, %scan3A_122 : i32
      %scan3A_124 = arith.constant 1 : i32
      scf.for %scan3A_154 = %scan3A_121 to %scan3A_123 step %scan3A_124  : i32 {
        %mul3A_155 = arith.constant 16 : i32
        %mul3A_156 = arith.muli %scan3A_154, %mul3A_155 : i32
        %get3A = arith.index_cast %mul3A_156 : i32 to index
        %get3A_157 = tpu.vector_load %arg8[%get3A] {strides = array<i32>} : memref<640xf32, #tpu.memory_space<vmem>>, vector<16xf32>,
        %mul3A_158 = arith.constant 16 : i32
        %mul3A_159 = arith.muli %scan3A_154, %mul3A_158 : i32
        %get3A_160 = arith.index_cast %mul3A_159 : i32 to index
        %get3A_161 = tpu.vector_load %arg9[%get3A_160] {strides = array<i32>} : memref<640xf32, #tpu.memory_space<vmem>>, vector<16xf32>,
        %add3A = arith.addf %get3A_157, %get3A_161 : vector<16xf32>
        %mul3A_162 = arith.constant 16 : i32
        %mul3A_163 = arith.muli %scan3A_154, %mul3A_162 : i32
        %swap3A = arith.index_cast %mul3A_163 : i32 to index
        %swap3A_164 = tpu.vector_load %arg8[%swap3A] {strides = array<i32>} : memref<640xf32, #tpu.memory_space<vmem>>, vector<16xf32>,
        tpu.vector_store %arg8[%swap3A], %add3A {strides = array<i32>} : memref<640xf32, #tpu.memory_space<vmem>>, vector<16xf32>,
      }
      %scan3A_125 = arith.constant 40 : i32
      %run_scoped3A_126 = arith.constant 12 : i32
      "tpu.region"() ({
        %run_scoped3A_154 = tpu.sem_alloc : memref<!tpu.dma_semaphore, #tpu.memory_space<semaphore_mem>>
        %dma_start3A_155 = tpu.memref_slice %arg10[%run_scoped3A_126, %mul3A_48] : memref<16x10240xf32, #tpu.memory_space<vmem_shared>> -> memref<1x640xf32, #tpu.memory_space<vmem_shared>>
        %dma_start3A_156 = tpu.memref_squeeze %dma_start3A_155 : memref<1x640xf32, #tpu.memory_space<vmem_shared>> -> memref<640xf32, #tpu.memory_space<vmem_shared>>
        %dma_start3A_157 = tpu.memref_slice %arg10[%run_scoped3A_126, %mul3A_48] : memref<16x10240xf32, #tpu.memory_space<vmem_shared>> -> memref<1x640xf32, #tpu.memory_space<vmem_shared>>
        %dma_start3A_158 = tpu.memref_squeeze %dma_start3A_157 : memref<1x640xf32, #tpu.memory_space<vmem_shared>> -> memref<640xf32, #tpu.memory_space<vmem_shared>>
        tpu.enqueue_dma source(%dma_start3A_158 : memref<640xf32, #tpu.memory_space<vmem_shared>>) target(%arg9 : memref<640xf32, #tpu.memory_space<vmem>>) target_semaphore(%run_scoped3A_154 : memref<!tpu.dma_semaphore, #tpu.memory_space<semaphore_mem>>)
        %dma_wait3A = tpu.memref_slice %arg10[%run_scoped3A_126, %mul3A_48] : memref<16x10240xf32, #tpu.memory_space<vmem_shared>> -> memref<1x640xf32, #tpu.memory_space<vmem_shared>>
        %dma_wait3A_159 = tpu.memref_squeeze %dma_wait3A : memref<1x640xf32, #tpu.memory_space<vmem_shared>> -> memref<640xf32, #tpu.memory_space<vmem_shared>>
        %dma_wait3A_160 = tpu.memref_slice %arg10[%run_scoped3A_126, %mul3A_48] : memref<16x10240xf32, #tpu.memory_space<vmem_shared>> -> memref<1x640xf32, #tpu.memory_space<vmem_shared>>
        %dma_wait3A_161 = tpu.memref_squeeze %dma_wait3A_160 : memref<1x640xf32, #tpu.memory_space<vmem_shared>> -> memref<640xf32, #tpu.memory_space<vmem_shared>>
        tpu.wait_dma2 semaphore(%run_scoped3A_154 : memref<!tpu.dma_semaphore, #tpu.memory_space<semaphore_mem>>) src(%dma_wait3A_161 : memref<640xf32, #tpu.memory_space<vmem_shared>>) dst(%arg9 : memref<640xf32, #tpu.memory_space<vmem>>)
        tpu.yield
      }) : () -> ()
      %scan3A_127 = arith.constant 0 : i32
      %scan3A_128 = arith.constant 0 : i32
      %scan3A_129 = arith.constant 40 : i32
      %scan3A_130 = arith.addi %scan3A_128, %scan3A_129 : i32
      %scan3A_131 = arith.constant 1 : i32
      scf.for %scan3A_154 = %scan3A_128 to %scan3A_130 step %scan3A_131  : i32 {
        %mul3A_155 = arith.constant 16 : i32
        %mul3A_156 = arith.muli %scan3A_154, %mul3A_155 : i32
        %get3A = arith.index_cast %mul3A_156 : i32 to index
        %get3A_157 = tpu.vector_load %arg8[%get3A] {strides = array<i32>} : memref<640xf32, #tpu.memory_space<vmem>>, vector<16xf32>,
        %mul3A_158 = arith.constant 16 : i32
        %mul3A_159 = arith.muli %scan3A_154, %mul3A_158 : i32
        %get3A_160 = arith.index_cast %mul3A_159 : i32 to index
        %get3A_161 = tpu.vector_load %arg9[%get3A_160] {strides = array<i32>} : memref<640xf32, #tpu.memory_space<vmem>>, vector<16xf32>,
        %add3A = arith.addf %get3A_157, %get3A_161 : vector<16xf32>
        %mul3A_162 = arith.constant 16 : i32
        %mul3A_163 = arith.muli %scan3A_154, %mul3A_162 : i32
        %swap3A = arith.index_cast %mul3A_163 : i32 to index
        %swap3A_164 = tpu.vector_load %arg8[%swap3A] {strides = array<i32>} : memref<640xf32, #tpu.memory_space<vmem>>, vector<16xf32>,
        tpu.vector_store %arg8[%swap3A], %add3A {strides = array<i32>} : memref<640xf32, #tpu.memory_space<vmem>>, vector<16xf32>,
      }
      %scan3A_132 = arith.constant 40 : i32
      %run_scoped3A_133 = arith.constant 13 : i32
      "tpu.region"() ({
        %run_scoped3A_154 = tpu.sem_alloc : memref<!tpu.dma_semaphore, #tpu.memory_space<semaphore_mem>>
        %dma_start3A_155 = tpu.memref_slice %arg10[%run_scoped3A_133, %mul3A_48] : memref<16x10240xf32, #tpu.memory_space<vmem_shared>> -> memref<1x640xf32, #tpu.memory_space<vmem_shared>>
        %dma_start3A_156 = tpu.memref_squeeze %dma_start3A_155 : memref<1x640xf32, #tpu.memory_space<vmem_shared>> -> memref<640xf32, #tpu.memory_space<vmem_shared>>
        %dma_start3A_157 = tpu.memref_slice %arg10[%run_scoped3A_133, %mul3A_48] : memref<16x10240xf32, #tpu.memory_space<vmem_shared>> -> memref<1x640xf32, #tpu.memory_space<vmem_shared>>
        %dma_start3A_158 = tpu.memref_squeeze %dma_start3A_157 : memref<1x640xf32, #tpu.memory_space<vmem_shared>> -> memref<640xf32, #tpu.memory_space<vmem_shared>>
        tpu.enqueue_dma source(%dma_start3A_158 : memref<640xf32, #tpu.memory_space<vmem_shared>>) target(%arg9 : memref<640xf32, #tpu.memory_space<vmem>>) target_semaphore(%run_scoped3A_154 : memref<!tpu.dma_semaphore, #tpu.memory_space<semaphore_mem>>)
        %dma_wait3A = tpu.memref_slice %arg10[%run_scoped3A_133, %mul3A_48] : memref<16x10240xf32, #tpu.memory_space<vmem_shared>> -> memref<1x640xf32, #tpu.memory_space<vmem_shared>>
        %dma_wait3A_159 = tpu.memref_squeeze %dma_wait3A : memref<1x640xf32, #tpu.memory_space<vmem_shared>> -> memref<640xf32, #tpu.memory_space<vmem_shared>>
        %dma_wait3A_160 = tpu.memref_slice %arg10[%run_scoped3A_133, %mul3A_48] : memref<16x10240xf32, #tpu.memory_space<vmem_shared>> -> memref<1x640xf32, #tpu.memory_space<vmem_shared>>
        %dma_wait3A_161 = tpu.memref_squeeze %dma_wait3A_160 : memref<1x640xf32, #tpu.memory_space<vmem_shared>> -> memref<640xf32, #tpu.memory_space<vmem_shared>>
        tpu.wait_dma2 semaphore(%run_scoped3A_154 : memref<!tpu.dma_semaphore, #tpu.memory_space<semaphore_mem>>) src(%dma_wait3A_161 : memref<640xf32, #tpu.memory_space<vmem_shared>>) dst(%arg9 : memref<640xf32, #tpu.memory_space<vmem>>)
        tpu.yield
      }) : () -> ()
      %scan3A_134 = arith.constant 0 : i32
      %scan3A_135 = arith.constant 0 : i32
      %scan3A_136 = arith.constant 40 : i32
      %scan3A_137 = arith.addi %scan3A_135, %scan3A_136 : i32
      %scan3A_138 = arith.constant 1 : i32
      scf.for %scan3A_154 = %scan3A_135 to %scan3A_137 step %scan3A_138  : i32 {
        %mul3A_155 = arith.constant 16 : i32
        %mul3A_156 = arith.muli %scan3A_154, %mul3A_155 : i32
        %get3A = arith.index_cast %mul3A_156 : i32 to index
        %get3A_157 = tpu.vector_load %arg8[%get3A] {strides = array<i32>} : memref<640xf32, #tpu.memory_space<vmem>>, vector<16xf32>,
        %mul3A_158 = arith.constant 16 : i32
        %mul3A_159 = arith.muli %scan3A_154, %mul3A_158 : i32
        %get3A_160 = arith.index_cast %mul3A_159 : i32 to index
        %get3A_161 = tpu.vector_load %arg9[%get3A_160] {strides = array<i32>} : memref<640xf32, #tpu.memory_space<vmem>>, vector<16xf32>,
        %add3A = arith.addf %get3A_157, %get3A_161 : vector<16xf32>
        %mul3A_162 = arith.constant 16 : i32
        %mul3A_163 = arith.muli %scan3A_154, %mul3A_162 : i32
        %swap3A = arith.index_cast %mul3A_163 : i32 to index
        %swap3A_164 = tpu.vector_load %arg8[%swap3A] {strides = array<i32>} : memref<640xf32, #tpu.memory_space<vmem>>, vector<16xf32>,
        tpu.vector_store %arg8[%swap3A], %add3A {strides = array<i32>} : memref<640xf32, #tpu.memory_space<vmem>>, vector<16xf32>,
      }
      %scan3A_139 = arith.constant 40 : i32
      %run_scoped3A_140 = arith.constant 14 : i32
      "tpu.region"() ({
        %run_scoped3A_154 = tpu.sem_alloc : memref<!tpu.dma_semaphore, #tpu.memory_space<semaphore_mem>>
        %dma_start3A_155 = tpu.memref_slice %arg10[%run_scoped3A_140, %mul3A_48] : memref<16x10240xf32, #tpu.memory_space<vmem_shared>> -> memref<1x640xf32, #tpu.memory_space<vmem_shared>>
        %dma_start3A_156 = tpu.memref_squeeze %dma_start3A_155 : memref<1x640xf32, #tpu.memory_space<vmem_shared>> -> memref<640xf32, #tpu.memory_space<vmem_shared>>
        %dma_start3A_157 = tpu.memref_slice %arg10[%run_scoped3A_140, %mul3A_48] : memref<16x10240xf32, #tpu.memory_space<vmem_shared>> -> memref<1x640xf32, #tpu.memory_space<vmem_shared>>
        %dma_start3A_158 = tpu.memref_squeeze %dma_start3A_157 : memref<1x640xf32, #tpu.memory_space<vmem_shared>> -> memref<640xf32, #tpu.memory_space<vmem_shared>>
        tpu.enqueue_dma source(%dma_start3A_158 : memref<640xf32, #tpu.memory_space<vmem_shared>>) target(%arg9 : memref<640xf32, #tpu.memory_space<vmem>>) target_semaphore(%run_scoped3A_154 : memref<!tpu.dma_semaphore, #tpu.memory_space<semaphore_mem>>)
        %dma_wait3A = tpu.memref_slice %arg10[%run_scoped3A_140, %mul3A_48] : memref<16x10240xf32, #tpu.memory_space<vmem_shared>> -> memref<1x640xf32, #tpu.memory_space<vmem_shared>>
        %dma_wait3A_159 = tpu.memref_squeeze %dma_wait3A : memref<1x640xf32, #tpu.memory_space<vmem_shared>> -> memref<640xf32, #tpu.memory_space<vmem_shared>>
        %dma_wait3A_160 = tpu.memref_slice %arg10[%run_scoped3A_140, %mul3A_48] : memref<16x10240xf32, #tpu.memory_space<vmem_shared>> -> memref<1x640xf32, #tpu.memory_space<vmem_shared>>
        %dma_wait3A_161 = tpu.memref_squeeze %dma_wait3A_160 : memref<1x640xf32, #tpu.memory_space<vmem_shared>> -> memref<640xf32, #tpu.memory_space<vmem_shared>>
        tpu.wait_dma2 semaphore(%run_scoped3A_154 : memref<!tpu.dma_semaphore, #tpu.memory_space<semaphore_mem>>) src(%dma_wait3A_161 : memref<640xf32, #tpu.memory_space<vmem_shared>>) dst(%arg9 : memref<640xf32, #tpu.memory_space<vmem>>)
        tpu.yield
      }) : () -> ()
      %scan3A_141 = arith.constant 0 : i32
      %scan3A_142 = arith.constant 0 : i32
      %scan3A_143 = arith.constant 40 : i32
      %scan3A_144 = arith.addi %scan3A_142, %scan3A_143 : i32
      %scan3A_145 = arith.constant 1 : i32
      scf.for %scan3A_154 = %scan3A_142 to %scan3A_144 step %scan3A_145  : i32 {
        %mul3A_155 = arith.constant 16 : i32
        %mul3A_156 = arith.muli %scan3A_154, %mul3A_155 : i32
        %get3A = arith.index_cast %mul3A_156 : i32 to index
        %get3A_157 = tpu.vector_load %arg8[%get3A] {strides = array<i32>} : memref<640xf32, #tpu.memory_space<vmem>>, vector<16xf32>,
        %mul3A_158 = arith.constant 16 : i32
        %mul3A_159 = arith.muli %scan3A_154, %mul3A_158 : i32
        %get3A_160 = arith.index_cast %mul3A_159 : i32 to index
        %get3A_161 = tpu.vector_load %arg9[%get3A_160] {strides = array<i32>} : memref<640xf32, #tpu.memory_space<vmem>>, vector<16xf32>,
        %add3A = arith.addf %get3A_157, %get3A_161 : vector<16xf32>
        %mul3A_162 = arith.constant 16 : i32
        %mul3A_163 = arith.muli %scan3A_154, %mul3A_162 : i32
        %swap3A = arith.index_cast %mul3A_163 : i32 to index
        %swap3A_164 = tpu.vector_load %arg8[%swap3A] {strides = array<i32>} : memref<640xf32, #tpu.memory_space<vmem>>, vector<16xf32>,
        tpu.vector_store %arg8[%swap3A], %add3A {strides = array<i32>} : memref<640xf32, #tpu.memory_space<vmem>>, vector<16xf32>,
      }
      %scan3A_146 = arith.constant 40 : i32
      %run_scoped3A_147 = arith.constant 15 : i32
      "tpu.region"() ({
        %run_scoped3A_154 = tpu.sem_alloc : memref<!tpu.dma_semaphore, #tpu.memory_space<semaphore_mem>>
        %dma_start3A_155 = tpu.memref_slice %arg10[%run_scoped3A_147, %mul3A_48] : memref<16x10240xf32, #tpu.memory_space<vmem_shared>> -> memref<1x640xf32, #tpu.memory_space<vmem_shared>>
        %dma_start3A_156 = tpu.memref_squeeze %dma_start3A_155 : memref<1x640xf32, #tpu.memory_space<vmem_shared>> -> memref<640xf32, #tpu.memory_space<vmem_shared>>
        %dma_start3A_157 = tpu.memref_slice %arg10[%run_scoped3A_147, %mul3A_48] : memref<16x10240xf32, #tpu.memory_space<vmem_shared>> -> memref<1x640xf32, #tpu.memory_space<vmem_shared>>
        %dma_start3A_158 = tpu.memref_squeeze %dma_start3A_157 : memref<1x640xf32, #tpu.memory_space<vmem_shared>> -> memref<640xf32, #tpu.memory_space<vmem_shared>>
        tpu.enqueue_dma source(%dma_start3A_158 : memref<640xf32, #tpu.memory_space<vmem_shared>>) target(%arg9 : memref<640xf32, #tpu.memory_space<vmem>>) target_semaphore(%run_scoped3A_154 : memref<!tpu.dma_semaphore, #tpu.memory_space<semaphore_mem>>)
        %dma_wait3A = tpu.memref_slice %arg10[%run_scoped3A_147, %mul3A_48] : memref<16x10240xf32, #tpu.memory_space<vmem_shared>> -> memref<1x640xf32, #tpu.memory_space<vmem_shared>>
        %dma_wait3A_159 = tpu.memref_squeeze %dma_wait3A : memref<1x640xf32, #tpu.memory_space<vmem_shared>> -> memref<640xf32, #tpu.memory_space<vmem_shared>>
        %dma_wait3A_160 = tpu.memref_slice %arg10[%run_scoped3A_147, %mul3A_48] : memref<16x10240xf32, #tpu.memory_space<vmem_shared>> -> memref<1x640xf32, #tpu.memory_space<vmem_shared>>
        %dma_wait3A_161 = tpu.memref_squeeze %dma_wait3A_160 : memref<1x640xf32, #tpu.memory_space<vmem_shared>> -> memref<640xf32, #tpu.memory_space<vmem_shared>>
        tpu.wait_dma2 semaphore(%run_scoped3A_154 : memref<!tpu.dma_semaphore, #tpu.memory_space<semaphore_mem>>) src(%dma_wait3A_161 : memref<640xf32, #tpu.memory_space<vmem_shared>>) dst(%arg9 : memref<640xf32, #tpu.memory_space<vmem>>)
        tpu.yield
      }) : () -> ()
      %scan3A_148 = arith.constant 0 : i32
      %scan3A_149 = arith.constant 0 : i32
      %scan3A_150 = arith.constant 40 : i32
      %scan3A_151 = arith.addi %scan3A_149, %scan3A_150 : i32
      %scan3A_152 = arith.constant 1 : i32
      scf.for %scan3A_154 = %scan3A_149 to %scan3A_151 step %scan3A_152  : i32 {
        %mul3A_155 = arith.constant 16 : i32
        %mul3A_156 = arith.muli %scan3A_154, %mul3A_155 : i32
        %get3A = arith.index_cast %mul3A_156 : i32 to index
        %get3A_157 = tpu.vector_load %arg8[%get3A] {strides = array<i32>} : memref<640xf32, #tpu.memory_space<vmem>>, vector<16xf32>,
        %mul3A_158 = arith.constant 16 : i32
        %mul3A_159 = arith.muli %scan3A_154, %mul3A_158 : i32
        %get3A_160 = arith.index_cast %mul3A_159 : i32 to index
        %get3A_161 = tpu.vector_load %arg9[%get3A_160] {strides = array<i32>} : memref<640xf32, #tpu.memory_space<vmem>>, vector<16xf32>,
        %add3A = arith.addf %get3A_157, %get3A_161 : vector<16xf32>
        %mul3A_162 = arith.constant 16 : i32
        %mul3A_163 = arith.muli %scan3A_154, %mul3A_162 : i32
        %swap3A = arith.index_cast %mul3A_163 : i32 to index
        %swap3A_164 = tpu.vector_load %arg8[%swap3A] {strides = array<i32>} : memref<640xf32, #tpu.memory_space<vmem>>, vector<16xf32>,
        tpu.vector_store %arg8[%swap3A], %add3A {strides = array<i32>} : memref<640xf32, #tpu.memory_space<vmem>>, vector<16xf32>,
      }
      %scan3A_153 = arith.constant 40 : i32
      "tpu.region"() ({
        %run_scoped3A_154 = tpu.sem_alloc : memref<!tpu.dma_semaphore, #tpu.memory_space<semaphore_mem>>
        %dma_start3A_155 = tpu.memref_slice %arg5[%mul3A_48] : memref<10240xf32, #tpu.memory_space<hbm>> -> memref<640xf32, #tpu.memory_space<hbm>>
        %dma_start3A_156 = tpu.memref_slice %arg5[%mul3A_48] : memref<10240xf32, #tpu.memory_space<hbm>> -> memref<640xf32, #tpu.memory_space<hbm>>
        tpu.enqueue_dma source(%arg8 : memref<640xf32, #tpu.memory_space<vmem>>) target(%dma_start3A_156 : memref<640xf32, #tpu.memory_space<hbm>>) target_semaphore(%run_scoped3A_154 : memref<!tpu.dma_semaphore, #tpu.memory_space<semaphore_mem>>)
        %dma_wait3A = tpu.memref_slice %arg5[%mul3A_48] : memref<10240xf32, #tpu.memory_space<hbm>> -> memref<640xf32, #tpu.memory_space<hbm>>
        %dma_wait3A_157 = tpu.memref_slice %arg5[%mul3A_48] : memref<10240xf32, #tpu.memory_space<hbm>> -> memref<640xf32, #tpu.memory_space<hbm>>
        tpu.wait_dma2 semaphore(%run_scoped3A_154 : memref<!tpu.dma_semaphore, #tpu.memory_space<semaphore_mem>>) src(%arg8 : memref<640xf32, #tpu.memory_space<vmem>>) dst(%dma_wait3A_157 : memref<640xf32, #tpu.memory_space<hbm>>)
        tpu.yield
      }) : () -> ()
    } else {
    }
    return
  }
}

#map = affine_map<(d0, d1) -> (0, 0)>
#map1 = affine_map<(d0, d1) -> (0, 0, 0)>
module attributes {stable_mosaic.version = 14 : i64} {
  func.func @agg_kernel(%arg0: i32, %arg1: i32, %arg2: memref<10240x128xf32, #tpu.memory_space<hbm>>, %arg3: memref<10240x128xf32, #tpu.memory_space<hbm>>, %arg4: memref<10240x128xf32, #tpu.memory_space<hbm>>, %arg5: memref<640x4x128xi32, #tpu.memory_space<hbm>>, %arg6: memref<640x4x128xi32, #tpu.memory_space<hbm>>, %arg7: memref<10240x128xf32, #tpu.memory_space<hbm>>, %arg8: memref<10240x128xf32, #tpu.memory_space<hbm>>, %arg9: memref<2x4x128xi32, #tpu.memory_space<vmem>>, %arg10: memref<2x4x128xi32, #tpu.memory_space<vmem>>, %arg11: memref<2x128x128xf32, #tpu.memory_space<vmem>>, %arg12: memref<10240x128xf32, #tpu.memory_space<vmem_shared>>, %arg13: memref<!tpu.dma_semaphore, #tpu.memory_space<semaphore_mem>>, %arg14: memref<!tpu.dma_semaphore, #tpu.memory_space<semaphore_mem>>, %arg15: memref<!tpu.dma_semaphore, #tpu.memory_space<semaphore_mem>>, %arg16: memref<!tpu.dma_semaphore, #tpu.memory_space<semaphore_mem>>) attributes {dimension_semantics = [#tpu.dimension_semantics<core_parallel>, #tpu.dimension_semantics<subcore_parallel>], iteration_bounds = array<i64: 2, 16>, scalar_prefetch = 0 : i64, scratch_operands = 8 : i64, tpu.core_type = #tpu.core_type<sc_vector_subcore>, window_params = [{transform_indices = #map}, {transform_indices = #map}, {transform_indices = #map}, {transform_indices = #map1}, {transform_indices = #map1}, {transform_indices = #map}, {transform_indices = #map}]} {
    %mul3A = arith.constant 640 : i32
    %mul3A_0 = arith.muli %arg1, %mul3A : i32
    "tpu.region"() ({
      %run_scoped3A = tpu.sem_alloc : memref<!tpu.dma_semaphore, #tpu.memory_space<semaphore_mem>>
      %dma_start3A = arith.constant 0 : i32
      %dma_start3A_8 = tpu.memref_slice %arg12[%mul3A_0, %dma_start3A] : memref<10240x128xf32, #tpu.memory_space<vmem_shared>> -> memref<640x128xf32, #tpu.memory_space<vmem_shared>>
      %dma_start3A_9 = arith.constant 0 : i32
      %dma_start3A_10 = tpu.memref_slice %arg2[%mul3A_0, %dma_start3A_9] : memref<10240x128xf32, #tpu.memory_space<hbm>> -> memref<640x128xf32, #tpu.memory_space<hbm>>
      tpu.enqueue_dma source(%dma_start3A_10 : memref<640x128xf32, #tpu.memory_space<hbm>>) target(%dma_start3A_8 : memref<640x128xf32, #tpu.memory_space<vmem_shared>>) target_semaphore(%run_scoped3A : memref<!tpu.dma_semaphore, #tpu.memory_space<semaphore_mem>>)
      %dma_wait3A = arith.constant 0 : i32
      %dma_wait3A_11 = tpu.memref_slice %arg12[%mul3A_0, %dma_wait3A] : memref<10240x128xf32, #tpu.memory_space<vmem_shared>> -> memref<640x128xf32, #tpu.memory_space<vmem_shared>>
      %dma_wait3A_12 = arith.constant 0 : i32
      %dma_wait3A_13 = tpu.memref_slice %arg2[%mul3A_0, %dma_wait3A_12] : memref<10240x128xf32, #tpu.memory_space<hbm>> -> memref<640x128xf32, #tpu.memory_space<hbm>>
      tpu.wait_dma2 semaphore(%run_scoped3A : memref<!tpu.dma_semaphore, #tpu.memory_space<semaphore_mem>>) src(%dma_wait3A_13 : memref<640x128xf32, #tpu.memory_space<hbm>>) dst(%dma_wait3A_11 : memref<640x128xf32, #tpu.memory_space<vmem_shared>>)
      tpu.yield
    }) : () -> ()
    %barrier3A = arith.constant 0 : index
    tpu.barrier barrier_id(%barrier3A)
    %eq3A = arith.constant 0 : i32
    %eq3A_1 = arith.cmpi eq, %arg0, %eq3A : i32
    %convert_element_type3A = arith.extui %eq3A_1 : i1 to i32
    %cond3A = arith.constant 0 : i32
    %cond3A_2 = arith.cmpi ne, %convert_element_type3A, %cond3A : i32
    scf.if %cond3A_2 {
      %mul3A_8 = arith.constant 40 : i32
      %mul3A_9 = arith.muli %arg1, %mul3A_8 : i32
      %run_scoped3A = arith.constant 0 : i32
      "tpu.region"() ({
        %run_scoped3A_79 = tpu.sem_alloc : memref<!tpu.dma_semaphore, #tpu.memory_space<semaphore_mem>>
        %dma_start3A_80 = arith.constant 0 : i32
        %dma_start3A_81 = arith.constant 0 : i32
        %dma_start3A_82 = tpu.memref_slice %arg9[%run_scoped3A, %dma_start3A_80, %dma_start3A_81] : memref<2x4x128xi32, #tpu.memory_space<vmem>> -> memref<1x4x128xi32, #tpu.memory_space<vmem>>
        %dma_start3A_83 = tpu.memref_squeeze %dma_start3A_82 : memref<1x4x128xi32, #tpu.memory_space<vmem>> -> memref<4x128xi32, #tpu.memory_space<vmem>>
        %dma_start3A_84 = arith.constant 0 : i32
        %dma_start3A_85 = arith.constant 0 : i32
        %dma_start3A_86 = tpu.memref_slice %arg6[%mul3A_9, %dma_start3A_84, %dma_start3A_85] : memref<640x4x128xi32, #tpu.memory_space<hbm>> -> memref<1x4x128xi32, #tpu.memory_space<hbm>>
        %dma_start3A_87 = tpu.memref_squeeze %dma_start3A_86 : memref<1x4x128xi32, #tpu.memory_space<hbm>> -> memref<4x128xi32, #tpu.memory_space<hbm>>
        %dma_start3A_88 = arith.constant 0 : i32
        %dma_start3A_89 = arith.constant 0 : i32
        %dma_start3A_90 = tpu.memref_slice %arg9[%run_scoped3A, %dma_start3A_88, %dma_start3A_89] : memref<2x4x128xi32, #tpu.memory_space<vmem>> -> memref<1x4x128xi32, #tpu.memory_space<vmem>>
        %dma_start3A_91 = tpu.memref_squeeze %dma_start3A_90 : memref<1x4x128xi32, #tpu.memory_space<vmem>> -> memref<4x128xi32, #tpu.memory_space<vmem>>
        %dma_start3A_92 = arith.constant 0 : i32
        %dma_start3A_93 = arith.constant 0 : i32
        %dma_start3A_94 = tpu.memref_slice %arg6[%mul3A_9, %dma_start3A_92, %dma_start3A_93] : memref<640x4x128xi32, #tpu.memory_space<hbm>> -> memref<1x4x128xi32, #tpu.memory_space<hbm>>
        %dma_start3A_95 = tpu.memref_squeeze %dma_start3A_94 : memref<1x4x128xi32, #tpu.memory_space<hbm>> -> memref<4x128xi32, #tpu.memory_space<hbm>>
        tpu.enqueue_dma source(%dma_start3A_95 : memref<4x128xi32, #tpu.memory_space<hbm>>) target(%dma_start3A_91 : memref<4x128xi32, #tpu.memory_space<vmem>>) target_semaphore(%run_scoped3A_79 : memref<!tpu.dma_semaphore, #tpu.memory_space<semaphore_mem>>)
        %dma_wait3A = arith.constant 0 : i32
        %dma_wait3A_96 = arith.constant 0 : i32
        %dma_wait3A_97 = tpu.memref_slice %arg9[%run_scoped3A, %dma_wait3A, %dma_wait3A_96] : memref<2x4x128xi32, #tpu.memory_space<vmem>> -> memref<1x4x128xi32, #tpu.memory_space<vmem>>
        %dma_wait3A_98 = tpu.memref_squeeze %dma_wait3A_97 : memref<1x4x128xi32, #tpu.memory_space<vmem>> -> memref<4x128xi32, #tpu.memory_space<vmem>>
        %dma_wait3A_99 = arith.constant 0 : i32
        %dma_wait3A_100 = arith.constant 0 : i32
        %dma_wait3A_101 = tpu.memref_slice %arg6[%mul3A_9, %dma_wait3A_99, %dma_wait3A_100] : memref<640x4x128xi32, #tpu.memory_space<hbm>> -> memref<1x4x128xi32, #tpu.memory_space<hbm>>
        %dma_wait3A_102 = tpu.memref_squeeze %dma_wait3A_101 : memref<1x4x128xi32, #tpu.memory_space<hbm>> -> memref<4x128xi32, #tpu.memory_space<hbm>>
        %dma_wait3A_103 = arith.constant 0 : i32
        %dma_wait3A_104 = arith.constant 0 : i32
        %dma_wait3A_105 = tpu.memref_slice %arg9[%run_scoped3A, %dma_wait3A_103, %dma_wait3A_104] : memref<2x4x128xi32, #tpu.memory_space<vmem>> -> memref<1x4x128xi32, #tpu.memory_space<vmem>>
        %dma_wait3A_106 = tpu.memref_squeeze %dma_wait3A_105 : memref<1x4x128xi32, #tpu.memory_space<vmem>> -> memref<4x128xi32, #tpu.memory_space<vmem>>
        %dma_wait3A_107 = arith.constant 0 : i32
        %dma_wait3A_108 = arith.constant 0 : i32
        %dma_wait3A_109 = tpu.memref_slice %arg6[%mul3A_9, %dma_wait3A_107, %dma_wait3A_108] : memref<640x4x128xi32, #tpu.memory_space<hbm>> -> memref<1x4x128xi32, #tpu.memory_space<hbm>>
        %dma_wait3A_110 = tpu.memref_squeeze %dma_wait3A_109 : memref<1x4x128xi32, #tpu.memory_space<hbm>> -> memref<4x128xi32, #tpu.memory_space<hbm>>
        tpu.wait_dma2 semaphore(%run_scoped3A_79 : memref<!tpu.dma_semaphore, #tpu.memory_space<semaphore_mem>>) src(%dma_wait3A_110 : memref<4x128xi32, #tpu.memory_space<hbm>>) dst(%dma_wait3A_106 : memref<4x128xi32, #tpu.memory_space<vmem>>)
        tpu.yield
      }) : () -> ()
      %run_scoped3A_10 = arith.constant 0 : i32
      "tpu.region"() ({
        %run_scoped3A_79 = tpu.sem_alloc : memref<!tpu.dma_semaphore, #tpu.memory_space<semaphore_mem>>
        %dma_start3A_80 = arith.constant 0 : i32
        %dma_start3A_81 = arith.constant 0 : i32
        %dma_start3A_82 = tpu.memref_slice %arg10[%run_scoped3A_10, %dma_start3A_80, %dma_start3A_81] : memref<2x4x128xi32, #tpu.memory_space<vmem>> -> memref<1x4x128xi32, #tpu.memory_space<vmem>>
        %dma_start3A_83 = tpu.memref_squeeze %dma_start3A_82 : memref<1x4x128xi32, #tpu.memory_space<vmem>> -> memref<4x128xi32, #tpu.memory_space<vmem>>
        %dma_start3A_84 = arith.constant 0 : i32
        %dma_start3A_85 = arith.constant 0 : i32
        %dma_start3A_86 = tpu.memref_slice %arg5[%mul3A_9, %dma_start3A_84, %dma_start3A_85] : memref<640x4x128xi32, #tpu.memory_space<hbm>> -> memref<1x4x128xi32, #tpu.memory_space<hbm>>
        %dma_start3A_87 = tpu.memref_squeeze %dma_start3A_86 : memref<1x4x128xi32, #tpu.memory_space<hbm>> -> memref<4x128xi32, #tpu.memory_space<hbm>>
        %dma_start3A_88 = arith.constant 0 : i32
        %dma_start3A_89 = arith.constant 0 : i32
        %dma_start3A_90 = tpu.memref_slice %arg10[%run_scoped3A_10, %dma_start3A_88, %dma_start3A_89] : memref<2x4x128xi32, #tpu.memory_space<vmem>> -> memref<1x4x128xi32, #tpu.memory_space<vmem>>
        %dma_start3A_91 = tpu.memref_squeeze %dma_start3A_90 : memref<1x4x128xi32, #tpu.memory_space<vmem>> -> memref<4x128xi32, #tpu.memory_space<vmem>>
        %dma_start3A_92 = arith.constant 0 : i32
        %dma_start3A_93 = arith.constant 0 : i32
        %dma_start3A_94 = tpu.memref_slice %arg5[%mul3A_9, %dma_start3A_92, %dma_start3A_93] : memref<640x4x128xi32, #tpu.memory_space<hbm>> -> memref<1x4x128xi32, #tpu.memory_space<hbm>>
        %dma_start3A_95 = tpu.memref_squeeze %dma_start3A_94 : memref<1x4x128xi32, #tpu.memory_space<hbm>> -> memref<4x128xi32, #tpu.memory_space<hbm>>
        tpu.enqueue_dma source(%dma_start3A_95 : memref<4x128xi32, #tpu.memory_space<hbm>>) target(%dma_start3A_91 : memref<4x128xi32, #tpu.memory_space<vmem>>) target_semaphore(%run_scoped3A_79 : memref<!tpu.dma_semaphore, #tpu.memory_space<semaphore_mem>>)
        %dma_wait3A = arith.constant 0 : i32
        %dma_wait3A_96 = arith.constant 0 : i32
        %dma_wait3A_97 = tpu.memref_slice %arg10[%run_scoped3A_10, %dma_wait3A, %dma_wait3A_96] : memref<2x4x128xi32, #tpu.memory_space<vmem>> -> memref<1x4x128xi32, #tpu.memory_space<vmem>>
        %dma_wait3A_98 = tpu.memref_squeeze %dma_wait3A_97 : memref<1x4x128xi32, #tpu.memory_space<vmem>> -> memref<4x128xi32, #tpu.memory_space<vmem>>
        %dma_wait3A_99 = arith.constant 0 : i32
        %dma_wait3A_100 = arith.constant 0 : i32
        %dma_wait3A_101 = tpu.memref_slice %arg5[%mul3A_9, %dma_wait3A_99, %dma_wait3A_100] : memref<640x4x128xi32, #tpu.memory_space<hbm>> -> memref<1x4x128xi32, #tpu.memory_space<hbm>>
        %dma_wait3A_102 = tpu.memref_squeeze %dma_wait3A_101 : memref<1x4x128xi32, #tpu.memory_space<hbm>> -> memref<4x128xi32, #tpu.memory_space<hbm>>
        %dma_wait3A_103 = arith.constant 0 : i32
        %dma_wait3A_104 = arith.constant 0 : i32
        %dma_wait3A_105 = tpu.memref_slice %arg10[%run_scoped3A_10, %dma_wait3A_103, %dma_wait3A_104] : memref<2x4x128xi32, #tpu.memory_space<vmem>> -> memref<1x4x128xi32, #tpu.memory_space<vmem>>
        %dma_wait3A_106 = tpu.memref_squeeze %dma_wait3A_105 : memref<1x4x128xi32, #tpu.memory_space<vmem>> -> memref<4x128xi32, #tpu.memory_space<vmem>>
        %dma_wait3A_107 = arith.constant 0 : i32
        %dma_wait3A_108 = arith.constant 0 : i32
        %dma_wait3A_109 = tpu.memref_slice %arg5[%mul3A_9, %dma_wait3A_107, %dma_wait3A_108] : memref<640x4x128xi32, #tpu.memory_space<hbm>> -> memref<1x4x128xi32, #tpu.memory_space<hbm>>
        %dma_wait3A_110 = tpu.memref_squeeze %dma_wait3A_109 : memref<1x4x128xi32, #tpu.memory_space<hbm>> -> memref<4x128xi32, #tpu.memory_space<hbm>>
        tpu.wait_dma2 semaphore(%run_scoped3A_79 : memref<!tpu.dma_semaphore, #tpu.memory_space<semaphore_mem>>) src(%dma_wait3A_110 : memref<4x128xi32, #tpu.memory_space<hbm>>) dst(%dma_wait3A_106 : memref<4x128xi32, #tpu.memory_space<vmem>>)
        tpu.yield
      }) : () -> ()
      %add3A = arith.constant 1 : i32
      %add3A_11 = arith.addi %mul3A_9, %add3A : i32
      %dma_start3A = arith.constant 1 : i32
      %dma_start3A_12 = arith.constant 0 : i32
      %dma_start3A_13 = arith.constant 0 : i32
      %dma_start3A_14 = tpu.memref_slice %arg9[%dma_start3A, %dma_start3A_12, %dma_start3A_13] : memref<2x4x128xi32, #tpu.memory_space<vmem>> -> memref<1x4x128xi32, #tpu.memory_space<vmem>>
      %dma_start3A_15 = tpu.memref_squeeze %dma_start3A_14 : memref<1x4x128xi32, #tpu.memory_space<vmem>> -> memref<4x128xi32, #tpu.memory_space<vmem>>
      %dma_start3A_16 = arith.constant 0 : i32
      %dma_start3A_17 = arith.constant 0 : i32
      %dma_start3A_18 = tpu.memref_slice %arg6[%add3A_11, %dma_start3A_16, %dma_start3A_17] : memref<640x4x128xi32, #tpu.memory_space<hbm>> -> memref<1x4x128xi32, #tpu.memory_space<hbm>>
      %dma_start3A_19 = tpu.memref_squeeze %dma_start3A_18 : memref<1x4x128xi32, #tpu.memory_space<hbm>> -> memref<4x128xi32, #tpu.memory_space<hbm>>
      %dma_start3A_20 = arith.constant 0 : i32
      %dma_start3A_21 = arith.constant 0 : i32
      %dma_start3A_22 = tpu.memref_slice %arg9[%dma_start3A, %dma_start3A_20, %dma_start3A_21] : memref<2x4x128xi32, #tpu.memory_space<vmem>> -> memref<1x4x128xi32, #tpu.memory_space<vmem>>
      %dma_start3A_23 = tpu.memref_squeeze %dma_start3A_22 : memref<1x4x128xi32, #tpu.memory_space<vmem>> -> memref<4x128xi32, #tpu.memory_space<vmem>>
      %dma_start3A_24 = arith.constant 0 : i32
      %dma_start3A_25 = arith.constant 0 : i32
      %dma_start3A_26 = tpu.memref_slice %arg6[%add3A_11, %dma_start3A_24, %dma_start3A_25] : memref<640x4x128xi32, #tpu.memory_space<hbm>> -> memref<1x4x128xi32, #tpu.memory_space<hbm>>
      %dma_start3A_27 = tpu.memref_squeeze %dma_start3A_26 : memref<1x4x128xi32, #tpu.memory_space<hbm>> -> memref<4x128xi32, #tpu.memory_space<hbm>>
      tpu.enqueue_dma source(%dma_start3A_27 : memref<4x128xi32, #tpu.memory_space<hbm>>) target(%dma_start3A_23 : memref<4x128xi32, #tpu.memory_space<vmem>>) target_semaphore(%arg14 : memref<!tpu.dma_semaphore, #tpu.memory_space<semaphore_mem>>)
      %add3A_28 = arith.constant 1 : i32
      %add3A_29 = arith.addi %mul3A_9, %add3A_28 : i32
      %dma_start3A_30 = arith.constant 1 : i32
      %dma_start3A_31 = arith.constant 0 : i32
      %dma_start3A_32 = arith.constant 0 : i32
      %dma_start3A_33 = tpu.memref_slice %arg10[%dma_start3A_30, %dma_start3A_31, %dma_start3A_32] : memref<2x4x128xi32, #tpu.memory_space<vmem>> -> memref<1x4x128xi32, #tpu.memory_space<vmem>>
      %dma_start3A_34 = tpu.memref_squeeze %dma_start3A_33 : memref<1x4x128xi32, #tpu.memory_space<vmem>> -> memref<4x128xi32, #tpu.memory_space<vmem>>
      %dma_start3A_35 = arith.constant 0 : i32
      %dma_start3A_36 = arith.constant 0 : i32
      %dma_start3A_37 = tpu.memref_slice %arg5[%add3A_29, %dma_start3A_35, %dma_start3A_36] : memref<640x4x128xi32, #tpu.memory_space<hbm>> -> memref<1x4x128xi32, #tpu.memory_space<hbm>>
      %dma_start3A_38 = tpu.memref_squeeze %dma_start3A_37 : memref<1x4x128xi32, #tpu.memory_space<hbm>> -> memref<4x128xi32, #tpu.memory_space<hbm>>
      %dma_start3A_39 = arith.constant 0 : i32
      %dma_start3A_40 = arith.constant 0 : i32
      %dma_start3A_41 = tpu.memref_slice %arg10[%dma_start3A_30, %dma_start3A_39, %dma_start3A_40] : memref<2x4x128xi32, #tpu.memory_space<vmem>> -> memref<1x4x128xi32, #tpu.memory_space<vmem>>
      %dma_start3A_42 = tpu.memref_squeeze %dma_start3A_41 : memref<1x4x128xi32, #tpu.memory_space<vmem>> -> memref<4x128xi32, #tpu.memory_space<vmem>>
      %dma_start3A_43 = arith.constant 0 : i32
      %dma_start3A_44 = arith.constant 0 : i32
      %dma_start3A_45 = tpu.memref_slice %arg5[%add3A_29, %dma_start3A_43, %dma_start3A_44] : memref<640x4x128xi32, #tpu.memory_space<hbm>> -> memref<1x4x128xi32, #tpu.memory_space<hbm>>
      %dma_start3A_46 = tpu.memref_squeeze %dma_start3A_45 : memref<1x4x128xi32, #tpu.memory_space<hbm>> -> memref<4x128xi32, #tpu.memory_space<hbm>>
      tpu.enqueue_dma source(%dma_start3A_46 : memref<4x128xi32, #tpu.memory_space<hbm>>) target(%dma_start3A_42 : memref<4x128xi32, #tpu.memory_space<vmem>>) target_semaphore(%arg14 : memref<!tpu.dma_semaphore, #tpu.memory_space<semaphore_mem>>)
      %dma_start3A_47 = arith.constant 0 : i32
      %dma_start3A_48 = arith.constant 0 : i32
      %dma_start3A_49 = arith.constant 0 : i32
      %dma_start3A_50 = arith.constant 0 : i32
      %dma_start3A_51 = arith.constant 0 : i32
      %dma_start3A_52 = tpu.memref_slice %arg11[%dma_start3A_49, %dma_start3A_50, %dma_start3A_51] : memref<2x128x128xf32, #tpu.memory_space<vmem>> -> memref<1x128x128xf32, #tpu.memory_space<vmem>>
      %dma_start3A_53 = tpu.memref_squeeze %dma_start3A_52 : memref<1x128x128xf32, #tpu.memory_space<vmem>> -> memref<128x128xf32, #tpu.memory_space<vmem>>
      %dma_start3A_54 = arith.constant 0 : i32
      %dma_start3A_55 = tpu.memref_slice %arg9[%dma_start3A_47, %dma_start3A_48, %dma_start3A_54] : memref<2x4x128xi32, #tpu.memory_space<vmem>> -> memref<1x1x128xi32, #tpu.memory_space<vmem>>
      %dma_start3A_56 = tpu.memref_squeeze %dma_start3A_55 : memref<1x1x128xi32, #tpu.memory_space<vmem>> -> memref<128xi32, #tpu.memory_space<vmem>>
      %dma_start3A_57 = arith.constant 0 : i32
      %dma_start3A_58 = arith.constant 0 : i32
      %dma_start3A_59 = tpu.memref_slice %arg3[%dma_start3A_57, %dma_start3A_58] : memref<10240x128xf32, #tpu.memory_space<hbm>> -> memref<10240x128xf32, #tpu.memory_space<hbm>>
      tpu.enqueue_indirect_dma source(%dma_start3A_59 : memref<10240x128xf32, #tpu.memory_space<hbm>>) target(%dma_start3A_53 : memref<128x128xf32, #tpu.memory_space<vmem>>) offsets(%dma_start3A_56 : memref<128xi32, #tpu.memory_space<vmem>>) semaphore(%arg15 : memref<!tpu.dma_semaphore, #tpu.memory_space<semaphore_mem>>)
      %dma_start3A_60 = arith.constant 0 : i32
      %dma_start3A_61 = arith.constant 1 : i32
      %dma_start3A_62 = arith.constant 1 : i32
      %dma_start3A_63 = arith.constant 0 : i32
      %dma_start3A_64 = arith.constant 0 : i32
      %dma_start3A_65 = tpu.memref_slice %arg11[%dma_start3A_62, %dma_start3A_63, %dma_start3A_64] : memref<2x128x128xf32, #tpu.memory_space<vmem>> -> memref<1x128x128xf32, #tpu.memory_space<vmem>>
      %dma_start3A_66 = tpu.memref_squeeze %dma_start3A_65 : memref<1x128x128xf32, #tpu.memory_space<vmem>> -> memref<128x128xf32, #tpu.memory_space<vmem>>
      %dma_start3A_67 = arith.constant 0 : i32
      %dma_start3A_68 = tpu.memref_slice %arg9[%dma_start3A_60, %dma_start3A_61, %dma_start3A_67] : memref<2x4x128xi32, #tpu.memory_space<vmem>> -> memref<1x1x128xi32, #tpu.memory_space<vmem>>
      %dma_start3A_69 = tpu.memref_squeeze %dma_start3A_68 : memref<1x1x128xi32, #tpu.memory_space<vmem>> -> memref<128xi32, #tpu.memory_space<vmem>>
      %dma_start3A_70 = arith.constant 0 : i32
      %dma_start3A_71 = arith.constant 0 : i32
      %dma_start3A_72 = tpu.memref_slice %arg3[%dma_start3A_70, %dma_start3A_71] : memref<10240x128xf32, #tpu.memory_space<hbm>> -> memref<10240x128xf32, #tpu.memory_space<hbm>>
      tpu.enqueue_indirect_dma source(%dma_start3A_72 : memref<10240x128xf32, #tpu.memory_space<hbm>>) target(%dma_start3A_66 : memref<128x128xf32, #tpu.memory_space<vmem>>) offsets(%dma_start3A_69 : memref<128xi32, #tpu.memory_space<vmem>>) semaphore(%arg16 : memref<!tpu.dma_semaphore, #tpu.memory_space<semaphore_mem>>)
      %scan3A = arith.constant 0 : i32
      %scan3A_73 = arith.constant 0 : i32
      %scan3A_74 = arith.constant 20 : i32
      %scan3A_75 = arith.addi %scan3A_73, %scan3A_74 : i32
      %scan3A_76 = arith.constant 1 : i32
      scf.for %scan3A_79 = %scan3A_73 to %scan3A_75 step %scan3A_76  : i32 {
        %lt3A = arith.constant 19 : i32
        %lt3A_80 = arith.cmpi slt, %scan3A_79, %lt3A : i32
        %dma_wait3A = arith.constant 0 : i32
        %dma_wait3A_81 = arith.constant 0 : i32
        %dma_wait3A_82 = arith.constant 0 : i32
        %dma_wait3A_83 = arith.constant 0 : i32
        %dma_wait3A_84 = arith.constant 0 : i32
        %dma_wait3A_85 = tpu.memref_slice %arg11[%dma_wait3A_82, %dma_wait3A_83, %dma_wait3A_84] : memref<2x128x128xf32, #tpu.memory_space<vmem>> -> memref<1x128x128xf32, #tpu.memory_space<vmem>>
        %dma_wait3A_86 = tpu.memref_squeeze %dma_wait3A_85 : memref<1x128x128xf32, #tpu.memory_space<vmem>> -> memref<128x128xf32, #tpu.memory_space<vmem>>
        %dma_wait3A_87 = arith.constant 0 : i32
        %dma_wait3A_88 = tpu.memref_slice %arg9[%dma_wait3A, %dma_wait3A_81, %dma_wait3A_87] : memref<2x4x128xi32, #tpu.memory_space<vmem>> -> memref<1x1x128xi32, #tpu.memory_space<vmem>>
        %dma_wait3A_89 = tpu.memref_squeeze %dma_wait3A_88 : memref<1x1x128xi32, #tpu.memory_space<vmem>> -> memref<128xi32, #tpu.memory_space<vmem>>
        %dma_wait3A_90 = arith.constant 0 : i32
        %dma_wait3A_91 = arith.constant 0 : i32
        %dma_wait3A_92 = tpu.memref_slice %arg3[%dma_wait3A_90, %dma_wait3A_91] : memref<10240x128xf32, #tpu.memory_space<hbm>> -> memref<10240x128xf32, #tpu.memory_space<hbm>>
        tpu.wait_indirect_dma semaphore(%arg15 : memref<!tpu.dma_semaphore, #tpu.memory_space<semaphore_mem>>) src(%dma_wait3A_92 : memref<10240x128xf32, #tpu.memory_space<hbm>>) dst(%dma_wait3A_86 : memref<128x128xf32, #tpu.memory_space<vmem>>)
        %run_scoped3A_93 = arith.constant 0 : i32
        %run_scoped3A_94 = arith.constant 0 : i32
        %run_scoped3A_95 = arith.constant 0 : i32
        "tpu.region"() ({
          %run_scoped3A_335 = tpu.sem_alloc : memref<!tpu.dma_semaphore, #tpu.memory_space<semaphore_mem>>
          %dma_start3A_336 = arith.constant 0 : i32
          %dma_start3A_337 = arith.constant 0 : i32
          %dma_start3A_338 = tpu.memref_slice %arg11[%run_scoped3A_93, %dma_start3A_336, %dma_start3A_337] : memref<2x128x128xf32, #tpu.memory_space<vmem>> -> memref<1x128x128xf32, #tpu.memory_space<vmem>>
          %dma_start3A_339 = tpu.memref_squeeze %dma_start3A_338 : memref<1x128x128xf32, #tpu.memory_space<vmem>> -> memref<128x128xf32, #tpu.memory_space<vmem>>
          %dma_start3A_340 = arith.constant 0 : i32
          %dma_start3A_341 = tpu.memref_slice %arg10[%run_scoped3A_94, %run_scoped3A_95, %dma_start3A_340] : memref<2x4x128xi32, #tpu.memory_space<vmem>> -> memref<1x1x128xi32, #tpu.memory_space<vmem>>
          %dma_start3A_342 = tpu.memref_squeeze %dma_start3A_341 : memref<1x1x128xi32, #tpu.memory_space<vmem>> -> memref<128xi32, #tpu.memory_space<vmem>>
          %dma_start3A_343 = arith.constant 0 : i32
          %dma_start3A_344 = arith.constant 0 : i32
          %dma_start3A_345 = tpu.memref_slice %arg12[%dma_start3A_343, %dma_start3A_344] : memref<10240x128xf32, #tpu.memory_space<vmem_shared>> -> memref<10240x128xf32, #tpu.memory_space<vmem_shared>>
          tpu.enqueue_indirect_dma source(%dma_start3A_339 : memref<128x128xf32, #tpu.memory_space<vmem>>) target(%dma_start3A_345 : memref<10240x128xf32, #tpu.memory_space<vmem_shared>>) offsets(%dma_start3A_342 : memref<128xi32, #tpu.memory_space<vmem>>) semaphore(%run_scoped3A_335 : memref<!tpu.dma_semaphore, #tpu.memory_space<semaphore_mem>>) {add = true}
          %dma_wait3A_346 = arith.constant 0 : i32
          %dma_wait3A_347 = arith.constant 0 : i32
          %dma_wait3A_348 = tpu.memref_slice %arg11[%run_scoped3A_93, %dma_wait3A_346, %dma_wait3A_347] : memref<2x128x128xf32, #tpu.memory_space<vmem>> -> memref<1x128x128xf32, #tpu.memory_space<vmem>>
          %dma_wait3A_349 = tpu.memref_squeeze %dma_wait3A_348 : memref<1x128x128xf32, #tpu.memory_space<vmem>> -> memref<128x128xf32, #tpu.memory_space<vmem>>
          %dma_wait3A_350 = arith.constant 0 : i32
          %dma_wait3A_351 = tpu.memref_slice %arg10[%run_scoped3A_94, %run_scoped3A_95, %dma_wait3A_350] : memref<2x4x128xi32, #tpu.memory_space<vmem>> -> memref<1x1x128xi32, #tpu.memory_space<vmem>>
          %dma_wait3A_352 = tpu.memref_squeeze %dma_wait3A_351 : memref<1x1x128xi32, #tpu.memory_space<vmem>> -> memref<128xi32, #tpu.memory_space<vmem>>
          %dma_wait3A_353 = arith.constant 0 : i32
          %dma_wait3A_354 = arith.constant 0 : i32
          %dma_wait3A_355 = tpu.memref_slice %arg12[%dma_wait3A_353, %dma_wait3A_354] : memref<10240x128xf32, #tpu.memory_space<vmem_shared>> -> memref<10240x128xf32, #tpu.memory_space<vmem_shared>>
          tpu.wait_indirect_dma semaphore(%run_scoped3A_335 : memref<!tpu.dma_semaphore, #tpu.memory_space<semaphore_mem>>) src(%dma_wait3A_349 : memref<128x128xf32, #tpu.memory_space<vmem>>) dst(%dma_wait3A_355 : memref<10240x128xf32, #tpu.memory_space<vmem_shared>>)
          tpu.yield
        }) : () -> ()
        %dma_start3A_96 = arith.constant 0 : i32
        %dma_start3A_97 = arith.constant 2 : i32
        %dma_start3A_98 = arith.constant 0 : i32
        %dma_start3A_99 = arith.constant 0 : i32
        %dma_start3A_100 = arith.constant 0 : i32
        %dma_start3A_101 = tpu.memref_slice %arg11[%dma_start3A_98, %dma_start3A_99, %dma_start3A_100] : memref<2x128x128xf32, #tpu.memory_space<vmem>> -> memref<1x128x128xf32, #tpu.memory_space<vmem>>
        %dma_start3A_102 = tpu.memref_squeeze %dma_start3A_101 : memref<1x128x128xf32, #tpu.memory_space<vmem>> -> memref<128x128xf32, #tpu.memory_space<vmem>>
        %dma_start3A_103 = arith.constant 0 : i32
        %dma_start3A_104 = tpu.memref_slice %arg9[%dma_start3A_96, %dma_start3A_97, %dma_start3A_103] : memref<2x4x128xi32, #tpu.memory_space<vmem>> -> memref<1x1x128xi32, #tpu.memory_space<vmem>>
        %dma_start3A_105 = tpu.memref_squeeze %dma_start3A_104 : memref<1x1x128xi32, #tpu.memory_space<vmem>> -> memref<128xi32, #tpu.memory_space<vmem>>
        %dma_start3A_106 = arith.constant 0 : i32
        %dma_start3A_107 = arith.constant 0 : i32
        %dma_start3A_108 = tpu.memref_slice %arg3[%dma_start3A_106, %dma_start3A_107] : memref<10240x128xf32, #tpu.memory_space<hbm>> -> memref<10240x128xf32, #tpu.memory_space<hbm>>
        tpu.enqueue_indirect_dma source(%dma_start3A_108 : memref<10240x128xf32, #tpu.memory_space<hbm>>) target(%dma_start3A_102 : memref<128x128xf32, #tpu.memory_space<vmem>>) offsets(%dma_start3A_105 : memref<128xi32, #tpu.memory_space<vmem>>) semaphore(%arg15 : memref<!tpu.dma_semaphore, #tpu.memory_space<semaphore_mem>>)
        %dma_wait3A_109 = arith.constant 0 : i32
        %dma_wait3A_110 = arith.constant 1 : i32
        %dma_wait3A_111 = arith.constant 1 : i32
        %dma_wait3A_112 = arith.constant 0 : i32
        %dma_wait3A_113 = arith.constant 0 : i32
        %dma_wait3A_114 = tpu.memref_slice %arg11[%dma_wait3A_111, %dma_wait3A_112, %dma_wait3A_113] : memref<2x128x128xf32, #tpu.memory_space<vmem>> -> memref<1x128x128xf32, #tpu.memory_space<vmem>>
        %dma_wait3A_115 = tpu.memref_squeeze %dma_wait3A_114 : memref<1x128x128xf32, #tpu.memory_space<vmem>> -> memref<128x128xf32, #tpu.memory_space<vmem>>
        %dma_wait3A_116 = arith.constant 0 : i32
        %dma_wait3A_117 = tpu.memref_slice %arg9[%dma_wait3A_109, %dma_wait3A_110, %dma_wait3A_116] : memref<2x4x128xi32, #tpu.memory_space<vmem>> -> memref<1x1x128xi32, #tpu.memory_space<vmem>>
        %dma_wait3A_118 = tpu.memref_squeeze %dma_wait3A_117 : memref<1x1x128xi32, #tpu.memory_space<vmem>> -> memref<128xi32, #tpu.memory_space<vmem>>
        %dma_wait3A_119 = arith.constant 0 : i32
        %dma_wait3A_120 = arith.constant 0 : i32
        %dma_wait3A_121 = tpu.memref_slice %arg3[%dma_wait3A_119, %dma_wait3A_120] : memref<10240x128xf32, #tpu.memory_space<hbm>> -> memref<10240x128xf32, #tpu.memory_space<hbm>>
        tpu.wait_indirect_dma semaphore(%arg16 : memref<!tpu.dma_semaphore, #tpu.memory_space<semaphore_mem>>) src(%dma_wait3A_121 : memref<10240x128xf32, #tpu.memory_space<hbm>>) dst(%dma_wait3A_115 : memref<128x128xf32, #tpu.memory_space<vmem>>)
        %run_scoped3A_122 = arith.constant 1 : i32
        %run_scoped3A_123 = arith.constant 0 : i32
        %run_scoped3A_124 = arith.constant 1 : i32
        "tpu.region"() ({
          %run_scoped3A_335 = tpu.sem_alloc : memref<!tpu.dma_semaphore, #tpu.memory_space<semaphore_mem>>
          %dma_start3A_336 = arith.constant 0 : i32
          %dma_start3A_337 = arith.constant 0 : i32
          %dma_start3A_338 = tpu.memref_slice %arg11[%run_scoped3A_122, %dma_start3A_336, %dma_start3A_337] : memref<2x128x128xf32, #tpu.memory_space<vmem>> -> memref<1x128x128xf32, #tpu.memory_space<vmem>>
          %dma_start3A_339 = tpu.memref_squeeze %dma_start3A_338 : memref<1x128x128xf32, #tpu.memory_space<vmem>> -> memref<128x128xf32, #tpu.memory_space<vmem>>
          %dma_start3A_340 = arith.constant 0 : i32
          %dma_start3A_341 = tpu.memref_slice %arg10[%run_scoped3A_123, %run_scoped3A_124, %dma_start3A_340] : memref<2x4x128xi32, #tpu.memory_space<vmem>> -> memref<1x1x128xi32, #tpu.memory_space<vmem>>
          %dma_start3A_342 = tpu.memref_squeeze %dma_start3A_341 : memref<1x1x128xi32, #tpu.memory_space<vmem>> -> memref<128xi32, #tpu.memory_space<vmem>>
          %dma_start3A_343 = arith.constant 0 : i32
          %dma_start3A_344 = arith.constant 0 : i32
          %dma_start3A_345 = tpu.memref_slice %arg12[%dma_start3A_343, %dma_start3A_344] : memref<10240x128xf32, #tpu.memory_space<vmem_shared>> -> memref<10240x128xf32, #tpu.memory_space<vmem_shared>>
          tpu.enqueue_indirect_dma source(%dma_start3A_339 : memref<128x128xf32, #tpu.memory_space<vmem>>) target(%dma_start3A_345 : memref<10240x128xf32, #tpu.memory_space<vmem_shared>>) offsets(%dma_start3A_342 : memref<128xi32, #tpu.memory_space<vmem>>) semaphore(%run_scoped3A_335 : memref<!tpu.dma_semaphore, #tpu.memory_space<semaphore_mem>>) {add = true}
          %dma_wait3A_346 = arith.constant 0 : i32
          %dma_wait3A_347 = arith.constant 0 : i32
          %dma_wait3A_348 = tpu.memref_slice %arg11[%run_scoped3A_122, %dma_wait3A_346, %dma_wait3A_347] : memref<2x128x128xf32, #tpu.memory_space<vmem>> -> memref<1x128x128xf32, #tpu.memory_space<vmem>>
          %dma_wait3A_349 = tpu.memref_squeeze %dma_wait3A_348 : memref<1x128x128xf32, #tpu.memory_space<vmem>> -> memref<128x128xf32, #tpu.memory_space<vmem>>
          %dma_wait3A_350 = arith.constant 0 : i32
          %dma_wait3A_351 = tpu.memref_slice %arg10[%run_scoped3A_123, %run_scoped3A_124, %dma_wait3A_350] : memref<2x4x128xi32, #tpu.memory_space<vmem>> -> memref<1x1x128xi32, #tpu.memory_space<vmem>>
          %dma_wait3A_352 = tpu.memref_squeeze %dma_wait3A_351 : memref<1x1x128xi32, #tpu.memory_space<vmem>> -> memref<128xi32, #tpu.memory_space<vmem>>
          %dma_wait3A_353 = arith.constant 0 : i32
          %dma_wait3A_354 = arith.constant 0 : i32
          %dma_wait3A_355 = tpu.memref_slice %arg12[%dma_wait3A_353, %dma_wait3A_354] : memref<10240x128xf32, #tpu.memory_space<vmem_shared>> -> memref<10240x128xf32, #tpu.memory_space<vmem_shared>>
          tpu.wait_indirect_dma semaphore(%run_scoped3A_335 : memref<!tpu.dma_semaphore, #tpu.memory_space<semaphore_mem>>) src(%dma_wait3A_349 : memref<128x128xf32, #tpu.memory_space<vmem>>) dst(%dma_wait3A_355 : memref<10240x128xf32, #tpu.memory_space<vmem_shared>>)
          tpu.yield
        }) : () -> ()
        %dma_start3A_125 = arith.constant 0 : i32
        %dma_start3A_126 = arith.constant 3 : i32
        %dma_start3A_127 = arith.constant 1 : i32
        %dma_start3A_128 = arith.constant 0 : i32
        %dma_start3A_129 = arith.constant 0 : i32
        %dma_start3A_130 = tpu.memref_slice %arg11[%dma_start3A_127, %dma_start3A_128, %dma_start3A_129] : memref<2x128x128xf32, #tpu.memory_space<vmem>> -> memref<1x128x128xf32, #tpu.memory_space<vmem>>
        %dma_start3A_131 = tpu.memref_squeeze %dma_start3A_130 : memref<1x128x128xf32, #tpu.memory_space<vmem>> -> memref<128x128xf32, #tpu.memory_space<vmem>>
        %dma_start3A_132 = arith.constant 0 : i32
        %dma_start3A_133 = tpu.memref_slice %arg9[%dma_start3A_125, %dma_start3A_126, %dma_start3A_132] : memref<2x4x128xi32, #tpu.memory_space<vmem>> -> memref<1x1x128xi32, #tpu.memory_space<vmem>>
        %dma_start3A_134 = tpu.memref_squeeze %dma_start3A_133 : memref<1x1x128xi32, #tpu.memory_space<vmem>> -> memref<128xi32, #tpu.memory_space<vmem>>
        %dma_start3A_135 = arith.constant 0 : i32
        %dma_start3A_136 = arith.constant 0 : i32
        %dma_start3A_137 = tpu.memref_slice %arg3[%dma_start3A_135, %dma_start3A_136] : memref<10240x128xf32, #tpu.memory_space<hbm>> -> memref<10240x128xf32, #tpu.memory_space<hbm>>
        tpu.enqueue_indirect_dma source(%dma_start3A_137 : memref<10240x128xf32, #tpu.memory_space<hbm>>) target(%dma_start3A_131 : memref<128x128xf32, #tpu.memory_space<vmem>>) offsets(%dma_start3A_134 : memref<128xi32, #tpu.memory_space<vmem>>) semaphore(%arg16 : memref<!tpu.dma_semaphore, #tpu.memory_space<semaphore_mem>>)
        %dma_wait3A_138 = arith.constant 1 : i32
        %dma_wait3A_139 = arith.constant 0 : i32
        %dma_wait3A_140 = arith.constant 0 : i32
        %dma_wait3A_141 = tpu.memref_slice %arg9[%dma_wait3A_138, %dma_wait3A_139, %dma_wait3A_140] : memref<2x4x128xi32, #tpu.memory_space<vmem>> -> memref<1x4x128xi32, #tpu.memory_space<vmem>>
        %dma_wait3A_142 = tpu.memref_squeeze %dma_wait3A_141 : memref<1x4x128xi32, #tpu.memory_space<vmem>> -> memref<4x128xi32, #tpu.memory_space<vmem>>
        %dma_wait3A_143 = arith.constant 0 : i32
        %dma_wait3A_144 = arith.constant 0 : i32
        %dma_wait3A_145 = tpu.memref_slice %arg6[%mul3A_9, %dma_wait3A_143, %dma_wait3A_144] : memref<640x4x128xi32, #tpu.memory_space<hbm>> -> memref<1x4x128xi32, #tpu.memory_space<hbm>>
        %dma_wait3A_146 = tpu.memref_squeeze %dma_wait3A_145 : memref<1x4x128xi32, #tpu.memory_space<hbm>> -> memref<4x128xi32, #tpu.memory_space<hbm>>
        %dma_wait3A_147 = arith.constant 0 : i32
        %dma_wait3A_148 = arith.constant 0 : i32
        %dma_wait3A_149 = tpu.memref_slice %arg9[%dma_wait3A_138, %dma_wait3A_147, %dma_wait3A_148] : memref<2x4x128xi32, #tpu.memory_space<vmem>> -> memref<1x4x128xi32, #tpu.memory_space<vmem>>
        %dma_wait3A_150 = tpu.memref_squeeze %dma_wait3A_149 : memref<1x4x128xi32, #tpu.memory_space<vmem>> -> memref<4x128xi32, #tpu.memory_space<vmem>>
        %dma_wait3A_151 = arith.constant 0 : i32
        %dma_wait3A_152 = arith.constant 0 : i32
        %dma_wait3A_153 = tpu.memref_slice %arg6[%mul3A_9, %dma_wait3A_151, %dma_wait3A_152] : memref<640x4x128xi32, #tpu.memory_space<hbm>> -> memref<1x4x128xi32, #tpu.memory_space<hbm>>
        %dma_wait3A_154 = tpu.memref_squeeze %dma_wait3A_153 : memref<1x4x128xi32, #tpu.memory_space<hbm>> -> memref<4x128xi32, #tpu.memory_space<hbm>>
        tpu.wait_dma2 semaphore(%arg14 : memref<!tpu.dma_semaphore, #tpu.memory_space<semaphore_mem>>) src(%dma_wait3A_154 : memref<4x128xi32, #tpu.memory_space<hbm>>) dst(%dma_wait3A_150 : memref<4x128xi32, #tpu.memory_space<vmem>>)
        %dma_wait3A_155 = arith.constant 1 : i32
        %dma_wait3A_156 = arith.constant 0 : i32
        %dma_wait3A_157 = arith.constant 0 : i32
        %dma_wait3A_158 = tpu.memref_slice %arg10[%dma_wait3A_155, %dma_wait3A_156, %dma_wait3A_157] : memref<2x4x128xi32, #tpu.memory_space<vmem>> -> memref<1x4x128xi32, #tpu.memory_space<vmem>>
        %dma_wait3A_159 = tpu.memref_squeeze %dma_wait3A_158 : memref<1x4x128xi32, #tpu.memory_space<vmem>> -> memref<4x128xi32, #tpu.memory_space<vmem>>
        %dma_wait3A_160 = arith.constant 0 : i32
        %dma_wait3A_161 = arith.constant 0 : i32
        %dma_wait3A_162 = tpu.memref_slice %arg5[%mul3A_9, %dma_wait3A_160, %dma_wait3A_161] : memref<640x4x128xi32, #tpu.memory_space<hbm>> -> memref<1x4x128xi32, #tpu.memory_space<hbm>>
        %dma_wait3A_163 = tpu.memref_squeeze %dma_wait3A_162 : memref<1x4x128xi32, #tpu.memory_space<hbm>> -> memref<4x128xi32, #tpu.memory_space<hbm>>
        %dma_wait3A_164 = arith.constant 0 : i32
        %dma_wait3A_165 = arith.constant 0 : i32
        %dma_wait3A_166 = tpu.memref_slice %arg10[%dma_wait3A_155, %dma_wait3A_164, %dma_wait3A_165] : memref<2x4x128xi32, #tpu.memory_space<vmem>> -> memref<1x4x128xi32, #tpu.memory_space<vmem>>
        %dma_wait3A_167 = tpu.memref_squeeze %dma_wait3A_166 : memref<1x4x128xi32, #tpu.memory_space<vmem>> -> memref<4x128xi32, #tpu.memory_space<vmem>>
        %dma_wait3A_168 = arith.constant 0 : i32
        %dma_wait3A_169 = arith.constant 0 : i32
        %dma_wait3A_170 = tpu.memref_slice %arg5[%mul3A_9, %dma_wait3A_168, %dma_wait3A_169] : memref<640x4x128xi32, #tpu.memory_space<hbm>> -> memref<1x4x128xi32, #tpu.memory_space<hbm>>
        %dma_wait3A_171 = tpu.memref_squeeze %dma_wait3A_170 : memref<1x4x128xi32, #tpu.memory_space<hbm>> -> memref<4x128xi32, #tpu.memory_space<hbm>>
        tpu.wait_dma2 semaphore(%arg14 : memref<!tpu.dma_semaphore, #tpu.memory_space<semaphore_mem>>) src(%dma_wait3A_171 : memref<4x128xi32, #tpu.memory_space<hbm>>) dst(%dma_wait3A_167 : memref<4x128xi32, #tpu.memory_space<vmem>>)
        %dma_wait3A_172 = arith.constant 0 : i32
        %dma_wait3A_173 = arith.constant 2 : i32
        %dma_wait3A_174 = arith.constant 0 : i32
        %dma_wait3A_175 = arith.constant 0 : i32
        %dma_wait3A_176 = arith.constant 0 : i32
        %dma_wait3A_177 = tpu.memref_slice %arg11[%dma_wait3A_174, %dma_wait3A_175, %dma_wait3A_176] : memref<2x128x128xf32, #tpu.memory_space<vmem>> -> memref<1x128x128xf32, #tpu.memory_space<vmem>>
        %dma_wait3A_178 = tpu.memref_squeeze %dma_wait3A_177 : memref<1x128x128xf32, #tpu.memory_space<vmem>> -> memref<128x128xf32, #tpu.memory_space<vmem>>
        %dma_wait3A_179 = arith.constant 0 : i32
        %dma_wait3A_180 = tpu.memref_slice %arg9[%dma_wait3A_172, %dma_wait3A_173, %dma_wait3A_179] : memref<2x4x128xi32, #tpu.memory_space<vmem>> -> memref<1x1x128xi32, #tpu.memory_space<vmem>>
        %dma_wait3A_181 = tpu.memref_squeeze %dma_wait3A_180 : memref<1x1x128xi32, #tpu.memory_space<vmem>> -> memref<128xi32, #tpu.memory_space<vmem>>
        %dma_wait3A_182 = arith.constant 0 : i32
        %dma_wait3A_183 = arith.constant 0 : i32
        %dma_wait3A_184 = tpu.memref_slice %arg3[%dma_wait3A_182, %dma_wait3A_183] : memref<10240x128xf32, #tpu.memory_space<hbm>> -> memref<10240x128xf32, #tpu.memory_space<hbm>>
        tpu.wait_indirect_dma semaphore(%arg15 : memref<!tpu.dma_semaphore, #tpu.memory_space<semaphore_mem>>) src(%dma_wait3A_184 : memref<10240x128xf32, #tpu.memory_space<hbm>>) dst(%dma_wait3A_178 : memref<128x128xf32, #tpu.memory_space<vmem>>)
        %run_scoped3A_185 = arith.constant 0 : i32
        %run_scoped3A_186 = arith.constant 0 : i32
        %run_scoped3A_187 = arith.constant 2 : i32
        "tpu.region"() ({
          %run_scoped3A_335 = tpu.sem_alloc : memref<!tpu.dma_semaphore, #tpu.memory_space<semaphore_mem>>
          %dma_start3A_336 = arith.constant 0 : i32
          %dma_start3A_337 = arith.constant 0 : i32
          %dma_start3A_338 = tpu.memref_slice %arg11[%run_scoped3A_185, %dma_start3A_336, %dma_start3A_337] : memref<2x128x128xf32, #tpu.memory_space<vmem>> -> memref<1x128x128xf32, #tpu.memory_space<vmem>>
          %dma_start3A_339 = tpu.memref_squeeze %dma_start3A_338 : memref<1x128x128xf32, #tpu.memory_space<vmem>> -> memref<128x128xf32, #tpu.memory_space<vmem>>
          %dma_start3A_340 = arith.constant 0 : i32
          %dma_start3A_341 = tpu.memref_slice %arg10[%run_scoped3A_186, %run_scoped3A_187, %dma_start3A_340] : memref<2x4x128xi32, #tpu.memory_space<vmem>> -> memref<1x1x128xi32, #tpu.memory_space<vmem>>
          %dma_start3A_342 = tpu.memref_squeeze %dma_start3A_341 : memref<1x1x128xi32, #tpu.memory_space<vmem>> -> memref<128xi32, #tpu.memory_space<vmem>>
          %dma_start3A_343 = arith.constant 0 : i32
          %dma_start3A_344 = arith.constant 0 : i32
          %dma_start3A_345 = tpu.memref_slice %arg12[%dma_start3A_343, %dma_start3A_344] : memref<10240x128xf32, #tpu.memory_space<vmem_shared>> -> memref<10240x128xf32, #tpu.memory_space<vmem_shared>>
          tpu.enqueue_indirect_dma source(%dma_start3A_339 : memref<128x128xf32, #tpu.memory_space<vmem>>) target(%dma_start3A_345 : memref<10240x128xf32, #tpu.memory_space<vmem_shared>>) offsets(%dma_start3A_342 : memref<128xi32, #tpu.memory_space<vmem>>) semaphore(%run_scoped3A_335 : memref<!tpu.dma_semaphore, #tpu.memory_space<semaphore_mem>>) {add = true}
          %dma_wait3A_346 = arith.constant 0 : i32
          %dma_wait3A_347 = arith.constant 0 : i32
          %dma_wait3A_348 = tpu.memref_slice %arg11[%run_scoped3A_185, %dma_wait3A_346, %dma_wait3A_347] : memref<2x128x128xf32, #tpu.memory_space<vmem>> -> memref<1x128x128xf32, #tpu.memory_space<vmem>>
          %dma_wait3A_349 = tpu.memref_squeeze %dma_wait3A_348 : memref<1x128x128xf32, #tpu.memory_space<vmem>> -> memref<128x128xf32, #tpu.memory_space<vmem>>
          %dma_wait3A_350 = arith.constant 0 : i32
          %dma_wait3A_351 = tpu.memref_slice %arg10[%run_scoped3A_186, %run_scoped3A_187, %dma_wait3A_350] : memref<2x4x128xi32, #tpu.memory_space<vmem>> -> memref<1x1x128xi32, #tpu.memory_space<vmem>>
          %dma_wait3A_352 = tpu.memref_squeeze %dma_wait3A_351 : memref<1x1x128xi32, #tpu.memory_space<vmem>> -> memref<128xi32, #tpu.memory_space<vmem>>
          %dma_wait3A_353 = arith.constant 0 : i32
          %dma_wait3A_354 = arith.constant 0 : i32
          %dma_wait3A_355 = tpu.memref_slice %arg12[%dma_wait3A_353, %dma_wait3A_354] : memref<10240x128xf32, #tpu.memory_space<vmem_shared>> -> memref<10240x128xf32, #tpu.memory_space<vmem_shared>>
          tpu.wait_indirect_dma semaphore(%run_scoped3A_335 : memref<!tpu.dma_semaphore, #tpu.memory_space<semaphore_mem>>) src(%dma_wait3A_349 : memref<128x128xf32, #tpu.memory_space<vmem>>) dst(%dma_wait3A_355 : memref<10240x128xf32, #tpu.memory_space<vmem_shared>>)
          tpu.yield
        }) : () -> ()
        %dma_start3A_188 = arith.constant 1 : i32
        %dma_start3A_189 = arith.constant 0 : i32
        %dma_start3A_190 = arith.constant 0 : i32
        %dma_start3A_191 = arith.constant 0 : i32
        %dma_start3A_192 = arith.constant 0 : i32
        %dma_start3A_193 = tpu.memref_slice %arg11[%dma_start3A_190, %dma_start3A_191, %dma_start3A_192] : memref<2x128x128xf32, #tpu.memory_space<vmem>> -> memref<1x128x128xf32, #tpu.memory_space<vmem>>
        %dma_start3A_194 = tpu.memref_squeeze %dma_start3A_193 : memref<1x128x128xf32, #tpu.memory_space<vmem>> -> memref<128x128xf32, #tpu.memory_space<vmem>>
        %dma_start3A_195 = arith.constant 0 : i32
        %dma_start3A_196 = tpu.memref_slice %arg9[%dma_start3A_188, %dma_start3A_189, %dma_start3A_195] : memref<2x4x128xi32, #tpu.memory_space<vmem>> -> memref<1x1x128xi32, #tpu.memory_space<vmem>>
        %dma_start3A_197 = tpu.memref_squeeze %dma_start3A_196 : memref<1x1x128xi32, #tpu.memory_space<vmem>> -> memref<128xi32, #tpu.memory_space<vmem>>
        %dma_start3A_198 = arith.constant 0 : i32
        %dma_start3A_199 = arith.constant 0 : i32
        %dma_start3A_200 = tpu.memref_slice %arg3[%dma_start3A_198, %dma_start3A_199] : memref<10240x128xf32, #tpu.memory_space<hbm>> -> memref<10240x128xf32, #tpu.memory_space<hbm>>
        tpu.enqueue_indirect_dma source(%dma_start3A_200 : memref<10240x128xf32, #tpu.memory_space<hbm>>) target(%dma_start3A_194 : memref<128x128xf32, #tpu.memory_space<vmem>>) offsets(%dma_start3A_197 : memref<128xi32, #tpu.memory_space<vmem>>) semaphore(%arg15 : memref<!tpu.dma_semaphore, #tpu.memory_space<semaphore_mem>>)
        %dma_wait3A_201 = arith.constant 0 : i32
        %dma_wait3A_202 = arith.constant 3 : i32
        %dma_wait3A_203 = arith.constant 1 : i32
        %dma_wait3A_204 = arith.constant 0 : i32
        %dma_wait3A_205 = arith.constant 0 : i32
        %dma_wait3A_206 = tpu.memref_slice %arg11[%dma_wait3A_203, %dma_wait3A_204, %dma_wait3A_205] : memref<2x128x128xf32, #tpu.memory_space<vmem>> -> memref<1x128x128xf32, #tpu.memory_space<vmem>>
        %dma_wait3A_207 = tpu.memref_squeeze %dma_wait3A_206 : memref<1x128x128xf32, #tpu.memory_space<vmem>> -> memref<128x128xf32, #tpu.memory_space<vmem>>
        %dma_wait3A_208 = arith.constant 0 : i32
        %dma_wait3A_209 = tpu.memref_slice %arg9[%dma_wait3A_201, %dma_wait3A_202, %dma_wait3A_208] : memref<2x4x128xi32, #tpu.memory_space<vmem>> -> memref<1x1x128xi32, #tpu.memory_space<vmem>>
        %dma_wait3A_210 = tpu.memref_squeeze %dma_wait3A_209 : memref<1x1x128xi32, #tpu.memory_space<vmem>> -> memref<128xi32, #tpu.memory_space<vmem>>
        %dma_wait3A_211 = arith.constant 0 : i32
        %dma_wait3A_212 = arith.constant 0 : i32
        %dma_wait3A_213 = tpu.memref_slice %arg3[%dma_wait3A_211, %dma_wait3A_212] : memref<10240x128xf32, #tpu.memory_space<hbm>> -> memref<10240x128xf32, #tpu.memory_space<hbm>>
        tpu.wait_indirect_dma semaphore(%arg16 : memref<!tpu.dma_semaphore, #tpu.memory_space<semaphore_mem>>) src(%dma_wait3A_213 : memref<10240x128xf32, #tpu.memory_space<hbm>>) dst(%dma_wait3A_207 : memref<128x128xf32, #tpu.memory_space<vmem>>)
        %run_scoped3A_214 = arith.constant 1 : i32
        %run_scoped3A_215 = arith.constant 0 : i32
        %run_scoped3A_216 = arith.constant 3 : i32
        "tpu.region"() ({
          %run_scoped3A_335 = tpu.sem_alloc : memref<!tpu.dma_semaphore, #tpu.memory_space<semaphore_mem>>
          %dma_start3A_336 = arith.constant 0 : i32
          %dma_start3A_337 = arith.constant 0 : i32
          %dma_start3A_338 = tpu.memref_slice %arg11[%run_scoped3A_214, %dma_start3A_336, %dma_start3A_337] : memref<2x128x128xf32, #tpu.memory_space<vmem>> -> memref<1x128x128xf32, #tpu.memory_space<vmem>>
          %dma_start3A_339 = tpu.memref_squeeze %dma_start3A_338 : memref<1x128x128xf32, #tpu.memory_space<vmem>> -> memref<128x128xf32, #tpu.memory_space<vmem>>
          %dma_start3A_340 = arith.constant 0 : i32
          %dma_start3A_341 = tpu.memref_slice %arg10[%run_scoped3A_215, %run_scoped3A_216, %dma_start3A_340] : memref<2x4x128xi32, #tpu.memory_space<vmem>> -> memref<1x1x128xi32, #tpu.memory_space<vmem>>
          %dma_start3A_342 = tpu.memref_squeeze %dma_start3A_341 : memref<1x1x128xi32, #tpu.memory_space<vmem>> -> memref<128xi32, #tpu.memory_space<vmem>>
          %dma_start3A_343 = arith.constant 0 : i32
          %dma_start3A_344 = arith.constant 0 : i32
          %dma_start3A_345 = tpu.memref_slice %arg12[%dma_start3A_343, %dma_start3A_344] : memref<10240x128xf32, #tpu.memory_space<vmem_shared>> -> memref<10240x128xf32, #tpu.memory_space<vmem_shared>>
          tpu.enqueue_indirect_dma source(%dma_start3A_339 : memref<128x128xf32, #tpu.memory_space<vmem>>) target(%dma_start3A_345 : memref<10240x128xf32, #tpu.memory_space<vmem_shared>>) offsets(%dma_start3A_342 : memref<128xi32, #tpu.memory_space<vmem>>) semaphore(%run_scoped3A_335 : memref<!tpu.dma_semaphore, #tpu.memory_space<semaphore_mem>>) {add = true}
          %dma_wait3A_346 = arith.constant 0 : i32
          %dma_wait3A_347 = arith.constant 0 : i32
          %dma_wait3A_348 = tpu.memref_slice %arg11[%run_scoped3A_214, %dma_wait3A_346, %dma_wait3A_347] : memref<2x128x128xf32, #tpu.memory_space<vmem>> -> memref<1x128x128xf32, #tpu.memory_space<vmem>>
          %dma_wait3A_349 = tpu.memref_squeeze %dma_wait3A_348 : memref<1x128x128xf32, #tpu.memory_space<vmem>> -> memref<128x128xf32, #tpu.memory_space<vmem>>
          %dma_wait3A_350 = arith.constant 0 : i32
          %dma_wait3A_351 = tpu.memref_slice %arg10[%run_scoped3A_215, %run_scoped3A_216, %dma_wait3A_350] : memref<2x4x128xi32, #tpu.memory_space<vmem>> -> memref<1x1x128xi32, #tpu.memory_space<vmem>>
          %dma_wait3A_352 = tpu.memref_squeeze %dma_wait3A_351 : memref<1x1x128xi32, #tpu.memory_space<vmem>> -> memref<128xi32, #tpu.memory_space<vmem>>
          %dma_wait3A_353 = arith.constant 0 : i32
          %dma_wait3A_354 = arith.constant 0 : i32
          %dma_wait3A_355 = tpu.memref_slice %arg12[%dma_wait3A_353, %dma_wait3A_354] : memref<10240x128xf32, #tpu.memory_space<vmem_shared>> -> memref<10240x128xf32, #tpu.memory_space<vmem_shared>>
          tpu.wait_indirect_dma semaphore(%run_scoped3A_335 : memref<!tpu.dma_semaphore, #tpu.memory_space<semaphore_mem>>) src(%dma_wait3A_349 : memref<128x128xf32, #tpu.memory_space<vmem>>) dst(%dma_wait3A_355 : memref<10240x128xf32, #tpu.memory_space<vmem_shared>>)
          tpu.yield
        }) : () -> ()
        %convert_element_type3A_217 = arith.extui %lt3A_80 : i1 to i32
        %cond3A_218 = arith.constant 0 : i32
        %cond3A_219 = arith.cmpi ne, %convert_element_type3A_217, %cond3A_218 : i32
        scf.if %cond3A_219 {
          %mul3A_335 = arith.constant 2 : i32
          %mul3A_336 = arith.muli %mul3A_335, %scan3A_79 : i32
          %add3A_337 = arith.addi %mul3A_9, %mul3A_336 : i32
          %add3A_338 = arith.constant 2 : i32
          %add3A_339 = arith.addi %add3A_337, %add3A_338 : i32
          %dma_start3A_340 = arith.constant 0 : i32
          %dma_start3A_341 = arith.constant 0 : i32
          %dma_start3A_342 = arith.constant 0 : i32
          %dma_start3A_343 = tpu.memref_slice %arg9[%dma_start3A_340, %dma_start3A_341, %dma_start3A_342] : memref<2x4x128xi32, #tpu.memory_space<vmem>> -> memref<1x4x128xi32, #tpu.memory_space<vmem>>
          %dma_start3A_344 = tpu.memref_squeeze %dma_start3A_343 : memref<1x4x128xi32, #tpu.memory_space<vmem>> -> memref<4x128xi32, #tpu.memory_space<vmem>>
          %dma_start3A_345 = arith.constant 0 : i32
          %dma_start3A_346 = arith.constant 0 : i32
          %dma_start3A_347 = tpu.memref_slice %arg6[%add3A_339, %dma_start3A_345, %dma_start3A_346] : memref<640x4x128xi32, #tpu.memory_space<hbm>> -> memref<1x4x128xi32, #tpu.memory_space<hbm>>
          %dma_start3A_348 = tpu.memref_squeeze %dma_start3A_347 : memref<1x4x128xi32, #tpu.memory_space<hbm>> -> memref<4x128xi32, #tpu.memory_space<hbm>>
          %dma_start3A_349 = arith.constant 0 : i32
          %dma_start3A_350 = arith.constant 0 : i32
          %dma_start3A_351 = tpu.memref_slice %arg9[%dma_start3A_340, %dma_start3A_349, %dma_start3A_350] : memref<2x4x128xi32, #tpu.memory_space<vmem>> -> memref<1x4x128xi32, #tpu.memory_space<vmem>>
          %dma_start3A_352 = tpu.memref_squeeze %dma_start3A_351 : memref<1x4x128xi32, #tpu.memory_space<vmem>> -> memref<4x128xi32, #tpu.memory_space<vmem>>
          %dma_start3A_353 = arith.constant 0 : i32
          %dma_start3A_354 = arith.constant 0 : i32
          %dma_start3A_355 = tpu.memref_slice %arg6[%add3A_339, %dma_start3A_353, %dma_start3A_354] : memref<640x4x128xi32, #tpu.memory_space<hbm>> -> memref<1x4x128xi32, #tpu.memory_space<hbm>>
          %dma_start3A_356 = tpu.memref_squeeze %dma_start3A_355 : memref<1x4x128xi32, #tpu.memory_space<hbm>> -> memref<4x128xi32, #tpu.memory_space<hbm>>
          tpu.enqueue_dma source(%dma_start3A_356 : memref<4x128xi32, #tpu.memory_space<hbm>>) target(%dma_start3A_352 : memref<4x128xi32, #tpu.memory_space<vmem>>) target_semaphore(%arg13 : memref<!tpu.dma_semaphore, #tpu.memory_space<semaphore_mem>>)
          %dma_start3A_357 = arith.constant 0 : i32
          %dma_start3A_358 = arith.constant 0 : i32
          %dma_start3A_359 = arith.constant 0 : i32
          %dma_start3A_360 = tpu.memref_slice %arg10[%dma_start3A_357, %dma_start3A_358, %dma_start3A_359] : memref<2x4x128xi32, #tpu.memory_space<vmem>> -> memref<1x4x128xi32, #tpu.memory_space<vmem>>
          %dma_start3A_361 = tpu.memref_squeeze %dma_start3A_360 : memref<1x4x128xi32, #tpu.memory_space<vmem>> -> memref<4x128xi32, #tpu.memory_space<vmem>>
          %dma_start3A_362 = arith.constant 0 : i32
          %dma_start3A_363 = arith.constant 0 : i32
          %dma_start3A_364 = tpu.memref_slice %arg5[%add3A_339, %dma_start3A_362, %dma_start3A_363] : memref<640x4x128xi32, #tpu.memory_space<hbm>> -> memref<1x4x128xi32, #tpu.memory_space<hbm>>
          %dma_start3A_365 = tpu.memref_squeeze %dma_start3A_364 : memref<1x4x128xi32, #tpu.memory_space<hbm>> -> memref<4x128xi32, #tpu.memory_space<hbm>>
          %dma_start3A_366 = arith.constant 0 : i32
          %dma_start3A_367 = arith.constant 0 : i32
          %dma_start3A_368 = tpu.memref_slice %arg10[%dma_start3A_357, %dma_start3A_366, %dma_start3A_367] : memref<2x4x128xi32, #tpu.memory_space<vmem>> -> memref<1x4x128xi32, #tpu.memory_space<vmem>>
          %dma_start3A_369 = tpu.memref_squeeze %dma_start3A_368 : memref<1x4x128xi32, #tpu.memory_space<vmem>> -> memref<4x128xi32, #tpu.memory_space<vmem>>
          %dma_start3A_370 = arith.constant 0 : i32
          %dma_start3A_371 = arith.constant 0 : i32
          %dma_start3A_372 = tpu.memref_slice %arg5[%add3A_339, %dma_start3A_370, %dma_start3A_371] : memref<640x4x128xi32, #tpu.memory_space<hbm>> -> memref<1x4x128xi32, #tpu.memory_space<hbm>>
          %dma_start3A_373 = tpu.memref_squeeze %dma_start3A_372 : memref<1x4x128xi32, #tpu.memory_space<hbm>> -> memref<4x128xi32, #tpu.memory_space<hbm>>
          tpu.enqueue_dma source(%dma_start3A_373 : memref<4x128xi32, #tpu.memory_space<hbm>>) target(%dma_start3A_369 : memref<4x128xi32, #tpu.memory_space<vmem>>) target_semaphore(%arg13 : memref<!tpu.dma_semaphore, #tpu.memory_space<semaphore_mem>>)
        } else {
        }
        %dma_start3A_220 = arith.constant 1 : i32
        %dma_start3A_221 = arith.constant 1 : i32
        %dma_start3A_222 = arith.constant 1 : i32
        %dma_start3A_223 = arith.constant 0 : i32
        %dma_start3A_224 = arith.constant 0 : i32
        %dma_start3A_225 = tpu.memref_slice %arg11[%dma_start3A_222, %dma_start3A_223, %dma_start3A_224] : memref<2x128x128xf32, #tpu.memory_space<vmem>> -> memref<1x128x128xf32, #tpu.memory_space<vmem>>
        %dma_start3A_226 = tpu.memref_squeeze %dma_start3A_225 : memref<1x128x128xf32, #tpu.memory_space<vmem>> -> memref<128x128xf32, #tpu.memory_space<vmem>>
        %dma_start3A_227 = arith.constant 0 : i32
        %dma_start3A_228 = tpu.memref_slice %arg9[%dma_start3A_220, %dma_start3A_221, %dma_start3A_227] : memref<2x4x128xi32, #tpu.memory_space<vmem>> -> memref<1x1x128xi32, #tpu.memory_space<vmem>>
        %dma_start3A_229 = tpu.memref_squeeze %dma_start3A_228 : memref<1x1x128xi32, #tpu.memory_space<vmem>> -> memref<128xi32, #tpu.memory_space<vmem>>
        %dma_start3A_230 = arith.constant 0 : i32
        %dma_start3A_231 = arith.constant 0 : i32
        %dma_start3A_232 = tpu.memref_slice %arg3[%dma_start3A_230, %dma_start3A_231] : memref<10240x128xf32, #tpu.memory_space<hbm>> -> memref<10240x128xf32, #tpu.memory_space<hbm>>
        tpu.enqueue_indirect_dma source(%dma_start3A_232 : memref<10240x128xf32, #tpu.memory_space<hbm>>) target(%dma_start3A_226 : memref<128x128xf32, #tpu.memory_space<vmem>>) offsets(%dma_start3A_229 : memref<128xi32, #tpu.memory_space<vmem>>) semaphore(%arg16 : memref<!tpu.dma_semaphore, #tpu.memory_space<semaphore_mem>>)
        %dma_wait3A_233 = arith.constant 1 : i32
        %dma_wait3A_234 = arith.constant 0 : i32
        %dma_wait3A_235 = arith.constant 0 : i32
        %dma_wait3A_236 = arith.constant 0 : i32
        %dma_wait3A_237 = arith.constant 0 : i32
        %dma_wait3A_238 = tpu.memref_slice %arg11[%dma_wait3A_235, %dma_wait3A_236, %dma_wait3A_237] : memref<2x128x128xf32, #tpu.memory_space<vmem>> -> memref<1x128x128xf32, #tpu.memory_space<vmem>>
        %dma_wait3A_239 = tpu.memref_squeeze %dma_wait3A_238 : memref<1x128x128xf32, #tpu.memory_space<vmem>> -> memref<128x128xf32, #tpu.memory_space<vmem>>
        %dma_wait3A_240 = arith.constant 0 : i32
        %dma_wait3A_241 = tpu.memref_slice %arg9[%dma_wait3A_233, %dma_wait3A_234, %dma_wait3A_240] : memref<2x4x128xi32, #tpu.memory_space<vmem>> -> memref<1x1x128xi32, #tpu.memory_space<vmem>>
        %dma_wait3A_242 = tpu.memref_squeeze %dma_wait3A_241 : memref<1x1x128xi32, #tpu.memory_space<vmem>> -> memref<128xi32, #tpu.memory_space<vmem>>
        %dma_wait3A_243 = arith.constant 0 : i32
        %dma_wait3A_244 = arith.constant 0 : i32
        %dma_wait3A_245 = tpu.memref_slice %arg3[%dma_wait3A_243, %dma_wait3A_244] : memref<10240x128xf32, #tpu.memory_space<hbm>> -> memref<10240x128xf32, #tpu.memory_space<hbm>>
        tpu.wait_indirect_dma semaphore(%arg15 : memref<!tpu.dma_semaphore, #tpu.memory_space<semaphore_mem>>) src(%dma_wait3A_245 : memref<10240x128xf32, #tpu.memory_space<hbm>>) dst(%dma_wait3A_239 : memref<128x128xf32, #tpu.memory_space<vmem>>)
        %run_scoped3A_246 = arith.constant 0 : i32
        %run_scoped3A_247 = arith.constant 1 : i32
        %run_scoped3A_248 = arith.constant 0 : i32
        "tpu.region"() ({
          %run_scoped3A_335 = tpu.sem_alloc : memref<!tpu.dma_semaphore, #tpu.memory_space<semaphore_mem>>
          %dma_start3A_336 = arith.constant 0 : i32
          %dma_start3A_337 = arith.constant 0 : i32
          %dma_start3A_338 = tpu.memref_slice %arg11[%run_scoped3A_246, %dma_start3A_336, %dma_start3A_337] : memref<2x128x128xf32, #tpu.memory_space<vmem>> -> memref<1x128x128xf32, #tpu.memory_space<vmem>>
          %dma_start3A_339 = tpu.memref_squeeze %dma_start3A_338 : memref<1x128x128xf32, #tpu.memory_space<vmem>> -> memref<128x128xf32, #tpu.memory_space<vmem>>
          %dma_start3A_340 = arith.constant 0 : i32
          %dma_start3A_341 = tpu.memref_slice %arg10[%run_scoped3A_247, %run_scoped3A_248, %dma_start3A_340] : memref<2x4x128xi32, #tpu.memory_space<vmem>> -> memref<1x1x128xi32, #tpu.memory_space<vmem>>
          %dma_start3A_342 = tpu.memref_squeeze %dma_start3A_341 : memref<1x1x128xi32, #tpu.memory_space<vmem>> -> memref<128xi32, #tpu.memory_space<vmem>>
          %dma_start3A_343 = arith.constant 0 : i32
          %dma_start3A_344 = arith.constant 0 : i32
          %dma_start3A_345 = tpu.memref_slice %arg12[%dma_start3A_343, %dma_start3A_344] : memref<10240x128xf32, #tpu.memory_space<vmem_shared>> -> memref<10240x128xf32, #tpu.memory_space<vmem_shared>>
          tpu.enqueue_indirect_dma source(%dma_start3A_339 : memref<128x128xf32, #tpu.memory_space<vmem>>) target(%dma_start3A_345 : memref<10240x128xf32, #tpu.memory_space<vmem_shared>>) offsets(%dma_start3A_342 : memref<128xi32, #tpu.memory_space<vmem>>) semaphore(%run_scoped3A_335 : memref<!tpu.dma_semaphore, #tpu.memory_space<semaphore_mem>>) {add = true}
          %dma_wait3A_346 = arith.constant 0 : i32
          %dma_wait3A_347 = arith.constant 0 : i32
          %dma_wait3A_348 = tpu.memref_slice %arg11[%run_scoped3A_246, %dma_wait3A_346, %dma_wait3A_347] : memref<2x128x128xf32, #tpu.memory_space<vmem>> -> memref<1x128x128xf32, #tpu.memory_space<vmem>>
          %dma_wait3A_349 = tpu.memref_squeeze %dma_wait3A_348 : memref<1x128x128xf32, #tpu.memory_space<vmem>> -> memref<128x128xf32, #tpu.memory_space<vmem>>
          %dma_wait3A_350 = arith.constant 0 : i32
          %dma_wait3A_351 = tpu.memref_slice %arg10[%run_scoped3A_247, %run_scoped3A_248, %dma_wait3A_350] : memref<2x4x128xi32, #tpu.memory_space<vmem>> -> memref<1x1x128xi32, #tpu.memory_space<vmem>>
          %dma_wait3A_352 = tpu.memref_squeeze %dma_wait3A_351 : memref<1x1x128xi32, #tpu.memory_space<vmem>> -> memref<128xi32, #tpu.memory_space<vmem>>
          %dma_wait3A_353 = arith.constant 0 : i32
          %dma_wait3A_354 = arith.constant 0 : i32
          %dma_wait3A_355 = tpu.memref_slice %arg12[%dma_wait3A_353, %dma_wait3A_354] : memref<10240x128xf32, #tpu.memory_space<vmem_shared>> -> memref<10240x128xf32, #tpu.memory_space<vmem_shared>>
          tpu.wait_indirect_dma semaphore(%run_scoped3A_335 : memref<!tpu.dma_semaphore, #tpu.memory_space<semaphore_mem>>) src(%dma_wait3A_349 : memref<128x128xf32, #tpu.memory_space<vmem>>) dst(%dma_wait3A_355 : memref<10240x128xf32, #tpu.memory_space<vmem_shared>>)
          tpu.yield
        }) : () -> ()
        %dma_start3A_249 = arith.constant 1 : i32
        %dma_start3A_250 = arith.constant 2 : i32
        %dma_start3A_251 = arith.constant 0 : i32
        %dma_start3A_252 = arith.constant 0 : i32
        %dma_start3A_253 = arith.constant 0 : i32
        %dma_start3A_254 = tpu.memref_slice %arg11[%dma_start3A_251, %dma_start3A_252, %dma_start3A_253] : memref<2x128x128xf32, #tpu.memory_space<vmem>> -> memref<1x128x128xf32, #tpu.memory_space<vmem>>
        %dma_start3A_255 = tpu.memref_squeeze %dma_start3A_254 : memref<1x128x128xf32, #tpu.memory_space<vmem>> -> memref<128x128xf32, #tpu.memory_space<vmem>>
        %dma_start3A_256 = arith.constant 0 : i32
        %dma_start3A_257 = tpu.memref_slice %arg9[%dma_start3A_249, %dma_start3A_250, %dma_start3A_256] : memref<2x4x128xi32, #tpu.memory_space<vmem>> -> memref<1x1x128xi32, #tpu.memory_space<vmem>>
        %dma_start3A_258 = tpu.memref_squeeze %dma_start3A_257 : memref<1x1x128xi32, #tpu.memory_space<vmem>> -> memref<128xi32, #tpu.memory_space<vmem>>
        %dma_start3A_259 = arith.constant 0 : i32
        %dma_start3A_260 = arith.constant 0 : i32
        %dma_start3A_261 = tpu.memref_slice %arg3[%dma_start3A_259, %dma_start3A_260] : memref<10240x128xf32, #tpu.memory_space<hbm>> -> memref<10240x128xf32, #tpu.memory_space<hbm>>
        tpu.enqueue_indirect_dma source(%dma_start3A_261 : memref<10240x128xf32, #tpu.memory_space<hbm>>) target(%dma_start3A_255 : memref<128x128xf32, #tpu.memory_space<vmem>>) offsets(%dma_start3A_258 : memref<128xi32, #tpu.memory_space<vmem>>) semaphore(%arg15 : memref<!tpu.dma_semaphore, #tpu.memory_space<semaphore_mem>>)
        %dma_wait3A_262 = arith.constant 1 : i32
        %dma_wait3A_263 = arith.constant 1 : i32
        %dma_wait3A_264 = arith.constant 1 : i32
        %dma_wait3A_265 = arith.constant 0 : i32
        %dma_wait3A_266 = arith.constant 0 : i32
        %dma_wait3A_267 = tpu.memref_slice %arg11[%dma_wait3A_264, %dma_wait3A_265, %dma_wait3A_266] : memref<2x128x128xf32, #tpu.memory_space<vmem>> -> memref<1x128x128xf32, #tpu.memory_space<vmem>>
        %dma_wait3A_268 = tpu.memref_squeeze %dma_wait3A_267 : memref<1x128x128xf32, #tpu.memory_space<vmem>> -> memref<128x128xf32, #tpu.memory_space<vmem>>
        %dma_wait3A_269 = arith.constant 0 : i32
        %dma_wait3A_270 = tpu.memref_slice %arg9[%dma_wait3A_262, %dma_wait3A_263, %dma_wait3A_269] : memref<2x4x128xi32, #tpu.memory_space<vmem>> -> memref<1x1x128xi32, #tpu.memory_space<vmem>>
        %dma_wait3A_271 = tpu.memref_squeeze %dma_wait3A_270 : memref<1x1x128xi32, #tpu.memory_space<vmem>> -> memref<128xi32, #tpu.memory_space<vmem>>
        %dma_wait3A_272 = arith.constant 0 : i32
        %dma_wait3A_273 = arith.constant 0 : i32
        %dma_wait3A_274 = tpu.memref_slice %arg3[%dma_wait3A_272, %dma_wait3A_273] : memref<10240x128xf32, #tpu.memory_space<hbm>> -> memref<10240x128xf32, #tpu.memory_space<hbm>>
        tpu.wait_indirect_dma semaphore(%arg16 : memref<!tpu.dma_semaphore, #tpu.memory_space<semaphore_mem>>) src(%dma_wait3A_274 : memref<10240x128xf32, #tpu.memory_space<hbm>>) dst(%dma_wait3A_268 : memref<128x128xf32, #tpu.memory_space<vmem>>)
        %run_scoped3A_275 = arith.constant 1 : i32
        %run_scoped3A_276 = arith.constant 1 : i32
        %run_scoped3A_277 = arith.constant 1 : i32
        "tpu.region"() ({
          %run_scoped3A_335 = tpu.sem_alloc : memref<!tpu.dma_semaphore, #tpu.memory_space<semaphore_mem>>
          %dma_start3A_336 = arith.constant 0 : i32
          %dma_start3A_337 = arith.constant 0 : i32
          %dma_start3A_338 = tpu.memref_slice %arg11[%run_scoped3A_275, %dma_start3A_336, %dma_start3A_337] : memref<2x128x128xf32, #tpu.memory_space<vmem>> -> memref<1x128x128xf32, #tpu.memory_space<vmem>>
          %dma_start3A_339 = tpu.memref_squeeze %dma_start3A_338 : memref<1x128x128xf32, #tpu.memory_space<vmem>> -> memref<128x128xf32, #tpu.memory_space<vmem>>
          %dma_start3A_340 = arith.constant 0 : i32
          %dma_start3A_341 = tpu.memref_slice %arg10[%run_scoped3A_276, %run_scoped3A_277, %dma_start3A_340] : memref<2x4x128xi32, #tpu.memory_space<vmem>> -> memref<1x1x128xi32, #tpu.memory_space<vmem>>
          %dma_start3A_342 = tpu.memref_squeeze %dma_start3A_341 : memref<1x1x128xi32, #tpu.memory_space<vmem>> -> memref<128xi32, #tpu.memory_space<vmem>>
          %dma_start3A_343 = arith.constant 0 : i32
          %dma_start3A_344 = arith.constant 0 : i32
          %dma_start3A_345 = tpu.memref_slice %arg12[%dma_start3A_343, %dma_start3A_344] : memref<10240x128xf32, #tpu.memory_space<vmem_shared>> -> memref<10240x128xf32, #tpu.memory_space<vmem_shared>>
          tpu.enqueue_indirect_dma source(%dma_start3A_339 : memref<128x128xf32, #tpu.memory_space<vmem>>) target(%dma_start3A_345 : memref<10240x128xf32, #tpu.memory_space<vmem_shared>>) offsets(%dma_start3A_342 : memref<128xi32, #tpu.memory_space<vmem>>) semaphore(%run_scoped3A_335 : memref<!tpu.dma_semaphore, #tpu.memory_space<semaphore_mem>>) {add = true}
          %dma_wait3A_346 = arith.constant 0 : i32
          %dma_wait3A_347 = arith.constant 0 : i32
          %dma_wait3A_348 = tpu.memref_slice %arg11[%run_scoped3A_275, %dma_wait3A_346, %dma_wait3A_347] : memref<2x128x128xf32, #tpu.memory_space<vmem>> -> memref<1x128x128xf32, #tpu.memory_space<vmem>>
          %dma_wait3A_349 = tpu.memref_squeeze %dma_wait3A_348 : memref<1x128x128xf32, #tpu.memory_space<vmem>> -> memref<128x128xf32, #tpu.memory_space<vmem>>
          %dma_wait3A_350 = arith.constant 0 : i32
          %dma_wait3A_351 = tpu.memref_slice %arg10[%run_scoped3A_276, %run_scoped3A_277, %dma_wait3A_350] : memref<2x4x128xi32, #tpu.memory_space<vmem>> -> memref<1x1x128xi32, #tpu.memory_space<vmem>>
          %dma_wait3A_352 = tpu.memref_squeeze %dma_wait3A_351 : memref<1x1x128xi32, #tpu.memory_space<vmem>> -> memref<128xi32, #tpu.memory_space<vmem>>
          %dma_wait3A_353 = arith.constant 0 : i32
          %dma_wait3A_354 = arith.constant 0 : i32
          %dma_wait3A_355 = tpu.memref_slice %arg12[%dma_wait3A_353, %dma_wait3A_354] : memref<10240x128xf32, #tpu.memory_space<vmem_shared>> -> memref<10240x128xf32, #tpu.memory_space<vmem_shared>>
          tpu.wait_indirect_dma semaphore(%run_scoped3A_335 : memref<!tpu.dma_semaphore, #tpu.memory_space<semaphore_mem>>) src(%dma_wait3A_349 : memref<128x128xf32, #tpu.memory_space<vmem>>) dst(%dma_wait3A_355 : memref<10240x128xf32, #tpu.memory_space<vmem_shared>>)
          tpu.yield
        }) : () -> ()
        %dma_start3A_278 = arith.constant 1 : i32
        %dma_start3A_279 = arith.constant 3 : i32
        %dma_start3A_280 = arith.constant 1 : i32
        %dma_start3A_281 = arith.constant 0 : i32
        %dma_start3A_282 = arith.constant 0 : i32
        %dma_start3A_283 = tpu.memref_slice %arg11[%dma_start3A_280, %dma_start3A_281, %dma_start3A_282] : memref<2x128x128xf32, #tpu.memory_space<vmem>> -> memref<1x128x128xf32, #tpu.memory_space<vmem>>
        %dma_start3A_284 = tpu.memref_squeeze %dma_start3A_283 : memref<1x128x128xf32, #tpu.memory_space<vmem>> -> memref<128x128xf32, #tpu.memory_space<vmem>>
        %dma_start3A_285 = arith.constant 0 : i32
        %dma_start3A_286 = tpu.memref_slice %arg9[%dma_start3A_278, %dma_start3A_279, %dma_start3A_285] : memref<2x4x128xi32, #tpu.memory_space<vmem>> -> memref<1x1x128xi32, #tpu.memory_space<vmem>>
        %dma_start3A_287 = tpu.memref_squeeze %dma_start3A_286 : memref<1x1x128xi32, #tpu.memory_space<vmem>> -> memref<128xi32, #tpu.memory_space<vmem>>
        %dma_start3A_288 = arith.constant 0 : i32
        %dma_start3A_289 = arith.constant 0 : i32
        %dma_start3A_290 = tpu.memref_slice %arg3[%dma_start3A_288, %dma_start3A_289] : memref<10240x128xf32, #tpu.memory_space<hbm>> -> memref<10240x128xf32, #tpu.memory_space<hbm>>
        tpu.enqueue_indirect_dma source(%dma_start3A_290 : memref<10240x128xf32, #tpu.memory_space<hbm>>) target(%dma_start3A_284 : memref<128x128xf32, #tpu.memory_space<vmem>>) offsets(%dma_start3A_287 : memref<128xi32, #tpu.memory_space<vmem>>) semaphore(%arg16 : memref<!tpu.dma_semaphore, #tpu.memory_space<semaphore_mem>>)
        %convert_element_type3A_291 = arith.extui %lt3A_80 : i1 to i32
        %cond3A_292 = arith.constant 0 : i32
        %cond3A_293 = arith.cmpi ne, %convert_element_type3A_291, %cond3A_292 : i32
        scf.if %cond3A_293 {
          %dma_wait3A_335 = arith.constant 0 : i32
          %dma_wait3A_336 = arith.constant 0 : i32
          %dma_wait3A_337 = arith.constant 0 : i32
          %dma_wait3A_338 = tpu.memref_slice %arg9[%dma_wait3A_335, %dma_wait3A_336, %dma_wait3A_337] : memref<2x4x128xi32, #tpu.memory_space<vmem>> -> memref<1x4x128xi32, #tpu.memory_space<vmem>>
          %dma_wait3A_339 = tpu.memref_squeeze %dma_wait3A_338 : memref<1x4x128xi32, #tpu.memory_space<vmem>> -> memref<4x128xi32, #tpu.memory_space<vmem>>
          %dma_wait3A_340 = arith.constant 0 : i32
          %dma_wait3A_341 = arith.constant 0 : i32
          %dma_wait3A_342 = tpu.memref_slice %arg6[%mul3A_9, %dma_wait3A_340, %dma_wait3A_341] : memref<640x4x128xi32, #tpu.memory_space<hbm>> -> memref<1x4x128xi32, #tpu.memory_space<hbm>>
          %dma_wait3A_343 = tpu.memref_squeeze %dma_wait3A_342 : memref<1x4x128xi32, #tpu.memory_space<hbm>> -> memref<4x128xi32, #tpu.memory_space<hbm>>
          %dma_wait3A_344 = arith.constant 0 : i32
          %dma_wait3A_345 = arith.constant 0 : i32
          %dma_wait3A_346 = tpu.memref_slice %arg9[%dma_wait3A_335, %dma_wait3A_344, %dma_wait3A_345] : memref<2x4x128xi32, #tpu.memory_space<vmem>> -> memref<1x4x128xi32, #tpu.memory_space<vmem>>
          %dma_wait3A_347 = tpu.memref_squeeze %dma_wait3A_346 : memref<1x4x128xi32, #tpu.memory_space<vmem>> -> memref<4x128xi32, #tpu.memory_space<vmem>>
          %dma_wait3A_348 = arith.constant 0 : i32
          %dma_wait3A_349 = arith.constant 0 : i32
          %dma_wait3A_350 = tpu.memref_slice %arg6[%mul3A_9, %dma_wait3A_348, %dma_wait3A_349] : memref<640x4x128xi32, #tpu.memory_space<hbm>> -> memref<1x4x128xi32, #tpu.memory_space<hbm>>
          %dma_wait3A_351 = tpu.memref_squeeze %dma_wait3A_350 : memref<1x4x128xi32, #tpu.memory_space<hbm>> -> memref<4x128xi32, #tpu.memory_space<hbm>>
          tpu.wait_dma2 semaphore(%arg13 : memref<!tpu.dma_semaphore, #tpu.memory_space<semaphore_mem>>) src(%dma_wait3A_351 : memref<4x128xi32, #tpu.memory_space<hbm>>) dst(%dma_wait3A_347 : memref<4x128xi32, #tpu.memory_space<vmem>>)
          %dma_wait3A_352 = arith.constant 0 : i32
          %dma_wait3A_353 = arith.constant 0 : i32
          %dma_wait3A_354 = arith.constant 0 : i32
          %dma_wait3A_355 = tpu.memref_slice %arg10[%dma_wait3A_352, %dma_wait3A_353, %dma_wait3A_354] : memref<2x4x128xi32, #tpu.memory_space<vmem>> -> memref<1x4x128xi32, #tpu.memory_space<vmem>>
          %dma_wait3A_356 = tpu.memref_squeeze %dma_wait3A_355 : memref<1x4x128xi32, #tpu.memory_space<vmem>> -> memref<4x128xi32, #tpu.memory_space<vmem>>
          %dma_wait3A_357 = arith.constant 0 : i32
          %dma_wait3A_358 = arith.constant 0 : i32
          %dma_wait3A_359 = tpu.memref_slice %arg5[%mul3A_9, %dma_wait3A_357, %dma_wait3A_358] : memref<640x4x128xi32, #tpu.memory_space<hbm>> -> memref<1x4x128xi32, #tpu.memory_space<hbm>>
          %dma_wait3A_360 = tpu.memref_squeeze %dma_wait3A_359 : memref<1x4x128xi32, #tpu.memory_space<hbm>> -> memref<4x128xi32, #tpu.memory_space<hbm>>
          %dma_wait3A_361 = arith.constant 0 : i32
          %dma_wait3A_362 = arith.constant 0 : i32
          %dma_wait3A_363 = tpu.memref_slice %arg10[%dma_wait3A_352, %dma_wait3A_361, %dma_wait3A_362] : memref<2x4x128xi32, #tpu.memory_space<vmem>> -> memref<1x4x128xi32, #tpu.memory_space<vmem>>
          %dma_wait3A_364 = tpu.memref_squeeze %dma_wait3A_363 : memref<1x4x128xi32, #tpu.memory_space<vmem>> -> memref<4x128xi32, #tpu.memory_space<vmem>>
          %dma_wait3A_365 = arith.constant 0 : i32
          %dma_wait3A_366 = arith.constant 0 : i32
          %dma_wait3A_367 = tpu.memref_slice %arg5[%mul3A_9, %dma_wait3A_365, %dma_wait3A_366] : memref<640x4x128xi32, #tpu.memory_space<hbm>> -> memref<1x4x128xi32, #tpu.memory_space<hbm>>
          %dma_wait3A_368 = tpu.memref_squeeze %dma_wait3A_367 : memref<1x4x128xi32, #tpu.memory_space<hbm>> -> memref<4x128xi32, #tpu.memory_space<hbm>>
          tpu.wait_dma2 semaphore(%arg13 : memref<!tpu.dma_semaphore, #tpu.memory_space<semaphore_mem>>) src(%dma_wait3A_368 : memref<4x128xi32, #tpu.memory_space<hbm>>) dst(%dma_wait3A_364 : memref<4x128xi32, #tpu.memory_space<vmem>>)
        } else {
        }
        %dma_wait3A_294 = arith.constant 1 : i32
        %dma_wait3A_295 = arith.constant 2 : i32
        %dma_wait3A_296 = arith.constant 0 : i32
        %dma_wait3A_297 = arith.constant 0 : i32
        %dma_wait3A_298 = arith.constant 0 : i32
        %dma_wait3A_299 = tpu.memref_slice %arg11[%dma_wait3A_296, %dma_wait3A_297, %dma_wait3A_298] : memref<2x128x128xf32, #tpu.memory_space<vmem>> -> memref<1x128x128xf32, #tpu.memory_space<vmem>>
        %dma_wait3A_300 = tpu.memref_squeeze %dma_wait3A_299 : memref<1x128x128xf32, #tpu.memory_space<vmem>> -> memref<128x128xf32, #tpu.memory_space<vmem>>
        %dma_wait3A_301 = arith.constant 0 : i32
        %dma_wait3A_302 = tpu.memref_slice %arg9[%dma_wait3A_294, %dma_wait3A_295, %dma_wait3A_301] : memref<2x4x128xi32, #tpu.memory_space<vmem>> -> memref<1x1x128xi32, #tpu.memory_space<vmem>>
        %dma_wait3A_303 = tpu.memref_squeeze %dma_wait3A_302 : memref<1x1x128xi32, #tpu.memory_space<vmem>> -> memref<128xi32, #tpu.memory_space<vmem>>
        %dma_wait3A_304 = arith.constant 0 : i32
        %dma_wait3A_305 = arith.constant 0 : i32
        %dma_wait3A_306 = tpu.memref_slice %arg3[%dma_wait3A_304, %dma_wait3A_305] : memref<10240x128xf32, #tpu.memory_space<hbm>> -> memref<10240x128xf32, #tpu.memory_space<hbm>>
        tpu.wait_indirect_dma semaphore(%arg15 : memref<!tpu.dma_semaphore, #tpu.memory_space<semaphore_mem>>) src(%dma_wait3A_306 : memref<10240x128xf32, #tpu.memory_space<hbm>>) dst(%dma_wait3A_300 : memref<128x128xf32, #tpu.memory_space<vmem>>)
        %run_scoped3A_307 = arith.constant 0 : i32
        %run_scoped3A_308 = arith.constant 1 : i32
        %run_scoped3A_309 = arith.constant 2 : i32
        "tpu.region"() ({
          %run_scoped3A_335 = tpu.sem_alloc : memref<!tpu.dma_semaphore, #tpu.memory_space<semaphore_mem>>
          %dma_start3A_336 = arith.constant 0 : i32
          %dma_start3A_337 = arith.constant 0 : i32
          %dma_start3A_338 = tpu.memref_slice %arg11[%run_scoped3A_307, %dma_start3A_336, %dma_start3A_337] : memref<2x128x128xf32, #tpu.memory_space<vmem>> -> memref<1x128x128xf32, #tpu.memory_space<vmem>>
          %dma_start3A_339 = tpu.memref_squeeze %dma_start3A_338 : memref<1x128x128xf32, #tpu.memory_space<vmem>> -> memref<128x128xf32, #tpu.memory_space<vmem>>
          %dma_start3A_340 = arith.constant 0 : i32
          %dma_start3A_341 = tpu.memref_slice %arg10[%run_scoped3A_308, %run_scoped3A_309, %dma_start3A_340] : memref<2x4x128xi32, #tpu.memory_space<vmem>> -> memref<1x1x128xi32, #tpu.memory_space<vmem>>
          %dma_start3A_342 = tpu.memref_squeeze %dma_start3A_341 : memref<1x1x128xi32, #tpu.memory_space<vmem>> -> memref<128xi32, #tpu.memory_space<vmem>>
          %dma_start3A_343 = arith.constant 0 : i32
          %dma_start3A_344 = arith.constant 0 : i32
          %dma_start3A_345 = tpu.memref_slice %arg12[%dma_start3A_343, %dma_start3A_344] : memref<10240x128xf32, #tpu.memory_space<vmem_shared>> -> memref<10240x128xf32, #tpu.memory_space<vmem_shared>>
          tpu.enqueue_indirect_dma source(%dma_start3A_339 : memref<128x128xf32, #tpu.memory_space<vmem>>) target(%dma_start3A_345 : memref<10240x128xf32, #tpu.memory_space<vmem_shared>>) offsets(%dma_start3A_342 : memref<128xi32, #tpu.memory_space<vmem>>) semaphore(%run_scoped3A_335 : memref<!tpu.dma_semaphore, #tpu.memory_space<semaphore_mem>>) {add = true}
          %dma_wait3A_346 = arith.constant 0 : i32
          %dma_wait3A_347 = arith.constant 0 : i32
          %dma_wait3A_348 = tpu.memref_slice %arg11[%run_scoped3A_307, %dma_wait3A_346, %dma_wait3A_347] : memref<2x128x128xf32, #tpu.memory_space<vmem>> -> memref<1x128x128xf32, #tpu.memory_space<vmem>>
          %dma_wait3A_349 = tpu.memref_squeeze %dma_wait3A_348 : memref<1x128x128xf32, #tpu.memory_space<vmem>> -> memref<128x128xf32, #tpu.memory_space<vmem>>
          %dma_wait3A_350 = arith.constant 0 : i32
          %dma_wait3A_351 = tpu.memref_slice %arg10[%run_scoped3A_308, %run_scoped3A_309, %dma_wait3A_350] : memref<2x4x128xi32, #tpu.memory_space<vmem>> -> memref<1x1x128xi32, #tpu.memory_space<vmem>>
          %dma_wait3A_352 = tpu.memref_squeeze %dma_wait3A_351 : memref<1x1x128xi32, #tpu.memory_space<vmem>> -> memref<128xi32, #tpu.memory_space<vmem>>
          %dma_wait3A_353 = arith.constant 0 : i32
          %dma_wait3A_354 = arith.constant 0 : i32
          %dma_wait3A_355 = tpu.memref_slice %arg12[%dma_wait3A_353, %dma_wait3A_354] : memref<10240x128xf32, #tpu.memory_space<vmem_shared>> -> memref<10240x128xf32, #tpu.memory_space<vmem_shared>>
          tpu.wait_indirect_dma semaphore(%run_scoped3A_335 : memref<!tpu.dma_semaphore, #tpu.memory_space<semaphore_mem>>) src(%dma_wait3A_349 : memref<128x128xf32, #tpu.memory_space<vmem>>) dst(%dma_wait3A_355 : memref<10240x128xf32, #tpu.memory_space<vmem_shared>>)
          tpu.yield
        }) : () -> ()
        %convert_element_type3A_310 = arith.extui %lt3A_80 : i1 to i32
        %cond3A_311 = arith.constant 0 : i32
        %cond3A_312 = arith.cmpi ne, %convert_element_type3A_310, %cond3A_311 : i32
        scf.if %cond3A_312 {
          %dma_start3A_335 = arith.constant 0 : i32
          %dma_start3A_336 = arith.constant 0 : i32
          %dma_start3A_337 = arith.constant 0 : i32
          %dma_start3A_338 = arith.constant 0 : i32
          %dma_start3A_339 = arith.constant 0 : i32
          %dma_start3A_340 = tpu.memref_slice %arg11[%dma_start3A_337, %dma_start3A_338, %dma_start3A_339] : memref<2x128x128xf32, #tpu.memory_space<vmem>> -> memref<1x128x128xf32, #tpu.memory_space<vmem>>
          %dma_start3A_341 = tpu.memref_squeeze %dma_start3A_340 : memref<1x128x128xf32, #tpu.memory_space<vmem>> -> memref<128x128xf32, #tpu.memory_space<vmem>>
          %dma_start3A_342 = arith.constant 0 : i32
          %dma_start3A_343 = tpu.memref_slice %arg9[%dma_start3A_335, %dma_start3A_336, %dma_start3A_342] : memref<2x4x128xi32, #tpu.memory_space<vmem>> -> memref<1x1x128xi32, #tpu.memory_space<vmem>>
          %dma_start3A_344 = tpu.memref_squeeze %dma_start3A_343 : memref<1x1x128xi32, #tpu.memory_space<vmem>> -> memref<128xi32, #tpu.memory_space<vmem>>
          %dma_start3A_345 = arith.constant 0 : i32
          %dma_start3A_346 = arith.constant 0 : i32
          %dma_start3A_347 = tpu.memref_slice %arg3[%dma_start3A_345, %dma_start3A_346] : memref<10240x128xf32, #tpu.memory_space<hbm>> -> memref<10240x128xf32, #tpu.memory_space<hbm>>
          tpu.enqueue_indirect_dma source(%dma_start3A_347 : memref<10240x128xf32, #tpu.memory_space<hbm>>) target(%dma_start3A_341 : memref<128x128xf32, #tpu.memory_space<vmem>>) offsets(%dma_start3A_344 : memref<128xi32, #tpu.memory_space<vmem>>) semaphore(%arg15 : memref<!tpu.dma_semaphore, #tpu.memory_space<semaphore_mem>>)
        } else {
        }
        %dma_wait3A_313 = arith.constant 1 : i32
        %dma_wait3A_314 = arith.constant 3 : i32
        %dma_wait3A_315 = arith.constant 1 : i32
        %dma_wait3A_316 = arith.constant 0 : i32
        %dma_wait3A_317 = arith.constant 0 : i32
        %dma_wait3A_318 = tpu.memref_slice %arg11[%dma_wait3A_315, %dma_wait3A_316, %dma_wait3A_317] : memref<2x128x128xf32, #tpu.memory_space<vmem>> -> memref<1x128x128xf32, #tpu.memory_space<vmem>>
        %dma_wait3A_319 = tpu.memref_squeeze %dma_wait3A_318 : memref<1x128x128xf32, #tpu.memory_space<vmem>> -> memref<128x128xf32, #tpu.memory_space<vmem>>
        %dma_wait3A_320 = arith.constant 0 : i32
        %dma_wait3A_321 = tpu.memref_slice %arg9[%dma_wait3A_313, %dma_wait3A_314, %dma_wait3A_320] : memref<2x4x128xi32, #tpu.memory_space<vmem>> -> memref<1x1x128xi32, #tpu.memory_space<vmem>>
        %dma_wait3A_322 = tpu.memref_squeeze %dma_wait3A_321 : memref<1x1x128xi32, #tpu.memory_space<vmem>> -> memref<128xi32, #tpu.memory_space<vmem>>
        %dma_wait3A_323 = arith.constant 0 : i32
        %dma_wait3A_324 = arith.constant 0 : i32
        %dma_wait3A_325 = tpu.memref_slice %arg3[%dma_wait3A_323, %dma_wait3A_324] : memref<10240x128xf32, #tpu.memory_space<hbm>> -> memref<10240x128xf32, #tpu.memory_space<hbm>>
        tpu.wait_indirect_dma semaphore(%arg16 : memref<!tpu.dma_semaphore, #tpu.memory_space<semaphore_mem>>) src(%dma_wait3A_325 : memref<10240x128xf32, #tpu.memory_space<hbm>>) dst(%dma_wait3A_319 : memref<128x128xf32, #tpu.memory_space<vmem>>)
        %run_scoped3A_326 = arith.constant 1 : i32
        %run_scoped3A_327 = arith.constant 1 : i32
        %run_scoped3A_328 = arith.constant 3 : i32
        "tpu.region"() ({
          %run_scoped3A_335 = tpu.sem_alloc : memref<!tpu.dma_semaphore, #tpu.memory_space<semaphore_mem>>
          %dma_start3A_336 = arith.constant 0 : i32
          %dma_start3A_337 = arith.constant 0 : i32
          %dma_start3A_338 = tpu.memref_slice %arg11[%run_scoped3A_326, %dma_start3A_336, %dma_start3A_337] : memref<2x128x128xf32, #tpu.memory_space<vmem>> -> memref<1x128x128xf32, #tpu.memory_space<vmem>>
          %dma_start3A_339 = tpu.memref_squeeze %dma_start3A_338 : memref<1x128x128xf32, #tpu.memory_space<vmem>> -> memref<128x128xf32, #tpu.memory_space<vmem>>
          %dma_start3A_340 = arith.constant 0 : i32
          %dma_start3A_341 = tpu.memref_slice %arg10[%run_scoped3A_327, %run_scoped3A_328, %dma_start3A_340] : memref<2x4x128xi32, #tpu.memory_space<vmem>> -> memref<1x1x128xi32, #tpu.memory_space<vmem>>
          %dma_start3A_342 = tpu.memref_squeeze %dma_start3A_341 : memref<1x1x128xi32, #tpu.memory_space<vmem>> -> memref<128xi32, #tpu.memory_space<vmem>>
          %dma_start3A_343 = arith.constant 0 : i32
          %dma_start3A_344 = arith.constant 0 : i32
          %dma_start3A_345 = tpu.memref_slice %arg12[%dma_start3A_343, %dma_start3A_344] : memref<10240x128xf32, #tpu.memory_space<vmem_shared>> -> memref<10240x128xf32, #tpu.memory_space<vmem_shared>>
          tpu.enqueue_indirect_dma source(%dma_start3A_339 : memref<128x128xf32, #tpu.memory_space<vmem>>) target(%dma_start3A_345 : memref<10240x128xf32, #tpu.memory_space<vmem_shared>>) offsets(%dma_start3A_342 : memref<128xi32, #tpu.memory_space<vmem>>) semaphore(%run_scoped3A_335 : memref<!tpu.dma_semaphore, #tpu.memory_space<semaphore_mem>>) {add = true}
          %dma_wait3A_346 = arith.constant 0 : i32
          %dma_wait3A_347 = arith.constant 0 : i32
          %dma_wait3A_348 = tpu.memref_slice %arg11[%run_scoped3A_326, %dma_wait3A_346, %dma_wait3A_347] : memref<2x128x128xf32, #tpu.memory_space<vmem>> -> memref<1x128x128xf32, #tpu.memory_space<vmem>>
          %dma_wait3A_349 = tpu.memref_squeeze %dma_wait3A_348 : memref<1x128x128xf32, #tpu.memory_space<vmem>> -> memref<128x128xf32, #tpu.memory_space<vmem>>
          %dma_wait3A_350 = arith.constant 0 : i32
          %dma_wait3A_351 = tpu.memref_slice %arg10[%run_scoped3A_327, %run_scoped3A_328, %dma_wait3A_350] : memref<2x4x128xi32, #tpu.memory_space<vmem>> -> memref<1x1x128xi32, #tpu.memory_space<vmem>>
          %dma_wait3A_352 = tpu.memref_squeeze %dma_wait3A_351 : memref<1x1x128xi32, #tpu.memory_space<vmem>> -> memref<128xi32, #tpu.memory_space<vmem>>
          %dma_wait3A_353 = arith.constant 0 : i32
          %dma_wait3A_354 = arith.constant 0 : i32
          %dma_wait3A_355 = tpu.memref_slice %arg12[%dma_wait3A_353, %dma_wait3A_354] : memref<10240x128xf32, #tpu.memory_space<vmem_shared>> -> memref<10240x128xf32, #tpu.memory_space<vmem_shared>>
          tpu.wait_indirect_dma semaphore(%run_scoped3A_335 : memref<!tpu.dma_semaphore, #tpu.memory_space<semaphore_mem>>) src(%dma_wait3A_349 : memref<128x128xf32, #tpu.memory_space<vmem>>) dst(%dma_wait3A_355 : memref<10240x128xf32, #tpu.memory_space<vmem_shared>>)
          tpu.yield
        }) : () -> ()
        %convert_element_type3A_329 = arith.extui %lt3A_80 : i1 to i32
        %cond3A_330 = arith.constant 0 : i32
        %cond3A_331 = arith.cmpi ne, %convert_element_type3A_329, %cond3A_330 : i32
        scf.if %cond3A_331 {
          %mul3A_335 = arith.constant 2 : i32
          %mul3A_336 = arith.muli %mul3A_335, %scan3A_79 : i32
          %add3A_337 = arith.addi %mul3A_9, %mul3A_336 : i32
          %add3A_338 = arith.constant 3 : i32
          %add3A_339 = arith.addi %add3A_337, %add3A_338 : i32
          %dma_start3A_340 = arith.constant 1 : i32
          %dma_start3A_341 = arith.constant 0 : i32
          %dma_start3A_342 = arith.constant 0 : i32
          %dma_start3A_343 = tpu.memref_slice %arg9[%dma_start3A_340, %dma_start3A_341, %dma_start3A_342] : memref<2x4x128xi32, #tpu.memory_space<vmem>> -> memref<1x4x128xi32, #tpu.memory_space<vmem>>
          %dma_start3A_344 = tpu.memref_squeeze %dma_start3A_343 : memref<1x4x128xi32, #tpu.memory_space<vmem>> -> memref<4x128xi32, #tpu.memory_space<vmem>>
          %dma_start3A_345 = arith.constant 0 : i32
          %dma_start3A_346 = arith.constant 0 : i32
          %dma_start3A_347 = tpu.memref_slice %arg6[%add3A_339, %dma_start3A_345, %dma_start3A_346] : memref<640x4x128xi32, #tpu.memory_space<hbm>> -> memref<1x4x128xi32, #tpu.memory_space<hbm>>
          %dma_start3A_348 = tpu.memref_squeeze %dma_start3A_347 : memref<1x4x128xi32, #tpu.memory_space<hbm>> -> memref<4x128xi32, #tpu.memory_space<hbm>>
          %dma_start3A_349 = arith.constant 0 : i32
          %dma_start3A_350 = arith.constant 0 : i32
          %dma_start3A_351 = tpu.memref_slice %arg9[%dma_start3A_340, %dma_start3A_349, %dma_start3A_350] : memref<2x4x128xi32, #tpu.memory_space<vmem>> -> memref<1x4x128xi32, #tpu.memory_space<vmem>>
          %dma_start3A_352 = tpu.memref_squeeze %dma_start3A_351 : memref<1x4x128xi32, #tpu.memory_space<vmem>> -> memref<4x128xi32, #tpu.memory_space<vmem>>
          %dma_start3A_353 = arith.constant 0 : i32
          %dma_start3A_354 = arith.constant 0 : i32
          %dma_start3A_355 = tpu.memref_slice %arg6[%add3A_339, %dma_start3A_353, %dma_start3A_354] : memref<640x4x128xi32, #tpu.memory_space<hbm>> -> memref<1x4x128xi32, #tpu.memory_space<hbm>>
          %dma_start3A_356 = tpu.memref_squeeze %dma_start3A_355 : memref<1x4x128xi32, #tpu.memory_space<hbm>> -> memref<4x128xi32, #tpu.memory_space<hbm>>
          tpu.enqueue_dma source(%dma_start3A_356 : memref<4x128xi32, #tpu.memory_space<hbm>>) target(%dma_start3A_352 : memref<4x128xi32, #tpu.memory_space<vmem>>) target_semaphore(%arg14 : memref<!tpu.dma_semaphore, #tpu.memory_space<semaphore_mem>>)
          %dma_start3A_357 = arith.constant 1 : i32
          %dma_start3A_358 = arith.constant 0 : i32
          %dma_start3A_359 = arith.constant 0 : i32
          %dma_start3A_360 = tpu.memref_slice %arg10[%dma_start3A_357, %dma_start3A_358, %dma_start3A_359] : memref<2x4x128xi32, #tpu.memory_space<vmem>> -> memref<1x4x128xi32, #tpu.memory_space<vmem>>
          %dma_start3A_361 = tpu.memref_squeeze %dma_start3A_360 : memref<1x4x128xi32, #tpu.memory_space<vmem>> -> memref<4x128xi32, #tpu.memory_space<vmem>>
          %dma_start3A_362 = arith.constant 0 : i32
          %dma_start3A_363 = arith.constant 0 : i32
          %dma_start3A_364 = tpu.memref_slice %arg5[%add3A_339, %dma_start3A_362, %dma_start3A_363] : memref<640x4x128xi32, #tpu.memory_space<hbm>> -> memref<1x4x128xi32, #tpu.memory_space<hbm>>
          %dma_start3A_365 = tpu.memref_squeeze %dma_start3A_364 : memref<1x4x128xi32, #tpu.memory_space<hbm>> -> memref<4x128xi32, #tpu.memory_space<hbm>>
          %dma_start3A_366 = arith.constant 0 : i32
          %dma_start3A_367 = arith.constant 0 : i32
          %dma_start3A_368 = tpu.memref_slice %arg10[%dma_start3A_357, %dma_start3A_366, %dma_start3A_367] : memref<2x4x128xi32, #tpu.memory_space<vmem>> -> memref<1x4x128xi32, #tpu.memory_space<vmem>>
          %dma_start3A_369 = tpu.memref_squeeze %dma_start3A_368 : memref<1x4x128xi32, #tpu.memory_space<vmem>> -> memref<4x128xi32, #tpu.memory_space<vmem>>
          %dma_start3A_370 = arith.constant 0 : i32
          %dma_start3A_371 = arith.constant 0 : i32
          %dma_start3A_372 = tpu.memref_slice %arg5[%add3A_339, %dma_start3A_370, %dma_start3A_371] : memref<640x4x128xi32, #tpu.memory_space<hbm>> -> memref<1x4x128xi32, #tpu.memory_space<hbm>>
          %dma_start3A_373 = tpu.memref_squeeze %dma_start3A_372 : memref<1x4x128xi32, #tpu.memory_space<hbm>> -> memref<4x128xi32, #tpu.memory_space<hbm>>
          tpu.enqueue_dma source(%dma_start3A_373 : memref<4x128xi32, #tpu.memory_space<hbm>>) target(%dma_start3A_369 : memref<4x128xi32, #tpu.memory_space<vmem>>) target_semaphore(%arg14 : memref<!tpu.dma_semaphore, #tpu.memory_space<semaphore_mem>>)
        } else {
        }
        %convert_element_type3A_332 = arith.extui %lt3A_80 : i1 to i32
        %cond3A_333 = arith.constant 0 : i32
        %cond3A_334 = arith.cmpi ne, %convert_element_type3A_332, %cond3A_333 : i32
        scf.if %cond3A_334 {
          %dma_start3A_335 = arith.constant 0 : i32
          %dma_start3A_336 = arith.constant 1 : i32
          %dma_start3A_337 = arith.constant 1 : i32
          %dma_start3A_338 = arith.constant 0 : i32
          %dma_start3A_339 = arith.constant 0 : i32
          %dma_start3A_340 = tpu.memref_slice %arg11[%dma_start3A_337, %dma_start3A_338, %dma_start3A_339] : memref<2x128x128xf32, #tpu.memory_space<vmem>> -> memref<1x128x128xf32, #tpu.memory_space<vmem>>
          %dma_start3A_341 = tpu.memref_squeeze %dma_start3A_340 : memref<1x128x128xf32, #tpu.memory_space<vmem>> -> memref<128x128xf32, #tpu.memory_space<vmem>>
          %dma_start3A_342 = arith.constant 0 : i32
          %dma_start3A_343 = tpu.memref_slice %arg9[%dma_start3A_335, %dma_start3A_336, %dma_start3A_342] : memref<2x4x128xi32, #tpu.memory_space<vmem>> -> memref<1x1x128xi32, #tpu.memory_space<vmem>>
          %dma_start3A_344 = tpu.memref_squeeze %dma_start3A_343 : memref<1x1x128xi32, #tpu.memory_space<vmem>> -> memref<128xi32, #tpu.memory_space<vmem>>
          %dma_start3A_345 = arith.constant 0 : i32
          %dma_start3A_346 = arith.constant 0 : i32
          %dma_start3A_347 = tpu.memref_slice %arg3[%dma_start3A_345, %dma_start3A_346] : memref<10240x128xf32, #tpu.memory_space<hbm>> -> memref<10240x128xf32, #tpu.memory_space<hbm>>
          tpu.enqueue_indirect_dma source(%dma_start3A_347 : memref<10240x128xf32, #tpu.memory_space<hbm>>) target(%dma_start3A_341 : memref<128x128xf32, #tpu.memory_space<vmem>>) offsets(%dma_start3A_344 : memref<128xi32, #tpu.memory_space<vmem>>) semaphore(%arg16 : memref<!tpu.dma_semaphore, #tpu.memory_space<semaphore_mem>>)
        } else {
        }
      }
      %scan3A_77 = arith.constant 20 : i32
      %barrier3A_78 = arith.constant 0 : index
      tpu.barrier barrier_id(%barrier3A_78)
      "tpu.region"() ({
        %run_scoped3A_79 = tpu.sem_alloc : memref<!tpu.dma_semaphore, #tpu.memory_space<semaphore_mem>>
        %dma_start3A_80 = arith.constant 0 : i32
        %dma_start3A_81 = tpu.memref_slice %arg7[%mul3A_0, %dma_start3A_80] : memref<10240x128xf32, #tpu.memory_space<hbm>> -> memref<640x128xf32, #tpu.memory_space<hbm>>
        %dma_start3A_82 = arith.constant 0 : i32
        %dma_start3A_83 = tpu.memref_slice %arg12[%mul3A_0, %dma_start3A_82] : memref<10240x128xf32, #tpu.memory_space<vmem_shared>> -> memref<640x128xf32, #tpu.memory_space<vmem_shared>>
        tpu.enqueue_dma source(%dma_start3A_83 : memref<640x128xf32, #tpu.memory_space<vmem_shared>>) target(%dma_start3A_81 : memref<640x128xf32, #tpu.memory_space<hbm>>) target_semaphore(%run_scoped3A_79 : memref<!tpu.dma_semaphore, #tpu.memory_space<semaphore_mem>>)
        %dma_wait3A = arith.constant 0 : i32
        %dma_wait3A_84 = tpu.memref_slice %arg7[%mul3A_0, %dma_wait3A] : memref<10240x128xf32, #tpu.memory_space<hbm>> -> memref<640x128xf32, #tpu.memory_space<hbm>>
        %dma_wait3A_85 = arith.constant 0 : i32
        %dma_wait3A_86 = tpu.memref_slice %arg12[%mul3A_0, %dma_wait3A_85] : memref<10240x128xf32, #tpu.memory_space<vmem_shared>> -> memref<640x128xf32, #tpu.memory_space<vmem_shared>>
        tpu.wait_dma2 semaphore(%run_scoped3A_79 : memref<!tpu.dma_semaphore, #tpu.memory_space<semaphore_mem>>) src(%dma_wait3A_86 : memref<640x128xf32, #tpu.memory_space<vmem_shared>>) dst(%dma_wait3A_84 : memref<640x128xf32, #tpu.memory_space<hbm>>)
        tpu.yield
      }) : () -> ()
    } else {
    }
    %eq3A_3 = arith.constant 1 : i32
    %eq3A_4 = arith.cmpi eq, %arg0, %eq3A_3 : i32
    %convert_element_type3A_5 = arith.extui %eq3A_4 : i1 to i32
    %cond3A_6 = arith.constant 0 : i32
    %cond3A_7 = arith.cmpi ne, %convert_element_type3A_5, %cond3A_6 : i32
    scf.if %cond3A_7 {
      %mul3A_8 = arith.constant 40 : i32
      %mul3A_9 = arith.muli %arg1, %mul3A_8 : i32
      %run_scoped3A = arith.constant 0 : i32
      "tpu.region"() ({
        %run_scoped3A_79 = tpu.sem_alloc : memref<!tpu.dma_semaphore, #tpu.memory_space<semaphore_mem>>
        %dma_start3A_80 = arith.constant 0 : i32
        %dma_start3A_81 = arith.constant 0 : i32
        %dma_start3A_82 = tpu.memref_slice %arg9[%run_scoped3A, %dma_start3A_80, %dma_start3A_81] : memref<2x4x128xi32, #tpu.memory_space<vmem>> -> memref<1x4x128xi32, #tpu.memory_space<vmem>>
        %dma_start3A_83 = tpu.memref_squeeze %dma_start3A_82 : memref<1x4x128xi32, #tpu.memory_space<vmem>> -> memref<4x128xi32, #tpu.memory_space<vmem>>
        %dma_start3A_84 = arith.constant 0 : i32
        %dma_start3A_85 = arith.constant 0 : i32
        %dma_start3A_86 = tpu.memref_slice %arg5[%mul3A_9, %dma_start3A_84, %dma_start3A_85] : memref<640x4x128xi32, #tpu.memory_space<hbm>> -> memref<1x4x128xi32, #tpu.memory_space<hbm>>
        %dma_start3A_87 = tpu.memref_squeeze %dma_start3A_86 : memref<1x4x128xi32, #tpu.memory_space<hbm>> -> memref<4x128xi32, #tpu.memory_space<hbm>>
        %dma_start3A_88 = arith.constant 0 : i32
        %dma_start3A_89 = arith.constant 0 : i32
        %dma_start3A_90 = tpu.memref_slice %arg9[%run_scoped3A, %dma_start3A_88, %dma_start3A_89] : memref<2x4x128xi32, #tpu.memory_space<vmem>> -> memref<1x4x128xi32, #tpu.memory_space<vmem>>
        %dma_start3A_91 = tpu.memref_squeeze %dma_start3A_90 : memref<1x4x128xi32, #tpu.memory_space<vmem>> -> memref<4x128xi32, #tpu.memory_space<vmem>>
        %dma_start3A_92 = arith.constant 0 : i32
        %dma_start3A_93 = arith.constant 0 : i32
        %dma_start3A_94 = tpu.memref_slice %arg5[%mul3A_9, %dma_start3A_92, %dma_start3A_93] : memref<640x4x128xi32, #tpu.memory_space<hbm>> -> memref<1x4x128xi32, #tpu.memory_space<hbm>>
        %dma_start3A_95 = tpu.memref_squeeze %dma_start3A_94 : memref<1x4x128xi32, #tpu.memory_space<hbm>> -> memref<4x128xi32, #tpu.memory_space<hbm>>
        tpu.enqueue_dma source(%dma_start3A_95 : memref<4x128xi32, #tpu.memory_space<hbm>>) target(%dma_start3A_91 : memref<4x128xi32, #tpu.memory_space<vmem>>) target_semaphore(%run_scoped3A_79 : memref<!tpu.dma_semaphore, #tpu.memory_space<semaphore_mem>>)
        %dma_wait3A = arith.constant 0 : i32
        %dma_wait3A_96 = arith.constant 0 : i32
        %dma_wait3A_97 = tpu.memref_slice %arg9[%run_scoped3A, %dma_wait3A, %dma_wait3A_96] : memref<2x4x128xi32, #tpu.memory_space<vmem>> -> memref<1x4x128xi32, #tpu.memory_space<vmem>>
        %dma_wait3A_98 = tpu.memref_squeeze %dma_wait3A_97 : memref<1x4x128xi32, #tpu.memory_space<vmem>> -> memref<4x128xi32, #tpu.memory_space<vmem>>
        %dma_wait3A_99 = arith.constant 0 : i32
        %dma_wait3A_100 = arith.constant 0 : i32
        %dma_wait3A_101 = tpu.memref_slice %arg5[%mul3A_9, %dma_wait3A_99, %dma_wait3A_100] : memref<640x4x128xi32, #tpu.memory_space<hbm>> -> memref<1x4x128xi32, #tpu.memory_space<hbm>>
        %dma_wait3A_102 = tpu.memref_squeeze %dma_wait3A_101 : memref<1x4x128xi32, #tpu.memory_space<hbm>> -> memref<4x128xi32, #tpu.memory_space<hbm>>
        %dma_wait3A_103 = arith.constant 0 : i32
        %dma_wait3A_104 = arith.constant 0 : i32
        %dma_wait3A_105 = tpu.memref_slice %arg9[%run_scoped3A, %dma_wait3A_103, %dma_wait3A_104] : memref<2x4x128xi32, #tpu.memory_space<vmem>> -> memref<1x4x128xi32, #tpu.memory_space<vmem>>
        %dma_wait3A_106 = tpu.memref_squeeze %dma_wait3A_105 : memref<1x4x128xi32, #tpu.memory_space<vmem>> -> memref<4x128xi32, #tpu.memory_space<vmem>>
        %dma_wait3A_107 = arith.constant 0 : i32
        %dma_wait3A_108 = arith.constant 0 : i32
        %dma_wait3A_109 = tpu.memref_slice %arg5[%mul3A_9, %dma_wait3A_107, %dma_wait3A_108] : memref<640x4x128xi32, #tpu.memory_space<hbm>> -> memref<1x4x128xi32, #tpu.memory_space<hbm>>
        %dma_wait3A_110 = tpu.memref_squeeze %dma_wait3A_109 : memref<1x4x128xi32, #tpu.memory_space<hbm>> -> memref<4x128xi32, #tpu.memory_space<hbm>>
        tpu.wait_dma2 semaphore(%run_scoped3A_79 : memref<!tpu.dma_semaphore, #tpu.memory_space<semaphore_mem>>) src(%dma_wait3A_110 : memref<4x128xi32, #tpu.memory_space<hbm>>) dst(%dma_wait3A_106 : memref<4x128xi32, #tpu.memory_space<vmem>>)
        tpu.yield
      }) : () -> ()
      %run_scoped3A_10 = arith.constant 0 : i32
      "tpu.region"() ({
        %run_scoped3A_79 = tpu.sem_alloc : memref<!tpu.dma_semaphore, #tpu.memory_space<semaphore_mem>>
        %dma_start3A_80 = arith.constant 0 : i32
        %dma_start3A_81 = arith.constant 0 : i32
        %dma_start3A_82 = tpu.memref_slice %arg10[%run_scoped3A_10, %dma_start3A_80, %dma_start3A_81] : memref<2x4x128xi32, #tpu.memory_space<vmem>> -> memref<1x4x128xi32, #tpu.memory_space<vmem>>
        %dma_start3A_83 = tpu.memref_squeeze %dma_start3A_82 : memref<1x4x128xi32, #tpu.memory_space<vmem>> -> memref<4x128xi32, #tpu.memory_space<vmem>>
        %dma_start3A_84 = arith.constant 0 : i32
        %dma_start3A_85 = arith.constant 0 : i32
        %dma_start3A_86 = tpu.memref_slice %arg6[%mul3A_9, %dma_start3A_84, %dma_start3A_85] : memref<640x4x128xi32, #tpu.memory_space<hbm>> -> memref<1x4x128xi32, #tpu.memory_space<hbm>>
        %dma_start3A_87 = tpu.memref_squeeze %dma_start3A_86 : memref<1x4x128xi32, #tpu.memory_space<hbm>> -> memref<4x128xi32, #tpu.memory_space<hbm>>
        %dma_start3A_88 = arith.constant 0 : i32
        %dma_start3A_89 = arith.constant 0 : i32
        %dma_start3A_90 = tpu.memref_slice %arg10[%run_scoped3A_10, %dma_start3A_88, %dma_start3A_89] : memref<2x4x128xi32, #tpu.memory_space<vmem>> -> memref<1x4x128xi32, #tpu.memory_space<vmem>>
        %dma_start3A_91 = tpu.memref_squeeze %dma_start3A_90 : memref<1x4x128xi32, #tpu.memory_space<vmem>> -> memref<4x128xi32, #tpu.memory_space<vmem>>
        %dma_start3A_92 = arith.constant 0 : i32
        %dma_start3A_93 = arith.constant 0 : i32
        %dma_start3A_94 = tpu.memref_slice %arg6[%mul3A_9, %dma_start3A_92, %dma_start3A_93] : memref<640x4x128xi32, #tpu.memory_space<hbm>> -> memref<1x4x128xi32, #tpu.memory_space<hbm>>
        %dma_start3A_95 = tpu.memref_squeeze %dma_start3A_94 : memref<1x4x128xi32, #tpu.memory_space<hbm>> -> memref<4x128xi32, #tpu.memory_space<hbm>>
        tpu.enqueue_dma source(%dma_start3A_95 : memref<4x128xi32, #tpu.memory_space<hbm>>) target(%dma_start3A_91 : memref<4x128xi32, #tpu.memory_space<vmem>>) target_semaphore(%run_scoped3A_79 : memref<!tpu.dma_semaphore, #tpu.memory_space<semaphore_mem>>)
        %dma_wait3A = arith.constant 0 : i32
        %dma_wait3A_96 = arith.constant 0 : i32
        %dma_wait3A_97 = tpu.memref_slice %arg10[%run_scoped3A_10, %dma_wait3A, %dma_wait3A_96] : memref<2x4x128xi32, #tpu.memory_space<vmem>> -> memref<1x4x128xi32, #tpu.memory_space<vmem>>
        %dma_wait3A_98 = tpu.memref_squeeze %dma_wait3A_97 : memref<1x4x128xi32, #tpu.memory_space<vmem>> -> memref<4x128xi32, #tpu.memory_space<vmem>>
        %dma_wait3A_99 = arith.constant 0 : i32
        %dma_wait3A_100 = arith.constant 0 : i32
        %dma_wait3A_101 = tpu.memref_slice %arg6[%mul3A_9, %dma_wait3A_99, %dma_wait3A_100] : memref<640x4x128xi32, #tpu.memory_space<hbm>> -> memref<1x4x128xi32, #tpu.memory_space<hbm>>
        %dma_wait3A_102 = tpu.memref_squeeze %dma_wait3A_101 : memref<1x4x128xi32, #tpu.memory_space<hbm>> -> memref<4x128xi32, #tpu.memory_space<hbm>>
        %dma_wait3A_103 = arith.constant 0 : i32
        %dma_wait3A_104 = arith.constant 0 : i32
        %dma_wait3A_105 = tpu.memref_slice %arg10[%run_scoped3A_10, %dma_wait3A_103, %dma_wait3A_104] : memref<2x4x128xi32, #tpu.memory_space<vmem>> -> memref<1x4x128xi32, #tpu.memory_space<vmem>>
        %dma_wait3A_106 = tpu.memref_squeeze %dma_wait3A_105 : memref<1x4x128xi32, #tpu.memory_space<vmem>> -> memref<4x128xi32, #tpu.memory_space<vmem>>
        %dma_wait3A_107 = arith.constant 0 : i32
        %dma_wait3A_108 = arith.constant 0 : i32
        %dma_wait3A_109 = tpu.memref_slice %arg6[%mul3A_9, %dma_wait3A_107, %dma_wait3A_108] : memref<640x4x128xi32, #tpu.memory_space<hbm>> -> memref<1x4x128xi32, #tpu.memory_space<hbm>>
        %dma_wait3A_110 = tpu.memref_squeeze %dma_wait3A_109 : memref<1x4x128xi32, #tpu.memory_space<hbm>> -> memref<4x128xi32, #tpu.memory_space<hbm>>
        tpu.wait_dma2 semaphore(%run_scoped3A_79 : memref<!tpu.dma_semaphore, #tpu.memory_space<semaphore_mem>>) src(%dma_wait3A_110 : memref<4x128xi32, #tpu.memory_space<hbm>>) dst(%dma_wait3A_106 : memref<4x128xi32, #tpu.memory_space<vmem>>)
        tpu.yield
      }) : () -> ()
      %add3A = arith.constant 1 : i32
      %add3A_11 = arith.addi %mul3A_9, %add3A : i32
      %dma_start3A = arith.constant 1 : i32
      %dma_start3A_12 = arith.constant 0 : i32
      %dma_start3A_13 = arith.constant 0 : i32
      %dma_start3A_14 = tpu.memref_slice %arg9[%dma_start3A, %dma_start3A_12, %dma_start3A_13] : memref<2x4x128xi32, #tpu.memory_space<vmem>> -> memref<1x4x128xi32, #tpu.memory_space<vmem>>
      %dma_start3A_15 = tpu.memref_squeeze %dma_start3A_14 : memref<1x4x128xi32, #tpu.memory_space<vmem>> -> memref<4x128xi32, #tpu.memory_space<vmem>>
      %dma_start3A_16 = arith.constant 0 : i32
      %dma_start3A_17 = arith.constant 0 : i32
      %dma_start3A_18 = tpu.memref_slice %arg5[%add3A_11, %dma_start3A_16, %dma_start3A_17] : memref<640x4x128xi32, #tpu.memory_space<hbm>> -> memref<1x4x128xi32, #tpu.memory_space<hbm>>
      %dma_start3A_19 = tpu.memref_squeeze %dma_start3A_18 : memref<1x4x128xi32, #tpu.memory_space<hbm>> -> memref<4x128xi32, #tpu.memory_space<hbm>>
      %dma_start3A_20 = arith.constant 0 : i32
      %dma_start3A_21 = arith.constant 0 : i32
      %dma_start3A_22 = tpu.memref_slice %arg9[%dma_start3A, %dma_start3A_20, %dma_start3A_21] : memref<2x4x128xi32, #tpu.memory_space<vmem>> -> memref<1x4x128xi32, #tpu.memory_space<vmem>>
      %dma_start3A_23 = tpu.memref_squeeze %dma_start3A_22 : memref<1x4x128xi32, #tpu.memory_space<vmem>> -> memref<4x128xi32, #tpu.memory_space<vmem>>
      %dma_start3A_24 = arith.constant 0 : i32
      %dma_start3A_25 = arith.constant 0 : i32
      %dma_start3A_26 = tpu.memref_slice %arg5[%add3A_11, %dma_start3A_24, %dma_start3A_25] : memref<640x4x128xi32, #tpu.memory_space<hbm>> -> memref<1x4x128xi32, #tpu.memory_space<hbm>>
      %dma_start3A_27 = tpu.memref_squeeze %dma_start3A_26 : memref<1x4x128xi32, #tpu.memory_space<hbm>> -> memref<4x128xi32, #tpu.memory_space<hbm>>
      tpu.enqueue_dma source(%dma_start3A_27 : memref<4x128xi32, #tpu.memory_space<hbm>>) target(%dma_start3A_23 : memref<4x128xi32, #tpu.memory_space<vmem>>) target_semaphore(%arg14 : memref<!tpu.dma_semaphore, #tpu.memory_space<semaphore_mem>>)
      %add3A_28 = arith.constant 1 : i32
      %add3A_29 = arith.addi %mul3A_9, %add3A_28 : i32
      %dma_start3A_30 = arith.constant 1 : i32
      %dma_start3A_31 = arith.constant 0 : i32
      %dma_start3A_32 = arith.constant 0 : i32
      %dma_start3A_33 = tpu.memref_slice %arg10[%dma_start3A_30, %dma_start3A_31, %dma_start3A_32] : memref<2x4x128xi32, #tpu.memory_space<vmem>> -> memref<1x4x128xi32, #tpu.memory_space<vmem>>
      %dma_start3A_34 = tpu.memref_squeeze %dma_start3A_33 : memref<1x4x128xi32, #tpu.memory_space<vmem>> -> memref<4x128xi32, #tpu.memory_space<vmem>>
      %dma_start3A_35 = arith.constant 0 : i32
      %dma_start3A_36 = arith.constant 0 : i32
      %dma_start3A_37 = tpu.memref_slice %arg6[%add3A_29, %dma_start3A_35, %dma_start3A_36] : memref<640x4x128xi32, #tpu.memory_space<hbm>> -> memref<1x4x128xi32, #tpu.memory_space<hbm>>
      %dma_start3A_38 = tpu.memref_squeeze %dma_start3A_37 : memref<1x4x128xi32, #tpu.memory_space<hbm>> -> memref<4x128xi32, #tpu.memory_space<hbm>>
      %dma_start3A_39 = arith.constant 0 : i32
      %dma_start3A_40 = arith.constant 0 : i32
      %dma_start3A_41 = tpu.memref_slice %arg10[%dma_start3A_30, %dma_start3A_39, %dma_start3A_40] : memref<2x4x128xi32, #tpu.memory_space<vmem>> -> memref<1x4x128xi32, #tpu.memory_space<vmem>>
      %dma_start3A_42 = tpu.memref_squeeze %dma_start3A_41 : memref<1x4x128xi32, #tpu.memory_space<vmem>> -> memref<4x128xi32, #tpu.memory_space<vmem>>
      %dma_start3A_43 = arith.constant 0 : i32
      %dma_start3A_44 = arith.constant 0 : i32
      %dma_start3A_45 = tpu.memref_slice %arg6[%add3A_29, %dma_start3A_43, %dma_start3A_44] : memref<640x4x128xi32, #tpu.memory_space<hbm>> -> memref<1x4x128xi32, #tpu.memory_space<hbm>>
      %dma_start3A_46 = tpu.memref_squeeze %dma_start3A_45 : memref<1x4x128xi32, #tpu.memory_space<hbm>> -> memref<4x128xi32, #tpu.memory_space<hbm>>
      tpu.enqueue_dma source(%dma_start3A_46 : memref<4x128xi32, #tpu.memory_space<hbm>>) target(%dma_start3A_42 : memref<4x128xi32, #tpu.memory_space<vmem>>) target_semaphore(%arg14 : memref<!tpu.dma_semaphore, #tpu.memory_space<semaphore_mem>>)
      %dma_start3A_47 = arith.constant 0 : i32
      %dma_start3A_48 = arith.constant 0 : i32
      %dma_start3A_49 = arith.constant 0 : i32
      %dma_start3A_50 = arith.constant 0 : i32
      %dma_start3A_51 = arith.constant 0 : i32
      %dma_start3A_52 = tpu.memref_slice %arg11[%dma_start3A_49, %dma_start3A_50, %dma_start3A_51] : memref<2x128x128xf32, #tpu.memory_space<vmem>> -> memref<1x128x128xf32, #tpu.memory_space<vmem>>
      %dma_start3A_53 = tpu.memref_squeeze %dma_start3A_52 : memref<1x128x128xf32, #tpu.memory_space<vmem>> -> memref<128x128xf32, #tpu.memory_space<vmem>>
      %dma_start3A_54 = arith.constant 0 : i32
      %dma_start3A_55 = tpu.memref_slice %arg9[%dma_start3A_47, %dma_start3A_48, %dma_start3A_54] : memref<2x4x128xi32, #tpu.memory_space<vmem>> -> memref<1x1x128xi32, #tpu.memory_space<vmem>>
      %dma_start3A_56 = tpu.memref_squeeze %dma_start3A_55 : memref<1x1x128xi32, #tpu.memory_space<vmem>> -> memref<128xi32, #tpu.memory_space<vmem>>
      %dma_start3A_57 = arith.constant 0 : i32
      %dma_start3A_58 = arith.constant 0 : i32
      %dma_start3A_59 = tpu.memref_slice %arg4[%dma_start3A_57, %dma_start3A_58] : memref<10240x128xf32, #tpu.memory_space<hbm>> -> memref<10240x128xf32, #tpu.memory_space<hbm>>
      tpu.enqueue_indirect_dma source(%dma_start3A_59 : memref<10240x128xf32, #tpu.memory_space<hbm>>) target(%dma_start3A_53 : memref<128x128xf32, #tpu.memory_space<vmem>>) offsets(%dma_start3A_56 : memref<128xi32, #tpu.memory_space<vmem>>) semaphore(%arg15 : memref<!tpu.dma_semaphore, #tpu.memory_space<semaphore_mem>>)
      %dma_start3A_60 = arith.constant 0 : i32
      %dma_start3A_61 = arith.constant 1 : i32
      %dma_start3A_62 = arith.constant 1 : i32
      %dma_start3A_63 = arith.constant 0 : i32
      %dma_start3A_64 = arith.constant 0 : i32
      %dma_start3A_65 = tpu.memref_slice %arg11[%dma_start3A_62, %dma_start3A_63, %dma_start3A_64] : memref<2x128x128xf32, #tpu.memory_space<vmem>> -> memref<1x128x128xf32, #tpu.memory_space<vmem>>
      %dma_start3A_66 = tpu.memref_squeeze %dma_start3A_65 : memref<1x128x128xf32, #tpu.memory_space<vmem>> -> memref<128x128xf32, #tpu.memory_space<vmem>>
      %dma_start3A_67 = arith.constant 0 : i32
      %dma_start3A_68 = tpu.memref_slice %arg9[%dma_start3A_60, %dma_start3A_61, %dma_start3A_67] : memref<2x4x128xi32, #tpu.memory_space<vmem>> -> memref<1x1x128xi32, #tpu.memory_space<vmem>>
      %dma_start3A_69 = tpu.memref_squeeze %dma_start3A_68 : memref<1x1x128xi32, #tpu.memory_space<vmem>> -> memref<128xi32, #tpu.memory_space<vmem>>
      %dma_start3A_70 = arith.constant 0 : i32
      %dma_start3A_71 = arith.constant 0 : i32
      %dma_start3A_72 = tpu.memref_slice %arg4[%dma_start3A_70, %dma_start3A_71] : memref<10240x128xf32, #tpu.memory_space<hbm>> -> memref<10240x128xf32, #tpu.memory_space<hbm>>
      tpu.enqueue_indirect_dma source(%dma_start3A_72 : memref<10240x128xf32, #tpu.memory_space<hbm>>) target(%dma_start3A_66 : memref<128x128xf32, #tpu.memory_space<vmem>>) offsets(%dma_start3A_69 : memref<128xi32, #tpu.memory_space<vmem>>) semaphore(%arg16 : memref<!tpu.dma_semaphore, #tpu.memory_space<semaphore_mem>>)
      %scan3A = arith.constant 0 : i32
      %scan3A_73 = arith.constant 0 : i32
      %scan3A_74 = arith.constant 20 : i32
      %scan3A_75 = arith.addi %scan3A_73, %scan3A_74 : i32
      %scan3A_76 = arith.constant 1 : i32
      scf.for %scan3A_79 = %scan3A_73 to %scan3A_75 step %scan3A_76  : i32 {
        %lt3A = arith.constant 19 : i32
        %lt3A_80 = arith.cmpi slt, %scan3A_79, %lt3A : i32
        %dma_wait3A = arith.constant 0 : i32
        %dma_wait3A_81 = arith.constant 0 : i32
        %dma_wait3A_82 = arith.constant 0 : i32
        %dma_wait3A_83 = arith.constant 0 : i32
        %dma_wait3A_84 = arith.constant 0 : i32
        %dma_wait3A_85 = tpu.memref_slice %arg11[%dma_wait3A_82, %dma_wait3A_83, %dma_wait3A_84] : memref<2x128x128xf32, #tpu.memory_space<vmem>> -> memref<1x128x128xf32, #tpu.memory_space<vmem>>
        %dma_wait3A_86 = tpu.memref_squeeze %dma_wait3A_85 : memref<1x128x128xf32, #tpu.memory_space<vmem>> -> memref<128x128xf32, #tpu.memory_space<vmem>>
        %dma_wait3A_87 = arith.constant 0 : i32
        %dma_wait3A_88 = tpu.memref_slice %arg9[%dma_wait3A, %dma_wait3A_81, %dma_wait3A_87] : memref<2x4x128xi32, #tpu.memory_space<vmem>> -> memref<1x1x128xi32, #tpu.memory_space<vmem>>
        %dma_wait3A_89 = tpu.memref_squeeze %dma_wait3A_88 : memref<1x1x128xi32, #tpu.memory_space<vmem>> -> memref<128xi32, #tpu.memory_space<vmem>>
        %dma_wait3A_90 = arith.constant 0 : i32
        %dma_wait3A_91 = arith.constant 0 : i32
        %dma_wait3A_92 = tpu.memref_slice %arg4[%dma_wait3A_90, %dma_wait3A_91] : memref<10240x128xf32, #tpu.memory_space<hbm>> -> memref<10240x128xf32, #tpu.memory_space<hbm>>
        tpu.wait_indirect_dma semaphore(%arg15 : memref<!tpu.dma_semaphore, #tpu.memory_space<semaphore_mem>>) src(%dma_wait3A_92 : memref<10240x128xf32, #tpu.memory_space<hbm>>) dst(%dma_wait3A_86 : memref<128x128xf32, #tpu.memory_space<vmem>>)
        %run_scoped3A_93 = arith.constant 0 : i32
        %run_scoped3A_94 = arith.constant 0 : i32
        %run_scoped3A_95 = arith.constant 0 : i32
        "tpu.region"() ({
          %run_scoped3A_335 = tpu.sem_alloc : memref<!tpu.dma_semaphore, #tpu.memory_space<semaphore_mem>>
          %dma_start3A_336 = arith.constant 0 : i32
          %dma_start3A_337 = arith.constant 0 : i32
          %dma_start3A_338 = tpu.memref_slice %arg11[%run_scoped3A_93, %dma_start3A_336, %dma_start3A_337] : memref<2x128x128xf32, #tpu.memory_space<vmem>> -> memref<1x128x128xf32, #tpu.memory_space<vmem>>
          %dma_start3A_339 = tpu.memref_squeeze %dma_start3A_338 : memref<1x128x128xf32, #tpu.memory_space<vmem>> -> memref<128x128xf32, #tpu.memory_space<vmem>>
          %dma_start3A_340 = arith.constant 0 : i32
          %dma_start3A_341 = tpu.memref_slice %arg10[%run_scoped3A_94, %run_scoped3A_95, %dma_start3A_340] : memref<2x4x128xi32, #tpu.memory_space<vmem>> -> memref<1x1x128xi32, #tpu.memory_space<vmem>>
          %dma_start3A_342 = tpu.memref_squeeze %dma_start3A_341 : memref<1x1x128xi32, #tpu.memory_space<vmem>> -> memref<128xi32, #tpu.memory_space<vmem>>
          %dma_start3A_343 = arith.constant 0 : i32
          %dma_start3A_344 = arith.constant 0 : i32
          %dma_start3A_345 = tpu.memref_slice %arg12[%dma_start3A_343, %dma_start3A_344] : memref<10240x128xf32, #tpu.memory_space<vmem_shared>> -> memref<10240x128xf32, #tpu.memory_space<vmem_shared>>
          tpu.enqueue_indirect_dma source(%dma_start3A_339 : memref<128x128xf32, #tpu.memory_space<vmem>>) target(%dma_start3A_345 : memref<10240x128xf32, #tpu.memory_space<vmem_shared>>) offsets(%dma_start3A_342 : memref<128xi32, #tpu.memory_space<vmem>>) semaphore(%run_scoped3A_335 : memref<!tpu.dma_semaphore, #tpu.memory_space<semaphore_mem>>) {add = true}
          %dma_wait3A_346 = arith.constant 0 : i32
          %dma_wait3A_347 = arith.constant 0 : i32
          %dma_wait3A_348 = tpu.memref_slice %arg11[%run_scoped3A_93, %dma_wait3A_346, %dma_wait3A_347] : memref<2x128x128xf32, #tpu.memory_space<vmem>> -> memref<1x128x128xf32, #tpu.memory_space<vmem>>
          %dma_wait3A_349 = tpu.memref_squeeze %dma_wait3A_348 : memref<1x128x128xf32, #tpu.memory_space<vmem>> -> memref<128x128xf32, #tpu.memory_space<vmem>>
          %dma_wait3A_350 = arith.constant 0 : i32
          %dma_wait3A_351 = tpu.memref_slice %arg10[%run_scoped3A_94, %run_scoped3A_95, %dma_wait3A_350] : memref<2x4x128xi32, #tpu.memory_space<vmem>> -> memref<1x1x128xi32, #tpu.memory_space<vmem>>
          %dma_wait3A_352 = tpu.memref_squeeze %dma_wait3A_351 : memref<1x1x128xi32, #tpu.memory_space<vmem>> -> memref<128xi32, #tpu.memory_space<vmem>>
          %dma_wait3A_353 = arith.constant 0 : i32
          %dma_wait3A_354 = arith.constant 0 : i32
          %dma_wait3A_355 = tpu.memref_slice %arg12[%dma_wait3A_353, %dma_wait3A_354] : memref<10240x128xf32, #tpu.memory_space<vmem_shared>> -> memref<10240x128xf32, #tpu.memory_space<vmem_shared>>
          tpu.wait_indirect_dma semaphore(%run_scoped3A_335 : memref<!tpu.dma_semaphore, #tpu.memory_space<semaphore_mem>>) src(%dma_wait3A_349 : memref<128x128xf32, #tpu.memory_space<vmem>>) dst(%dma_wait3A_355 : memref<10240x128xf32, #tpu.memory_space<vmem_shared>>)
          tpu.yield
        }) : () -> ()
        %dma_start3A_96 = arith.constant 0 : i32
        %dma_start3A_97 = arith.constant 2 : i32
        %dma_start3A_98 = arith.constant 0 : i32
        %dma_start3A_99 = arith.constant 0 : i32
        %dma_start3A_100 = arith.constant 0 : i32
        %dma_start3A_101 = tpu.memref_slice %arg11[%dma_start3A_98, %dma_start3A_99, %dma_start3A_100] : memref<2x128x128xf32, #tpu.memory_space<vmem>> -> memref<1x128x128xf32, #tpu.memory_space<vmem>>
        %dma_start3A_102 = tpu.memref_squeeze %dma_start3A_101 : memref<1x128x128xf32, #tpu.memory_space<vmem>> -> memref<128x128xf32, #tpu.memory_space<vmem>>
        %dma_start3A_103 = arith.constant 0 : i32
        %dma_start3A_104 = tpu.memref_slice %arg9[%dma_start3A_96, %dma_start3A_97, %dma_start3A_103] : memref<2x4x128xi32, #tpu.memory_space<vmem>> -> memref<1x1x128xi32, #tpu.memory_space<vmem>>
        %dma_start3A_105 = tpu.memref_squeeze %dma_start3A_104 : memref<1x1x128xi32, #tpu.memory_space<vmem>> -> memref<128xi32, #tpu.memory_space<vmem>>
        %dma_start3A_106 = arith.constant 0 : i32
        %dma_start3A_107 = arith.constant 0 : i32
        %dma_start3A_108 = tpu.memref_slice %arg4[%dma_start3A_106, %dma_start3A_107] : memref<10240x128xf32, #tpu.memory_space<hbm>> -> memref<10240x128xf32, #tpu.memory_space<hbm>>
        tpu.enqueue_indirect_dma source(%dma_start3A_108 : memref<10240x128xf32, #tpu.memory_space<hbm>>) target(%dma_start3A_102 : memref<128x128xf32, #tpu.memory_space<vmem>>) offsets(%dma_start3A_105 : memref<128xi32, #tpu.memory_space<vmem>>) semaphore(%arg15 : memref<!tpu.dma_semaphore, #tpu.memory_space<semaphore_mem>>)
        %dma_wait3A_109 = arith.constant 0 : i32
        %dma_wait3A_110 = arith.constant 1 : i32
        %dma_wait3A_111 = arith.constant 1 : i32
        %dma_wait3A_112 = arith.constant 0 : i32
        %dma_wait3A_113 = arith.constant 0 : i32
        %dma_wait3A_114 = tpu.memref_slice %arg11[%dma_wait3A_111, %dma_wait3A_112, %dma_wait3A_113] : memref<2x128x128xf32, #tpu.memory_space<vmem>> -> memref<1x128x128xf32, #tpu.memory_space<vmem>>
        %dma_wait3A_115 = tpu.memref_squeeze %dma_wait3A_114 : memref<1x128x128xf32, #tpu.memory_space<vmem>> -> memref<128x128xf32, #tpu.memory_space<vmem>>
        %dma_wait3A_116 = arith.constant 0 : i32
        %dma_wait3A_117 = tpu.memref_slice %arg9[%dma_wait3A_109, %dma_wait3A_110, %dma_wait3A_116] : memref<2x4x128xi32, #tpu.memory_space<vmem>> -> memref<1x1x128xi32, #tpu.memory_space<vmem>>
        %dma_wait3A_118 = tpu.memref_squeeze %dma_wait3A_117 : memref<1x1x128xi32, #tpu.memory_space<vmem>> -> memref<128xi32, #tpu.memory_space<vmem>>
        %dma_wait3A_119 = arith.constant 0 : i32
        %dma_wait3A_120 = arith.constant 0 : i32
        %dma_wait3A_121 = tpu.memref_slice %arg4[%dma_wait3A_119, %dma_wait3A_120] : memref<10240x128xf32, #tpu.memory_space<hbm>> -> memref<10240x128xf32, #tpu.memory_space<hbm>>
        tpu.wait_indirect_dma semaphore(%arg16 : memref<!tpu.dma_semaphore, #tpu.memory_space<semaphore_mem>>) src(%dma_wait3A_121 : memref<10240x128xf32, #tpu.memory_space<hbm>>) dst(%dma_wait3A_115 : memref<128x128xf32, #tpu.memory_space<vmem>>)
        %run_scoped3A_122 = arith.constant 1 : i32
        %run_scoped3A_123 = arith.constant 0 : i32
        %run_scoped3A_124 = arith.constant 1 : i32
        "tpu.region"() ({
          %run_scoped3A_335 = tpu.sem_alloc : memref<!tpu.dma_semaphore, #tpu.memory_space<semaphore_mem>>
          %dma_start3A_336 = arith.constant 0 : i32
          %dma_start3A_337 = arith.constant 0 : i32
          %dma_start3A_338 = tpu.memref_slice %arg11[%run_scoped3A_122, %dma_start3A_336, %dma_start3A_337] : memref<2x128x128xf32, #tpu.memory_space<vmem>> -> memref<1x128x128xf32, #tpu.memory_space<vmem>>
          %dma_start3A_339 = tpu.memref_squeeze %dma_start3A_338 : memref<1x128x128xf32, #tpu.memory_space<vmem>> -> memref<128x128xf32, #tpu.memory_space<vmem>>
          %dma_start3A_340 = arith.constant 0 : i32
          %dma_start3A_341 = tpu.memref_slice %arg10[%run_scoped3A_123, %run_scoped3A_124, %dma_start3A_340] : memref<2x4x128xi32, #tpu.memory_space<vmem>> -> memref<1x1x128xi32, #tpu.memory_space<vmem>>
          %dma_start3A_342 = tpu.memref_squeeze %dma_start3A_341 : memref<1x1x128xi32, #tpu.memory_space<vmem>> -> memref<128xi32, #tpu.memory_space<vmem>>
          %dma_start3A_343 = arith.constant 0 : i32
          %dma_start3A_344 = arith.constant 0 : i32
          %dma_start3A_345 = tpu.memref_slice %arg12[%dma_start3A_343, %dma_start3A_344] : memref<10240x128xf32, #tpu.memory_space<vmem_shared>> -> memref<10240x128xf32, #tpu.memory_space<vmem_shared>>
          tpu.enqueue_indirect_dma source(%dma_start3A_339 : memref<128x128xf32, #tpu.memory_space<vmem>>) target(%dma_start3A_345 : memref<10240x128xf32, #tpu.memory_space<vmem_shared>>) offsets(%dma_start3A_342 : memref<128xi32, #tpu.memory_space<vmem>>) semaphore(%run_scoped3A_335 : memref<!tpu.dma_semaphore, #tpu.memory_space<semaphore_mem>>) {add = true}
          %dma_wait3A_346 = arith.constant 0 : i32
          %dma_wait3A_347 = arith.constant 0 : i32
          %dma_wait3A_348 = tpu.memref_slice %arg11[%run_scoped3A_122, %dma_wait3A_346, %dma_wait3A_347] : memref<2x128x128xf32, #tpu.memory_space<vmem>> -> memref<1x128x128xf32, #tpu.memory_space<vmem>>
          %dma_wait3A_349 = tpu.memref_squeeze %dma_wait3A_348 : memref<1x128x128xf32, #tpu.memory_space<vmem>> -> memref<128x128xf32, #tpu.memory_space<vmem>>
          %dma_wait3A_350 = arith.constant 0 : i32
          %dma_wait3A_351 = tpu.memref_slice %arg10[%run_scoped3A_123, %run_scoped3A_124, %dma_wait3A_350] : memref<2x4x128xi32, #tpu.memory_space<vmem>> -> memref<1x1x128xi32, #tpu.memory_space<vmem>>
          %dma_wait3A_352 = tpu.memref_squeeze %dma_wait3A_351 : memref<1x1x128xi32, #tpu.memory_space<vmem>> -> memref<128xi32, #tpu.memory_space<vmem>>
          %dma_wait3A_353 = arith.constant 0 : i32
          %dma_wait3A_354 = arith.constant 0 : i32
          %dma_wait3A_355 = tpu.memref_slice %arg12[%dma_wait3A_353, %dma_wait3A_354] : memref<10240x128xf32, #tpu.memory_space<vmem_shared>> -> memref<10240x128xf32, #tpu.memory_space<vmem_shared>>
          tpu.wait_indirect_dma semaphore(%run_scoped3A_335 : memref<!tpu.dma_semaphore, #tpu.memory_space<semaphore_mem>>) src(%dma_wait3A_349 : memref<128x128xf32, #tpu.memory_space<vmem>>) dst(%dma_wait3A_355 : memref<10240x128xf32, #tpu.memory_space<vmem_shared>>)
          tpu.yield
        }) : () -> ()
        %dma_start3A_125 = arith.constant 0 : i32
        %dma_start3A_126 = arith.constant 3 : i32
        %dma_start3A_127 = arith.constant 1 : i32
        %dma_start3A_128 = arith.constant 0 : i32
        %dma_start3A_129 = arith.constant 0 : i32
        %dma_start3A_130 = tpu.memref_slice %arg11[%dma_start3A_127, %dma_start3A_128, %dma_start3A_129] : memref<2x128x128xf32, #tpu.memory_space<vmem>> -> memref<1x128x128xf32, #tpu.memory_space<vmem>>
        %dma_start3A_131 = tpu.memref_squeeze %dma_start3A_130 : memref<1x128x128xf32, #tpu.memory_space<vmem>> -> memref<128x128xf32, #tpu.memory_space<vmem>>
        %dma_start3A_132 = arith.constant 0 : i32
        %dma_start3A_133 = tpu.memref_slice %arg9[%dma_start3A_125, %dma_start3A_126, %dma_start3A_132] : memref<2x4x128xi32, #tpu.memory_space<vmem>> -> memref<1x1x128xi32, #tpu.memory_space<vmem>>
        %dma_start3A_134 = tpu.memref_squeeze %dma_start3A_133 : memref<1x1x128xi32, #tpu.memory_space<vmem>> -> memref<128xi32, #tpu.memory_space<vmem>>
        %dma_start3A_135 = arith.constant 0 : i32
        %dma_start3A_136 = arith.constant 0 : i32
        %dma_start3A_137 = tpu.memref_slice %arg4[%dma_start3A_135, %dma_start3A_136] : memref<10240x128xf32, #tpu.memory_space<hbm>> -> memref<10240x128xf32, #tpu.memory_space<hbm>>
        tpu.enqueue_indirect_dma source(%dma_start3A_137 : memref<10240x128xf32, #tpu.memory_space<hbm>>) target(%dma_start3A_131 : memref<128x128xf32, #tpu.memory_space<vmem>>) offsets(%dma_start3A_134 : memref<128xi32, #tpu.memory_space<vmem>>) semaphore(%arg16 : memref<!tpu.dma_semaphore, #tpu.memory_space<semaphore_mem>>)
        %dma_wait3A_138 = arith.constant 1 : i32
        %dma_wait3A_139 = arith.constant 0 : i32
        %dma_wait3A_140 = arith.constant 0 : i32
        %dma_wait3A_141 = tpu.memref_slice %arg9[%dma_wait3A_138, %dma_wait3A_139, %dma_wait3A_140] : memref<2x4x128xi32, #tpu.memory_space<vmem>> -> memref<1x4x128xi32, #tpu.memory_space<vmem>>
        %dma_wait3A_142 = tpu.memref_squeeze %dma_wait3A_141 : memref<1x4x128xi32, #tpu.memory_space<vmem>> -> memref<4x128xi32, #tpu.memory_space<vmem>>
        %dma_wait3A_143 = arith.constant 0 : i32
        %dma_wait3A_144 = arith.constant 0 : i32
        %dma_wait3A_145 = tpu.memref_slice %arg5[%mul3A_9, %dma_wait3A_143, %dma_wait3A_144] : memref<640x4x128xi32, #tpu.memory_space<hbm>> -> memref<1x4x128xi32, #tpu.memory_space<hbm>>
        %dma_wait3A_146 = tpu.memref_squeeze %dma_wait3A_145 : memref<1x4x128xi32, #tpu.memory_space<hbm>> -> memref<4x128xi32, #tpu.memory_space<hbm>>
        %dma_wait3A_147 = arith.constant 0 : i32
        %dma_wait3A_148 = arith.constant 0 : i32
        %dma_wait3A_149 = tpu.memref_slice %arg9[%dma_wait3A_138, %dma_wait3A_147, %dma_wait3A_148] : memref<2x4x128xi32, #tpu.memory_space<vmem>> -> memref<1x4x128xi32, #tpu.memory_space<vmem>>
        %dma_wait3A_150 = tpu.memref_squeeze %dma_wait3A_149 : memref<1x4x128xi32, #tpu.memory_space<vmem>> -> memref<4x128xi32, #tpu.memory_space<vmem>>
        %dma_wait3A_151 = arith.constant 0 : i32
        %dma_wait3A_152 = arith.constant 0 : i32
        %dma_wait3A_153 = tpu.memref_slice %arg5[%mul3A_9, %dma_wait3A_151, %dma_wait3A_152] : memref<640x4x128xi32, #tpu.memory_space<hbm>> -> memref<1x4x128xi32, #tpu.memory_space<hbm>>
        %dma_wait3A_154 = tpu.memref_squeeze %dma_wait3A_153 : memref<1x4x128xi32, #tpu.memory_space<hbm>> -> memref<4x128xi32, #tpu.memory_space<hbm>>
        tpu.wait_dma2 semaphore(%arg14 : memref<!tpu.dma_semaphore, #tpu.memory_space<semaphore_mem>>) src(%dma_wait3A_154 : memref<4x128xi32, #tpu.memory_space<hbm>>) dst(%dma_wait3A_150 : memref<4x128xi32, #tpu.memory_space<vmem>>)
        %dma_wait3A_155 = arith.constant 1 : i32
        %dma_wait3A_156 = arith.constant 0 : i32
        %dma_wait3A_157 = arith.constant 0 : i32
        %dma_wait3A_158 = tpu.memref_slice %arg10[%dma_wait3A_155, %dma_wait3A_156, %dma_wait3A_157] : memref<2x4x128xi32, #tpu.memory_space<vmem>> -> memref<1x4x128xi32, #tpu.memory_space<vmem>>
        %dma_wait3A_159 = tpu.memref_squeeze %dma_wait3A_158 : memref<1x4x128xi32, #tpu.memory_space<vmem>> -> memref<4x128xi32, #tpu.memory_space<vmem>>
        %dma_wait3A_160 = arith.constant 0 : i32
        %dma_wait3A_161 = arith.constant 0 : i32
        %dma_wait3A_162 = tpu.memref_slice %arg6[%mul3A_9, %dma_wait3A_160, %dma_wait3A_161] : memref<640x4x128xi32, #tpu.memory_space<hbm>> -> memref<1x4x128xi32, #tpu.memory_space<hbm>>
        %dma_wait3A_163 = tpu.memref_squeeze %dma_wait3A_162 : memref<1x4x128xi32, #tpu.memory_space<hbm>> -> memref<4x128xi32, #tpu.memory_space<hbm>>
        %dma_wait3A_164 = arith.constant 0 : i32
        %dma_wait3A_165 = arith.constant 0 : i32
        %dma_wait3A_166 = tpu.memref_slice %arg10[%dma_wait3A_155, %dma_wait3A_164, %dma_wait3A_165] : memref<2x4x128xi32, #tpu.memory_space<vmem>> -> memref<1x4x128xi32, #tpu.memory_space<vmem>>
        %dma_wait3A_167 = tpu.memref_squeeze %dma_wait3A_166 : memref<1x4x128xi32, #tpu.memory_space<vmem>> -> memref<4x128xi32, #tpu.memory_space<vmem>>
        %dma_wait3A_168 = arith.constant 0 : i32
        %dma_wait3A_169 = arith.constant 0 : i32
        %dma_wait3A_170 = tpu.memref_slice %arg6[%mul3A_9, %dma_wait3A_168, %dma_wait3A_169] : memref<640x4x128xi32, #tpu.memory_space<hbm>> -> memref<1x4x128xi32, #tpu.memory_space<hbm>>
        %dma_wait3A_171 = tpu.memref_squeeze %dma_wait3A_170 : memref<1x4x128xi32, #tpu.memory_space<hbm>> -> memref<4x128xi32, #tpu.memory_space<hbm>>
        tpu.wait_dma2 semaphore(%arg14 : memref<!tpu.dma_semaphore, #tpu.memory_space<semaphore_mem>>) src(%dma_wait3A_171 : memref<4x128xi32, #tpu.memory_space<hbm>>) dst(%dma_wait3A_167 : memref<4x128xi32, #tpu.memory_space<vmem>>)
        %dma_wait3A_172 = arith.constant 0 : i32
        %dma_wait3A_173 = arith.constant 2 : i32
        %dma_wait3A_174 = arith.constant 0 : i32
        %dma_wait3A_175 = arith.constant 0 : i32
        %dma_wait3A_176 = arith.constant 0 : i32
        %dma_wait3A_177 = tpu.memref_slice %arg11[%dma_wait3A_174, %dma_wait3A_175, %dma_wait3A_176] : memref<2x128x128xf32, #tpu.memory_space<vmem>> -> memref<1x128x128xf32, #tpu.memory_space<vmem>>
        %dma_wait3A_178 = tpu.memref_squeeze %dma_wait3A_177 : memref<1x128x128xf32, #tpu.memory_space<vmem>> -> memref<128x128xf32, #tpu.memory_space<vmem>>
        %dma_wait3A_179 = arith.constant 0 : i32
        %dma_wait3A_180 = tpu.memref_slice %arg9[%dma_wait3A_172, %dma_wait3A_173, %dma_wait3A_179] : memref<2x4x128xi32, #tpu.memory_space<vmem>> -> memref<1x1x128xi32, #tpu.memory_space<vmem>>
        %dma_wait3A_181 = tpu.memref_squeeze %dma_wait3A_180 : memref<1x1x128xi32, #tpu.memory_space<vmem>> -> memref<128xi32, #tpu.memory_space<vmem>>
        %dma_wait3A_182 = arith.constant 0 : i32
        %dma_wait3A_183 = arith.constant 0 : i32
        %dma_wait3A_184 = tpu.memref_slice %arg4[%dma_wait3A_182, %dma_wait3A_183] : memref<10240x128xf32, #tpu.memory_space<hbm>> -> memref<10240x128xf32, #tpu.memory_space<hbm>>
        tpu.wait_indirect_dma semaphore(%arg15 : memref<!tpu.dma_semaphore, #tpu.memory_space<semaphore_mem>>) src(%dma_wait3A_184 : memref<10240x128xf32, #tpu.memory_space<hbm>>) dst(%dma_wait3A_178 : memref<128x128xf32, #tpu.memory_space<vmem>>)
        %run_scoped3A_185 = arith.constant 0 : i32
        %run_scoped3A_186 = arith.constant 0 : i32
        %run_scoped3A_187 = arith.constant 2 : i32
        "tpu.region"() ({
          %run_scoped3A_335 = tpu.sem_alloc : memref<!tpu.dma_semaphore, #tpu.memory_space<semaphore_mem>>
          %dma_start3A_336 = arith.constant 0 : i32
          %dma_start3A_337 = arith.constant 0 : i32
          %dma_start3A_338 = tpu.memref_slice %arg11[%run_scoped3A_185, %dma_start3A_336, %dma_start3A_337] : memref<2x128x128xf32, #tpu.memory_space<vmem>> -> memref<1x128x128xf32, #tpu.memory_space<vmem>>
          %dma_start3A_339 = tpu.memref_squeeze %dma_start3A_338 : memref<1x128x128xf32, #tpu.memory_space<vmem>> -> memref<128x128xf32, #tpu.memory_space<vmem>>
          %dma_start3A_340 = arith.constant 0 : i32
          %dma_start3A_341 = tpu.memref_slice %arg10[%run_scoped3A_186, %run_scoped3A_187, %dma_start3A_340] : memref<2x4x128xi32, #tpu.memory_space<vmem>> -> memref<1x1x128xi32, #tpu.memory_space<vmem>>
          %dma_start3A_342 = tpu.memref_squeeze %dma_start3A_341 : memref<1x1x128xi32, #tpu.memory_space<vmem>> -> memref<128xi32, #tpu.memory_space<vmem>>
          %dma_start3A_343 = arith.constant 0 : i32
          %dma_start3A_344 = arith.constant 0 : i32
          %dma_start3A_345 = tpu.memref_slice %arg12[%dma_start3A_343, %dma_start3A_344] : memref<10240x128xf32, #tpu.memory_space<vmem_shared>> -> memref<10240x128xf32, #tpu.memory_space<vmem_shared>>
          tpu.enqueue_indirect_dma source(%dma_start3A_339 : memref<128x128xf32, #tpu.memory_space<vmem>>) target(%dma_start3A_345 : memref<10240x128xf32, #tpu.memory_space<vmem_shared>>) offsets(%dma_start3A_342 : memref<128xi32, #tpu.memory_space<vmem>>) semaphore(%run_scoped3A_335 : memref<!tpu.dma_semaphore, #tpu.memory_space<semaphore_mem>>) {add = true}
          %dma_wait3A_346 = arith.constant 0 : i32
          %dma_wait3A_347 = arith.constant 0 : i32
          %dma_wait3A_348 = tpu.memref_slice %arg11[%run_scoped3A_185, %dma_wait3A_346, %dma_wait3A_347] : memref<2x128x128xf32, #tpu.memory_space<vmem>> -> memref<1x128x128xf32, #tpu.memory_space<vmem>>
          %dma_wait3A_349 = tpu.memref_squeeze %dma_wait3A_348 : memref<1x128x128xf32, #tpu.memory_space<vmem>> -> memref<128x128xf32, #tpu.memory_space<vmem>>
          %dma_wait3A_350 = arith.constant 0 : i32
          %dma_wait3A_351 = tpu.memref_slice %arg10[%run_scoped3A_186, %run_scoped3A_187, %dma_wait3A_350] : memref<2x4x128xi32, #tpu.memory_space<vmem>> -> memref<1x1x128xi32, #tpu.memory_space<vmem>>
          %dma_wait3A_352 = tpu.memref_squeeze %dma_wait3A_351 : memref<1x1x128xi32, #tpu.memory_space<vmem>> -> memref<128xi32, #tpu.memory_space<vmem>>
          %dma_wait3A_353 = arith.constant 0 : i32
          %dma_wait3A_354 = arith.constant 0 : i32
          %dma_wait3A_355 = tpu.memref_slice %arg12[%dma_wait3A_353, %dma_wait3A_354] : memref<10240x128xf32, #tpu.memory_space<vmem_shared>> -> memref<10240x128xf32, #tpu.memory_space<vmem_shared>>
          tpu.wait_indirect_dma semaphore(%run_scoped3A_335 : memref<!tpu.dma_semaphore, #tpu.memory_space<semaphore_mem>>) src(%dma_wait3A_349 : memref<128x128xf32, #tpu.memory_space<vmem>>) dst(%dma_wait3A_355 : memref<10240x128xf32, #tpu.memory_space<vmem_shared>>)
          tpu.yield
        }) : () -> ()
        %dma_start3A_188 = arith.constant 1 : i32
        %dma_start3A_189 = arith.constant 0 : i32
        %dma_start3A_190 = arith.constant 0 : i32
        %dma_start3A_191 = arith.constant 0 : i32
        %dma_start3A_192 = arith.constant 0 : i32
        %dma_start3A_193 = tpu.memref_slice %arg11[%dma_start3A_190, %dma_start3A_191, %dma_start3A_192] : memref<2x128x128xf32, #tpu.memory_space<vmem>> -> memref<1x128x128xf32, #tpu.memory_space<vmem>>
        %dma_start3A_194 = tpu.memref_squeeze %dma_start3A_193 : memref<1x128x128xf32, #tpu.memory_space<vmem>> -> memref<128x128xf32, #tpu.memory_space<vmem>>
        %dma_start3A_195 = arith.constant 0 : i32
        %dma_start3A_196 = tpu.memref_slice %arg9[%dma_start3A_188, %dma_start3A_189, %dma_start3A_195] : memref<2x4x128xi32, #tpu.memory_space<vmem>> -> memref<1x1x128xi32, #tpu.memory_space<vmem>>
        %dma_start3A_197 = tpu.memref_squeeze %dma_start3A_196 : memref<1x1x128xi32, #tpu.memory_space<vmem>> -> memref<128xi32, #tpu.memory_space<vmem>>
        %dma_start3A_198 = arith.constant 0 : i32
        %dma_start3A_199 = arith.constant 0 : i32
        %dma_start3A_200 = tpu.memref_slice %arg4[%dma_start3A_198, %dma_start3A_199] : memref<10240x128xf32, #tpu.memory_space<hbm>> -> memref<10240x128xf32, #tpu.memory_space<hbm>>
        tpu.enqueue_indirect_dma source(%dma_start3A_200 : memref<10240x128xf32, #tpu.memory_space<hbm>>) target(%dma_start3A_194 : memref<128x128xf32, #tpu.memory_space<vmem>>) offsets(%dma_start3A_197 : memref<128xi32, #tpu.memory_space<vmem>>) semaphore(%arg15 : memref<!tpu.dma_semaphore, #tpu.memory_space<semaphore_mem>>)
        %dma_wait3A_201 = arith.constant 0 : i32
        %dma_wait3A_202 = arith.constant 3 : i32
        %dma_wait3A_203 = arith.constant 1 : i32
        %dma_wait3A_204 = arith.constant 0 : i32
        %dma_wait3A_205 = arith.constant 0 : i32
        %dma_wait3A_206 = tpu.memref_slice %arg11[%dma_wait3A_203, %dma_wait3A_204, %dma_wait3A_205] : memref<2x128x128xf32, #tpu.memory_space<vmem>> -> memref<1x128x128xf32, #tpu.memory_space<vmem>>
        %dma_wait3A_207 = tpu.memref_squeeze %dma_wait3A_206 : memref<1x128x128xf32, #tpu.memory_space<vmem>> -> memref<128x128xf32, #tpu.memory_space<vmem>>
        %dma_wait3A_208 = arith.constant 0 : i32
        %dma_wait3A_209 = tpu.memref_slice %arg9[%dma_wait3A_201, %dma_wait3A_202, %dma_wait3A_208] : memref<2x4x128xi32, #tpu.memory_space<vmem>> -> memref<1x1x128xi32, #tpu.memory_space<vmem>>
        %dma_wait3A_210 = tpu.memref_squeeze %dma_wait3A_209 : memref<1x1x128xi32, #tpu.memory_space<vmem>> -> memref<128xi32, #tpu.memory_space<vmem>>
        %dma_wait3A_211 = arith.constant 0 : i32
        %dma_wait3A_212 = arith.constant 0 : i32
        %dma_wait3A_213 = tpu.memref_slice %arg4[%dma_wait3A_211, %dma_wait3A_212] : memref<10240x128xf32, #tpu.memory_space<hbm>> -> memref<10240x128xf32, #tpu.memory_space<hbm>>
        tpu.wait_indirect_dma semaphore(%arg16 : memref<!tpu.dma_semaphore, #tpu.memory_space<semaphore_mem>>) src(%dma_wait3A_213 : memref<10240x128xf32, #tpu.memory_space<hbm>>) dst(%dma_wait3A_207 : memref<128x128xf32, #tpu.memory_space<vmem>>)
        %run_scoped3A_214 = arith.constant 1 : i32
        %run_scoped3A_215 = arith.constant 0 : i32
        %run_scoped3A_216 = arith.constant 3 : i32
        "tpu.region"() ({
          %run_scoped3A_335 = tpu.sem_alloc : memref<!tpu.dma_semaphore, #tpu.memory_space<semaphore_mem>>
          %dma_start3A_336 = arith.constant 0 : i32
          %dma_start3A_337 = arith.constant 0 : i32
          %dma_start3A_338 = tpu.memref_slice %arg11[%run_scoped3A_214, %dma_start3A_336, %dma_start3A_337] : memref<2x128x128xf32, #tpu.memory_space<vmem>> -> memref<1x128x128xf32, #tpu.memory_space<vmem>>
          %dma_start3A_339 = tpu.memref_squeeze %dma_start3A_338 : memref<1x128x128xf32, #tpu.memory_space<vmem>> -> memref<128x128xf32, #tpu.memory_space<vmem>>
          %dma_start3A_340 = arith.constant 0 : i32
          %dma_start3A_341 = tpu.memref_slice %arg10[%run_scoped3A_215, %run_scoped3A_216, %dma_start3A_340] : memref<2x4x128xi32, #tpu.memory_space<vmem>> -> memref<1x1x128xi32, #tpu.memory_space<vmem>>
          %dma_start3A_342 = tpu.memref_squeeze %dma_start3A_341 : memref<1x1x128xi32, #tpu.memory_space<vmem>> -> memref<128xi32, #tpu.memory_space<vmem>>
          %dma_start3A_343 = arith.constant 0 : i32
          %dma_start3A_344 = arith.constant 0 : i32
          %dma_start3A_345 = tpu.memref_slice %arg12[%dma_start3A_343, %dma_start3A_344] : memref<10240x128xf32, #tpu.memory_space<vmem_shared>> -> memref<10240x128xf32, #tpu.memory_space<vmem_shared>>
          tpu.enqueue_indirect_dma source(%dma_start3A_339 : memref<128x128xf32, #tpu.memory_space<vmem>>) target(%dma_start3A_345 : memref<10240x128xf32, #tpu.memory_space<vmem_shared>>) offsets(%dma_start3A_342 : memref<128xi32, #tpu.memory_space<vmem>>) semaphore(%run_scoped3A_335 : memref<!tpu.dma_semaphore, #tpu.memory_space<semaphore_mem>>) {add = true}
          %dma_wait3A_346 = arith.constant 0 : i32
          %dma_wait3A_347 = arith.constant 0 : i32
          %dma_wait3A_348 = tpu.memref_slice %arg11[%run_scoped3A_214, %dma_wait3A_346, %dma_wait3A_347] : memref<2x128x128xf32, #tpu.memory_space<vmem>> -> memref<1x128x128xf32, #tpu.memory_space<vmem>>
          %dma_wait3A_349 = tpu.memref_squeeze %dma_wait3A_348 : memref<1x128x128xf32, #tpu.memory_space<vmem>> -> memref<128x128xf32, #tpu.memory_space<vmem>>
          %dma_wait3A_350 = arith.constant 0 : i32
          %dma_wait3A_351 = tpu.memref_slice %arg10[%run_scoped3A_215, %run_scoped3A_216, %dma_wait3A_350] : memref<2x4x128xi32, #tpu.memory_space<vmem>> -> memref<1x1x128xi32, #tpu.memory_space<vmem>>
          %dma_wait3A_352 = tpu.memref_squeeze %dma_wait3A_351 : memref<1x1x128xi32, #tpu.memory_space<vmem>> -> memref<128xi32, #tpu.memory_space<vmem>>
          %dma_wait3A_353 = arith.constant 0 : i32
          %dma_wait3A_354 = arith.constant 0 : i32
          %dma_wait3A_355 = tpu.memref_slice %arg12[%dma_wait3A_353, %dma_wait3A_354] : memref<10240x128xf32, #tpu.memory_space<vmem_shared>> -> memref<10240x128xf32, #tpu.memory_space<vmem_shared>>
          tpu.wait_indirect_dma semaphore(%run_scoped3A_335 : memref<!tpu.dma_semaphore, #tpu.memory_space<semaphore_mem>>) src(%dma_wait3A_349 : memref<128x128xf32, #tpu.memory_space<vmem>>) dst(%dma_wait3A_355 : memref<10240x128xf32, #tpu.memory_space<vmem_shared>>)
          tpu.yield
        }) : () -> ()
        %convert_element_type3A_217 = arith.extui %lt3A_80 : i1 to i32
        %cond3A_218 = arith.constant 0 : i32
        %cond3A_219 = arith.cmpi ne, %convert_element_type3A_217, %cond3A_218 : i32
        scf.if %cond3A_219 {
          %mul3A_335 = arith.constant 2 : i32
          %mul3A_336 = arith.muli %mul3A_335, %scan3A_79 : i32
          %add3A_337 = arith.addi %mul3A_9, %mul3A_336 : i32
          %add3A_338 = arith.constant 2 : i32
          %add3A_339 = arith.addi %add3A_337, %add3A_338 : i32
          %dma_start3A_340 = arith.constant 0 : i32
          %dma_start3A_341 = arith.constant 0 : i32
          %dma_start3A_342 = arith.constant 0 : i32
          %dma_start3A_343 = tpu.memref_slice %arg9[%dma_start3A_340, %dma_start3A_341, %dma_start3A_342] : memref<2x4x128xi32, #tpu.memory_space<vmem>> -> memref<1x4x128xi32, #tpu.memory_space<vmem>>
          %dma_start3A_344 = tpu.memref_squeeze %dma_start3A_343 : memref<1x4x128xi32, #tpu.memory_space<vmem>> -> memref<4x128xi32, #tpu.memory_space<vmem>>
          %dma_start3A_345 = arith.constant 0 : i32
          %dma_start3A_346 = arith.constant 0 : i32
          %dma_start3A_347 = tpu.memref_slice %arg5[%add3A_339, %dma_start3A_345, %dma_start3A_346] : memref<640x4x128xi32, #tpu.memory_space<hbm>> -> memref<1x4x128xi32, #tpu.memory_space<hbm>>
          %dma_start3A_348 = tpu.memref_squeeze %dma_start3A_347 : memref<1x4x128xi32, #tpu.memory_space<hbm>> -> memref<4x128xi32, #tpu.memory_space<hbm>>
          %dma_start3A_349 = arith.constant 0 : i32
          %dma_start3A_350 = arith.constant 0 : i32
          %dma_start3A_351 = tpu.memref_slice %arg9[%dma_start3A_340, %dma_start3A_349, %dma_start3A_350] : memref<2x4x128xi32, #tpu.memory_space<vmem>> -> memref<1x4x128xi32, #tpu.memory_space<vmem>>
          %dma_start3A_352 = tpu.memref_squeeze %dma_start3A_351 : memref<1x4x128xi32, #tpu.memory_space<vmem>> -> memref<4x128xi32, #tpu.memory_space<vmem>>
          %dma_start3A_353 = arith.constant 0 : i32
          %dma_start3A_354 = arith.constant 0 : i32
          %dma_start3A_355 = tpu.memref_slice %arg5[%add3A_339, %dma_start3A_353, %dma_start3A_354] : memref<640x4x128xi32, #tpu.memory_space<hbm>> -> memref<1x4x128xi32, #tpu.memory_space<hbm>>
          %dma_start3A_356 = tpu.memref_squeeze %dma_start3A_355 : memref<1x4x128xi32, #tpu.memory_space<hbm>> -> memref<4x128xi32, #tpu.memory_space<hbm>>
          tpu.enqueue_dma source(%dma_start3A_356 : memref<4x128xi32, #tpu.memory_space<hbm>>) target(%dma_start3A_352 : memref<4x128xi32, #tpu.memory_space<vmem>>) target_semaphore(%arg13 : memref<!tpu.dma_semaphore, #tpu.memory_space<semaphore_mem>>)
          %dma_start3A_357 = arith.constant 0 : i32
          %dma_start3A_358 = arith.constant 0 : i32
          %dma_start3A_359 = arith.constant 0 : i32
          %dma_start3A_360 = tpu.memref_slice %arg10[%dma_start3A_357, %dma_start3A_358, %dma_start3A_359] : memref<2x4x128xi32, #tpu.memory_space<vmem>> -> memref<1x4x128xi32, #tpu.memory_space<vmem>>
          %dma_start3A_361 = tpu.memref_squeeze %dma_start3A_360 : memref<1x4x128xi32, #tpu.memory_space<vmem>> -> memref<4x128xi32, #tpu.memory_space<vmem>>
          %dma_start3A_362 = arith.constant 0 : i32
          %dma_start3A_363 = arith.constant 0 : i32
          %dma_start3A_364 = tpu.memref_slice %arg6[%add3A_339, %dma_start3A_362, %dma_start3A_363] : memref<640x4x128xi32, #tpu.memory_space<hbm>> -> memref<1x4x128xi32, #tpu.memory_space<hbm>>
          %dma_start3A_365 = tpu.memref_squeeze %dma_start3A_364 : memref<1x4x128xi32, #tpu.memory_space<hbm>> -> memref<4x128xi32, #tpu.memory_space<hbm>>
          %dma_start3A_366 = arith.constant 0 : i32
          %dma_start3A_367 = arith.constant 0 : i32
          %dma_start3A_368 = tpu.memref_slice %arg10[%dma_start3A_357, %dma_start3A_366, %dma_start3A_367] : memref<2x4x128xi32, #tpu.memory_space<vmem>> -> memref<1x4x128xi32, #tpu.memory_space<vmem>>
          %dma_start3A_369 = tpu.memref_squeeze %dma_start3A_368 : memref<1x4x128xi32, #tpu.memory_space<vmem>> -> memref<4x128xi32, #tpu.memory_space<vmem>>
          %dma_start3A_370 = arith.constant 0 : i32
          %dma_start3A_371 = arith.constant 0 : i32
          %dma_start3A_372 = tpu.memref_slice %arg6[%add3A_339, %dma_start3A_370, %dma_start3A_371] : memref<640x4x128xi32, #tpu.memory_space<hbm>> -> memref<1x4x128xi32, #tpu.memory_space<hbm>>
          %dma_start3A_373 = tpu.memref_squeeze %dma_start3A_372 : memref<1x4x128xi32, #tpu.memory_space<hbm>> -> memref<4x128xi32, #tpu.memory_space<hbm>>
          tpu.enqueue_dma source(%dma_start3A_373 : memref<4x128xi32, #tpu.memory_space<hbm>>) target(%dma_start3A_369 : memref<4x128xi32, #tpu.memory_space<vmem>>) target_semaphore(%arg13 : memref<!tpu.dma_semaphore, #tpu.memory_space<semaphore_mem>>)
        } else {
        }
        %dma_start3A_220 = arith.constant 1 : i32
        %dma_start3A_221 = arith.constant 1 : i32
        %dma_start3A_222 = arith.constant 1 : i32
        %dma_start3A_223 = arith.constant 0 : i32
        %dma_start3A_224 = arith.constant 0 : i32
        %dma_start3A_225 = tpu.memref_slice %arg11[%dma_start3A_222, %dma_start3A_223, %dma_start3A_224] : memref<2x128x128xf32, #tpu.memory_space<vmem>> -> memref<1x128x128xf32, #tpu.memory_space<vmem>>
        %dma_start3A_226 = tpu.memref_squeeze %dma_start3A_225 : memref<1x128x128xf32, #tpu.memory_space<vmem>> -> memref<128x128xf32, #tpu.memory_space<vmem>>
        %dma_start3A_227 = arith.constant 0 : i32
        %dma_start3A_228 = tpu.memref_slice %arg9[%dma_start3A_220, %dma_start3A_221, %dma_start3A_227] : memref<2x4x128xi32, #tpu.memory_space<vmem>> -> memref<1x1x128xi32, #tpu.memory_space<vmem>>
        %dma_start3A_229 = tpu.memref_squeeze %dma_start3A_228 : memref<1x1x128xi32, #tpu.memory_space<vmem>> -> memref<128xi32, #tpu.memory_space<vmem>>
        %dma_start3A_230 = arith.constant 0 : i32
        %dma_start3A_231 = arith.constant 0 : i32
        %dma_start3A_232 = tpu.memref_slice %arg4[%dma_start3A_230, %dma_start3A_231] : memref<10240x128xf32, #tpu.memory_space<hbm>> -> memref<10240x128xf32, #tpu.memory_space<hbm>>
        tpu.enqueue_indirect_dma source(%dma_start3A_232 : memref<10240x128xf32, #tpu.memory_space<hbm>>) target(%dma_start3A_226 : memref<128x128xf32, #tpu.memory_space<vmem>>) offsets(%dma_start3A_229 : memref<128xi32, #tpu.memory_space<vmem>>) semaphore(%arg16 : memref<!tpu.dma_semaphore, #tpu.memory_space<semaphore_mem>>)
        %dma_wait3A_233 = arith.constant 1 : i32
        %dma_wait3A_234 = arith.constant 0 : i32
        %dma_wait3A_235 = arith.constant 0 : i32
        %dma_wait3A_236 = arith.constant 0 : i32
        %dma_wait3A_237 = arith.constant 0 : i32
        %dma_wait3A_238 = tpu.memref_slice %arg11[%dma_wait3A_235, %dma_wait3A_236, %dma_wait3A_237] : memref<2x128x128xf32, #tpu.memory_space<vmem>> -> memref<1x128x128xf32, #tpu.memory_space<vmem>>
        %dma_wait3A_239 = tpu.memref_squeeze %dma_wait3A_238 : memref<1x128x128xf32, #tpu.memory_space<vmem>> -> memref<128x128xf32, #tpu.memory_space<vmem>>
        %dma_wait3A_240 = arith.constant 0 : i32
        %dma_wait3A_241 = tpu.memref_slice %arg9[%dma_wait3A_233, %dma_wait3A_234, %dma_wait3A_240] : memref<2x4x128xi32, #tpu.memory_space<vmem>> -> memref<1x1x128xi32, #tpu.memory_space<vmem>>
        %dma_wait3A_242 = tpu.memref_squeeze %dma_wait3A_241 : memref<1x1x128xi32, #tpu.memory_space<vmem>> -> memref<128xi32, #tpu.memory_space<vmem>>
        %dma_wait3A_243 = arith.constant 0 : i32
        %dma_wait3A_244 = arith.constant 0 : i32
        %dma_wait3A_245 = tpu.memref_slice %arg4[%dma_wait3A_243, %dma_wait3A_244] : memref<10240x128xf32, #tpu.memory_space<hbm>> -> memref<10240x128xf32, #tpu.memory_space<hbm>>
        tpu.wait_indirect_dma semaphore(%arg15 : memref<!tpu.dma_semaphore, #tpu.memory_space<semaphore_mem>>) src(%dma_wait3A_245 : memref<10240x128xf32, #tpu.memory_space<hbm>>) dst(%dma_wait3A_239 : memref<128x128xf32, #tpu.memory_space<vmem>>)
        %run_scoped3A_246 = arith.constant 0 : i32
        %run_scoped3A_247 = arith.constant 1 : i32
        %run_scoped3A_248 = arith.constant 0 : i32
        "tpu.region"() ({
          %run_scoped3A_335 = tpu.sem_alloc : memref<!tpu.dma_semaphore, #tpu.memory_space<semaphore_mem>>
          %dma_start3A_336 = arith.constant 0 : i32
          %dma_start3A_337 = arith.constant 0 : i32
          %dma_start3A_338 = tpu.memref_slice %arg11[%run_scoped3A_246, %dma_start3A_336, %dma_start3A_337] : memref<2x128x128xf32, #tpu.memory_space<vmem>> -> memref<1x128x128xf32, #tpu.memory_space<vmem>>
          %dma_start3A_339 = tpu.memref_squeeze %dma_start3A_338 : memref<1x128x128xf32, #tpu.memory_space<vmem>> -> memref<128x128xf32, #tpu.memory_space<vmem>>
          %dma_start3A_340 = arith.constant 0 : i32
          %dma_start3A_341 = tpu.memref_slice %arg10[%run_scoped3A_247, %run_scoped3A_248, %dma_start3A_340] : memref<2x4x128xi32, #tpu.memory_space<vmem>> -> memref<1x1x128xi32, #tpu.memory_space<vmem>>
          %dma_start3A_342 = tpu.memref_squeeze %dma_start3A_341 : memref<1x1x128xi32, #tpu.memory_space<vmem>> -> memref<128xi32, #tpu.memory_space<vmem>>
          %dma_start3A_343 = arith.constant 0 : i32
          %dma_start3A_344 = arith.constant 0 : i32
          %dma_start3A_345 = tpu.memref_slice %arg12[%dma_start3A_343, %dma_start3A_344] : memref<10240x128xf32, #tpu.memory_space<vmem_shared>> -> memref<10240x128xf32, #tpu.memory_space<vmem_shared>>
          tpu.enqueue_indirect_dma source(%dma_start3A_339 : memref<128x128xf32, #tpu.memory_space<vmem>>) target(%dma_start3A_345 : memref<10240x128xf32, #tpu.memory_space<vmem_shared>>) offsets(%dma_start3A_342 : memref<128xi32, #tpu.memory_space<vmem>>) semaphore(%run_scoped3A_335 : memref<!tpu.dma_semaphore, #tpu.memory_space<semaphore_mem>>) {add = true}
          %dma_wait3A_346 = arith.constant 0 : i32
          %dma_wait3A_347 = arith.constant 0 : i32
          %dma_wait3A_348 = tpu.memref_slice %arg11[%run_scoped3A_246, %dma_wait3A_346, %dma_wait3A_347] : memref<2x128x128xf32, #tpu.memory_space<vmem>> -> memref<1x128x128xf32, #tpu.memory_space<vmem>>
          %dma_wait3A_349 = tpu.memref_squeeze %dma_wait3A_348 : memref<1x128x128xf32, #tpu.memory_space<vmem>> -> memref<128x128xf32, #tpu.memory_space<vmem>>
          %dma_wait3A_350 = arith.constant 0 : i32
          %dma_wait3A_351 = tpu.memref_slice %arg10[%run_scoped3A_247, %run_scoped3A_248, %dma_wait3A_350] : memref<2x4x128xi32, #tpu.memory_space<vmem>> -> memref<1x1x128xi32, #tpu.memory_space<vmem>>
          %dma_wait3A_352 = tpu.memref_squeeze %dma_wait3A_351 : memref<1x1x128xi32, #tpu.memory_space<vmem>> -> memref<128xi32, #tpu.memory_space<vmem>>
          %dma_wait3A_353 = arith.constant 0 : i32
          %dma_wait3A_354 = arith.constant 0 : i32
          %dma_wait3A_355 = tpu.memref_slice %arg12[%dma_wait3A_353, %dma_wait3A_354] : memref<10240x128xf32, #tpu.memory_space<vmem_shared>> -> memref<10240x128xf32, #tpu.memory_space<vmem_shared>>
          tpu.wait_indirect_dma semaphore(%run_scoped3A_335 : memref<!tpu.dma_semaphore, #tpu.memory_space<semaphore_mem>>) src(%dma_wait3A_349 : memref<128x128xf32, #tpu.memory_space<vmem>>) dst(%dma_wait3A_355 : memref<10240x128xf32, #tpu.memory_space<vmem_shared>>)
          tpu.yield
        }) : () -> ()
        %dma_start3A_249 = arith.constant 1 : i32
        %dma_start3A_250 = arith.constant 2 : i32
        %dma_start3A_251 = arith.constant 0 : i32
        %dma_start3A_252 = arith.constant 0 : i32
        %dma_start3A_253 = arith.constant 0 : i32
        %dma_start3A_254 = tpu.memref_slice %arg11[%dma_start3A_251, %dma_start3A_252, %dma_start3A_253] : memref<2x128x128xf32, #tpu.memory_space<vmem>> -> memref<1x128x128xf32, #tpu.memory_space<vmem>>
        %dma_start3A_255 = tpu.memref_squeeze %dma_start3A_254 : memref<1x128x128xf32, #tpu.memory_space<vmem>> -> memref<128x128xf32, #tpu.memory_space<vmem>>
        %dma_start3A_256 = arith.constant 0 : i32
        %dma_start3A_257 = tpu.memref_slice %arg9[%dma_start3A_249, %dma_start3A_250, %dma_start3A_256] : memref<2x4x128xi32, #tpu.memory_space<vmem>> -> memref<1x1x128xi32, #tpu.memory_space<vmem>>
        %dma_start3A_258 = tpu.memref_squeeze %dma_start3A_257 : memref<1x1x128xi32, #tpu.memory_space<vmem>> -> memref<128xi32, #tpu.memory_space<vmem>>
        %dma_start3A_259 = arith.constant 0 : i32
        %dma_start3A_260 = arith.constant 0 : i32
        %dma_start3A_261 = tpu.memref_slice %arg4[%dma_start3A_259, %dma_start3A_260] : memref<10240x128xf32, #tpu.memory_space<hbm>> -> memref<10240x128xf32, #tpu.memory_space<hbm>>
        tpu.enqueue_indirect_dma source(%dma_start3A_261 : memref<10240x128xf32, #tpu.memory_space<hbm>>) target(%dma_start3A_255 : memref<128x128xf32, #tpu.memory_space<vmem>>) offsets(%dma_start3A_258 : memref<128xi32, #tpu.memory_space<vmem>>) semaphore(%arg15 : memref<!tpu.dma_semaphore, #tpu.memory_space<semaphore_mem>>)
        %dma_wait3A_262 = arith.constant 1 : i32
        %dma_wait3A_263 = arith.constant 1 : i32
        %dma_wait3A_264 = arith.constant 1 : i32
        %dma_wait3A_265 = arith.constant 0 : i32
        %dma_wait3A_266 = arith.constant 0 : i32
        %dma_wait3A_267 = tpu.memref_slice %arg11[%dma_wait3A_264, %dma_wait3A_265, %dma_wait3A_266] : memref<2x128x128xf32, #tpu.memory_space<vmem>> -> memref<1x128x128xf32, #tpu.memory_space<vmem>>
        %dma_wait3A_268 = tpu.memref_squeeze %dma_wait3A_267 : memref<1x128x128xf32, #tpu.memory_space<vmem>> -> memref<128x128xf32, #tpu.memory_space<vmem>>
        %dma_wait3A_269 = arith.constant 0 : i32
        %dma_wait3A_270 = tpu.memref_slice %arg9[%dma_wait3A_262, %dma_wait3A_263, %dma_wait3A_269] : memref<2x4x128xi32, #tpu.memory_space<vmem>> -> memref<1x1x128xi32, #tpu.memory_space<vmem>>
        %dma_wait3A_271 = tpu.memref_squeeze %dma_wait3A_270 : memref<1x1x128xi32, #tpu.memory_space<vmem>> -> memref<128xi32, #tpu.memory_space<vmem>>
        %dma_wait3A_272 = arith.constant 0 : i32
        %dma_wait3A_273 = arith.constant 0 : i32
        %dma_wait3A_274 = tpu.memref_slice %arg4[%dma_wait3A_272, %dma_wait3A_273] : memref<10240x128xf32, #tpu.memory_space<hbm>> -> memref<10240x128xf32, #tpu.memory_space<hbm>>
        tpu.wait_indirect_dma semaphore(%arg16 : memref<!tpu.dma_semaphore, #tpu.memory_space<semaphore_mem>>) src(%dma_wait3A_274 : memref<10240x128xf32, #tpu.memory_space<hbm>>) dst(%dma_wait3A_268 : memref<128x128xf32, #tpu.memory_space<vmem>>)
        %run_scoped3A_275 = arith.constant 1 : i32
        %run_scoped3A_276 = arith.constant 1 : i32
        %run_scoped3A_277 = arith.constant 1 : i32
        "tpu.region"() ({
          %run_scoped3A_335 = tpu.sem_alloc : memref<!tpu.dma_semaphore, #tpu.memory_space<semaphore_mem>>
          %dma_start3A_336 = arith.constant 0 : i32
          %dma_start3A_337 = arith.constant 0 : i32
          %dma_start3A_338 = tpu.memref_slice %arg11[%run_scoped3A_275, %dma_start3A_336, %dma_start3A_337] : memref<2x128x128xf32, #tpu.memory_space<vmem>> -> memref<1x128x128xf32, #tpu.memory_space<vmem>>
          %dma_start3A_339 = tpu.memref_squeeze %dma_start3A_338 : memref<1x128x128xf32, #tpu.memory_space<vmem>> -> memref<128x128xf32, #tpu.memory_space<vmem>>
          %dma_start3A_340 = arith.constant 0 : i32
          %dma_start3A_341 = tpu.memref_slice %arg10[%run_scoped3A_276, %run_scoped3A_277, %dma_start3A_340] : memref<2x4x128xi32, #tpu.memory_space<vmem>> -> memref<1x1x128xi32, #tpu.memory_space<vmem>>
          %dma_start3A_342 = tpu.memref_squeeze %dma_start3A_341 : memref<1x1x128xi32, #tpu.memory_space<vmem>> -> memref<128xi32, #tpu.memory_space<vmem>>
          %dma_start3A_343 = arith.constant 0 : i32
          %dma_start3A_344 = arith.constant 0 : i32
          %dma_start3A_345 = tpu.memref_slice %arg12[%dma_start3A_343, %dma_start3A_344] : memref<10240x128xf32, #tpu.memory_space<vmem_shared>> -> memref<10240x128xf32, #tpu.memory_space<vmem_shared>>
          tpu.enqueue_indirect_dma source(%dma_start3A_339 : memref<128x128xf32, #tpu.memory_space<vmem>>) target(%dma_start3A_345 : memref<10240x128xf32, #tpu.memory_space<vmem_shared>>) offsets(%dma_start3A_342 : memref<128xi32, #tpu.memory_space<vmem>>) semaphore(%run_scoped3A_335 : memref<!tpu.dma_semaphore, #tpu.memory_space<semaphore_mem>>) {add = true}
          %dma_wait3A_346 = arith.constant 0 : i32
          %dma_wait3A_347 = arith.constant 0 : i32
          %dma_wait3A_348 = tpu.memref_slice %arg11[%run_scoped3A_275, %dma_wait3A_346, %dma_wait3A_347] : memref<2x128x128xf32, #tpu.memory_space<vmem>> -> memref<1x128x128xf32, #tpu.memory_space<vmem>>
          %dma_wait3A_349 = tpu.memref_squeeze %dma_wait3A_348 : memref<1x128x128xf32, #tpu.memory_space<vmem>> -> memref<128x128xf32, #tpu.memory_space<vmem>>
          %dma_wait3A_350 = arith.constant 0 : i32
          %dma_wait3A_351 = tpu.memref_slice %arg10[%run_scoped3A_276, %run_scoped3A_277, %dma_wait3A_350] : memref<2x4x128xi32, #tpu.memory_space<vmem>> -> memref<1x1x128xi32, #tpu.memory_space<vmem>>
          %dma_wait3A_352 = tpu.memref_squeeze %dma_wait3A_351 : memref<1x1x128xi32, #tpu.memory_space<vmem>> -> memref<128xi32, #tpu.memory_space<vmem>>
          %dma_wait3A_353 = arith.constant 0 : i32
          %dma_wait3A_354 = arith.constant 0 : i32
          %dma_wait3A_355 = tpu.memref_slice %arg12[%dma_wait3A_353, %dma_wait3A_354] : memref<10240x128xf32, #tpu.memory_space<vmem_shared>> -> memref<10240x128xf32, #tpu.memory_space<vmem_shared>>
          tpu.wait_indirect_dma semaphore(%run_scoped3A_335 : memref<!tpu.dma_semaphore, #tpu.memory_space<semaphore_mem>>) src(%dma_wait3A_349 : memref<128x128xf32, #tpu.memory_space<vmem>>) dst(%dma_wait3A_355 : memref<10240x128xf32, #tpu.memory_space<vmem_shared>>)
          tpu.yield
        }) : () -> ()
        %dma_start3A_278 = arith.constant 1 : i32
        %dma_start3A_279 = arith.constant 3 : i32
        %dma_start3A_280 = arith.constant 1 : i32
        %dma_start3A_281 = arith.constant 0 : i32
        %dma_start3A_282 = arith.constant 0 : i32
        %dma_start3A_283 = tpu.memref_slice %arg11[%dma_start3A_280, %dma_start3A_281, %dma_start3A_282] : memref<2x128x128xf32, #tpu.memory_space<vmem>> -> memref<1x128x128xf32, #tpu.memory_space<vmem>>
        %dma_start3A_284 = tpu.memref_squeeze %dma_start3A_283 : memref<1x128x128xf32, #tpu.memory_space<vmem>> -> memref<128x128xf32, #tpu.memory_space<vmem>>
        %dma_start3A_285 = arith.constant 0 : i32
        %dma_start3A_286 = tpu.memref_slice %arg9[%dma_start3A_278, %dma_start3A_279, %dma_start3A_285] : memref<2x4x128xi32, #tpu.memory_space<vmem>> -> memref<1x1x128xi32, #tpu.memory_space<vmem>>
        %dma_start3A_287 = tpu.memref_squeeze %dma_start3A_286 : memref<1x1x128xi32, #tpu.memory_space<vmem>> -> memref<128xi32, #tpu.memory_space<vmem>>
        %dma_start3A_288 = arith.constant 0 : i32
        %dma_start3A_289 = arith.constant 0 : i32
        %dma_start3A_290 = tpu.memref_slice %arg4[%dma_start3A_288, %dma_start3A_289] : memref<10240x128xf32, #tpu.memory_space<hbm>> -> memref<10240x128xf32, #tpu.memory_space<hbm>>
        tpu.enqueue_indirect_dma source(%dma_start3A_290 : memref<10240x128xf32, #tpu.memory_space<hbm>>) target(%dma_start3A_284 : memref<128x128xf32, #tpu.memory_space<vmem>>) offsets(%dma_start3A_287 : memref<128xi32, #tpu.memory_space<vmem>>) semaphore(%arg16 : memref<!tpu.dma_semaphore, #tpu.memory_space<semaphore_mem>>)
        %convert_element_type3A_291 = arith.extui %lt3A_80 : i1 to i32
        %cond3A_292 = arith.constant 0 : i32
        %cond3A_293 = arith.cmpi ne, %convert_element_type3A_291, %cond3A_292 : i32
        scf.if %cond3A_293 {
          %dma_wait3A_335 = arith.constant 0 : i32
          %dma_wait3A_336 = arith.constant 0 : i32
          %dma_wait3A_337 = arith.constant 0 : i32
          %dma_wait3A_338 = tpu.memref_slice %arg9[%dma_wait3A_335, %dma_wait3A_336, %dma_wait3A_337] : memref<2x4x128xi32, #tpu.memory_space<vmem>> -> memref<1x4x128xi32, #tpu.memory_space<vmem>>
          %dma_wait3A_339 = tpu.memref_squeeze %dma_wait3A_338 : memref<1x4x128xi32, #tpu.memory_space<vmem>> -> memref<4x128xi32, #tpu.memory_space<vmem>>
          %dma_wait3A_340 = arith.constant 0 : i32
          %dma_wait3A_341 = arith.constant 0 : i32
          %dma_wait3A_342 = tpu.memref_slice %arg5[%mul3A_9, %dma_wait3A_340, %dma_wait3A_341] : memref<640x4x128xi32, #tpu.memory_space<hbm>> -> memref<1x4x128xi32, #tpu.memory_space<hbm>>
          %dma_wait3A_343 = tpu.memref_squeeze %dma_wait3A_342 : memref<1x4x128xi32, #tpu.memory_space<hbm>> -> memref<4x128xi32, #tpu.memory_space<hbm>>
          %dma_wait3A_344 = arith.constant 0 : i32
          %dma_wait3A_345 = arith.constant 0 : i32
          %dma_wait3A_346 = tpu.memref_slice %arg9[%dma_wait3A_335, %dma_wait3A_344, %dma_wait3A_345] : memref<2x4x128xi32, #tpu.memory_space<vmem>> -> memref<1x4x128xi32, #tpu.memory_space<vmem>>
          %dma_wait3A_347 = tpu.memref_squeeze %dma_wait3A_346 : memref<1x4x128xi32, #tpu.memory_space<vmem>> -> memref<4x128xi32, #tpu.memory_space<vmem>>
          %dma_wait3A_348 = arith.constant 0 : i32
          %dma_wait3A_349 = arith.constant 0 : i32
          %dma_wait3A_350 = tpu.memref_slice %arg5[%mul3A_9, %dma_wait3A_348, %dma_wait3A_349] : memref<640x4x128xi32, #tpu.memory_space<hbm>> -> memref<1x4x128xi32, #tpu.memory_space<hbm>>
          %dma_wait3A_351 = tpu.memref_squeeze %dma_wait3A_350 : memref<1x4x128xi32, #tpu.memory_space<hbm>> -> memref<4x128xi32, #tpu.memory_space<hbm>>
          tpu.wait_dma2 semaphore(%arg13 : memref<!tpu.dma_semaphore, #tpu.memory_space<semaphore_mem>>) src(%dma_wait3A_351 : memref<4x128xi32, #tpu.memory_space<hbm>>) dst(%dma_wait3A_347 : memref<4x128xi32, #tpu.memory_space<vmem>>)
          %dma_wait3A_352 = arith.constant 0 : i32
          %dma_wait3A_353 = arith.constant 0 : i32
          %dma_wait3A_354 = arith.constant 0 : i32
          %dma_wait3A_355 = tpu.memref_slice %arg10[%dma_wait3A_352, %dma_wait3A_353, %dma_wait3A_354] : memref<2x4x128xi32, #tpu.memory_space<vmem>> -> memref<1x4x128xi32, #tpu.memory_space<vmem>>
          %dma_wait3A_356 = tpu.memref_squeeze %dma_wait3A_355 : memref<1x4x128xi32, #tpu.memory_space<vmem>> -> memref<4x128xi32, #tpu.memory_space<vmem>>
          %dma_wait3A_357 = arith.constant 0 : i32
          %dma_wait3A_358 = arith.constant 0 : i32
          %dma_wait3A_359 = tpu.memref_slice %arg6[%mul3A_9, %dma_wait3A_357, %dma_wait3A_358] : memref<640x4x128xi32, #tpu.memory_space<hbm>> -> memref<1x4x128xi32, #tpu.memory_space<hbm>>
          %dma_wait3A_360 = tpu.memref_squeeze %dma_wait3A_359 : memref<1x4x128xi32, #tpu.memory_space<hbm>> -> memref<4x128xi32, #tpu.memory_space<hbm>>
          %dma_wait3A_361 = arith.constant 0 : i32
          %dma_wait3A_362 = arith.constant 0 : i32
          %dma_wait3A_363 = tpu.memref_slice %arg10[%dma_wait3A_352, %dma_wait3A_361, %dma_wait3A_362] : memref<2x4x128xi32, #tpu.memory_space<vmem>> -> memref<1x4x128xi32, #tpu.memory_space<vmem>>
          %dma_wait3A_364 = tpu.memref_squeeze %dma_wait3A_363 : memref<1x4x128xi32, #tpu.memory_space<vmem>> -> memref<4x128xi32, #tpu.memory_space<vmem>>
          %dma_wait3A_365 = arith.constant 0 : i32
          %dma_wait3A_366 = arith.constant 0 : i32
          %dma_wait3A_367 = tpu.memref_slice %arg6[%mul3A_9, %dma_wait3A_365, %dma_wait3A_366] : memref<640x4x128xi32, #tpu.memory_space<hbm>> -> memref<1x4x128xi32, #tpu.memory_space<hbm>>
          %dma_wait3A_368 = tpu.memref_squeeze %dma_wait3A_367 : memref<1x4x128xi32, #tpu.memory_space<hbm>> -> memref<4x128xi32, #tpu.memory_space<hbm>>
          tpu.wait_dma2 semaphore(%arg13 : memref<!tpu.dma_semaphore, #tpu.memory_space<semaphore_mem>>) src(%dma_wait3A_368 : memref<4x128xi32, #tpu.memory_space<hbm>>) dst(%dma_wait3A_364 : memref<4x128xi32, #tpu.memory_space<vmem>>)
        } else {
        }
        %dma_wait3A_294 = arith.constant 1 : i32
        %dma_wait3A_295 = arith.constant 2 : i32
        %dma_wait3A_296 = arith.constant 0 : i32
        %dma_wait3A_297 = arith.constant 0 : i32
        %dma_wait3A_298 = arith.constant 0 : i32
        %dma_wait3A_299 = tpu.memref_slice %arg11[%dma_wait3A_296, %dma_wait3A_297, %dma_wait3A_298] : memref<2x128x128xf32, #tpu.memory_space<vmem>> -> memref<1x128x128xf32, #tpu.memory_space<vmem>>
        %dma_wait3A_300 = tpu.memref_squeeze %dma_wait3A_299 : memref<1x128x128xf32, #tpu.memory_space<vmem>> -> memref<128x128xf32, #tpu.memory_space<vmem>>
        %dma_wait3A_301 = arith.constant 0 : i32
        %dma_wait3A_302 = tpu.memref_slice %arg9[%dma_wait3A_294, %dma_wait3A_295, %dma_wait3A_301] : memref<2x4x128xi32, #tpu.memory_space<vmem>> -> memref<1x1x128xi32, #tpu.memory_space<vmem>>
        %dma_wait3A_303 = tpu.memref_squeeze %dma_wait3A_302 : memref<1x1x128xi32, #tpu.memory_space<vmem>> -> memref<128xi32, #tpu.memory_space<vmem>>
        %dma_wait3A_304 = arith.constant 0 : i32
        %dma_wait3A_305 = arith.constant 0 : i32
        %dma_wait3A_306 = tpu.memref_slice %arg4[%dma_wait3A_304, %dma_wait3A_305] : memref<10240x128xf32, #tpu.memory_space<hbm>> -> memref<10240x128xf32, #tpu.memory_space<hbm>>
        tpu.wait_indirect_dma semaphore(%arg15 : memref<!tpu.dma_semaphore, #tpu.memory_space<semaphore_mem>>) src(%dma_wait3A_306 : memref<10240x128xf32, #tpu.memory_space<hbm>>) dst(%dma_wait3A_300 : memref<128x128xf32, #tpu.memory_space<vmem>>)
        %run_scoped3A_307 = arith.constant 0 : i32
        %run_scoped3A_308 = arith.constant 1 : i32
        %run_scoped3A_309 = arith.constant 2 : i32
        "tpu.region"() ({
          %run_scoped3A_335 = tpu.sem_alloc : memref<!tpu.dma_semaphore, #tpu.memory_space<semaphore_mem>>
          %dma_start3A_336 = arith.constant 0 : i32
          %dma_start3A_337 = arith.constant 0 : i32
          %dma_start3A_338 = tpu.memref_slice %arg11[%run_scoped3A_307, %dma_start3A_336, %dma_start3A_337] : memref<2x128x128xf32, #tpu.memory_space<vmem>> -> memref<1x128x128xf32, #tpu.memory_space<vmem>>
          %dma_start3A_339 = tpu.memref_squeeze %dma_start3A_338 : memref<1x128x128xf32, #tpu.memory_space<vmem>> -> memref<128x128xf32, #tpu.memory_space<vmem>>
          %dma_start3A_340 = arith.constant 0 : i32
          %dma_start3A_341 = tpu.memref_slice %arg10[%run_scoped3A_308, %run_scoped3A_309, %dma_start3A_340] : memref<2x4x128xi32, #tpu.memory_space<vmem>> -> memref<1x1x128xi32, #tpu.memory_space<vmem>>
          %dma_start3A_342 = tpu.memref_squeeze %dma_start3A_341 : memref<1x1x128xi32, #tpu.memory_space<vmem>> -> memref<128xi32, #tpu.memory_space<vmem>>
          %dma_start3A_343 = arith.constant 0 : i32
          %dma_start3A_344 = arith.constant 0 : i32
          %dma_start3A_345 = tpu.memref_slice %arg12[%dma_start3A_343, %dma_start3A_344] : memref<10240x128xf32, #tpu.memory_space<vmem_shared>> -> memref<10240x128xf32, #tpu.memory_space<vmem_shared>>
          tpu.enqueue_indirect_dma source(%dma_start3A_339 : memref<128x128xf32, #tpu.memory_space<vmem>>) target(%dma_start3A_345 : memref<10240x128xf32, #tpu.memory_space<vmem_shared>>) offsets(%dma_start3A_342 : memref<128xi32, #tpu.memory_space<vmem>>) semaphore(%run_scoped3A_335 : memref<!tpu.dma_semaphore, #tpu.memory_space<semaphore_mem>>) {add = true}
          %dma_wait3A_346 = arith.constant 0 : i32
          %dma_wait3A_347 = arith.constant 0 : i32
          %dma_wait3A_348 = tpu.memref_slice %arg11[%run_scoped3A_307, %dma_wait3A_346, %dma_wait3A_347] : memref<2x128x128xf32, #tpu.memory_space<vmem>> -> memref<1x128x128xf32, #tpu.memory_space<vmem>>
          %dma_wait3A_349 = tpu.memref_squeeze %dma_wait3A_348 : memref<1x128x128xf32, #tpu.memory_space<vmem>> -> memref<128x128xf32, #tpu.memory_space<vmem>>
          %dma_wait3A_350 = arith.constant 0 : i32
          %dma_wait3A_351 = tpu.memref_slice %arg10[%run_scoped3A_308, %run_scoped3A_309, %dma_wait3A_350] : memref<2x4x128xi32, #tpu.memory_space<vmem>> -> memref<1x1x128xi32, #tpu.memory_space<vmem>>
          %dma_wait3A_352 = tpu.memref_squeeze %dma_wait3A_351 : memref<1x1x128xi32, #tpu.memory_space<vmem>> -> memref<128xi32, #tpu.memory_space<vmem>>
          %dma_wait3A_353 = arith.constant 0 : i32
          %dma_wait3A_354 = arith.constant 0 : i32
          %dma_wait3A_355 = tpu.memref_slice %arg12[%dma_wait3A_353, %dma_wait3A_354] : memref<10240x128xf32, #tpu.memory_space<vmem_shared>> -> memref<10240x128xf32, #tpu.memory_space<vmem_shared>>
          tpu.wait_indirect_dma semaphore(%run_scoped3A_335 : memref<!tpu.dma_semaphore, #tpu.memory_space<semaphore_mem>>) src(%dma_wait3A_349 : memref<128x128xf32, #tpu.memory_space<vmem>>) dst(%dma_wait3A_355 : memref<10240x128xf32, #tpu.memory_space<vmem_shared>>)
          tpu.yield
        }) : () -> ()
        %convert_element_type3A_310 = arith.extui %lt3A_80 : i1 to i32
        %cond3A_311 = arith.constant 0 : i32
        %cond3A_312 = arith.cmpi ne, %convert_element_type3A_310, %cond3A_311 : i32
        scf.if %cond3A_312 {
          %dma_start3A_335 = arith.constant 0 : i32
          %dma_start3A_336 = arith.constant 0 : i32
          %dma_start3A_337 = arith.constant 0 : i32
          %dma_start3A_338 = arith.constant 0 : i32
          %dma_start3A_339 = arith.constant 0 : i32
          %dma_start3A_340 = tpu.memref_slice %arg11[%dma_start3A_337, %dma_start3A_338, %dma_start3A_339] : memref<2x128x128xf32, #tpu.memory_space<vmem>> -> memref<1x128x128xf32, #tpu.memory_space<vmem>>
          %dma_start3A_341 = tpu.memref_squeeze %dma_start3A_340 : memref<1x128x128xf32, #tpu.memory_space<vmem>> -> memref<128x128xf32, #tpu.memory_space<vmem>>
          %dma_start3A_342 = arith.constant 0 : i32
          %dma_start3A_343 = tpu.memref_slice %arg9[%dma_start3A_335, %dma_start3A_336, %dma_start3A_342] : memref<2x4x128xi32, #tpu.memory_space<vmem>> -> memref<1x1x128xi32, #tpu.memory_space<vmem>>
          %dma_start3A_344 = tpu.memref_squeeze %dma_start3A_343 : memref<1x1x128xi32, #tpu.memory_space<vmem>> -> memref<128xi32, #tpu.memory_space<vmem>>
          %dma_start3A_345 = arith.constant 0 : i32
          %dma_start3A_346 = arith.constant 0 : i32
          %dma_start3A_347 = tpu.memref_slice %arg4[%dma_start3A_345, %dma_start3A_346] : memref<10240x128xf32, #tpu.memory_space<hbm>> -> memref<10240x128xf32, #tpu.memory_space<hbm>>
          tpu.enqueue_indirect_dma source(%dma_start3A_347 : memref<10240x128xf32, #tpu.memory_space<hbm>>) target(%dma_start3A_341 : memref<128x128xf32, #tpu.memory_space<vmem>>) offsets(%dma_start3A_344 : memref<128xi32, #tpu.memory_space<vmem>>) semaphore(%arg15 : memref<!tpu.dma_semaphore, #tpu.memory_space<semaphore_mem>>)
        } else {
        }
        %dma_wait3A_313 = arith.constant 1 : i32
        %dma_wait3A_314 = arith.constant 3 : i32
        %dma_wait3A_315 = arith.constant 1 : i32
        %dma_wait3A_316 = arith.constant 0 : i32
        %dma_wait3A_317 = arith.constant 0 : i32
        %dma_wait3A_318 = tpu.memref_slice %arg11[%dma_wait3A_315, %dma_wait3A_316, %dma_wait3A_317] : memref<2x128x128xf32, #tpu.memory_space<vmem>> -> memref<1x128x128xf32, #tpu.memory_space<vmem>>
        %dma_wait3A_319 = tpu.memref_squeeze %dma_wait3A_318 : memref<1x128x128xf32, #tpu.memory_space<vmem>> -> memref<128x128xf32, #tpu.memory_space<vmem>>
        %dma_wait3A_320 = arith.constant 0 : i32
        %dma_wait3A_321 = tpu.memref_slice %arg9[%dma_wait3A_313, %dma_wait3A_314, %dma_wait3A_320] : memref<2x4x128xi32, #tpu.memory_space<vmem>> -> memref<1x1x128xi32, #tpu.memory_space<vmem>>
        %dma_wait3A_322 = tpu.memref_squeeze %dma_wait3A_321 : memref<1x1x128xi32, #tpu.memory_space<vmem>> -> memref<128xi32, #tpu.memory_space<vmem>>
        %dma_wait3A_323 = arith.constant 0 : i32
        %dma_wait3A_324 = arith.constant 0 : i32
        %dma_wait3A_325 = tpu.memref_slice %arg4[%dma_wait3A_323, %dma_wait3A_324] : memref<10240x128xf32, #tpu.memory_space<hbm>> -> memref<10240x128xf32, #tpu.memory_space<hbm>>
        tpu.wait_indirect_dma semaphore(%arg16 : memref<!tpu.dma_semaphore, #tpu.memory_space<semaphore_mem>>) src(%dma_wait3A_325 : memref<10240x128xf32, #tpu.memory_space<hbm>>) dst(%dma_wait3A_319 : memref<128x128xf32, #tpu.memory_space<vmem>>)
        %run_scoped3A_326 = arith.constant 1 : i32
        %run_scoped3A_327 = arith.constant 1 : i32
        %run_scoped3A_328 = arith.constant 3 : i32
        "tpu.region"() ({
          %run_scoped3A_335 = tpu.sem_alloc : memref<!tpu.dma_semaphore, #tpu.memory_space<semaphore_mem>>
          %dma_start3A_336 = arith.constant 0 : i32
          %dma_start3A_337 = arith.constant 0 : i32
          %dma_start3A_338 = tpu.memref_slice %arg11[%run_scoped3A_326, %dma_start3A_336, %dma_start3A_337] : memref<2x128x128xf32, #tpu.memory_space<vmem>> -> memref<1x128x128xf32, #tpu.memory_space<vmem>>
          %dma_start3A_339 = tpu.memref_squeeze %dma_start3A_338 : memref<1x128x128xf32, #tpu.memory_space<vmem>> -> memref<128x128xf32, #tpu.memory_space<vmem>>
          %dma_start3A_340 = arith.constant 0 : i32
          %dma_start3A_341 = tpu.memref_slice %arg10[%run_scoped3A_327, %run_scoped3A_328, %dma_start3A_340] : memref<2x4x128xi32, #tpu.memory_space<vmem>> -> memref<1x1x128xi32, #tpu.memory_space<vmem>>
          %dma_start3A_342 = tpu.memref_squeeze %dma_start3A_341 : memref<1x1x128xi32, #tpu.memory_space<vmem>> -> memref<128xi32, #tpu.memory_space<vmem>>
          %dma_start3A_343 = arith.constant 0 : i32
          %dma_start3A_344 = arith.constant 0 : i32
          %dma_start3A_345 = tpu.memref_slice %arg12[%dma_start3A_343, %dma_start3A_344] : memref<10240x128xf32, #tpu.memory_space<vmem_shared>> -> memref<10240x128xf32, #tpu.memory_space<vmem_shared>>
          tpu.enqueue_indirect_dma source(%dma_start3A_339 : memref<128x128xf32, #tpu.memory_space<vmem>>) target(%dma_start3A_345 : memref<10240x128xf32, #tpu.memory_space<vmem_shared>>) offsets(%dma_start3A_342 : memref<128xi32, #tpu.memory_space<vmem>>) semaphore(%run_scoped3A_335 : memref<!tpu.dma_semaphore, #tpu.memory_space<semaphore_mem>>) {add = true}
          %dma_wait3A_346 = arith.constant 0 : i32
          %dma_wait3A_347 = arith.constant 0 : i32
          %dma_wait3A_348 = tpu.memref_slice %arg11[%run_scoped3A_326, %dma_wait3A_346, %dma_wait3A_347] : memref<2x128x128xf32, #tpu.memory_space<vmem>> -> memref<1x128x128xf32, #tpu.memory_space<vmem>>
          %dma_wait3A_349 = tpu.memref_squeeze %dma_wait3A_348 : memref<1x128x128xf32, #tpu.memory_space<vmem>> -> memref<128x128xf32, #tpu.memory_space<vmem>>
          %dma_wait3A_350 = arith.constant 0 : i32
          %dma_wait3A_351 = tpu.memref_slice %arg10[%run_scoped3A_327, %run_scoped3A_328, %dma_wait3A_350] : memref<2x4x128xi32, #tpu.memory_space<vmem>> -> memref<1x1x128xi32, #tpu.memory_space<vmem>>
          %dma_wait3A_352 = tpu.memref_squeeze %dma_wait3A_351 : memref<1x1x128xi32, #tpu.memory_space<vmem>> -> memref<128xi32, #tpu.memory_space<vmem>>
          %dma_wait3A_353 = arith.constant 0 : i32
          %dma_wait3A_354 = arith.constant 0 : i32
          %dma_wait3A_355 = tpu.memref_slice %arg12[%dma_wait3A_353, %dma_wait3A_354] : memref<10240x128xf32, #tpu.memory_space<vmem_shared>> -> memref<10240x128xf32, #tpu.memory_space<vmem_shared>>
          tpu.wait_indirect_dma semaphore(%run_scoped3A_335 : memref<!tpu.dma_semaphore, #tpu.memory_space<semaphore_mem>>) src(%dma_wait3A_349 : memref<128x128xf32, #tpu.memory_space<vmem>>) dst(%dma_wait3A_355 : memref<10240x128xf32, #tpu.memory_space<vmem_shared>>)
          tpu.yield
        }) : () -> ()
        %convert_element_type3A_329 = arith.extui %lt3A_80 : i1 to i32
        %cond3A_330 = arith.constant 0 : i32
        %cond3A_331 = arith.cmpi ne, %convert_element_type3A_329, %cond3A_330 : i32
        scf.if %cond3A_331 {
          %mul3A_335 = arith.constant 2 : i32
          %mul3A_336 = arith.muli %mul3A_335, %scan3A_79 : i32
          %add3A_337 = arith.addi %mul3A_9, %mul3A_336 : i32
          %add3A_338 = arith.constant 3 : i32
          %add3A_339 = arith.addi %add3A_337, %add3A_338 : i32
          %dma_start3A_340 = arith.constant 1 : i32
          %dma_start3A_341 = arith.constant 0 : i32
          %dma_start3A_342 = arith.constant 0 : i32
          %dma_start3A_343 = tpu.memref_slice %arg9[%dma_start3A_340, %dma_start3A_341, %dma_start3A_342] : memref<2x4x128xi32, #tpu.memory_space<vmem>> -> memref<1x4x128xi32, #tpu.memory_space<vmem>>
          %dma_start3A_344 = tpu.memref_squeeze %dma_start3A_343 : memref<1x4x128xi32, #tpu.memory_space<vmem>> -> memref<4x128xi32, #tpu.memory_space<vmem>>
          %dma_start3A_345 = arith.constant 0 : i32
          %dma_start3A_346 = arith.constant 0 : i32
          %dma_start3A_347 = tpu.memref_slice %arg5[%add3A_339, %dma_start3A_345, %dma_start3A_346] : memref<640x4x128xi32, #tpu.memory_space<hbm>> -> memref<1x4x128xi32, #tpu.memory_space<hbm>>
          %dma_start3A_348 = tpu.memref_squeeze %dma_start3A_347 : memref<1x4x128xi32, #tpu.memory_space<hbm>> -> memref<4x128xi32, #tpu.memory_space<hbm>>
          %dma_start3A_349 = arith.constant 0 : i32
          %dma_start3A_350 = arith.constant 0 : i32
          %dma_start3A_351 = tpu.memref_slice %arg9[%dma_start3A_340, %dma_start3A_349, %dma_start3A_350] : memref<2x4x128xi32, #tpu.memory_space<vmem>> -> memref<1x4x128xi32, #tpu.memory_space<vmem>>
          %dma_start3A_352 = tpu.memref_squeeze %dma_start3A_351 : memref<1x4x128xi32, #tpu.memory_space<vmem>> -> memref<4x128xi32, #tpu.memory_space<vmem>>
          %dma_start3A_353 = arith.constant 0 : i32
          %dma_start3A_354 = arith.constant 0 : i32
          %dma_start3A_355 = tpu.memref_slice %arg5[%add3A_339, %dma_start3A_353, %dma_start3A_354] : memref<640x4x128xi32, #tpu.memory_space<hbm>> -> memref<1x4x128xi32, #tpu.memory_space<hbm>>
          %dma_start3A_356 = tpu.memref_squeeze %dma_start3A_355 : memref<1x4x128xi32, #tpu.memory_space<hbm>> -> memref<4x128xi32, #tpu.memory_space<hbm>>
          tpu.enqueue_dma source(%dma_start3A_356 : memref<4x128xi32, #tpu.memory_space<hbm>>) target(%dma_start3A_352 : memref<4x128xi32, #tpu.memory_space<vmem>>) target_semaphore(%arg14 : memref<!tpu.dma_semaphore, #tpu.memory_space<semaphore_mem>>)
          %dma_start3A_357 = arith.constant 1 : i32
          %dma_start3A_358 = arith.constant 0 : i32
          %dma_start3A_359 = arith.constant 0 : i32
          %dma_start3A_360 = tpu.memref_slice %arg10[%dma_start3A_357, %dma_start3A_358, %dma_start3A_359] : memref<2x4x128xi32, #tpu.memory_space<vmem>> -> memref<1x4x128xi32, #tpu.memory_space<vmem>>
          %dma_start3A_361 = tpu.memref_squeeze %dma_start3A_360 : memref<1x4x128xi32, #tpu.memory_space<vmem>> -> memref<4x128xi32, #tpu.memory_space<vmem>>
          %dma_start3A_362 = arith.constant 0 : i32
          %dma_start3A_363 = arith.constant 0 : i32
          %dma_start3A_364 = tpu.memref_slice %arg6[%add3A_339, %dma_start3A_362, %dma_start3A_363] : memref<640x4x128xi32, #tpu.memory_space<hbm>> -> memref<1x4x128xi32, #tpu.memory_space<hbm>>
          %dma_start3A_365 = tpu.memref_squeeze %dma_start3A_364 : memref<1x4x128xi32, #tpu.memory_space<hbm>> -> memref<4x128xi32, #tpu.memory_space<hbm>>
          %dma_start3A_366 = arith.constant 0 : i32
          %dma_start3A_367 = arith.constant 0 : i32
          %dma_start3A_368 = tpu.memref_slice %arg10[%dma_start3A_357, %dma_start3A_366, %dma_start3A_367] : memref<2x4x128xi32, #tpu.memory_space<vmem>> -> memref<1x4x128xi32, #tpu.memory_space<vmem>>
          %dma_start3A_369 = tpu.memref_squeeze %dma_start3A_368 : memref<1x4x128xi32, #tpu.memory_space<vmem>> -> memref<4x128xi32, #tpu.memory_space<vmem>>
          %dma_start3A_370 = arith.constant 0 : i32
          %dma_start3A_371 = arith.constant 0 : i32
          %dma_start3A_372 = tpu.memref_slice %arg6[%add3A_339, %dma_start3A_370, %dma_start3A_371] : memref<640x4x128xi32, #tpu.memory_space<hbm>> -> memref<1x4x128xi32, #tpu.memory_space<hbm>>
          %dma_start3A_373 = tpu.memref_squeeze %dma_start3A_372 : memref<1x4x128xi32, #tpu.memory_space<hbm>> -> memref<4x128xi32, #tpu.memory_space<hbm>>
          tpu.enqueue_dma source(%dma_start3A_373 : memref<4x128xi32, #tpu.memory_space<hbm>>) target(%dma_start3A_369 : memref<4x128xi32, #tpu.memory_space<vmem>>) target_semaphore(%arg14 : memref<!tpu.dma_semaphore, #tpu.memory_space<semaphore_mem>>)
        } else {
        }
        %convert_element_type3A_332 = arith.extui %lt3A_80 : i1 to i32
        %cond3A_333 = arith.constant 0 : i32
        %cond3A_334 = arith.cmpi ne, %convert_element_type3A_332, %cond3A_333 : i32
        scf.if %cond3A_334 {
          %dma_start3A_335 = arith.constant 0 : i32
          %dma_start3A_336 = arith.constant 1 : i32
          %dma_start3A_337 = arith.constant 1 : i32
          %dma_start3A_338 = arith.constant 0 : i32
          %dma_start3A_339 = arith.constant 0 : i32
          %dma_start3A_340 = tpu.memref_slice %arg11[%dma_start3A_337, %dma_start3A_338, %dma_start3A_339] : memref<2x128x128xf32, #tpu.memory_space<vmem>> -> memref<1x128x128xf32, #tpu.memory_space<vmem>>
          %dma_start3A_341 = tpu.memref_squeeze %dma_start3A_340 : memref<1x128x128xf32, #tpu.memory_space<vmem>> -> memref<128x128xf32, #tpu.memory_space<vmem>>
          %dma_start3A_342 = arith.constant 0 : i32
          %dma_start3A_343 = tpu.memref_slice %arg9[%dma_start3A_335, %dma_start3A_336, %dma_start3A_342] : memref<2x4x128xi32, #tpu.memory_space<vmem>> -> memref<1x1x128xi32, #tpu.memory_space<vmem>>
          %dma_start3A_344 = tpu.memref_squeeze %dma_start3A_343 : memref<1x1x128xi32, #tpu.memory_space<vmem>> -> memref<128xi32, #tpu.memory_space<vmem>>
          %dma_start3A_345 = arith.constant 0 : i32
          %dma_start3A_346 = arith.constant 0 : i32
          %dma_start3A_347 = tpu.memref_slice %arg4[%dma_start3A_345, %dma_start3A_346] : memref<10240x128xf32, #tpu.memory_space<hbm>> -> memref<10240x128xf32, #tpu.memory_space<hbm>>
          tpu.enqueue_indirect_dma source(%dma_start3A_347 : memref<10240x128xf32, #tpu.memory_space<hbm>>) target(%dma_start3A_341 : memref<128x128xf32, #tpu.memory_space<vmem>>) offsets(%dma_start3A_344 : memref<128xi32, #tpu.memory_space<vmem>>) semaphore(%arg16 : memref<!tpu.dma_semaphore, #tpu.memory_space<semaphore_mem>>)
        } else {
        }
      }
      %scan3A_77 = arith.constant 20 : i32
      %barrier3A_78 = arith.constant 0 : index
      tpu.barrier barrier_id(%barrier3A_78)
      "tpu.region"() ({
        %run_scoped3A_79 = tpu.sem_alloc : memref<!tpu.dma_semaphore, #tpu.memory_space<semaphore_mem>>
        %dma_start3A_80 = arith.constant 0 : i32
        %dma_start3A_81 = tpu.memref_slice %arg8[%mul3A_0, %dma_start3A_80] : memref<10240x128xf32, #tpu.memory_space<hbm>> -> memref<640x128xf32, #tpu.memory_space<hbm>>
        %dma_start3A_82 = arith.constant 0 : i32
        %dma_start3A_83 = tpu.memref_slice %arg12[%mul3A_0, %dma_start3A_82] : memref<10240x128xf32, #tpu.memory_space<vmem_shared>> -> memref<640x128xf32, #tpu.memory_space<vmem_shared>>
        tpu.enqueue_dma source(%dma_start3A_83 : memref<640x128xf32, #tpu.memory_space<vmem_shared>>) target(%dma_start3A_81 : memref<640x128xf32, #tpu.memory_space<hbm>>) target_semaphore(%run_scoped3A_79 : memref<!tpu.dma_semaphore, #tpu.memory_space<semaphore_mem>>)
        %dma_wait3A = arith.constant 0 : i32
        %dma_wait3A_84 = tpu.memref_slice %arg8[%mul3A_0, %dma_wait3A] : memref<10240x128xf32, #tpu.memory_space<hbm>> -> memref<640x128xf32, #tpu.memory_space<hbm>>
        %dma_wait3A_85 = arith.constant 0 : i32
        %dma_wait3A_86 = tpu.memref_slice %arg12[%mul3A_0, %dma_wait3A_85] : memref<10240x128xf32, #tpu.memory_space<vmem_shared>> -> memref<640x128xf32, #tpu.memory_space<vmem_shared>>
        tpu.wait_dma2 semaphore(%run_scoped3A_79 : memref<!tpu.dma_semaphore, #tpu.memory_space<semaphore_mem>>) src(%dma_wait3A_86 : memref<640x128xf32, #tpu.memory_space<vmem_shared>>) dst(%dma_wait3A_84 : memref<640x128xf32, #tpu.memory_space<hbm>>)
        tpu.yield
      }) : () -> ()
    } else {
    }
    return
  }
}

module attributes {stable_mosaic.version = 14 : i64} {
  func.func @_mm_body(%arg0: i32, %arg1: memref<256x128xf32, #tpu.memory_space<vmem>>, %arg2: memref<128x128xf32, #tpu.memory_space<vmem>>, %arg3: memref<128x128xf32, #tpu.memory_space<vmem>>, %arg4: memref<256x1xf32, #tpu.memory_space<vmem>>, %arg5: memref<256x1xf32, #tpu.memory_space<vmem>>, %arg6: memref<256x128xf32, #tpu.memory_space<vmem>>, %arg7: memref<256x128xf32, #tpu.memory_space<vmem>>) attributes {dimension_semantics = [#tpu.dimension_semantics<arbitrary>], iteration_bounds = array<i64: 40>, scalar_prefetch = 0 : i64, scratch_operands = 0 : i64, tpu.core_type = #tpu.core_type<tc>, window_params = [{transform_indices = @transform_0, window_bounds = array<i64: 256, 128>}, {pipeline_mode = #tpu.pipeline_mode<synchronous>, transform_indices = @transform_1, window_bounds = array<i64: 128, 128>}, {pipeline_mode = #tpu.pipeline_mode<synchronous>, transform_indices = @transform_2, window_bounds = array<i64: 128, 128>}, {transform_indices = @transform_3, window_bounds = array<i64: 256, 1>}, {transform_indices = @transform_4, window_bounds = array<i64: 256, 1>}, {transform_indices = @transform_5, window_bounds = array<i64: 256, 128>}, {transform_indices = @transform_6, window_bounds = array<i64: 256, 128>}]} {
    %get3A = arith.constant 0 : index
    %get3A_0 = arith.constant 0 : index
    %get3A_1 = vector.load %arg1[%get3A, %get3A_0] : memref<256x128xf32, #tpu.memory_space<vmem>>, vector<256x128xf32>
    %get3A_2 = arith.constant 0 : index
    %get3A_3 = arith.constant 0 : index
    %get3A_4 = vector.load %arg2[%get3A_2, %get3A_3] : memref<128x128xf32, #tpu.memory_space<vmem>>, vector<128x128xf32>
    %dot_general3A = arith.constant dense<0.000000e+00> : vector<256x128xf32>
    %dot_general3A_5 = tpu.matmul %get3A_1, %get3A_4, %dot_general3A {dimension_numbers = #tpu.dot_dimension_numbers<[1], [1], [0], [0], [0, 0, 1, 0], [], []>, precision = #tpu.contract_precision<fp32>, transpose_lhs_hint = false} : vector<256x128xf32>, vector<128x128xf32>, vector<256x128xf32> -> vector<256x128xf32>
    %get3A_6 = arith.constant 0 : index
    %get3A_7 = arith.constant 0 : index
    %get3A_8 = vector.load %arg3[%get3A_6, %get3A_7] : memref<128x128xf32, #tpu.memory_space<vmem>>, vector<128x128xf32>
    %dot_general3A_9 = arith.constant dense<0.000000e+00> : vector<256x128xf32>
    %dot_general3A_10 = tpu.matmul %get3A_1, %get3A_8, %dot_general3A_9 {dimension_numbers = #tpu.dot_dimension_numbers<[1], [1], [0], [0], [0, 0, 1, 0], [], []>, precision = #tpu.contract_precision<fp32>, transpose_lhs_hint = false} : vector<256x128xf32>, vector<128x128xf32>, vector<256x128xf32> -> vector<256x128xf32>
    %get3A_11 = arith.constant 0 : index
    %get3A_12 = arith.constant 0 : index
    %get3A_13 = vector.load %arg4[%get3A_11, %get3A_12] : memref<256x1xf32, #tpu.memory_space<vmem>>, vector<256x1xf32>
    %get3A_14 = arith.constant 0 : index
    %get3A_15 = arith.constant 0 : index
    %get3A_16 = vector.load %arg5[%get3A_14, %get3A_15] : memref<256x1xf32, #tpu.memory_space<vmem>>, vector<256x1xf32>
    %gt3A = arith.constant 0.000000e+00 : f32
    %gt3A_17 = vector.broadcast %gt3A : f32 to vector<256x1xf32>
    %gt3A_18 = arith.cmpf ogt, %get3A_13, %gt3A_17 : vector<256x1xf32>
    %rsqrt3A = math.rsqrt %get3A_13 : vector<256x1xf32>
    %jit3A = arith.constant 0.000000e+00 : f32
    %broadcast_in_dim3A = vector.broadcast %jit3A : f32 to vector<256x1xf32>
    %select_n3A = arith.select %gt3A_18, %rsqrt3A, %broadcast_in_dim3A : vector<256x1xi1>, vector<256x1xf32>
    %gt3A_19 = arith.constant 0.000000e+00 : f32
    %gt3A_20 = vector.broadcast %gt3A_19 : f32 to vector<256x1xf32>
    %gt3A_21 = arith.cmpf ogt, %get3A_16, %gt3A_20 : vector<256x1xf32>
    %rsqrt3A_22 = math.rsqrt %get3A_16 : vector<256x1xf32>
    %jit3A_23 = arith.constant 0.000000e+00 : f32
    %broadcast_in_dim3A_24 = vector.broadcast %jit3A_23 : f32 to vector<256x1xf32>
    %select_n3A_25 = arith.select %gt3A_21, %rsqrt3A_22, %broadcast_in_dim3A_24 : vector<256x1xi1>, vector<256x1xf32>
    %mul3A = arith.constant 5.000000e-01 : f32
    %mul3A_26 = vector.broadcast %mul3A : f32 to vector<256x1xf32>
    %mul3A_27 = arith.mulf %mul3A_26, %select_n3A : vector<256x1xf32>
    %mul3A_28 = vector.broadcast %mul3A_27 : vector<256x1xf32> to vector<256x128xf32>
    %mul3A_29 = arith.mulf %mul3A_28, %dot_general3A_5 : vector<256x128xf32>
    %swap3A = arith.constant 0 : index
    %swap3A_30 = arith.constant 0 : index
    %swap3A_31 = vector.load %arg6[%swap3A, %swap3A_30] : memref<256x128xf32, #tpu.memory_space<vmem>>, vector<256x128xf32>
    tpu.vector_store %arg6[%swap3A, %swap3A_30], %mul3A_29 {strides = array<i32>} : memref<256x128xf32, #tpu.memory_space<vmem>>, vector<256x128xf32>,
    %mul3A_32 = arith.constant 5.000000e-01 : f32
    %mul3A_33 = vector.broadcast %mul3A_32 : f32 to vector<256x1xf32>
    %mul3A_34 = arith.mulf %mul3A_33, %select_n3A_25 : vector<256x1xf32>
    %mul3A_35 = vector.broadcast %mul3A_34 : vector<256x1xf32> to vector<256x128xf32>
    %mul3A_36 = arith.mulf %mul3A_35, %dot_general3A_10 : vector<256x128xf32>
    %swap3A_37 = arith.constant 0 : index
    %swap3A_38 = arith.constant 0 : index
    %swap3A_39 = vector.load %arg7[%swap3A_37, %swap3A_38] : memref<256x128xf32, #tpu.memory_space<vmem>>, vector<256x128xf32>
    tpu.vector_store %arg7[%swap3A_37, %swap3A_38], %mul3A_36 {strides = array<i32>} : memref<256x128xf32, #tpu.memory_space<vmem>>, vector<256x128xf32>,
    return
  }
  func.func @transform_0(%arg0: i32) -> (i32, i32) {
    %c0_i32 = arith.constant 0 : i32
    %c0_i32_0 = arith.constant 0 : i32
    return %arg0, %c0_i32 : i32, i32
  }
  func.func @transform_1(%arg0: i32) -> (i32, i32) {
    %c0_i32 = arith.constant 0 : i32
    %c0_i32_0 = arith.constant 0 : i32
    %c0_i32_1 = arith.constant 0 : i32
    return %c0_i32, %c0_i32_0 : i32, i32
  }
  func.func @transform_2(%arg0: i32) -> (i32, i32) {
    %c0_i32 = arith.constant 0 : i32
    %c0_i32_0 = arith.constant 0 : i32
    %c0_i32_1 = arith.constant 0 : i32
    return %c0_i32, %c0_i32_0 : i32, i32
  }
  func.func @transform_3(%arg0: i32) -> (i32, i32) {
    %c0_i32 = arith.constant 0 : i32
    %c0_i32_0 = arith.constant 0 : i32
    return %arg0, %c0_i32 : i32, i32
  }
  func.func @transform_4(%arg0: i32) -> (i32, i32) {
    %c0_i32 = arith.constant 0 : i32
    %c0_i32_0 = arith.constant 0 : i32
    return %arg0, %c0_i32 : i32, i32
  }
  func.func @transform_5(%arg0: i32) -> (i32, i32) {
    %c0_i32 = arith.constant 0 : i32
    %c0_i32_0 = arith.constant 0 : i32
    return %arg0, %c0_i32 : i32, i32
  }
  func.func @transform_6(%arg0: i32) -> (i32, i32) {
    %c0_i32 = arith.constant 0 : i32
    %c0_i32_0 = arith.constant 0 : i32
    return %arg0, %c0_i32 : i32, i32
  }
}

module attributes {stable_mosaic.version = 14 : i64} {
  func.func @_fin_body(%arg0: i32, %arg1: memref<256x128xf32, #tpu.memory_space<vmem>>, %arg2: memref<256x128xf32, #tpu.memory_space<vmem>>, %arg3: memref<256x1xf32, #tpu.memory_space<vmem>>, %arg4: memref<256x1xf32, #tpu.memory_space<vmem>>, %arg5: memref<1x128xf32, #tpu.memory_space<vmem>>, %arg6: memref<1x128xf32, #tpu.memory_space<vmem>>, %arg7: memref<256x128xf32, #tpu.memory_space<vmem>>) attributes {dimension_semantics = [#tpu.dimension_semantics<arbitrary>], iteration_bounds = array<i64: 40>, scalar_prefetch = 0 : i64, scratch_operands = 0 : i64, tpu.core_type = #tpu.core_type<tc>, window_params = [{transform_indices = @transform_0, window_bounds = array<i64: 256, 128>}, {transform_indices = @transform_1, window_bounds = array<i64: 256, 128>}, {transform_indices = @transform_2, window_bounds = array<i64: 256, 1>}, {transform_indices = @transform_3, window_bounds = array<i64: 256, 1>}, {pipeline_mode = #tpu.pipeline_mode<synchronous>, transform_indices = @transform_4, window_bounds = array<i64: 1, 128>}, {pipeline_mode = #tpu.pipeline_mode<synchronous>, transform_indices = @transform_5, window_bounds = array<i64: 1, 128>}, {transform_indices = @transform_6, window_bounds = array<i64: 256, 128>}]} {
    %get3A = arith.constant 0 : index
    %get3A_0 = arith.constant 0 : index
    %get3A_1 = vector.load %arg3[%get3A, %get3A_0] : memref<256x1xf32, #tpu.memory_space<vmem>>, vector<256x1xf32>
    %get3A_2 = arith.constant 0 : index
    %get3A_3 = arith.constant 0 : index
    %get3A_4 = vector.load %arg4[%get3A_2, %get3A_3] : memref<256x1xf32, #tpu.memory_space<vmem>>, vector<256x1xf32>
    %gt3A = arith.constant 0.000000e+00 : f32
    %gt3A_5 = vector.broadcast %gt3A : f32 to vector<256x1xf32>
    %gt3A_6 = arith.cmpf ogt, %get3A_1, %gt3A_5 : vector<256x1xf32>
    %rsqrt3A = math.rsqrt %get3A_1 : vector<256x1xf32>
    %jit3A = arith.constant 0.000000e+00 : f32
    %broadcast_in_dim3A = vector.broadcast %jit3A : f32 to vector<256x1xf32>
    %select_n3A = arith.select %gt3A_6, %rsqrt3A, %broadcast_in_dim3A : vector<256x1xi1>, vector<256x1xf32>
    %gt3A_7 = arith.constant 0.000000e+00 : f32
    %gt3A_8 = vector.broadcast %gt3A_7 : f32 to vector<256x1xf32>
    %gt3A_9 = arith.cmpf ogt, %get3A_4, %gt3A_8 : vector<256x1xf32>
    %rsqrt3A_10 = math.rsqrt %get3A_4 : vector<256x1xf32>
    %jit3A_11 = arith.constant 0.000000e+00 : f32
    %broadcast_in_dim3A_12 = vector.broadcast %jit3A_11 : f32 to vector<256x1xf32>
    %select_n3A_13 = arith.select %gt3A_9, %rsqrt3A_10, %broadcast_in_dim3A_12 : vector<256x1xi1>, vector<256x1xf32>
    %get3A_14 = arith.constant 0 : index
    %get3A_15 = arith.constant 0 : index
    %get3A_16 = vector.load %arg5[%get3A_14, %get3A_15] : memref<1x128xf32, #tpu.memory_space<vmem>>, vector<1x128xf32>
    %mul3A = arith.constant 5.000000e-01 : f32
    %mul3A_17 = vector.broadcast %mul3A : f32 to vector<1x128xf32>
    %mul3A_18 = arith.mulf %mul3A_17, %get3A_16 : vector<1x128xf32>
    %get3A_19 = arith.constant 0 : index
    %get3A_20 = arith.constant 0 : index
    %get3A_21 = vector.load %arg6[%get3A_19, %get3A_20] : memref<1x128xf32, #tpu.memory_space<vmem>>, vector<1x128xf32>
    %mul3A_22 = arith.constant 5.000000e-01 : f32
    %mul3A_23 = vector.broadcast %mul3A_22 : f32 to vector<1x128xf32>
    %mul3A_24 = arith.mulf %mul3A_23, %get3A_21 : vector<1x128xf32>
    %add3A = arith.addf %mul3A_18, %mul3A_24 : vector<1x128xf32>
    %get3A_25 = arith.constant 0 : index
    %get3A_26 = arith.constant 0 : index
    %get3A_27 = vector.load %arg1[%get3A_25, %get3A_26] : memref<256x128xf32, #tpu.memory_space<vmem>>, vector<256x128xf32>
    %mul3A_28 = vector.broadcast %select_n3A : vector<256x1xf32> to vector<256x128xf32>
    %mul3A_29 = arith.mulf %mul3A_28, %get3A_27 : vector<256x128xf32>
    %get3A_30 = arith.constant 0 : index
    %get3A_31 = arith.constant 0 : index
    %get3A_32 = vector.load %arg2[%get3A_30, %get3A_31] : memref<256x128xf32, #tpu.memory_space<vmem>>, vector<256x128xf32>
    %mul3A_33 = vector.broadcast %select_n3A_13 : vector<256x1xf32> to vector<256x128xf32>
    %mul3A_34 = arith.mulf %mul3A_33, %get3A_32 : vector<256x128xf32>
    %add3A_35 = arith.addf %mul3A_29, %mul3A_34 : vector<256x128xf32>
    %add3A_36 = vector.broadcast %add3A : vector<1x128xf32> to vector<256x128xf32>
    %add3A_37 = arith.addf %add3A_35, %add3A_36 : vector<256x128xf32>
    %swap3A = arith.constant 0 : index
    %swap3A_38 = arith.constant 0 : index
    %swap3A_39 = vector.load %arg7[%swap3A, %swap3A_38] : memref<256x128xf32, #tpu.memory_space<vmem>>, vector<256x128xf32>
    tpu.vector_store %arg7[%swap3A, %swap3A_38], %add3A_37 {strides = array<i32>} : memref<256x128xf32, #tpu.memory_space<vmem>>, vector<256x128xf32>,
    return
  }
  func.func @transform_0(%arg0: i32) -> (i32, i32) {
    %c0_i32 = arith.constant 0 : i32
    %c0_i32_0 = arith.constant 0 : i32
    return %arg0, %c0_i32 : i32, i32
  }
  func.func @transform_1(%arg0: i32) -> (i32, i32) {
    %c0_i32 = arith.constant 0 : i32
    %c0_i32_0 = arith.constant 0 : i32
    return %arg0, %c0_i32 : i32, i32
  }
  func.func @transform_2(%arg0: i32) -> (i32, i32) {
    %c0_i32 = arith.constant 0 : i32
    %c0_i32_0 = arith.constant 0 : i32
    return %arg0, %c0_i32 : i32, i32
  }
  func.func @transform_3(%arg0: i32) -> (i32, i32) {
    %c0_i32 = arith.constant 0 : i32
    %c0_i32_0 = arith.constant 0 : i32
    return %arg0, %c0_i32 : i32, i32
  }
  func.func @transform_4(%arg0: i32) -> (i32, i32) {
    %c0_i32 = arith.constant 0 : i32
    %c0_i32_0 = arith.constant 0 : i32
    %c0_i32_1 = arith.constant 0 : i32
    return %c0_i32, %c0_i32_0 : i32, i32
  }
  func.func @transform_5(%arg0: i32) -> (i32, i32) {
    %c0_i32 = arith.constant 0 : i32
    %c0_i32_0 = arith.constant 0 : i32
    %c0_i32_1 = arith.constant 0 : i32
    return %c0_i32, %c0_i32_0 : i32, i32
  }
  func.func @transform_6(%arg0: i32) -> (i32, i32) {
    %c0_i32 = arith.constant 0 : i32
    %c0_i32_0 = arith.constant 0 : i32
    return %arg0, %c0_i32 : i32, i32
  }
}

</mosaic_0001>

<sc_bundles>
// kernel: kernel.6.cloned.1.call-start
scs
__scs_entry_jumppad:
0x0: {  	(pc) =	sbr.rel $0x88, $3  }
0x1: {  	(tag) =	ssettag $0x0;
	lr =	simm.s32 $0x1  }
0x2: {  	[smem:$0x3F9B] =	sst lr;
	_ =	strace $0xD0000000  }
0x3: {  	_ = 	snop  }
0x4: {  	_ = 	snop  }
0x5: {  	_ = 	snop  }
0x6: {  	_ = 	snop  }
0x7: {  	_ = 	snop  }
__scs_overlays_trampoline_lowered:
0x8: {  	[smem:$0x3FAA] =	sst s0  }
0x9: {  	[smem:$0x3FAB] =	sst s1  }
0xa: {  	[smem:$0x3FAC] =	sst s2  }
0xb: {  	[smem:$0x3FAD] =	sst s3  }
0xc: {  	[smem:$0x3FAE] =	sst s4  }
0xd: {  	[smem:$0x3FAF] =	sst s5  }
0xe: {  	[smem:$0x3FB0] =	sst s6  }
0xf: {  	[smem:$0x3FB1] =	sst s7  }
0x10: {  	[smem:$0x3FB2] =	sst s8  }
0x11: {  	[smem:$0x3FB3] =	sst s9;
	s0 =	simm.s32 @!p0 $0x0  }
0x12: {  	s1 =	sld [smem:$0x3F99];
	s0 =	simm.s32 @p0 $0x1  }
0x13: {  	[smem:$0x3FB4] =	sst s0;
	s0 =	simm.s32 @!p1 $0x0  }
0x14: {  	s2 =	sld [smem:$0x3F98];
	s0 =	simm.s32 @p1 $0x1  }
0x15: {  	[smem:$0x3FB5] =	sst s0;
	s0 =	simm.s32 @!p2 $0x0  }
0x16: {  	s3 =	sld [smem:$0x3FDB];
	s0 =	simm.s32 @p2 $0x1  }
0x17: {  	s4 =	simm.s32 $0x1BF5;
	[smem:$0x3FB7] =	sst s0  }
0x18: {  	s0 =	sld [smem:$0x3F9A];
	_ =	swait.ge [sflag:s4], $0x0  }
0x19: {  	s7 =	sld [smem:$0x3F9B]  }
0x1a: {  	s8 =	sadd.s32 $0xFFFFE003, lr  }
0x1b: {  	s9 =	sadd.s32 $0xFFFFFEF7, lr;
	s5 =	simm.s32 $0xFFFFFFFF;
	p2 =	slt.u32 s8, $0xFFFFF086  }
0x1c: {  	p1 =	slt.u32 s9, $0xF7A;
	s5 =	simm.s32 @!p2 $0x0  }
0x1d: {  	s5 =	simm.s32 @p1 $0x1;
	p0 =	seq.s32 s7, s2  }
0x1e: {  	s7 =	smul.u32 @!p0 $0xF7A, s2;
	p2 =	seq.s32 @!p0 s5, $0x0  }
0x1f: {  	s9 =	smul.u32 $0xF7A, s1;
	s8 =	simm.s32 @!p0 $0x1BF5;
	p2 =	por !p2, p0  }
0x20: {  	[sflag:s8] =	ssyncset.s32 @!p0 $0xFFFFF086;
	s6 =	sadd.s32 @!p0 s3, s7;
	s7 =	simm.s32 @!p0 $0x108  }
0x21: {  	s3 =	sadd.s32 s3, s9;
	s6 =	sadd.s32 @!p0 $0x88, s6;
	s7 =	simm.s32 @p2 $0x1082  }
0x22: {  	[simem:s7], [sflag:s8] =	dma.local @!p0 [hbm:s6], $0xF7A  }
0x23: {  	s9 =	sor.u32 $0xD0000000, s2;
	s6 =	simm.s32 $0x108;
	_ =	swait.ge @!p0 [sflag:s8], $0x0  }
0x24: {  	s3 =	sadd.s32 $0x88, s3;
	s6 =	simm.s32 @!p1 $0x1082;
	[sflag:s4] =	ssyncset.s32 $0xFFFFF086  }
0x25: {  	[simem:s6], [sflag:s4] =	dma.local [hbm:s3], $0xF7A  }
0x26: {  	[smem:$0x3F9B] =	sst s1;
	(tag) =	ssettag s2;
	_ =	strace s9  }
0x27: {  	s1 =	sld [smem:$0x3FAB]  }
0x28: {  	s2 =	sld [smem:$0x3FAC]  }
0x29: {  	s4 =	sld [smem:$0x3FAE]  }
0x2a: {  	p0 =	seq.s32 s5, $0x0;
	s5 =	sld [smem:$0x3FAF]  }
0x2b: {  	s6 =	sld [smem:$0x3FB0]  }
0x2c: {  	s7 =	sld [smem:$0x3FB1]  }
0x2d: {  	s3 =	simm.s32 $0x108;
	s8 =	sld [smem:$0x3FB2]  }
0x2e: {  	s3 =	simm.s32 @!p0 $0x1082;
	s9 =	sld [smem:$0x3FB3]  }
0x2f: {  	lr =	sadd.s32 s0, s3;
	s0 =	sld [smem:$0x3FAA]  }
0x30: {  	s3 =	sld [smem:$0x3FAD]  }
0x31: {  	[smem:$0x3FB6] =	sst s10  }
0x32: {  	s10 =	sld [smem:$0x3FB4];
	_ =	sdelay $0x3  }
0x33: {  	p0 =	seq.s32 s10, $0x1;
	s10 =	sld [smem:$0x3FB6];
	_ =	sdelay $0x3  }
0x34: {  	[smem:$0x3FB6] =	sst s10  }
0x35: {  	s10 =	sld [smem:$0x3FB5];
	_ =	sdelay $0x3  }
0x36: {  	p1 =	seq.s32 s10, $0x1;
	s10 =	sld [smem:$0x3FB6];
	_ =	sdelay $0x3  }
0x37: {  	[smem:$0x3FB6] =	sst s10  }
0x38: {  	s10 =	sld [smem:$0x3FB7]  }
0x39: {  	_ = 	snop;
	(pc) =	sbr.ind lr, $3  }
0x3a: {  	_ = 	snop  }
0x3b: {  	_ = 	snop  }
0x3c: {  	p2 =	seq.s32 s10, $0x1;
	s10 =	sld [smem:$0x3FB6]  }
0x3d: {  	_ =	shalt  }
0x3e: {  	_ =	shalt  }
0x3f: {  	_ =	shalt  }
0x40: {  	_ =	shalt  }
0x41: {  	_ =	shalt  }
0x42: {  	_ =	shalt  }
0x43: {  	_ =	shalt  }
0x44: {  	_ =	shalt  }
0x45: {  	_ =	shalt  }
0x46: {  	_ =	shalt  }
0x47: {  	_ =	shalt  }
0x48: {  	_ =	shalt  }
0x49: {  	_ =	shalt  }
0x4a: {  	_ =	shalt  }
0x4b: {  	_ =	shalt  }
0x4c: {  	_ =	shalt  }
0x4d: {  	_ =	shalt  }
0x4e: {  	_ =	shalt  }
0x4f: {  	_ =	shalt  }
0x50: {  	_ =	shalt  }
0x51: {  	_ =	shalt  }
0x52: {  	_ =	shalt  }
0x53: {  	_ =	shalt  }
0x54: {  	_ =	shalt  }
0x55: {  	_ =	shalt  }
0x56: {  	_ =	shalt  }
0x57: {  	_ =	shalt  }
0x58: {  	_ =	shalt  }
0x59: {  	_ =	shalt  }
0x5a: {  	_ =	shalt  }
0x5b: {  	_ =	shalt  }
0x5c: {  	_ =	shalt  }
0x5d: {  	_ =	shalt  }
0x5e: {  	_ =	shalt  }
0x5f: {  	_ =	shalt  }
0x60: {  	_ =	shalt  }
0x61: {  	_ =	shalt  }
0x62: {  	_ =	shalt  }
0x63: {  	_ =	shalt  }
0x64: {  	_ =	shalt  }
0x65: {  	_ =	shalt  }
0x66: {  	_ =	shalt  }
0x67: {  	_ =	shalt  }
0x68: {  	_ =	shalt  }
0x69: {  	_ =	shalt  }
0x6a: {  	_ =	shalt  }
0x6b: {  	_ =	shalt  }
0x6c: {  	_ =	shalt  }
0x6d: {  	_ =	shalt  }
0x6e: {  	_ =	shalt  }
0x6f: {  	_ =	shalt  }
0x70: {  	_ =	shalt  }
0x71: {  	_ =	shalt  }
0x72: {  	_ =	shalt  }
0x73: {  	_ =	shalt  }
0x74: {  	_ =	shalt  }
0x75: {  	_ =	shalt  }
0x76: {  	_ =	shalt  }
0x77: {  	_ =	shalt  }
0x78: {  	_ =	shalt  }
0x79: {  	_ =	shalt  }
0x7a: {  	_ =	shalt  }
0x7b: {  	_ =	shalt  }
0x7c: {  	_ =	shalt  }
0x7d: {  	_ =	shalt  }
0x7e: {  	_ =	shalt  }
0x7f: {  	_ =	shalt  }
0x80: {  	_ =	shalt  }
0x81: {  	_ =	shalt  }
0x82: {  	_ =	shalt  }
0x83: {  	_ =	shalt  }
0x84: {  	_ =	shalt  }
0x85: {  	_ =	shalt  }
0x86: {  	_ =	shalt  }
0x87: {  	_ =	shalt  }
.Lfunc_end0:
.L_simem_size_0:
called_computation_lowered:
.L_overlay_start_0:
0x88: {  	s2 =	sld [smem:$0x3FD9]  }
0x89: {  	s3 =	sld [smem:$0x3FFE];
	_ =	sdelay $0x1  }
0x8a: {  	s1 =	srdreg.scid  }
0x8b: {  	s0 =	sand.u32 $0x1, s1  }
0x8c: {  	s17 =	sshll.u32 s0, $0xA;
	s2 =	sadd.s32 s3, s2  }
0x8d: {  	s2 =	sadd.s32 s2, s17  }
0x8e: {  	[smem:$0x3FC2] =	sst s2  }
0x8f: {  	_ = 	snop  }
0x90: {  	s2 =	sld [smem:$0x3FD0];
	(tm) =	ssettm $0x1  }
0x91: {  	s18 =	sld [smem:$0x3FFB];
	_ =	sdelay $0x3  }
0x92: {  	_ =	strace s18  }
0x93: {  	s3 =	sld [smem:$0x3FFC];
	_ =	sdelay $0x3  }
0x94: {  	_ =	strace s3  }
0x95: {  	s3 =	sld [smem:$0x3FFD];
	_ =	sdelay $0x3  }
0x96: {  	_ =	strace s3  }
0x97: {  	_ =	strace $0x8FFFFFFF  }
0x98: {  	s19 =	sld [smem:$0x3FDB];
	_ =	sdelay $0x1  }
0x99: {  	s4 =	simm.s32 $_scs_section_size  }
0x9a: {  	s5 =	simm.s32 $_size__tile_overlayer_lowered;
	s6 =	simm.s32 $_tile_overlayer_lowered  }
0x9b: {  	s22 =	simm.s32 $0x1BFF;
	s21 =	sshll.u32 s6, $0x1;
	s3 =	sadd.s32 s4, s19  }
0x9c: {  	s7 =	simm.s32 $0x0;
	s20 =	sshll.u32 s5, $0x1;
	s5 =	sadd.s32 s21, s3  }
0x9d: {  	[timem:s7], [sflag:s22] =	dma.local [hbm:s5], s20  }
0x9e: {  	_ =	swait.ge [sflag:s22], s20  }
0x9f: {  	s4 =	ssub.s32 $0x0, s20;
	[sflag:s22] =	ssyncset.done $0x0  }
0xa0: {  	[sflag:s22] =	ssyncadd.s32 s4;
	_ =	sdelay $0x1  }
0xa1: {  	s23 =	simm.s32 $0x1B8B  }
0xa2: {  	_ =	swait.ge [sflag:s23], $0x1  }
0xa3: {  	[sflag:s23] =	ssyncset.done $0x0  }
0xa4: {  	s25 =	simm.s32 $0x1B8E;
	s24 =	sld [smem:$0x3FFE];
	[sflag:s23] =	ssyncadd.s32 $0xFFFFFFFF  }
0xa5: {  	s26 =	simm.s32 $execute0_lowered;
	[smem:$0x3FD2] =	sst s25  }
0xa6: {  	s5 =	sshll.u32 s26, $0x1;
	_ =	strace $0x80000046;
	[dreg:$0x1] =	wrdreg $0xFFFFFFFF  }
0xa7: {  	s28 =	simm.s32 $_size_execute0_lowered;
	s3 =	sadd.s32 s3, s5;
	[dreg:$0x0] =	wrdreg $0x0  }
0xa8: {  	s5 =	sshll.u32 s28, $0x1;
	[dreg:$0x2] =	wrdreg s3  }
0xa9: {  	[dreg:$0x3] =	wrdreg s5  }
0xaa: {  	[dreg:$0x4] =	wrdreg $0xC0  }
0xab: {  	_ =	task [dreg:s7], $0x5FFFF  }
0xac: {  	[dreg:$0x1] =	wrdreg $0xFFFFFFFF  }
0xad: {  	[dreg:$0x0] =	wrdreg $0x60  }
0xae: {  	[dreg:$0x2] =	wrdreg s2  }
0xaf: {  	[dreg:$0x3] =	wrdreg s24  }
0xb0: {  	[dreg:$0x4] =	wrdreg $0x3D000  }
0xb1: {  	[dreg:$0x5] =	wrdreg $0x9  }
0xb2: {  	_ =	task.clear_ibuf [dreg:s7], $0x6FFFF;
	_ =	strace $0x90000046  }
0xb3: {  	s29 =	simm.s32 $0x9;
	_ =	strace $0x80000048  }
0xb4: {  	_ =	swait.ge [sflag:s29], $0x1  }
0xb5: {  	[sflag:s29] =	ssyncadd.s32 $0xFFFFFFFF  }
0xb6: {  	_ =	strace $0x90000048  }
0xb7: {  	_ =	sfence  }
0xb8: {  	s30 =	sld [smem:$0x0];
	_ =	sdelay $0x2  }
0xb9: {  	s31 =	sshll.u32 s1, $0xD;
	s1 =	sshrl.u32 s1, $0x2  }
0xba: {  	s3 =	sand.u32 $0x4000, s31;
	s1 =	sadd.s32 s1, s30  }
0xbb: {  	s0 =	sor.u32 s3, s0;
	s1 =	sshll.u32 s1, $0x11  }
0xbc: {  	s0 =	sor.u32 s1, s0  }
0xbd: {  	s0 =	sadd.s32 $0x8F2B, s0  }
0xbe: {  	[sflag:s0] =	ssyncadd.remote.s32 $0x1  }
0xbf: {  	_ =	sfence.sel $0xFFFF  }
0xc0: {  	[dreg:$0x0] =	wrdreg $0xFFFFFFFF;
	(pc) =	sbr.abs _section_cstart, $3  }
0xc1: {  	[dreg:$0x1] =	wrdreg $0xFFFFFFFF  }
0xc2: {  	_ =	task.clear_ibuf [dreg:s7], $0x2FFFF;
	_ =	strace $0x9FFFFFFF  }
0xc3: {  	(tm) =	ssettm $0x7FFFFFFF  }
tec
execute0_lowered:
.L_overlay_start_1:
0x0: {  	(tag) =	ssettag $0x1  }
0x1: {  	s1 =	rddreg [dreg:$0x0]  }
0x2: {  	s0 =	rddreg [dreg:$0x1]  }
0x3: {  	s2 =	rddreg [dreg:$0x2]  }
0x4: {  	s3 =	simm.s32 $0x0;
	s4 =	srdreg.scid;
	s9 =	stileid.u32  }
0x5: {  	[smem:$0x7FF] =	sst s3;
	s7 =	smul.u32 $0x5000, s9  }
0x6: {  	s5 =	sand.u32 $0x1, s4;
	s4 =	sadd.s32 $0x2E00, s0;
	s25 =	smul.u32 $0xA000, s9  }
0x7: {  	s8 =	sadd.s32 $0xCE00, s0;
	s0 =	sadd.s32 $0xD400, s0;
	s26 =	smul.u32 $0x280, s9  }
0x8: {  	_ =	strace $0x80000047;
	s6 =	ssub.s32 $0x2, s5;
	[dreg:$0x4] =	wrdreg s8  }
0x9: {  	[dreg:$0x5] =	wrdreg s0;
	p0 =	seq.s32 s5, $0x1;
	s5 =	simm.s32 $0x1000  }
0xa: {  	s23 =	sshrl.u32 s6, $0x1;
	s24 =	sshrl.u32 s7, $0x3;
	s9 =	sadd.s32 $0x1000, s7  }
0xb: {  	s8 =	sshrl.u32 s25, $0x2;
	s0 =	ssub.s32 s6, s23;
	s10 =	sadd.s32 s1, s24  }
0xc: {  	s12 =	sadd.s32 s8, s2;
	s23 =	sshrl.u32 s26, $0x3;
	s15 =	sadd.s32 s4, s24  }
0xd: {  	s8 =	simm.s32 $0x1;
	s6 =	simm.s32 $0x2;
	[dreg:$0x6] =	wrdreg s10  }
0xe: {  	s11 =	sadd.s32 $0x100, s10;
	s10 =	sadd.s32 $0x1800, s7;
	[dreg:$0x8] =	wrdreg s12  }
0xf: {  	s12 =	sadd.s32 s26, s2;
	s25 =	smax.u32 s0, $0x1;
	[dreg:$0xc] =	wrdreg s15  }
0x10: {  	s24 =	sadd.s32 $0x100, s15;
	s0 =	simm.s32 $0x3;
	s7 =	simm.s32 $0x3800  }
0x11: {  	[dreg:$0x7] =	wrdreg s11;
	s2 =	sadd.s32 $0x2800, s12;
	s13 =	sadd.s32 $0x5000, s12  }
0x12: {  	s14 =	sadd.s32 $0x7800, s12;
	s16 =	sadd.s32 $0xA000, s12;
	s17 =	sadd.s32 $0xC800, s12  }
0x13: {  	s18 =	sadd.s32 $0xF000, s12;
	s19 =	sadd.s32 $0x11800, s12;
	s20 =	sadd.s32 $0x14000, s12  }
.Ltmp0:
0x14: {  	s21 =	sadd.s32 $0x16800, s12;
	s22 =	sadd.s32 $0x19000, s12;
	(pc) =	sbr.rel .LBB2_1-.Ltmp0, $4  }
0x15: {  	s26 =	sadd.s32 $0x1B800, s12;
	s28 =	sadd.s32 $0x1E000, s12;
	[dreg:$0xd] =	wrdreg s24  }
0x16: {  	s29 =	sadd.s32 $0x20800, s12;
	s30 =	sadd.s32 $0x23000, s12;
	[dreg:$0x9] =	wrdreg s2  }
0x17: {  	s31 =	sadd.s32 $0x25800, s12;
	s24 =	simm.s32 $0x3A80;
	[dreg:$0xa] =	wrdreg s13  }
0x18: {  	v0 =	vimm.f32 $0.0e+00;
	v1 =	vimm.f32 $1.000000000e+00;
	s11 =	simm.s32 $0x0;
	[dreg:$0xb] =	wrdreg s14;
	s2 =	simm.s32 $0x800  }
.LBB2_79:
0x19: {  	v3 =	vld [tilespmem:s13+$0x3800];
	_ =	sdelay $0x4  }
0x1a: {  	v2 =	vadd.f32 v2, v3;
	_ =	sdelay $0x1  }
0x1b: {  	[tilespmem:s13+$0x3800] =	vst v2;
	s13 =	rddreg [dreg:$0x5]  }
.LBB2_80:
0x1c: {  	s11 =	sadd.s32 $0x1, s11  }
0x1d: {  	p1 =	sne.s32 s11, s25  }
.Ltmp1:
0x1e: {  	s13 =	sadd.s32 s13, s23;
	(pc) =	sbr.rel @!p1 .LBB2_81-.Ltmp1, $4  }
0x1f: {  	[hbm4b:s13+s3] =	stream.linear.scatter [tilespmem:s7], [sflag:$0x3], $0x280, $0x38;
	[tilespmem:$0x6500] =	vst v63  }
0x20: {  	_ =	swait.ge [sflag:s0], $0x280  }
0x21: {  	[sflag:s0] =	ssyncset.done $0x0  }
0x22: {  	[sflag:s0] =	ssyncadd.s32 $0xFFFFFD80  }
.LBB2_1:
.Ltmp2:
0x23: {  	(pc) =	sbr.rel @!p0 .LBB2_2-.Ltmp2, $2  }
0x24: {  	_ =	sdelay $0x2  }
0x25: {  	s13 =	simm.s32 $0x40;
	s14 =	simm.s32 $0x0  }
.LBB2_41:
0x26: {  	p1 =	sne.s32 s13, $0x9FC0;
	[tilespmem:s14+$0x1000] =	vst v0;
	s14 =	smov.u32 s13;
	s13 =	sadd.s32 $0x40, s13  }
.Ltmp3:
0x27: {  	(pc) =	sbr.rel @p1 .LBB2_41-.Ltmp3, $2  }
0x28: {  	_ =	sdelay $0x2  }
0x29: {  	s14 =	sshra.s32 s14, $0x2  }
0x2a: {  	[tilespmem:s14+$0x1000] =	vst v0;
	s13 =	simm.s32 $0x0;
	s15 =	rddreg [dreg:$0xc]  }
0x2b: {  	[tilespmem:s13], [sflag:$0x1] =	stream.linear.gather [hbm4b:s15+s13], $0x800, $0x38;
	[tilespmem:$0x6500] =	vst v63  }
0x2c: {  	s15 =	rddreg [dreg:$0xd]  }
0x2d: {  	[tilespmem:s2], [sflag:$0x2] =	stream.linear.gather [hbm4b:s15+s13], $0x800, $0x38;
	[tilespmem:$0x6500] =	vst v63  }
.LBB2_43:
0x2e: {  	_ =	swait.ge [sflag:s8], $0x800  }
0x2f: {  	[sflag:s8] =	ssyncset.done $0x0  }
0x30: {  	s14 =	simm.s32 $0x0;
	[sflag:s8] =	ssyncadd.s32 $0xFFFFF800  }
.LBB2_44:
0x31: {  	s15 =	sshra.s32 s14, $0x2  }
0x32: {  	v2 =	vld [tilespmem:s15+$0x0];
	_ =	sdelay $0x7  }
0x33: {  	[tilespmem:v2+s5+$0x0] =	vst.idx.add.f32.msk $0xffff, v1  }
0x34: {  	v2 =	vld [tilespmem:s15+$0x10];
	_ =	sdelay $0x7  }
0x35: {  	[tilespmem:v2+s5+$0x0] =	vst.idx.add.f32.msk $0xffff, v1  }
0x36: {  	v2 =	vld [tilespmem:s15+$0x20];
	_ =	sdelay $0x7  }
0x37: {  	[tilespmem:v2+s5+$0x0] =	vst.idx.add.f32.msk $0xffff, v1  }
0x38: {  	v2 =	vld [tilespmem:s15+$0x30];
	_ =	sdelay $0x2  }
0x39: {  	p1 =	sne.s32 s14, $0x1F00  }
.Ltmp4:
0x3a: {  	_ = 	snop;
	(pc) =	sbr.rel @p1 .LBB2_44-.Ltmp4, $2  }
0x3b: {  	_ =	sdelay $0x2  }
0x3c: {  	s14 =	sadd.s32 $0x100, s14;
	[tilespmem:v2+s5+$0x0] =	vst.idx.add.f32.msk $0xffff, v1  }
0x3d: {  	p1 =	seq.s32 s13, $0x4  }
0x3e: {  	s14 =	sshll.u32 @!p1 s13, $0xC  }
0x3f: {  	s14 =	sadd.s32 @!p1 s14, s9  }
0x40: {  	s14 =	sshrl.u32 @!p1 s14, $0x3  }
0x41: {  	s15 =	simm.s32 @!p1 $0x0;
	s14 =	sadd.s32 @!p1 s4, s14  }
0x42: {  	[tilespmem:s15], [sflag:$0x1] =	stream.linear.gather @!p1 [hbm4b:s14+s15], $0x800, $0x38;
	[tilespmem:$0x6500] =	vst v63  }
0x43: {  	_ =	swait.ge [sflag:s6], $0x800  }
0x44: {  	[sflag:s6] =	ssyncset.done $0x0  }
0x45: {  	s14 =	simm.s32 $0x0;
	[sflag:s6] =	ssyncadd.s32 $0xFFFFF800  }
.LBB2_46:
0x46: {  	s15 =	sshra.s32 s14, $0x2  }
0x47: {  	v2 =	vld [tilespmem:s15+$0x800];
	_ =	sdelay $0x7  }
0x48: {  	[tilespmem:v2+s5+$0x0] =	vst.idx.add.f32.msk $0xffff, v1  }
0x49: {  	v2 =	vld [tilespmem:s15+$0x810];
	_ =	sdelay $0x7  }
0x4a: {  	[tilespmem:v2+s5+$0x0] =	vst.idx.add.f32.msk $0xffff, v1  }
0x4b: {  	v2 =	vld [tilespmem:s15+$0x820];
	_ =	sdelay $0x7  }
0x4c: {  	[tilespmem:v2+s5+$0x0] =	vst.idx.add.f32.msk $0xffff, v1  }
0x4d: {  	v2 =	vld [tilespmem:s15+$0x830];
	_ =	sdelay $0x2  }
0x4e: {  	p2 =	sne.s32 s14, $0x1F00  }
.Ltmp5:
0x4f: {  	_ = 	snop;
	(pc) =	sbr.rel @p2 .LBB2_46-.Ltmp5, $2  }
0x50: {  	_ =	sdelay $0x2  }
0x51: {  	s14 =	sadd.s32 $0x100, s14;
	[tilespmem:v2+s5+$0x0] =	vst.idx.add.f32.msk $0xffff, v1  }
.Ltmp6:
0x52: {  	(pc) =	sbr.rel @p1 .LBB2_49-.Ltmp6, $1  }
0x53: {  	_ =	sdelay $0x3  }
.Ltmp7:
0x54: {  	s14 =	sshll.u32 s13, $0xC;
	(pc) =	sbr.rel .LBB2_43-.Ltmp7, $4  }
0x55: {  	s14 =	sadd.s32 s14, s10  }
0x56: {  	s14 =	sshrl.u32 s14, $0x3  }
0x57: {  	s13 =	sadd.s32 $0x1, s13;
	s14 =	sadd.s32 s4, s14  }
0x58: {  	[tilespmem:s2], [sflag:$0x2] =	stream.linear.gather [hbm4b:s14+s3], $0x800, $0x38;
	[tilespmem:$0x6500] =	vst v63  }
.LBB2_2:
0x59: {  	p1 =	sne.s32 s13, $0x9FC0;
	[tilespmem:s14+$0x1000] =	vst v0;
	s14 =	smov.u32 s13;
	s13 =	sadd.s32 $0x40, s13  }
.Ltmp8:
0x5a: {  	(pc) =	sbr.rel @p1 .LBB2_2-.Ltmp8, $2  }
0x5b: {  	_ =	sdelay $0x2  }
0x5c: {  	s14 =	sshra.s32 s14, $0x2  }
0x5d: {  	[tilespmem:s14+$0x1000] =	vst v0;
	s13 =	simm.s32 $0x0;
	s15 =	rddreg [dreg:$0x6]  }
0x5e: {  	[tilespmem:s13], [sflag:$0x1] =	stream.linear.gather [hbm4b:s15+s13], $0x800, $0x38;
	[tilespmem:$0x6500] =	vst v63  }
0x5f: {  	s15 =	rddreg [dreg:$0x7]  }
0x60: {  	[tilespmem:s2], [sflag:$0x2] =	stream.linear.gather [hbm4b:s15+s13], $0x800, $0x38;
	[tilespmem:$0x6500] =	vst v63  }
.LBB2_4:
0x61: {  	_ =	swait.ge [sflag:s8], $0x800  }
0x62: {  	[sflag:s8] =	ssyncset.done $0x0  }
0x63: {  	s14 =	simm.s32 $0x0;
	[sflag:s8] =	ssyncadd.s32 $0xFFFFF800  }
.LBB2_5:
0x64: {  	s15 =	sshra.s32 s14, $0x2  }
0x65: {  	v2 =	vld [tilespmem:s15+$0x0];
	_ =	sdelay $0x7  }
0x66: {  	[tilespmem:v2+s5+$0x0] =	vst.idx.add.f32.msk $0xffff, v1  }
0x67: {  	v2 =	vld [tilespmem:s15+$0x10];
	_ =	sdelay $0x7  }
0x68: {  	[tilespmem:v2+s5+$0x0] =	vst.idx.add.f32.msk $0xffff, v1  }
0x69: {  	v2 =	vld [tilespmem:s15+$0x20];
	_ =	sdelay $0x7  }
0x6a: {  	[tilespmem:v2+s5+$0x0] =	vst.idx.add.f32.msk $0xffff, v1  }
0x6b: {  	v2 =	vld [tilespmem:s15+$0x30];
	_ =	sdelay $0x2  }
0x6c: {  	p1 =	sne.s32 s14, $0x1F00  }
.Ltmp9:
0x6d: {  	_ = 	snop;
	(pc) =	sbr.rel @p1 .LBB2_5-.Ltmp9, $2  }
0x6e: {  	_ =	sdelay $0x2  }
0x6f: {  	s14 =	sadd.s32 $0x100, s14;
	[tilespmem:v2+s5+$0x0] =	vst.idx.add.f32.msk $0xffff, v1  }
0x70: {  	p1 =	seq.s32 s13, $0x4  }
0x71: {  	s14 =	sshll.u32 @!p1 s13, $0xC  }
0x72: {  	s14 =	sadd.s32 @!p1 s14, s9  }
0x73: {  	s14 =	sshrl.u32 @!p1 s14, $0x3  }
0x74: {  	s15 =	simm.s32 @!p1 $0x0;
	s14 =	sadd.s32 @!p1 s1, s14  }
0x75: {  	[tilespmem:s15], [sflag:$0x1] =	stream.linear.gather @!p1 [hbm4b:s14+s15], $0x800, $0x38;
	[tilespmem:$0x6500] =	vst v63  }
0x76: {  	_ =	swait.ge [sflag:s6], $0x800  }
0x77: {  	[sflag:s6] =	ssyncset.done $0x0  }
0x78: {  	s14 =	simm.s32 $0x0;
	[sflag:s6] =	ssyncadd.s32 $0xFFFFF800  }
.LBB2_7:
0x79: {  	s15 =	sshra.s32 s14, $0x2  }
0x7a: {  	v2 =	vld [tilespmem:s15+$0x800];
	_ =	sdelay $0x7  }
0x7b: {  	[tilespmem:v2+s5+$0x0] =	vst.idx.add.f32.msk $0xffff, v1  }
0x7c: {  	v2 =	vld [tilespmem:s15+$0x810];
	_ =	sdelay $0x7  }
0x7d: {  	[tilespmem:v2+s5+$0x0] =	vst.idx.add.f32.msk $0xffff, v1  }
0x7e: {  	v2 =	vld [tilespmem:s15+$0x820];
	_ =	sdelay $0x7  }
0x7f: {  	[tilespmem:v2+s5+$0x0] =	vst.idx.add.f32.msk $0xffff, v1  }
0x80: {  	v2 =	vld [tilespmem:s15+$0x830];
	_ =	sdelay $0x2  }
0x81: {  	p2 =	sne.s32 s14, $0x1F00  }
.Ltmp10:
0x82: {  	_ = 	snop;
	(pc) =	sbr.rel @p2 .LBB2_7-.Ltmp10, $2  }
0x83: {  	_ =	sdelay $0x2  }
0x84: {  	s14 =	sadd.s32 $0x100, s14;
	[tilespmem:v2+s5+$0x0] =	vst.idx.add.f32.msk $0xffff, v1  }
.Ltmp11:
0x85: {  	(pc) =	sbr.rel @p1 .LBB2_10-.Ltmp11, $1  }
0x86: {  	_ =	sdelay $0x3  }
.Ltmp12:
0x87: {  	s14 =	sshll.u32 s13, $0xC;
	(pc) =	sbr.rel .LBB2_4-.Ltmp12, $4  }
0x88: {  	s14 =	sadd.s32 s14, s10  }
0x89: {  	s14 =	sshrl.u32 s14, $0x3  }
0x8a: {  	s13 =	sadd.s32 $0x1, s13;
	s14 =	sadd.s32 s1, s14  }
0x8b: {  	[tilespmem:s2], [sflag:$0x2] =	stream.linear.gather [hbm4b:s14+s3], $0x800, $0x38;
	[tilespmem:$0x6500] =	vst v63  }
.LBB2_49:
0x8c: {  	s13 =	rddreg [dreg:$0x8]  }
0x8d: {  	[spmem:s13] =	stream.linear.scatter [tilespmem:s5], [sflag:$0x3], $0x2800, $0x38;
	[tilespmem:$0x6500] =	vst v63  }
0x8e: {  	_ =	swait.ge [sflag:s0], $0x2800  }
0x8f: {  	[sflag:s0] =	ssyncset.done $0x0  }
0x90: {  	[sflag:s0] =	ssyncadd.s32 $0xFFFFD800  }
0x91: {  	[bflag:$0x0] =	sbarrier.arrive $0xFFFF  }
0x92: {  	[tilespmem:s7], [sflag:$0x3] =	stream.linear.gather [spmem:s12], $0x280, $0x38;
	[tilespmem:$0x6500] =	vst v63  }
0x93: {  	_ =	swait.ge [sflag:s0], $0x280  }
0x94: {  	[sflag:s0] =	ssyncset.done $0x0  }
0x95: {  	s15 =	rddreg [dreg:$0x9];
	[sflag:s0] =	ssyncadd.s32 $0xFFFFFD80  }
0x96: {  	[tilespmem:s24], [sflag:$0x3] =	stream.linear.gather [spmem:s15], $0x280, $0x38;
	[tilespmem:$0x6500] =	vst v63  }
0x97: {  	_ =	swait.ge [sflag:s0], $0x280  }
0x98: {  	[sflag:s0] =	ssyncset.done $0x0  }
0x99: {  	s13 =	simm.s32 $0x0;
	[sflag:s0] =	ssyncadd.s32 $0xFFFFFD80  }
0x9a: {  	s14 =	simm.s32 $0x40;
	v2 =	vld [tilespmem:s13+$0x3A80]  }
.LBB2_50:
0x9b: {  	p1 =	sne.s32 s14, $0x9C0;
	v3 =	vld [tilespmem:s13+$0x3800];
	_ =	sdelay $0x2  }
.Ltmp13:
0x9c: {  	(pc) =	sbr.rel @p1 .LBB2_50-.Ltmp13, $4  }
0x9d: {  	_ = 	snop  }
0x9e: {  	v3 =	vadd.f32 v2, v3  }
0x9f: {  	s15 =	sshra.s32 s14, $0x2  }
0xa0: {  	s14 =	sadd.s32 $0x40, s14;
	v2 =	vld [tilespmem:s15+$0x3A80];
	[tilespmem:s13+$0x3800] =	vst v3;
	s13 =	smov.u32 s15  }
0xa1: {  	v3 =	vld [tilespmem:s13+$0x3800];
	_ =	sdelay $0x4  }
0xa2: {  	v2 =	vadd.f32 v2, v3;
	_ =	sdelay $0x1  }
0xa3: {  	s15 =	rddreg [dreg:$0xa];
	[tilespmem:s13+$0x3800] =	vst v2  }
0xa4: {  	[tilespmem:s24], [sflag:$0x3] =	stream.linear.gather [spmem:s15], $0x280, $0x38;
	[tilespmem:$0x6500] =	vst v63  }
0xa5: {  	_ =	swait.ge [sflag:s0], $0x280  }
0xa6: {  	[sflag:s0] =	ssyncset.done $0x0  }
0xa7: {  	s13 =	simm.s32 $0x0;
	[sflag:s0] =	ssyncadd.s32 $0xFFFFFD80  }
0xa8: {  	s14 =	simm.s32 $0x40;
	v2 =	vld [tilespmem:s13+$0x3A80]  }
.LBB2_52:
0xa9: {  	p1 =	sne.s32 s14, $0x9C0;
	v3 =	vld [tilespmem:s13+$0x3800];
	_ =	sdelay $0x2  }
.Ltmp14:
0xaa: {  	(pc) =	sbr.rel @p1 .LBB2_52-.Ltmp14, $4  }
0xab: {  	_ = 	snop  }
0xac: {  	v3 =	vadd.f32 v2, v3  }
0xad: {  	s15 =	sshra.s32 s14, $0x2  }
0xae: {  	s14 =	sadd.s32 $0x40, s14;
	v2 =	vld [tilespmem:s15+$0x3A80];
	[tilespmem:s13+$0x3800] =	vst v3;
	s13 =	smov.u32 s15  }
0xaf: {  	v3 =	vld [tilespmem:s13+$0x3800];
	_ =	sdelay $0x4  }
0xb0: {  	v2 =	vadd.f32 v2, v3;
	_ =	sdelay $0x1  }
0xb1: {  	s15 =	rddreg [dreg:$0xb];
	[tilespmem:s13+$0x3800] =	vst v2  }
0xb2: {  	[tilespmem:s24], [sflag:$0x3] =	stream.linear.gather [spmem:s15], $0x280, $0x38;
	[tilespmem:$0x6500] =	vst v63  }
0xb3: {  	_ =	swait.ge [sflag:s0], $0x280  }
0xb4: {  	[sflag:s0] =	ssyncset.done $0x0  }
0xb5: {  	s13 =	simm.s32 $0x0;
	[sflag:s0] =	ssyncadd.s32 $0xFFFFFD80  }
0xb6: {  	s14 =	simm.s32 $0x40;
	v2 =	vld [tilespmem:s13+$0x3A80]  }
.LBB2_54:
0xb7: {  	p1 =	sne.s32 s14, $0x9C0;
	v3 =	vld [tilespmem:s13+$0x3800];
	_ =	sdelay $0x2  }
.Ltmp15:
0xb8: {  	(pc) =	sbr.rel @p1 .LBB2_54-.Ltmp15, $4  }
0xb9: {  	_ = 	snop  }
0xba: {  	v3 =	vadd.f32 v2, v3  }
0xbb: {  	s15 =	sshra.s32 s14, $0x2  }
0xbc: {  	s14 =	sadd.s32 $0x40, s14;
	v2 =	vld [tilespmem:s15+$0x3A80];
	[tilespmem:s13+$0x3800] =	vst v3;
	s13 =	smov.u32 s15  }
0xbd: {  	v3 =	vld [tilespmem:s13+$0x3800];
	_ =	sdelay $0x4  }
0xbe: {  	v2 =	vadd.f32 v2, v3;
	_ =	sdelay $0x1  }
0xbf: {  	[tilespmem:s13+$0x3800] =	vst v2  }
0xc0: {  	[tilespmem:s24], [sflag:$0x3] =	stream.linear.gather [spmem:s16], $0x280, $0x38;
	[tilespmem:$0x6500] =	vst v63  }
0xc1: {  	_ =	swait.ge [sflag:s0], $0x280  }
0xc2: {  	[sflag:s0] =	ssyncset.done $0x0  }
0xc3: {  	s13 =	simm.s32 $0x0;
	[sflag:s0] =	ssyncadd.s32 $0xFFFFFD80  }
0xc4: {  	s14 =	simm.s32 $0x40;
	v2 =	vld [tilespmem:s13+$0x3A80]  }
.LBB2_56:
0xc5: {  	p1 =	sne.s32 s14, $0x9C0;
	v3 =	vld [tilespmem:s13+$0x3800];
	_ =	sdelay $0x2  }
.Ltmp16:
0xc6: {  	(pc) =	sbr.rel @p1 .LBB2_56-.Ltmp16, $4  }
0xc7: {  	_ = 	snop  }
0xc8: {  	v3 =	vadd.f32 v2, v3  }
0xc9: {  	s15 =	sshra.s32 s14, $0x2  }
0xca: {  	s14 =	sadd.s32 $0x40, s14;
	v2 =	vld [tilespmem:s15+$0x3A80];
	[tilespmem:s13+$0x3800] =	vst v3;
	s13 =	smov.u32 s15  }
0xcb: {  	v3 =	vld [tilespmem:s13+$0x3800];
	_ =	sdelay $0x4  }
0xcc: {  	v2 =	vadd.f32 v2, v3;
	_ =	sdelay $0x1  }
0xcd: {  	[tilespmem:s13+$0x3800] =	vst v2  }
0xce: {  	[tilespmem:s24], [sflag:$0x3] =	stream.linear.gather [spmem:s17], $0x280, $0x38;
	[tilespmem:$0x6500] =	vst v63  }
0xcf: {  	_ =	swait.ge [sflag:s0], $0x280  }
0xd0: {  	[sflag:s0] =	ssyncset.done $0x0  }
0xd1: {  	s13 =	simm.s32 $0x0;
	[sflag:s0] =	ssyncadd.s32 $0xFFFFFD80  }
0xd2: {  	s14 =	simm.s32 $0x40;
	v2 =	vld [tilespmem:s13+$0x3A80]  }
.LBB2_58:
0xd3: {  	p1 =	sne.s32 s14, $0x9C0;
	v3 =	vld [tilespmem:s13+$0x3800];
	_ =	sdelay $0x2  }
.Ltmp17:
0xd4: {  	(pc) =	sbr.rel @p1 .LBB2_58-.Ltmp17, $4  }
0xd5: {  	_ = 	snop  }
0xd6: {  	v3 =	vadd.f32 v2, v3  }
0xd7: {  	s15 =	sshra.s32 s14, $0x2  }
0xd8: {  	s14 =	sadd.s32 $0x40, s14;
	v2 =	vld [tilespmem:s15+$0x3A80];
	[tilespmem:s13+$0x3800] =	vst v3;
	s13 =	smov.u32 s15  }
0xd9: {  	v3 =	vld [tilespmem:s13+$0x3800];
	_ =	sdelay $0x4  }
0xda: {  	v2 =	vadd.f32 v2, v3;
	_ =	sdelay $0x1  }
0xdb: {  	[tilespmem:s13+$0x3800] =	vst v2  }
0xdc: {  	[tilespmem:s24], [sflag:$0x3] =	stream.linear.gather [spmem:s18], $0x280, $0x38;
	[tilespmem:$0x6500] =	vst v63  }
0xdd: {  	_ =	swait.ge [sflag:s0], $0x280  }
0xde: {  	[sflag:s0] =	ssyncset.done $0x0  }
0xdf: {  	s13 =	simm.s32 $0x0;
	[sflag:s0] =	ssyncadd.s32 $0xFFFFFD80  }
0xe0: {  	s14 =	simm.s32 $0x40;
	v2 =	vld [tilespmem:s13+$0x3A80]  }
.LBB2_60:
0xe1: {  	p1 =	sne.s32 s14, $0x9C0;
	v3 =	vld [tilespmem:s13+$0x3800];
	_ =	sdelay $0x2  }
.Ltmp18:
0xe2: {  	(pc) =	sbr.rel @p1 .LBB2_60-.Ltmp18, $4  }
0xe3: {  	_ = 	snop  }
0xe4: {  	v3 =	vadd.f32 v2, v3  }
0xe5: {  	s15 =	sshra.s32 s14, $0x2  }
0xe6: {  	s14 =	sadd.s32 $0x40, s14;
	v2 =	vld [tilespmem:s15+$0x3A80];
	[tilespmem:s13+$0x3800] =	vst v3;
	s13 =	smov.u32 s15  }
0xe7: {  	v3 =	vld [tilespmem:s13+$0x3800];
	_ =	sdelay $0x4  }
0xe8: {  	v2 =	vadd.f32 v2, v3;
	_ =	sdelay $0x1  }
0xe9: {  	[tilespmem:s13+$0x3800] =	vst v2  }
0xea: {  	[tilespmem:s24], [sflag:$0x3] =	stream.linear.gather [spmem:s19], $0x280, $0x38;
	[tilespmem:$0x6500] =	vst v63  }
0xeb: {  	_ =	swait.ge [sflag:s0], $0x280  }
0xec: {  	[sflag:s0] =	ssyncset.done $0x0  }
0xed: {  	s13 =	simm.s32 $0x0;
	[sflag:s0] =	ssyncadd.s32 $0xFFFFFD80  }
0xee: {  	s14 =	simm.s32 $0x40;
	v2 =	vld [tilespmem:s13+$0x3A80]  }
.LBB2_62:
0xef: {  	p1 =	sne.s32 s14, $0x9C0;
	v3 =	vld [tilespmem:s13+$0x3800];
	_ =	sdelay $0x2  }
.Ltmp19:
0xf0: {  	(pc) =	sbr.rel @p1 .LBB2_62-.Ltmp19, $4  }
0xf1: {  	_ = 	snop  }
0xf2: {  	v3 =	vadd.f32 v2, v3  }
0xf3: {  	s15 =	sshra.s32 s14, $0x2  }
0xf4: {  	s14 =	sadd.s32 $0x40, s14;
	v2 =	vld [tilespmem:s15+$0x3A80];
	[tilespmem:s13+$0x3800] =	vst v3;
	s13 =	smov.u32 s15  }
0xf5: {  	v3 =	vld [tilespmem:s13+$0x3800];
	_ =	sdelay $0x4  }
0xf6: {  	v2 =	vadd.f32 v2, v3;
	_ =	sdelay $0x1  }
0xf7: {  	[tilespmem:s13+$0x3800] =	vst v2  }
0xf8: {  	[tilespmem:s24], [sflag:$0x3] =	stream.linear.gather [spmem:s20], $0x280, $0x38;
	[tilespmem:$0x6500] =	vst v63  }
0xf9: {  	_ =	swait.ge [sflag:s0], $0x280  }
0xfa: {  	[sflag:s0] =	ssyncset.done $0x0  }
0xfb: {  	s13 =	simm.s32 $0x0;
	[sflag:s0] =	ssyncadd.s32 $0xFFFFFD80  }
0xfc: {  	s14 =	simm.s32 $0x40;
	v2 =	vld [tilespmem:s13+$0x3A80]  }
.LBB2_64:
0xfd: {  	p1 =	sne.s32 s14, $0x9C0;
	v3 =	vld [tilespmem:s13+$0x3800];
	_ =	sdelay $0x2  }
.Ltmp20:
0xfe: {  	(pc) =	sbr.rel @p1 .LBB2_64-.Ltmp20, $4  }
0xff: {  	_ = 	snop  }
0x100: {  	v3 =	vadd.f32 v2, v3  }
0x101: {  	s15 =	sshra.s32 s14, $0x2  }
0x102: {  	s14 =	sadd.s32 $0x40, s14;
	v2 =	vld [tilespmem:s15+$0x3A80];
	[tilespmem:s13+$0x3800] =	vst v3;
	s13 =	smov.u32 s15  }
0x103: {  	v3 =	vld [tilespmem:s13+$0x3800];
	_ =	sdelay $0x4  }
0x104: {  	v2 =	vadd.f32 v2, v3;
	_ =	sdelay $0x1  }
0x105: {  	[tilespmem:s13+$0x3800] =	vst v2  }
0x106: {  	[tilespmem:s24], [sflag:$0x3] =	stream.linear.gather [spmem:s21], $0x280, $0x38;
	[tilespmem:$0x6500] =	vst v63  }
0x107: {  	_ =	swait.ge [sflag:s0], $0x280  }
0x108: {  	[sflag:s0] =	ssyncset.done $0x0  }
0x109: {  	s13 =	simm.s32 $0x0;
	[sflag:s0] =	ssyncadd.s32 $0xFFFFFD80  }
0x10a: {  	s14 =	simm.s32 $0x40;
	v2 =	vld [tilespmem:s13+$0x3A80]  }
.LBB2_66:
0x10b: {  	p1 =	sne.s32 s14, $0x9C0;
	v3 =	vld [tilespmem:s13+$0x3800];
	_ =	sdelay $0x2  }
.Ltmp21:
0x10c: {  	(pc) =	sbr.rel @p1 .LBB2_66-.Ltmp21, $4  }
0x10d: {  	_ = 	snop  }
0x10e: {  	v3 =	vadd.f32 v2, v3  }
0x10f: {  	s15 =	sshra.s32 s14, $0x2  }
0x110: {  	s14 =	sadd.s32 $0x40, s14;
	v2 =	vld [tilespmem:s15+$0x3A80];
	[tilespmem:s13+$0x3800] =	vst v3;
	s13 =	smov.u32 s15  }
0x111: {  	v3 =	vld [tilespmem:s13+$0x3800];
	_ =	sdelay $0x4  }
0x112: {  	v2 =	vadd.f32 v2, v3;
	_ =	sdelay $0x1  }
0x113: {  	[tilespmem:s13+$0x3800] =	vst v2  }
0x114: {  	[tilespmem:s24], [sflag:$0x3] =	stream.linear.gather [spmem:s22], $0x280, $0x38;
	[tilespmem:$0x6500] =	vst v63  }
0x115: {  	_ =	swait.ge [sflag:s0], $0x280  }
0x116: {  	[sflag:s0] =	ssyncset.done $0x0  }
0x117: {  	s13 =	simm.s32 $0x0;
	[sflag:s0] =	ssyncadd.s32 $0xFFFFFD80  }
0x118: {  	s14 =	simm.s32 $0x40;
	v2 =	vld [tilespmem:s13+$0x3A80]  }
.LBB2_68:
0x119: {  	p1 =	sne.s32 s14, $0x9C0;
	v3 =	vld [tilespmem:s13+$0x3800];
	_ =	sdelay $0x2  }
.Ltmp22:
0x11a: {  	(pc) =	sbr.rel @p1 .LBB2_68-.Ltmp22, $4  }
0x11b: {  	_ = 	snop  }
0x11c: {  	v3 =	vadd.f32 v2, v3  }
0x11d: {  	s15 =	sshra.s32 s14, $0x2  }
0x11e: {  	s14 =	sadd.s32 $0x40, s14;
	v2 =	vld [tilespmem:s15+$0x3A80];
	[tilespmem:s13+$0x3800] =	vst v3;
	s13 =	smov.u32 s15  }
0x11f: {  	v3 =	vld [tilespmem:s13+$0x3800];
	_ =	sdelay $0x4  }
0x120: {  	v2 =	vadd.f32 v2, v3;
	_ =	sdelay $0x1  }
0x121: {  	[tilespmem:s13+$0x3800] =	vst v2  }
0x122: {  	[tilespmem:s24], [sflag:$0x3] =	stream.linear.gather [spmem:s26], $0x280, $0x38;
	[tilespmem:$0x6500] =	vst v63  }
0x123: {  	_ =	swait.ge [sflag:s0], $0x280  }
0x124: {  	[sflag:s0] =	ssyncset.done $0x0  }
0x125: {  	s13 =	simm.s32 $0x0;
	[sflag:s0] =	ssyncadd.s32 $0xFFFFFD80  }
0x126: {  	s14 =	simm.s32 $0x40;
	v2 =	vld [tilespmem:s13+$0x3A80]  }
.LBB2_70:
0x127: {  	p1 =	sne.s32 s14, $0x9C0;
	v3 =	vld [tilespmem:s13+$0x3800];
	_ =	sdelay $0x2  }
.Ltmp23:
0x128: {  	(pc) =	sbr.rel @p1 .LBB2_70-.Ltmp23, $4  }
0x129: {  	_ = 	snop  }
0x12a: {  	v3 =	vadd.f32 v2, v3  }
0x12b: {  	s15 =	sshra.s32 s14, $0x2  }
0x12c: {  	s14 =	sadd.s32 $0x40, s14;
	v2 =	vld [tilespmem:s15+$0x3A80];
	[tilespmem:s13+$0x3800] =	vst v3;
	s13 =	smov.u32 s15  }
0x12d: {  	v3 =	vld [tilespmem:s13+$0x3800];
	_ =	sdelay $0x4  }
0x12e: {  	v2 =	vadd.f32 v2, v3;
	_ =	sdelay $0x1  }
0x12f: {  	[tilespmem:s13+$0x3800] =	vst v2  }
0x130: {  	[tilespmem:s24], [sflag:$0x3] =	stream.linear.gather [spmem:s28], $0x280, $0x38;
	[tilespmem:$0x6500] =	vst v63  }
0x131: {  	_ =	swait.ge [sflag:s0], $0x280  }
0x132: {  	[sflag:s0] =	ssyncset.done $0x0  }
0x133: {  	s13 =	simm.s32 $0x0;
	[sflag:s0] =	ssyncadd.s32 $0xFFFFFD80  }
0x134: {  	s14 =	simm.s32 $0x40;
	v2 =	vld [tilespmem:s13+$0x3A80]  }
.LBB2_72:
0x135: {  	p1 =	sne.s32 s14, $0x9C0;
	v3 =	vld [tilespmem:s13+$0x3800];
	_ =	sdelay $0x2  }
.Ltmp24:
0x136: {  	(pc) =	sbr.rel @p1 .LBB2_72-.Ltmp24, $4  }
0x137: {  	_ = 	snop  }
0x138: {  	v3 =	vadd.f32 v2, v3  }
0x139: {  	s15 =	sshra.s32 s14, $0x2  }
0x13a: {  	s14 =	sadd.s32 $0x40, s14;
	v2 =	vld [tilespmem:s15+$0x3A80];
	[tilespmem:s13+$0x3800] =	vst v3;
	s13 =	smov.u32 s15  }
0x13b: {  	v3 =	vld [tilespmem:s13+$0x3800];
	_ =	sdelay $0x4  }
0x13c: {  	v2 =	vadd.f32 v2, v3;
	_ =	sdelay $0x1  }
0x13d: {  	[tilespmem:s13+$0x3800] =	vst v2  }
0x13e: {  	[tilespmem:s24], [sflag:$0x3] =	stream.linear.gather [spmem:s29], $0x280, $0x38;
	[tilespmem:$0x6500] =	vst v63  }
0x13f: {  	_ =	swait.ge [sflag:s0], $0x280  }
0x140: {  	[sflag:s0] =	ssyncset.done $0x0  }
0x141: {  	s13 =	simm.s32 $0x0;
	[sflag:s0] =	ssyncadd.s32 $0xFFFFFD80  }
0x142: {  	s14 =	simm.s32 $0x40;
	v2 =	vld [tilespmem:s13+$0x3A80]  }
.LBB2_74:
0x143: {  	p1 =	sne.s32 s14, $0x9C0;
	v3 =	vld [tilespmem:s13+$0x3800];
	_ =	sdelay $0x2  }
.Ltmp25:
0x144: {  	(pc) =	sbr.rel @p1 .LBB2_74-.Ltmp25, $4  }
0x145: {  	_ = 	snop  }
0x146: {  	v3 =	vadd.f32 v2, v3  }
0x147: {  	s15 =	sshra.s32 s14, $0x2  }
0x148: {  	s14 =	sadd.s32 $0x40, s14;
	v2 =	vld [tilespmem:s15+$0x3A80];
	[tilespmem:s13+$0x3800] =	vst v3;
	s13 =	smov.u32 s15  }
0x149: {  	v3 =	vld [tilespmem:s13+$0x3800];
	_ =	sdelay $0x4  }
0x14a: {  	v2 =	vadd.f32 v2, v3;
	_ =	sdelay $0x1  }
0x14b: {  	[tilespmem:s13+$0x3800] =	vst v2  }
0x14c: {  	[tilespmem:s24], [sflag:$0x3] =	stream.linear.gather [spmem:s30], $0x280, $0x38;
	[tilespmem:$0x6500] =	vst v63  }
0x14d: {  	_ =	swait.ge [sflag:s0], $0x280  }
0x14e: {  	[sflag:s0] =	ssyncset.done $0x0  }
0x14f: {  	s13 =	simm.s32 $0x0;
	[sflag:s0] =	ssyncadd.s32 $0xFFFFFD80  }
0x150: {  	s14 =	simm.s32 $0x40;
	v2 =	vld [tilespmem:s13+$0x3A80]  }
.LBB2_76:
0x151: {  	p1 =	sne.s32 s14, $0x9C0;
	v3 =	vld [tilespmem:s13+$0x3800];
	_ =	sdelay $0x2  }
.Ltmp26:
0x152: {  	(pc) =	sbr.rel @p1 .LBB2_76-.Ltmp26, $4  }
0x153: {  	_ = 	snop  }
0x154: {  	v3 =	vadd.f32 v2, v3  }
0x155: {  	s15 =	sshra.s32 s14, $0x2  }
0x156: {  	s14 =	sadd.s32 $0x40, s14;
	v2 =	vld [tilespmem:s15+$0x3A80];
	[tilespmem:s13+$0x3800] =	vst v3;
	s13 =	smov.u32 s15  }
0x157: {  	v3 =	vld [tilespmem:s13+$0x3800];
	_ =	sdelay $0x4  }
0x158: {  	v2 =	vadd.f32 v2, v3;
	_ =	sdelay $0x1  }
0x159: {  	[tilespmem:s13+$0x3800] =	vst v2  }
0x15a: {  	[tilespmem:s24], [sflag:$0x3] =	stream.linear.gather [spmem:s31], $0x280, $0x38;
	[tilespmem:$0x6500] =	vst v63  }
0x15b: {  	_ =	swait.ge [sflag:s0], $0x280  }
0x15c: {  	[sflag:s0] =	ssyncset.done $0x0  }
0x15d: {  	s13 =	simm.s32 $0x0;
	[sflag:s0] =	ssyncadd.s32 $0xFFFFFD80  }
0x15e: {  	s14 =	simm.s32 $0x40;
	v2 =	vld [tilespmem:s13+$0x3A80]  }
.LBB2_78:
0x15f: {  	p1 =	sne.s32 s14, $0x9C0;
	v3 =	vld [tilespmem:s13+$0x3800];
	_ =	sdelay $0x2  }
.Ltmp27:
0x160: {  	(pc) =	sbr.rel @p1 .LBB2_78-.Ltmp27, $4  }
0x161: {  	_ = 	snop  }
0x162: {  	v3 =	vadd.f32 v2, v3  }
0x163: {  	s15 =	sshra.s32 s14, $0x2  }
0x164: {  	s14 =	sadd.s32 $0x40, s14;
	v2 =	vld [tilespmem:s15+$0x3A80];
	[tilespmem:s13+$0x3800] =	vst v3;
	s13 =	smov.u32 s15  }
.Ltmp28:
0x165: {  	_ = 	snop;
	(pc) =	sbr.rel .LBB2_79-.Ltmp28, $1  }
0x166: {  	_ =	sdelay $0x3  }
.LBB2_10:
0x167: {  	s13 =	rddreg [dreg:$0x8]  }
0x168: {  	[spmem:s13] =	stream.linear.scatter [tilespmem:s5], [sflag:$0x3], $0x2800, $0x38;
	[tilespmem:$0x6500] =	vst v63  }
0x169: {  	_ =	swait.ge [sflag:s0], $0x2800  }
0x16a: {  	[sflag:s0] =	ssyncset.done $0x0  }
0x16b: {  	[sflag:s0] =	ssyncadd.s32 $0xFFFFD800  }
0x16c: {  	[bflag:$0x0] =	sbarrier.arrive $0xFFFF  }
0x16d: {  	[tilespmem:s7], [sflag:$0x3] =	stream.linear.gather [spmem:s12], $0x280, $0x38;
	[tilespmem:$0x6500] =	vst v63  }
0x16e: {  	_ =	swait.ge [sflag:s0], $0x280  }
0x16f: {  	[sflag:s0] =	ssyncset.done $0x0  }
0x170: {  	s15 =	rddreg [dreg:$0x9];
	[sflag:s0] =	ssyncadd.s32 $0xFFFFFD80  }
0x171: {  	[tilespmem:s24], [sflag:$0x3] =	stream.linear.gather [spmem:s15], $0x280, $0x38;
	[tilespmem:$0x6500] =	vst v63  }
0x172: {  	_ =	swait.ge [sflag:s0], $0x280  }
0x173: {  	[sflag:s0] =	ssyncset.done $0x0  }
0x174: {  	s13 =	simm.s32 $0x0;
	[sflag:s0] =	ssyncadd.s32 $0xFFFFFD80  }
0x175: {  	s14 =	simm.s32 $0x40;
	v2 =	vld [tilespmem:s13+$0x3A80]  }
.LBB2_11:
0x176: {  	p1 =	sne.s32 s14, $0x9C0;
	v3 =	vld [tilespmem:s13+$0x3800];
	_ =	sdelay $0x2  }
.Ltmp29:
0x177: {  	(pc) =	sbr.rel @p1 .LBB2_11-.Ltmp29, $4  }
0x178: {  	_ = 	snop  }
0x179: {  	v3 =	vadd.f32 v2, v3  }
0x17a: {  	s15 =	sshra.s32 s14, $0x2  }
0x17b: {  	s14 =	sadd.s32 $0x40, s14;
	v2 =	vld [tilespmem:s15+$0x3A80];
	[tilespmem:s13+$0x3800] =	vst v3;
	s13 =	smov.u32 s15  }
0x17c: {  	v3 =	vld [tilespmem:s13+$0x3800];
	_ =	sdelay $0x4  }
0x17d: {  	v2 =	vadd.f32 v2, v3;
	_ =	sdelay $0x1  }
0x17e: {  	s15 =	rddreg [dreg:$0xa];
	[tilespmem:s13+$0x3800] =	vst v2  }
0x17f: {  	[tilespmem:s24], [sflag:$0x3] =	stream.linear.gather [spmem:s15], $0x280, $0x38;
	[tilespmem:$0x6500] =	vst v63  }
0x180: {  	_ =	swait.ge [sflag:s0], $0x280  }
0x181: {  	[sflag:s0] =	ssyncset.done $0x0  }
0x182: {  	s13 =	simm.s32 $0x0;
	[sflag:s0] =	ssyncadd.s32 $0xFFFFFD80  }
0x183: {  	s14 =	simm.s32 $0x40;
	v2 =	vld [tilespmem:s13+$0x3A80]  }
.LBB2_13:
0x184: {  	p1 =	sne.s32 s14, $0x9C0;
	v3 =	vld [tilespmem:s13+$0x3800];
	_ =	sdelay $0x2  }
.Ltmp30:
0x185: {  	(pc) =	sbr.rel @p1 .LBB2_13-.Ltmp30, $4  }
0x186: {  	_ = 	snop  }
0x187: {  	v3 =	vadd.f32 v2, v3  }
0x188: {  	s15 =	sshra.s32 s14, $0x2  }
0x189: {  	s14 =	sadd.s32 $0x40, s14;
	v2 =	vld [tilespmem:s15+$0x3A80];
	[tilespmem:s13+$0x3800] =	vst v3;
	s13 =	smov.u32 s15  }
0x18a: {  	v3 =	vld [tilespmem:s13+$0x3800];
	_ =	sdelay $0x4  }
0x18b: {  	v2 =	vadd.f32 v2, v3;
	_ =	sdelay $0x1  }
0x18c: {  	s15 =	rddreg [dreg:$0xb];
	[tilespmem:s13+$0x3800] =	vst v2  }
0x18d: {  	[tilespmem:s24], [sflag:$0x3] =	stream.linear.gather [spmem:s15], $0x280, $0x38;
	[tilespmem:$0x6500] =	vst v63  }
0x18e: {  	_ =	swait.ge [sflag:s0], $0x280  }
0x18f: {  	[sflag:s0] =	ssyncset.done $0x0  }
0x190: {  	s13 =	simm.s32 $0x0;
	[sflag:s0] =	ssyncadd.s32 $0xFFFFFD80  }
0x191: {  	s14 =	simm.s32 $0x40;
	v2 =	vld [tilespmem:s13+$0x3A80]  }
.LBB2_15:
0x192: {  	p1 =	sne.s32 s14, $0x9C0;
	v3 =	vld [tilespmem:s13+$0x3800];
	_ =	sdelay $0x2  }
.Ltmp31:
0x193: {  	(pc) =	sbr.rel @p1 .LBB2_15-.Ltmp31, $4  }
0x194: {  	_ = 	snop  }
0x195: {  	v3 =	vadd.f32 v2, v3  }
0x196: {  	s15 =	sshra.s32 s14, $0x2  }
0x197: {  	s14 =	sadd.s32 $0x40, s14;
	v2 =	vld [tilespmem:s15+$0x3A80];
	[tilespmem:s13+$0x3800] =	vst v3;
	s13 =	smov.u32 s15  }
0x198: {  	v3 =	vld [tilespmem:s13+$0x3800];
	_ =	sdelay $0x4  }
0x199: {  	v2 =	vadd.f32 v2, v3;
	_ =	sdelay $0x1  }
0x19a: {  	[tilespmem:s13+$0x3800] =	vst v2  }
0x19b: {  	[tilespmem:s24], [sflag:$0x3] =	stream.linear.gather [spmem:s16], $0x280, $0x38;
	[tilespmem:$0x6500] =	vst v63  }
0x19c: {  	_ =	swait.ge [sflag:s0], $0x280  }
0x19d: {  	[sflag:s0] =	ssyncset.done $0x0  }
0x19e: {  	s13 =	simm.s32 $0x0;
	[sflag:s0] =	ssyncadd.s32 $0xFFFFFD80  }
0x19f: {  	s14 =	simm.s32 $0x40;
	v2 =	vld [tilespmem:s13+$0x3A80]  }
.LBB2_17:
0x1a0: {  	p1 =	sne.s32 s14, $0x9C0;
	v3 =	vld [tilespmem:s13+$0x3800];
	_ =	sdelay $0x2  }
.Ltmp32:
0x1a1: {  	(pc) =	sbr.rel @p1 .LBB2_17-.Ltmp32, $4  }
0x1a2: {  	_ = 	snop  }
0x1a3: {  	v3 =	vadd.f32 v2, v3  }
0x1a4: {  	s15 =	sshra.s32 s14, $0x2  }
0x1a5: {  	s14 =	sadd.s32 $0x40, s14;
	v2 =	vld [tilespmem:s15+$0x3A80];
	[tilespmem:s13+$0x3800] =	vst v3;
	s13 =	smov.u32 s15  }
0x1a6: {  	v3 =	vld [tilespmem:s13+$0x3800];
	_ =	sdelay $0x4  }
0x1a7: {  	v2 =	vadd.f32 v2, v3;
	_ =	sdelay $0x1  }
0x1a8: {  	[tilespmem:s13+$0x3800] =	vst v2  }
0x1a9: {  	[tilespmem:s24], [sflag:$0x3] =	stream.linear.gather [spmem:s17], $0x280, $0x38;
	[tilespmem:$0x6500] =	vst v63  }
0x1aa: {  	_ =	swait.ge [sflag:s0], $0x280  }
0x1ab: {  	[sflag:s0] =	ssyncset.done $0x0  }
0x1ac: {  	s13 =	simm.s32 $0x0;
	[sflag:s0] =	ssyncadd.s32 $0xFFFFFD80  }
0x1ad: {  	s14 =	simm.s32 $0x40;
	v2 =	vld [tilespmem:s13+$0x3A80]  }
.LBB2_19:
0x1ae: {  	p1 =	sne.s32 s14, $0x9C0;
	v3 =	vld [tilespmem:s13+$0x3800];
	_ =	sdelay $0x2  }
.Ltmp33:
0x1af: {  	(pc) =	sbr.rel @p1 .LBB2_19-.Ltmp33, $4  }
0x1b0: {  	_ = 	snop  }
0x1b1: {  	v3 =	vadd.f32 v2, v3  }
0x1b2: {  	s15 =	sshra.s32 s14, $0x2  }
0x1b3: {  	s14 =	sadd.s32 $0x40, s14;
	v2 =	vld [tilespmem:s15+$0x3A80];
	[tilespmem:s13+$0x3800] =	vst v3;
	s13 =	smov.u32 s15  }
0x1b4: {  	v3 =	vld [tilespmem:s13+$0x3800];
	_ =	sdelay $0x4  }
0x1b5: {  	v2 =	vadd.f32 v2, v3;
	_ =	sdelay $0x1  }
0x1b6: {  	[tilespmem:s13+$0x3800] =	vst v2  }
0x1b7: {  	[tilespmem:s24], [sflag:$0x3] =	stream.linear.gather [spmem:s18], $0x280, $0x38;
	[tilespmem:$0x6500] =	vst v63  }
0x1b8: {  	_ =	swait.ge [sflag:s0], $0x280  }
0x1b9: {  	[sflag:s0] =	ssyncset.done $0x0  }
0x1ba: {  	s13 =	simm.s32 $0x0;
	[sflag:s0] =	ssyncadd.s32 $0xFFFFFD80  }
0x1bb: {  	s14 =	simm.s32 $0x40;
	v2 =	vld [tilespmem:s13+$0x3A80]  }
.LBB2_21:
0x1bc: {  	p1 =	sne.s32 s14, $0x9C0;
	v3 =	vld [tilespmem:s13+$0x3800];
	_ =	sdelay $0x2  }
.Ltmp34:
0x1bd: {  	(pc) =	sbr.rel @p1 .LBB2_21-.Ltmp34, $4  }
0x1be: {  	_ = 	snop  }
0x1bf: {  	v3 =	vadd.f32 v2, v3  }
0x1c0: {  	s15 =	sshra.s32 s14, $0x2  }
0x1c1: {  	s14 =	sadd.s32 $0x40, s14;
	v2 =	vld [tilespmem:s15+$0x3A80];
	[tilespmem:s13+$0x3800] =	vst v3;
	s13 =	smov.u32 s15  }
0x1c2: {  	v3 =	vld [tilespmem:s13+$0x3800];
	_ =	sdelay $0x4  }
0x1c3: {  	v2 =	vadd.f32 v2, v3;
	_ =	sdelay $0x1  }
0x1c4: {  	[tilespmem:s13+$0x3800] =	vst v2  }
0x1c5: {  	[tilespmem:s24], [sflag:$0x3] =	stream.linear.gather [spmem:s19], $0x280, $0x38;
	[tilespmem:$0x6500] =	vst v63  }
0x1c6: {  	_ =	swait.ge [sflag:s0], $0x280  }
0x1c7: {  	[sflag:s0] =	ssyncset.done $0x0  }
0x1c8: {  	s13 =	simm.s32 $0x0;
	[sflag:s0] =	ssyncadd.s32 $0xFFFFFD80  }
0x1c9: {  	s14 =	simm.s32 $0x40;
	v2 =	vld [tilespmem:s13+$0x3A80]  }
.LBB2_23:
0x1ca: {  	p1 =	sne.s32 s14, $0x9C0;
	v3 =	vld [tilespmem:s13+$0x3800];
	_ =	sdelay $0x2  }
.Ltmp35:
0x1cb: {  	(pc) =	sbr.rel @p1 .LBB2_23-.Ltmp35, $4  }
0x1cc: {  	_ = 	snop  }
0x1cd: {  	v3 =	vadd.f32 v2, v3  }
0x1ce: {  	s15 =	sshra.s32 s14, $0x2  }
0x1cf: {  	s14 =	sadd.s32 $0x40, s14;
	v2 =	vld [tilespmem:s15+$0x3A80];
	[tilespmem:s13+$0x3800] =	vst v3;
	s13 =	smov.u32 s15  }
0x1d0: {  	v3 =	vld [tilespmem:s13+$0x3800];
	_ =	sdelay $0x4  }
0x1d1: {  	v2 =	vadd.f32 v2, v3;
	_ =	sdelay $0x1  }
0x1d2: {  	[tilespmem:s13+$0x3800] =	vst v2  }
0x1d3: {  	[tilespmem:s24], [sflag:$0x3] =	stream.linear.gather [spmem:s20], $0x280, $0x38;
	[tilespmem:$0x6500] =	vst v63  }
0x1d4: {  	_ =	swait.ge [sflag:s0], $0x280  }
0x1d5: {  	[sflag:s0] =	ssyncset.done $0x0  }
0x1d6: {  	s13 =	simm.s32 $0x0;
	[sflag:s0] =	ssyncadd.s32 $0xFFFFFD80  }
0x1d7: {  	s14 =	simm.s32 $0x40;
	v2 =	vld [tilespmem:s13+$0x3A80]  }
.LBB2_25:
0x1d8: {  	p1 =	sne.s32 s14, $0x9C0;
	v3 =	vld [tilespmem:s13+$0x3800];
	_ =	sdelay $0x2  }
.Ltmp36:
0x1d9: {  	(pc) =	sbr.rel @p1 .LBB2_25-.Ltmp36, $4  }
0x1da: {  	_ = 	snop  }
0x1db: {  	v3 =	vadd.f32 v2, v3  }
0x1dc: {  	s15 =	sshra.s32 s14, $0x2  }
0x1dd: {  	s14 =	sadd.s32 $0x40, s14;
	v2 =	vld [tilespmem:s15+$0x3A80];
	[tilespmem:s13+$0x3800] =	vst v3;
	s13 =	smov.u32 s15  }
0x1de: {  	v3 =	vld [tilespmem:s13+$0x3800];
	_ =	sdelay $0x4  }
0x1df: {  	v2 =	vadd.f32 v2, v3;
	_ =	sdelay $0x1  }
0x1e0: {  	[tilespmem:s13+$0x3800] =	vst v2  }
0x1e1: {  	[tilespmem:s24], [sflag:$0x3] =	stream.linear.gather [spmem:s21], $0x280, $0x38;
	[tilespmem:$0x6500] =	vst v63  }
0x1e2: {  	_ =	swait.ge [sflag:s0], $0x280  }
0x1e3: {  	[sflag:s0] =	ssyncset.done $0x0  }
0x1e4: {  	s13 =	simm.s32 $0x0;
	[sflag:s0] =	ssyncadd.s32 $0xFFFFFD80  }
0x1e5: {  	s14 =	simm.s32 $0x40;
	v2 =	vld [tilespmem:s13+$0x3A80]  }
.LBB2_27:
0x1e6: {  	p1 =	sne.s32 s14, $0x9C0;
	v3 =	vld [tilespmem:s13+$0x3800];
	_ =	sdelay $0x2  }
.Ltmp37:
0x1e7: {  	(pc) =	sbr.rel @p1 .LBB2_27-.Ltmp37, $4  }
0x1e8: {  	_ = 	snop  }
0x1e9: {  	v3 =	vadd.f32 v2, v3  }
0x1ea: {  	s15 =	sshra.s32 s14, $0x2  }
0x1eb: {  	s14 =	sadd.s32 $0x40, s14;
	v2 =	vld [tilespmem:s15+$0x3A80];
	[tilespmem:s13+$0x3800] =	vst v3;
	s13 =	smov.u32 s15  }
0x1ec: {  	v3 =	vld [tilespmem:s13+$0x3800];
	_ =	sdelay $0x4  }
0x1ed: {  	v2 =	vadd.f32 v2, v3;
	_ =	sdelay $0x1  }
0x1ee: {  	[tilespmem:s13+$0x3800] =	vst v2  }
0x1ef: {  	[tilespmem:s24], [sflag:$0x3] =	stream.linear.gather [spmem:s22], $0x280, $0x38;
	[tilespmem:$0x6500] =	vst v63  }
0x1f0: {  	_ =	swait.ge [sflag:s0], $0x280  }
0x1f1: {  	[sflag:s0] =	ssyncset.done $0x0  }
0x1f2: {  	s13 =	simm.s32 $0x0;
	[sflag:s0] =	ssyncadd.s32 $0xFFFFFD80  }
0x1f3: {  	s14 =	simm.s32 $0x40;
	v2 =	vld [tilespmem:s13+$0x3A80]  }
.LBB2_29:
0x1f4: {  	p1 =	sne.s32 s14, $0x9C0;
	v3 =	vld [tilespmem:s13+$0x3800];
	_ =	sdelay $0x2  }
.Ltmp38:
0x1f5: {  	(pc) =	sbr.rel @p1 .LBB2_29-.Ltmp38, $4  }
0x1f6: {  	_ = 	snop  }
0x1f7: {  	v3 =	vadd.f32 v2, v3  }
0x1f8: {  	s15 =	sshra.s32 s14, $0x2  }
0x1f9: {  	s14 =	sadd.s32 $0x40, s14;
	v2 =	vld [tilespmem:s15+$0x3A80];
	[tilespmem:s13+$0x3800] =	vst v3;
	s13 =	smov.u32 s15  }
0x1fa: {  	v3 =	vld [tilespmem:s13+$0x3800];
	_ =	sdelay $0x4  }
0x1fb: {  	v2 =	vadd.f32 v2, v3;
	_ =	sdelay $0x1  }
0x1fc: {  	[tilespmem:s13+$0x3800] =	vst v2  }
0x1fd: {  	[tilespmem:s24], [sflag:$0x3] =	stream.linear.gather [spmem:s26], $0x280, $0x38;
	[tilespmem:$0x6500] =	vst v63  }
0x1fe: {  	_ =	swait.ge [sflag:s0], $0x280  }
0x1ff: {  	[sflag:s0] =	ssyncset.done $0x0  }
0x200: {  	s13 =	simm.s32 $0x0;
	[sflag:s0] =	ssyncadd.s32 $0xFFFFFD80  }
0x201: {  	s14 =	simm.s32 $0x40;
	v2 =	vld [tilespmem:s13+$0x3A80]  }
.LBB2_31:
0x202: {  	p1 =	sne.s32 s14, $0x9C0;
	v3 =	vld [tilespmem:s13+$0x3800];
	_ =	sdelay $0x2  }
.Ltmp39:
0x203: {  	(pc) =	sbr.rel @p1 .LBB2_31-.Ltmp39, $4  }
0x204: {  	_ = 	snop  }
0x205: {  	v3 =	vadd.f32 v2, v3  }
0x206: {  	s15 =	sshra.s32 s14, $0x2  }
0x207: {  	s14 =	sadd.s32 $0x40, s14;
	v2 =	vld [tilespmem:s15+$0x3A80];
	[tilespmem:s13+$0x3800] =	vst v3;
	s13 =	smov.u32 s15  }
0x208: {  	v3 =	vld [tilespmem:s13+$0x3800];
	_ =	sdelay $0x4  }
0x209: {  	v2 =	vadd.f32 v2, v3;
	_ =	sdelay $0x1  }
0x20a: {  	[tilespmem:s13+$0x3800] =	vst v2  }
0x20b: {  	[tilespmem:s24], [sflag:$0x3] =	stream.linear.gather [spmem:s28], $0x280, $0x38;
	[tilespmem:$0x6500] =	vst v63  }
0x20c: {  	_ =	swait.ge [sflag:s0], $0x280  }
0x20d: {  	[sflag:s0] =	ssyncset.done $0x0  }
0x20e: {  	s13 =	simm.s32 $0x0;
	[sflag:s0] =	ssyncadd.s32 $0xFFFFFD80  }
0x20f: {  	s14 =	simm.s32 $0x40;
	v2 =	vld [tilespmem:s13+$0x3A80]  }
.LBB2_33:
0x210: {  	p1 =	sne.s32 s14, $0x9C0;
	v3 =	vld [tilespmem:s13+$0x3800];
	_ =	sdelay $0x2  }
.Ltmp40:
0x211: {  	(pc) =	sbr.rel @p1 .LBB2_33-.Ltmp40, $4  }
0x212: {  	_ = 	snop  }
0x213: {  	v3 =	vadd.f32 v2, v3  }
0x214: {  	s15 =	sshra.s32 s14, $0x2  }
0x215: {  	s14 =	sadd.s32 $0x40, s14;
	v2 =	vld [tilespmem:s15+$0x3A80];
	[tilespmem:s13+$0x3800] =	vst v3;
	s13 =	smov.u32 s15  }
0x216: {  	v3 =	vld [tilespmem:s13+$0x3800];
	_ =	sdelay $0x4  }
0x217: {  	v2 =	vadd.f32 v2, v3;
	_ =	sdelay $0x1  }
0x218: {  	[tilespmem:s13+$0x3800] =	vst v2  }
0x219: {  	[tilespmem:s24], [sflag:$0x3] =	stream.linear.gather [spmem:s29], $0x280, $0x38;
	[tilespmem:$0x6500] =	vst v63  }
0x21a: {  	_ =	swait.ge [sflag:s0], $0x280  }
0x21b: {  	[sflag:s0] =	ssyncset.done $0x0  }
0x21c: {  	s13 =	simm.s32 $0x0;
	[sflag:s0] =	ssyncadd.s32 $0xFFFFFD80  }
0x21d: {  	s14 =	simm.s32 $0x40;
	v2 =	vld [tilespmem:s13+$0x3A80]  }
.LBB2_35:
0x21e: {  	p1 =	sne.s32 s14, $0x9C0;
	v3 =	vld [tilespmem:s13+$0x3800];
	_ =	sdelay $0x2  }
.Ltmp41:
0x21f: {  	(pc) =	sbr.rel @p1 .LBB2_35-.Ltmp41, $4  }
0x220: {  	_ = 	snop  }
0x221: {  	v3 =	vadd.f32 v2, v3  }
0x222: {  	s15 =	sshra.s32 s14, $0x2  }
0x223: {  	s14 =	sadd.s32 $0x40, s14;
	v2 =	vld [tilespmem:s15+$0x3A80];
	[tilespmem:s13+$0x3800] =	vst v3;
	s13 =	smov.u32 s15  }
0x224: {  	v3 =	vld [tilespmem:s13+$0x3800];
	_ =	sdelay $0x4  }
0x225: {  	v2 =	vadd.f32 v2, v3;
	_ =	sdelay $0x1  }
0x226: {  	[tilespmem:s13+$0x3800] =	vst v2  }
0x227: {  	[tilespmem:s24], [sflag:$0x3] =	stream.linear.gather [spmem:s30], $0x280, $0x38;
	[tilespmem:$0x6500] =	vst v63  }
0x228: {  	_ =	swait.ge [sflag:s0], $0x280  }
0x229: {  	[sflag:s0] =	ssyncset.done $0x0  }
0x22a: {  	s13 =	simm.s32 $0x0;
	[sflag:s0] =	ssyncadd.s32 $0xFFFFFD80  }
0x22b: {  	s14 =	simm.s32 $0x40;
	v2 =	vld [tilespmem:s13+$0x3A80]  }
.LBB2_37:
0x22c: {  	p1 =	sne.s32 s14, $0x9C0;
	v3 =	vld [tilespmem:s13+$0x3800];
	_ =	sdelay $0x2  }
.Ltmp42:
0x22d: {  	(pc) =	sbr.rel @p1 .LBB2_37-.Ltmp42, $4  }
0x22e: {  	_ = 	snop  }
0x22f: {  	v3 =	vadd.f32 v2, v3  }
0x230: {  	s15 =	sshra.s32 s14, $0x2  }
0x231: {  	s14 =	sadd.s32 $0x40, s14;
	v2 =	vld [tilespmem:s15+$0x3A80];
	[tilespmem:s13+$0x3800] =	vst v3;
	s13 =	smov.u32 s15  }
0x232: {  	v3 =	vld [tilespmem:s13+$0x3800];
	_ =	sdelay $0x4  }
0x233: {  	v2 =	vadd.f32 v2, v3;
	_ =	sdelay $0x1  }
0x234: {  	[tilespmem:s13+$0x3800] =	vst v2  }
0x235: {  	[tilespmem:s24], [sflag:$0x3] =	stream.linear.gather [spmem:s31], $0x280, $0x38;
	[tilespmem:$0x6500] =	vst v63  }
0x236: {  	_ =	swait.ge [sflag:s0], $0x280  }
0x237: {  	[sflag:s0] =	ssyncset.done $0x0  }
0x238: {  	s13 =	simm.s32 $0x0;
	[sflag:s0] =	ssyncadd.s32 $0xFFFFFD80  }
0x239: {  	s14 =	simm.s32 $0x40;
	v2 =	vld [tilespmem:s13+$0x3A80]  }
.LBB2_39:
0x23a: {  	p1 =	seq.s32 s14, $0x9C0;
	v3 =	vld [tilespmem:s13+$0x3800];
	_ =	sdelay $0x2  }
.Ltmp43:
0x23b: {  	(pc) =	sbr.rel @!p1 .LBB2_39-.Ltmp43, $4  }
0x23c: {  	_ = 	snop  }
0x23d: {  	v3 =	vadd.f32 v2, v3  }
0x23e: {  	s15 =	sshra.s32 s14, $0x2  }
0x23f: {  	s14 =	sadd.s32 $0x40, s14;
	v2 =	vld [tilespmem:s15+$0x3A80];
	[tilespmem:s13+$0x3800] =	vst v3;
	s13 =	smov.u32 s15  }
0x240: {  	v3 =	vld [tilespmem:s13+$0x3800];
	_ =	sdelay $0x2  }
.Ltmp44:
0x241: {  	_ = 	snop;
	(pc) =	sbr.rel .LBB2_80-.Ltmp44, $3  }
0x242: {  	_ = 	snop  }
0x243: {  	v2 =	vadd.f32 v2, v3;
	_ =	sdelay $0x1  }
0x244: {  	[tilespmem:s13+$0x3800] =	vst v2;
	s13 =	rddreg [dreg:$0x4]  }
.LBB2_81:
0x245: {  	_ =	sfence.sel $0x180000  }
0x246: {  	[bflag:$0x0] =	sbarrier.arrive $0xFFFF  }
0x247: {  	_ =	strace $0x90000047  }
0x248: {  	s0 =	stileid.u32;
	[bflag:$0x2] =	sbarrier.arrive $0xFFFF  }
0x249: {  	p0 =	sne.s32 s0, $0x0;
	s0 =	rddreg [dreg:$0x3]  }
0x24a: {  	s0 =	sadd.s32 @!p0 $0x100000, s0  }
0x24b: {  	[sflag:s0] =	ssyncadd.tile.s32 @!p0 $0x1;
	_ =	shalt  }
.Lfunc_end2:
_tile_overlayer_lowered:
.L_overlay_start_2:
0x24c: {  	(tag) =	ssettag $0x2  }
0x24d: {  	s0 =	rddreg [dreg:$0x0];
	s2 =	stileid.u32  }
0x24e: {  	s1 =	rddreg [dreg:$0x1];
	p0 =	sne.s32 s2, $0x0  }
0x24f: {  	s3 =	rddreg [dreg:$0x2];
	[bflag:$0x3] =	sbarrier.arrive $0xFFFF;
	s2 =	simm.s32 @!p0 $0x1C03  }
0x250: {  	[timem:s3], [sflag:s2] =	dma.local @!p0 [hbm:s0], s1  }
0x251: {  	s0 =	simm.s32 @!p0 $0x3  }
0x252: {  	_ =	swait.ge @!p0 [sflag:s0], s1  }
0x253: {  	s1 =	ssub.s32 @!p0 $0x0, s1;
	[sflag:s0] =	ssyncset.done @!p0 $0x0  }
0x254: {  	[sflag:s0] =	ssyncadd.s32 @!p0 s1  }
0x255: {  	[bflag:$0x3] =	sbarrier.arrive $0xFFFF  }
0x256: {  	_ =	shalt  }

// kernel: kernel.9.cloned.1.call-start
scs
__scs_entry_jumppad:
0x0: {  	(pc) =	sbr.rel $0x88, $3  }
0x1: {  	(tag) =	ssettag $0x0;
	lr =	simm.s32 $0x1  }
0x2: {  	[smem:$0x3F9B] =	sst lr;
	_ =	strace $0xD0000000  }
0x3: {  	_ = 	snop  }
0x4: {  	_ = 	snop  }
0x5: {  	_ = 	snop  }
0x6: {  	_ = 	snop  }
0x7: {  	_ = 	snop  }
__scs_overlays_trampoline_lowered:
0x8: {  	[smem:$0x3FAA] =	sst s0  }
0x9: {  	[smem:$0x3FAB] =	sst s1  }
0xa: {  	[smem:$0x3FAC] =	sst s2  }
0xb: {  	[smem:$0x3FAD] =	sst s3  }
0xc: {  	[smem:$0x3FAE] =	sst s4  }
0xd: {  	[smem:$0x3FAF] =	sst s5  }
0xe: {  	[smem:$0x3FB0] =	sst s6  }
0xf: {  	[smem:$0x3FB1] =	sst s7  }
0x10: {  	[smem:$0x3FB2] =	sst s8  }
0x11: {  	[smem:$0x3FB3] =	sst s9;
	s0 =	simm.s32 @!p0 $0x0  }
0x12: {  	s1 =	sld [smem:$0x3F99];
	s0 =	simm.s32 @p0 $0x1  }
0x13: {  	[smem:$0x3FB4] =	sst s0;
	s0 =	simm.s32 @!p1 $0x0  }
0x14: {  	s2 =	sld [smem:$0x3F98];
	s0 =	simm.s32 @p1 $0x1  }
0x15: {  	[smem:$0x3FB5] =	sst s0;
	s0 =	simm.s32 @!p2 $0x0  }
0x16: {  	s3 =	sld [smem:$0x3FDB];
	s0 =	simm.s32 @p2 $0x1  }
0x17: {  	s4 =	simm.s32 $0x1BF5;
	[smem:$0x3FB7] =	sst s0  }
0x18: {  	s0 =	sld [smem:$0x3F9A];
	_ =	swait.ge [sflag:s4], $0x0  }
0x19: {  	s7 =	sld [smem:$0x3F9B]  }
0x1a: {  	s8 =	sadd.s32 $0xFFFFE003, lr  }
0x1b: {  	s9 =	sadd.s32 $0xFFFFFEF7, lr;
	s5 =	simm.s32 $0xFFFFFFFF;
	p2 =	slt.u32 s8, $0xFFFFF086  }
0x1c: {  	p1 =	slt.u32 s9, $0xF7A;
	s5 =	simm.s32 @!p2 $0x0  }
0x1d: {  	s5 =	simm.s32 @p1 $0x1;
	p0 =	seq.s32 s7, s2  }
0x1e: {  	s7 =	smul.u32 @!p0 $0xF7A, s2;
	p2 =	seq.s32 @!p0 s5, $0x0  }
0x1f: {  	s9 =	smul.u32 $0xF7A, s1;
	s8 =	simm.s32 @!p0 $0x1BF5;
	p2 =	por !p2, p0  }
0x20: {  	[sflag:s8] =	ssyncset.s32 @!p0 $0xFFFFF086;
	s6 =	sadd.s32 @!p0 s3, s7;
	s7 =	simm.s32 @!p0 $0x108  }
0x21: {  	s3 =	sadd.s32 s3, s9;
	s6 =	sadd.s32 @!p0 $0x88, s6;
	s7 =	simm.s32 @p2 $0x1082  }
0x22: {  	[simem:s7], [sflag:s8] =	dma.local @!p0 [hbm:s6], $0xF7A  }
0x23: {  	s9 =	sor.u32 $0xD0000000, s2;
	s6 =	simm.s32 $0x108;
	_ =	swait.ge @!p0 [sflag:s8], $0x0  }
0x24: {  	s3 =	sadd.s32 $0x88, s3;
	s6 =	simm.s32 @!p1 $0x1082;
	[sflag:s4] =	ssyncset.s32 $0xFFFFF086  }
0x25: {  	[simem:s6], [sflag:s4] =	dma.local [hbm:s3], $0xF7A  }
0x26: {  	[smem:$0x3F9B] =	sst s1;
	(tag) =	ssettag s2;
	_ =	strace s9  }
0x27: {  	s1 =	sld [smem:$0x3FAB]  }
0x28: {  	s2 =	sld [smem:$0x3FAC]  }
0x29: {  	s4 =	sld [smem:$0x3FAE]  }
0x2a: {  	p0 =	seq.s32 s5, $0x0;
	s5 =	sld [smem:$0x3FAF]  }
0x2b: {  	s6 =	sld [smem:$0x3FB0]  }
0x2c: {  	s7 =	sld [smem:$0x3FB1]  }
0x2d: {  	s3 =	simm.s32 $0x108;
	s8 =	sld [smem:$0x3FB2]  }
0x2e: {  	s3 =	simm.s32 @!p0 $0x1082;
	s9 =	sld [smem:$0x3FB3]  }
0x2f: {  	lr =	sadd.s32 s0, s3;
	s0 =	sld [smem:$0x3FAA]  }
0x30: {  	s3 =	sld [smem:$0x3FAD]  }
0x31: {  	[smem:$0x3FB6] =	sst s10  }
0x32: {  	s10 =	sld [smem:$0x3FB4];
	_ =	sdelay $0x3  }
0x33: {  	p0 =	seq.s32 s10, $0x1;
	s10 =	sld [smem:$0x3FB6];
	_ =	sdelay $0x3  }
0x34: {  	[smem:$0x3FB6] =	sst s10  }
0x35: {  	s10 =	sld [smem:$0x3FB5];
	_ =	sdelay $0x3  }
0x36: {  	p1 =	seq.s32 s10, $0x1;
	s10 =	sld [smem:$0x3FB6];
	_ =	sdelay $0x3  }
0x37: {  	[smem:$0x3FB6] =	sst s10  }
0x38: {  	s10 =	sld [smem:$0x3FB7]  }
0x39: {  	_ = 	snop;
	(pc) =	sbr.ind lr, $3  }
0x3a: {  	_ = 	snop  }
0x3b: {  	_ = 	snop  }
0x3c: {  	p2 =	seq.s32 s10, $0x1;
	s10 =	sld [smem:$0x3FB6]  }
0x3d: {  	_ =	shalt  }
0x3e: {  	_ =	shalt  }
0x3f: {  	_ =	shalt  }
0x40: {  	_ =	shalt  }
0x41: {  	_ =	shalt  }
0x42: {  	_ =	shalt  }
0x43: {  	_ =	shalt  }
0x44: {  	_ =	shalt  }
0x45: {  	_ =	shalt  }
0x46: {  	_ =	shalt  }
0x47: {  	_ =	shalt  }
0x48: {  	_ =	shalt  }
0x49: {  	_ =	shalt  }
0x4a: {  	_ =	shalt  }
0x4b: {  	_ =	shalt  }
0x4c: {  	_ =	shalt  }
0x4d: {  	_ =	shalt  }
0x4e: {  	_ =	shalt  }
0x4f: {  	_ =	shalt  }
0x50: {  	_ =	shalt  }
0x51: {  	_ =	shalt  }
0x52: {  	_ =	shalt  }
0x53: {  	_ =	shalt  }
0x54: {  	_ =	shalt  }
0x55: {  	_ =	shalt  }
0x56: {  	_ =	shalt  }
0x57: {  	_ =	shalt  }
0x58: {  	_ =	shalt  }
0x59: {  	_ =	shalt  }
0x5a: {  	_ =	shalt  }
0x5b: {  	_ =	shalt  }
0x5c: {  	_ =	shalt  }
0x5d: {  	_ =	shalt  }
0x5e: {  	_ =	shalt  }
0x5f: {  	_ =	shalt  }
0x60: {  	_ =	shalt  }
0x61: {  	_ =	shalt  }
0x62: {  	_ =	shalt  }
0x63: {  	_ =	shalt  }
0x64: {  	_ =	shalt  }
0x65: {  	_ =	shalt  }
0x66: {  	_ =	shalt  }
0x67: {  	_ =	shalt  }
0x68: {  	_ =	shalt  }
0x69: {  	_ =	shalt  }
0x6a: {  	_ =	shalt  }
0x6b: {  	_ =	shalt  }
0x6c: {  	_ =	shalt  }
0x6d: {  	_ =	shalt  }
0x6e: {  	_ =	shalt  }
0x6f: {  	_ =	shalt  }
0x70: {  	_ =	shalt  }
0x71: {  	_ =	shalt  }
0x72: {  	_ =	shalt  }
0x73: {  	_ =	shalt  }
0x74: {  	_ =	shalt  }
0x75: {  	_ =	shalt  }
0x76: {  	_ =	shalt  }
0x77: {  	_ =	shalt  }
0x78: {  	_ =	shalt  }
0x79: {  	_ =	shalt  }
0x7a: {  	_ =	shalt  }
0x7b: {  	_ =	shalt  }
0x7c: {  	_ =	shalt  }
0x7d: {  	_ =	shalt  }
0x7e: {  	_ =	shalt  }
0x7f: {  	_ =	shalt  }
0x80: {  	_ =	shalt  }
0x81: {  	_ =	shalt  }
0x82: {  	_ =	shalt  }
0x83: {  	_ =	shalt  }
0x84: {  	_ =	shalt  }
0x85: {  	_ =	shalt  }
0x86: {  	_ =	shalt  }
0x87: {  	_ =	shalt  }
.Lfunc_end0:
.L_simem_size_0:
called_computation.1_lowered:
.L_overlay_start_0:
0x88: {  	s2 =	sld [smem:$0x3FD9]  }
0x89: {  	s3 =	sld [smem:$0x3FFE];
	_ =	sdelay $0x1  }
0x8a: {  	s1 =	srdreg.scid  }
0x8b: {  	s0 =	sand.u32 $0x1, s1  }
0x8c: {  	s17 =	sshll.u32 s0, $0xA;
	s2 =	sadd.s32 s3, s2  }
0x8d: {  	s2 =	sadd.s32 s2, s17  }
0x8e: {  	[smem:$0x3FC2] =	sst s2  }
0x8f: {  	_ = 	snop  }
0x90: {  	s2 =	sld [smem:$0x3FD0];
	(tm) =	ssettm $0x1  }
0x91: {  	s18 =	sld [smem:$0x3FFB];
	_ =	sdelay $0x3  }
0x92: {  	_ =	strace s18  }
0x93: {  	s3 =	sld [smem:$0x3FFC];
	_ =	sdelay $0x3  }
0x94: {  	_ =	strace s3  }
0x95: {  	s3 =	sld [smem:$0x3FFD];
	_ =	sdelay $0x3  }
0x96: {  	_ =	strace s3  }
0x97: {  	_ =	strace $0x8FFFFFFF  }
0x98: {  	s19 =	sld [smem:$0x3FDB];
	_ =	sdelay $0x1  }
0x99: {  	s4 =	simm.s32 $_scs_section_size  }
0x9a: {  	s5 =	simm.s32 $_size__tile_overlayer_lowered;
	s6 =	simm.s32 $_tile_overlayer_lowered  }
0x9b: {  	s22 =	simm.s32 $0x1BFF;
	s21 =	sshll.u32 s6, $0x1;
	s3 =	sadd.s32 s4, s19  }
0x9c: {  	s7 =	simm.s32 $0x0;
	s20 =	sshll.u32 s5, $0x1;
	s5 =	sadd.s32 s21, s3  }
0x9d: {  	[timem:s7], [sflag:s22] =	dma.local [hbm:s5], s20  }
0x9e: {  	_ =	swait.ge [sflag:s22], s20  }
0x9f: {  	s4 =	ssub.s32 $0x0, s20;
	[sflag:s22] =	ssyncset.done $0x0  }
0xa0: {  	[sflag:s22] =	ssyncadd.s32 s4;
	_ =	sdelay $0x1  }
0xa1: {  	s23 =	simm.s32 $0x1B8B  }
0xa2: {  	_ =	swait.ge [sflag:s23], $0x1  }
0xa3: {  	[sflag:s23] =	ssyncset.done $0x0  }
0xa4: {  	s25 =	simm.s32 $0x1B8E;
	s24 =	sld [smem:$0x3FFE];
	[sflag:s23] =	ssyncadd.s32 $0xFFFFFFFF  }
0xa5: {  	s26 =	simm.s32 $execute0_lowered;
	[smem:$0x3FD2] =	sst s25  }
0xa6: {  	s5 =	sshll.u32 s26, $0x1;
	_ =	strace $0x80000049;
	[dreg:$0x1] =	wrdreg $0xFFFFFFFF  }
0xa7: {  	s28 =	simm.s32 $_size_execute0_lowered;
	s3 =	sadd.s32 s3, s5;
	[dreg:$0x0] =	wrdreg $0x0  }
0xa8: {  	s5 =	sshll.u32 s28, $0x1;
	[dreg:$0x2] =	wrdreg s3  }
0xa9: {  	[dreg:$0x3] =	wrdreg s5  }
0xaa: {  	[dreg:$0x4] =	wrdreg $0xC0  }
0xab: {  	_ =	task [dreg:s7], $0x5FFFF  }
0xac: {  	[dreg:$0x1] =	wrdreg $0xFFFFFFFF  }
0xad: {  	[dreg:$0x0] =	wrdreg $0x60  }
0xae: {  	[dreg:$0x2] =	wrdreg s24  }
0xaf: {  	[dreg:$0x3] =	wrdreg s2  }
0xb0: {  	[dreg:$0x4] =	wrdreg $0x88000  }
0xb1: {  	[dreg:$0x5] =	wrdreg $0x9  }
0xb2: {  	_ =	task.clear_ibuf [dreg:s7], $0x6FFFF;
	_ =	strace $0x90000049  }
0xb3: {  	s29 =	simm.s32 $0x9;
	_ =	strace $0x8000004B  }
0xb4: {  	_ =	swait.ge [sflag:s29], $0x1  }
0xb5: {  	[sflag:s29] =	ssyncadd.s32 $0xFFFFFFFF  }
0xb6: {  	_ =	strace $0x9000004B  }
0xb7: {  	_ =	sfence  }
0xb8: {  	s30 =	sld [smem:$0x0];
	_ =	sdelay $0x2  }
0xb9: {  	s31 =	sshll.u32 s1, $0xD;
	s1 =	sshrl.u32 s1, $0x2  }
0xba: {  	s3 =	sand.u32 $0x4000, s31;
	s1 =	sadd.s32 s1, s30  }
0xbb: {  	s0 =	sor.u32 s3, s0;
	s1 =	sshll.u32 s1, $0x11  }
0xbc: {  	s0 =	sor.u32 s1, s0  }
0xbd: {  	s0 =	sadd.s32 $0x8F2B, s0  }
0xbe: {  	[sflag:s0] =	ssyncadd.remote.s32 $0x1  }
0xbf: {  	_ =	sfence.sel $0xFFFF  }
0xc0: {  	[dreg:$0x0] =	wrdreg $0xFFFFFFFF;
	(pc) =	sbr.abs _section_cstart, $3  }
0xc1: {  	[dreg:$0x1] =	wrdreg $0xFFFFFFFF  }
0xc2: {  	_ =	task.clear_ibuf [dreg:s7], $0x2FFFF;
	_ =	strace $0x9FFFFFFF  }
0xc3: {  	(tm) =	ssettm $0x7FFFFFFF  }
tec
execute0_lowered:
.L_overlay_start_1:
0x0: {  	(tag) =	ssettag $0x1  }
0x1: {  	s0 =	rddreg [dreg:$0x0]  }
0x2: {  	s1 =	rddreg [dreg:$0x1]  }
0x3: {  	s2 =	rddreg [dreg:$0x2];
	s11 =	stileid.u32;
	s3 =	simm.s32 $0x0  }
0x4: {  	s7 =	srdreg.scid;
	s17 =	simm.s32 $0x5;
	s18 =	simm.s32 $0x400  }
0x5: {  	s19 =	simm.s32 $0x200;
	s20 =	simm.s32 $0x600;
	s28 =	simm.s32 $0x480  }
0x6: {  	s29 =	simm.s32 $0x180;
	s30 =	simm.s32 $0x2;
	s31 =	simm.s32 $0x500  }
0x7: {  	s15 =	simm.s32 $0x0;
	s4 =	smul.u32 $0x2800, s11;
	[smem:$0x7FF] =	sst s3  }
0x8: {  	s5 =	sadd.s32 $0x85A00, s0;
	s6 =	sadd.s32 $0x5DA00, s0;
	s7 =	sand.u32 $0x1, s7  }
0x9: {  	s8 =	sadd.s32 $0x2E00, s0;
	s10 =	smul.u32 $0x50000, s11;
	s12 =	sadd.s32 $0xD5A00, s0  }
0xa: {  	s23 =	smul.u32 $0xA00, s11;
	s24 =	sshll.u32 s11, $0x6;
	_ =	strace $0x8000004A  }
0xb: {  	s9 =	ssub.s32 $0x2, s7;
	[dreg:$0x5] =	wrdreg s12;
	s13 =	sor.u32 $0x1C05, s24  }
0xc: {  	p0 =	seq.s32 s7, $0x1;
	s24 =	simm.s32 $0x3;
	s7 =	simm.s32 $0x300  }
0xd: {  	[dreg:$0x4] =	wrdreg s4;
	s4 =	sadd.s32 s4, s0;
	s0 =	sadd.s32 $0xFDA00, s0  }
0xe: {  	s21 =	sshrl.u32 s9, $0x1;
	s22 =	sshrl.u32 s10, $0x2;
	s25 =	sor.u32 $0x40, s23  }
0xf: {  	s11 =	sadd.s32 s8, s23;
	s12 =	sadd.s32 s1, s23;
	[dreg:$0x8] =	wrdreg s13  }
0x10: {  	s23 =	simm.s32 $0x4800;
	[dreg:$0x6] =	wrdreg s0;
	s0 =	ssub.s32 s9, s21  }
0x11: {  	s9 =	sadd.s32 s22, s2;
	s4 =	sadd.s32 $0xADA00, s4;
	s26 =	sadd.s32 s8, s25  }
0x12: {  	s1 =	sadd.s32 s1, s25;
	s21 =	simm.s32 $0x80;
	[dreg:$0x7] =	wrdreg s4  }
.Ltmp0:
0x13: {  	s22 =	simm.s32 $0x800;
	[dreg:$0x9] =	wrdreg s26;
	(pc) =	sbr.rel .LBB2_1-.Ltmp0, $4  }
0x14: {  	s25 =	simm.s32 $0x100;
	s8 =	simm.s32 $0x680;
	[dreg:$0xa] =	wrdreg s1  }
0x15: {  	s0 =	smax.u32 s0, $0x1;
	s14 =	sshrl.u32 s9, $0x3;
	s26 =	simm.s32 $0x4  }
0x16: {  	s1 =	simm.s32 $0x280;
	s4 =	simm.s32 $0x380;
	[dreg:$0xb] =	wrdreg s0  }
0x17: {  	s9 =	simm.s32 $0x780;
	s0 =	simm.s32 $0x580;
	[dreg:$0xc] =	wrdreg s14  }
.LBB2_8:
0x18: {  	s14 =	rddreg [dreg:$0x6]  }
0x19: {  	s13 =	rddreg [dreg:$0x8]  }
0x1a: {  	s15 =	rddreg [dreg:$0xd]  }
.LBB2_9:
0x1b: {  	s10 =	rddreg [dreg:$0x4];
	[bflag:$0x0] =	sbarrier.arrive $0xFFFF  }
0x1c: {  	s10 =	sadd.s32 s14, s10;
	s14 =	rddreg [dreg:$0xc]  }
0x1d: {  	[hbm:s10], [sflag:s13] =	dma.local [spmem:s14], $0x2800  }
0x1e: {  	_ =	swait.ge [sflag:s17], $0x2800  }
0x1f: {  	s15 =	sadd.s32 $0x1, s15;
	s16 =	rddreg [dreg:$0xb]  }
0x20: {  	p1 =	sne.s32 s15, s16  }
.Ltmp1:
0x21: {  	_ = 	snop;
	(pc) =	sbr.rel @!p1 .LBB2_10-.Ltmp1, $3  }
0x22: {  	_ =	sdelay $0x1  }
0x23: {  	[sflag:s17] =	ssyncset.done $0x0  }
0x24: {  	[sflag:s17] =	ssyncadd.s32 $0xFFFFD800  }
.LBB2_1:
0x25: {  	s10 =	rddreg [dreg:$0x7]  }
0x26: {  	[spmem:s14], [sflag:s13] =	dma.local [hbm:s10], $0x2800  }
.Ltmp2:
0x27: {  	_ =	swait.ge [sflag:s17], $0x2800;
	(pc) =	sbr.rel @!p0 .LBB2_2-.Ltmp2, $4  }
0x28: {  	[sflag:s17] =	ssyncset.done $0x0  }
0x29: {  	[sflag:s17] =	ssyncadd.s32 $0xFFFFD800  }
0x2a: {  	[bflag:$0x0] =	sbarrier.arrive $0xFFFF  }
0x2b: {  	[dreg:$0xd] =	wrdreg s15  }
0x2c: {  	[tilespmem:s3], [sflag:$0x5] =	stream.linear.gather [hbm4b:s12+s3], $0x200, $0x38;
	[tilespmem:$0x1C800] =	vst v63  }
0x2d: {  	_ =	swait.ge [sflag:s17], $0x200  }
0x2e: {  	[sflag:s17] =	ssyncset.done $0x0  }
0x2f: {  	[sflag:s17] =	ssyncadd.s32 $0xFFFFFE00  }
0x30: {  	[tilespmem:s18], [sflag:$0x5] =	stream.linear.gather [hbm4b:s11+s3], $0x200, $0x38;
	[tilespmem:$0x1C800] =	vst v63  }
0x31: {  	_ =	swait.ge [sflag:s17], $0x200  }
0x32: {  	[sflag:s17] =	ssyncset.done $0x0  }
0x33: {  	s10 =	rddreg [dreg:$0xa];
	[sflag:s17] =	ssyncadd.s32 $0xFFFFFE00  }
0x34: {  	[tilespmem:s19], [sflag:$0x2] =	stream.linear.gather [hbm4b:s10+s3], $0x200, $0x38;
	[tilespmem:$0x1C800] =	vst v63  }
0x35: {  	s16 =	rddreg [dreg:$0x9]  }
0x36: {  	[tilespmem:s20], [sflag:$0x2] =	stream.linear.gather [hbm4b:s16+s3], $0x200, $0x38;
	[tilespmem:$0x1C800] =	vst v63  }
0x37: {  	_ = 	snop  }
0x38: {  	[tilespmem:s22], [sflag:$0x3] =	stream.indirect.gather [hbm4b:s6+s21], $0x80, s3, s21, $0xb8;
	[tilespmem:$0x1C800] =	vst v63  }
0x39: {  	s14 =	simm.s32 $0xFFFFF680  }
0x3a: {  	[tilespmem:s23], [sflag:$0x4] =	stream.indirect.gather [hbm4b:s6+s21], $0x80, s21, s21, $0xb8;
	[tilespmem:$0x1C800] =	vst v63  }
.LBB2_7:
0x3b: {  	_ =	swait.ge [sflag:s24], $0x4000  }
0x3c: {  	[sflag:s24] =	ssyncset.done $0x0  }
0x3d: {  	[sflag:s24] =	ssyncadd.s32 $0xFFFFC000  }
0x3e: {  	[spmem:s2] =	stream.indirect.scatter.add.f32 [tilespmem:s22], [sflag:$0x5], $0x80, s18, s21, $0xb8;
	[tilespmem:$0x1C800] =	vst v63  }
0x3f: {  	_ =	swait.ge [sflag:s17], $0x4000  }
0x40: {  	[sflag:s17] =	ssyncset.done $0x0  }
0x41: {  	[sflag:s17] =	ssyncadd.s32 $0xFFFFC000  }
0x42: {  	[tilespmem:s22], [sflag:$0x3] =	stream.indirect.gather [hbm4b:s6+s21], $0x80, s25, s21, $0xb8;
	[tilespmem:$0x1C800] =	vst v63  }
0x43: {  	_ =	swait.ge [sflag:s26], $0x4000  }
0x44: {  	[sflag:s26] =	ssyncset.done $0x0  }
0x45: {  	[sflag:s26] =	ssyncadd.s32 $0xFFFFC000  }
0x46: {  	[spmem:s2] =	stream.indirect.scatter.add.f32 [tilespmem:s23], [sflag:$0x5], $0x80, s28, s21, $0xb8;
	[tilespmem:$0x1C800] =	vst v63  }
0x47: {  	_ =	swait.ge [sflag:s17], $0x4000  }
0x48: {  	[sflag:s17] =	ssyncset.done $0x0  }
0x49: {  	[sflag:s17] =	ssyncadd.s32 $0xFFFFC000  }
0x4a: {  	[tilespmem:s23], [sflag:$0x4] =	stream.indirect.gather [hbm4b:s6+s21], $0x80, s29, s21, $0xb8;
	[tilespmem:$0x1C800] =	vst v63  }
0x4b: {  	_ =	swait.ge [sflag:s30], $0x200  }
0x4c: {  	[sflag:s30] =	ssyncset.done $0x0  }
0x4d: {  	[sflag:s30] =	ssyncadd.s32 $0xFFFFFE00  }
0x4e: {  	_ =	swait.ge [sflag:s30], $0x200  }
0x4f: {  	[sflag:s30] =	ssyncset.done $0x0  }
0x50: {  	[sflag:s30] =	ssyncadd.s32 $0xFFFFFE00  }
0x51: {  	_ =	swait.ge [sflag:s24], $0x4000  }
0x52: {  	[sflag:s24] =	ssyncset.done $0x0  }
0x53: {  	[sflag:s24] =	ssyncadd.s32 $0xFFFFC000  }
0x54: {  	[spmem:s2] =	stream.indirect.scatter.add.f32 [tilespmem:s22], [sflag:$0x5], $0x80, s31, s21, $0xb8;
	[tilespmem:$0x1C800] =	vst v63  }
0x55: {  	_ =	swait.ge [sflag:s17], $0x4000  }
0x56: {  	[sflag:s17] =	ssyncset.done $0x0  }
0x57: {  	[sflag:s17] =	ssyncadd.s32 $0xFFFFC000  }
0x58: {  	[tilespmem:s22], [sflag:$0x3] =	stream.indirect.gather [hbm4b:s6+s21], $0x80, s19, s21, $0xb8;
	[tilespmem:$0x1C800] =	vst v63  }
0x59: {  	_ =	swait.ge [sflag:s26], $0x4000  }
0x5a: {  	[sflag:s26] =	ssyncset.done $0x0  }
0x5b: {  	[sflag:s26] =	ssyncadd.s32 $0xFFFFC000  }
0x5c: {  	[spmem:s2] =	stream.indirect.scatter.add.f32 [tilespmem:s23], [sflag:$0x5], $0x80, s0, s21, $0xb8;
	[tilespmem:$0x1C800] =	vst v63  }
0x5d: {  	p1 =	seq.s32 s14, $0x0;
	_ =	swait.ge [sflag:s17], $0x4000  }
0x5e: {  	s10 =	sadd.s32 @!p1 s14, s12;
	[sflag:s17] =	ssyncset.done $0x0  }
0x5f: {  	s13 =	simm.s32 @!p1 $0x0;
	s10 =	sadd.s32 @!p1 $0xA00, s10;
	[sflag:s17] =	ssyncadd.s32 $0xFFFFC000  }
0x60: {  	[tilespmem:s13], [sflag:$0x1] =	stream.linear.gather @!p1 [hbm4b:s10+s13], $0x200, $0x38;
	[tilespmem:$0x1C800] =	vst v63  }
0x61: {  	s10 =	sadd.s32 @!p1 s14, s11  }
0x62: {  	s15 =	simm.s32 @!p1 $0x400;
	s10 =	sadd.s32 @!p1 $0xA00, s10  }
0x63: {  	[tilespmem:s15], [sflag:$0x1] =	stream.linear.gather @!p1 [hbm4b:s10+s13], $0x200, $0x38;
	[tilespmem:$0x1C800] =	vst v63  }
0x64: {  	_ = 	snop  }
0x65: {  	[tilespmem:s23], [sflag:$0x4] =	stream.indirect.gather [hbm4b:s6+s21], $0x80, s1, s21, $0xb8;
	[tilespmem:$0x1C800] =	vst v63  }
0x66: {  	_ =	swait.ge [sflag:s24], $0x4000  }
0x67: {  	[sflag:s24] =	ssyncset.done $0x0  }
0x68: {  	[sflag:s24] =	ssyncadd.s32 $0xFFFFC000  }
0x69: {  	[spmem:s2] =	stream.indirect.scatter.add.f32 [tilespmem:s22], [sflag:$0x5], $0x80, s20, s21, $0xb8;
	[tilespmem:$0x1C800] =	vst v63  }
0x6a: {  	_ =	swait.ge [sflag:s17], $0x4000  }
0x6b: {  	[sflag:s17] =	ssyncset.done $0x0  }
0x6c: {  	[sflag:s17] =	ssyncadd.s32 $0xFFFFC000  }
0x6d: {  	[tilespmem:s22], [sflag:$0x3] =	stream.indirect.gather [hbm4b:s6+s21], $0x80, s7, s21, $0xb8;
	[tilespmem:$0x1C800] =	vst v63  }
0x6e: {  	_ =	swait.ge [sflag:s26], $0x4000  }
0x6f: {  	[sflag:s26] =	ssyncset.done $0x0  }
0x70: {  	[sflag:s26] =	ssyncadd.s32 $0xFFFFC000  }
0x71: {  	[spmem:s2] =	stream.indirect.scatter.add.f32 [tilespmem:s23], [sflag:$0x5], $0x80, s8, s21, $0xb8;
	[tilespmem:$0x1C800] =	vst v63  }
0x72: {  	_ =	swait.ge [sflag:s17], $0x4000  }
0x73: {  	[sflag:s17] =	ssyncset.done $0x0  }
0x74: {  	s10 =	simm.s32 @p1 $0x3;
	[sflag:s17] =	ssyncadd.s32 $0xFFFFC000  }
0x75: {  	[tilespmem:s23], [sflag:$0x4] =	stream.indirect.gather [hbm4b:s6+s21], $0x80, s4, s21, $0xb8;
	[tilespmem:$0x1C800] =	vst v63  }
0x76: {  	_ =	swait.ge @p1 [sflag:s10], $0x4000  }
0x77: {  	s16 =	simm.s32 @p1 $0x800;
	[sflag:s10] =	ssyncset.done @p1 $0x0  }
0x78: {  	s15 =	simm.s32 @p1 $0x700;
	[sflag:s10] =	ssyncadd.s32 @p1 $0xFFFFC000;
	s10 =	simm.s32 @p1 $0x80  }
0x79: {  	[spmem:s2] =	stream.indirect.scatter.add.f32 @p1 [tilespmem:s16], [sflag:$0x5], $0x80, s15, s10, $0xb8;
	[tilespmem:$0x1C800] =	vst v63  }
0x7a: {  	s10 =	simm.s32 @p1 $0x5  }
0x7b: {  	_ =	swait.ge @p1 [sflag:s10], $0x4000  }
0x7c: {  	[sflag:s10] =	ssyncset.done @p1 $0x0  }
0x7d: {  	[sflag:s10] =	ssyncadd.s32 @p1 $0xFFFFC000;
	s10 =	simm.s32 @!p1 $0x1  }
0x7e: {  	_ =	swait.ge @!p1 [sflag:s10], $0x200  }
0x7f: {  	[sflag:s10] =	ssyncset.done @!p1 $0x0  }
0x80: {  	[sflag:s10] =	ssyncadd.s32 @!p1 $0xFFFFFE00  }
0x81: {  	_ =	swait.ge @!p1 [sflag:s10], $0x200  }
0x82: {  	[sflag:s10] =	ssyncset.done @!p1 $0x0  }
0x83: {  	[sflag:s10] =	ssyncadd.s32 @!p1 $0xFFFFFE00;
	s10 =	simm.s32 @!p1 $0x3  }
0x84: {  	_ =	swait.ge @!p1 [sflag:s10], $0x4000  }
0x85: {  	s15 =	simm.s32 @!p1 $0x700;
	[sflag:s10] =	ssyncset.done @!p1 $0x0  }
0x86: {  	s16 =	simm.s32 @!p1 $0x800;
	[sflag:s10] =	ssyncadd.s32 @!p1 $0xFFFFC000;
	s10 =	simm.s32 @!p1 $0x80  }
0x87: {  	[spmem:s2] =	stream.indirect.scatter.add.f32 @!p1 [tilespmem:s16], [sflag:$0x5], $0x80, s15, s10, $0xb8;
	[tilespmem:$0x1C800] =	vst v63  }
0x88: {  	s15 =	simm.s32 @!p1 $0x5  }
0x89: {  	_ =	swait.ge @!p1 [sflag:s15], $0x4000  }
0x8a: {  	[sflag:s15] =	ssyncset.done @!p1 $0x0  }
0x8b: {  	[sflag:s15] =	ssyncadd.s32 @!p1 $0xFFFFC000  }
0x8c: {  	[tilespmem:s16], [sflag:$0x3] =	stream.indirect.gather @!p1 [hbm4b:s6+s10], $0x80, s13, s10, $0xb8;
	[tilespmem:$0x1C800] =	vst v63  }
0x8d: {  	_ =	swait.ge [sflag:s26], $0x4000  }
0x8e: {  	[sflag:s26] =	ssyncset.done $0x0  }
.Ltmp3:
0x8f: {  	[sflag:s26] =	ssyncadd.s32 $0xFFFFC000;
	(pc) =	sbr.rel @p1 .LBB2_8-.Ltmp3, $4  }
0x90: {  	[spmem:s2] =	stream.indirect.scatter.add.f32 [tilespmem:s23], [sflag:$0x5], $0x80, s9, s21, $0xb8;
	[tilespmem:$0x1C800] =	vst v63  }
0x91: {  	_ =	swait.ge [sflag:s17], $0x4000  }
0x92: {  	[sflag:s17] =	ssyncset.done $0x0  }
0x93: {  	[sflag:s17] =	ssyncadd.s32 $0xFFFFC000  }
0x94: {  	s10 =	sadd.s32 s14, s12  }
0x95: {  	s10 =	sadd.s32 $0xA40, s10  }
0x96: {  	[tilespmem:s19], [sflag:$0x2] =	stream.linear.gather [hbm4b:s10+s3], $0x200, $0x38;
	[tilespmem:$0x1C800] =	vst v63  }
.Ltmp4:
0x97: {  	s16 =	sadd.s32 s14, s11;
	(pc) =	sbr.rel .LBB2_7-.Ltmp4, $4  }
0x98: {  	s10 =	sadd.s32 $0xA40, s16  }
0x99: {  	[tilespmem:s20], [sflag:$0x2] =	stream.linear.gather [hbm4b:s10+s3], $0x200, $0x38;
	[tilespmem:$0x1C800] =	vst v63  }
0x9a: {  	s14 =	sadd.s32 $0x80, s14  }
0x9b: {  	[tilespmem:s23], [sflag:$0x4] =	stream.indirect.gather [hbm4b:s6+s21], $0x80, s21, s21, $0xb8;
	[tilespmem:$0x1C800] =	vst v63  }
.LBB2_2:
0x9c: {  	[tilespmem:s3], [sflag:$0x5] =	stream.linear.gather [hbm4b:s11+s3], $0x200, $0x38;
	[tilespmem:$0x1C800] =	vst v63  }
0x9d: {  	_ =	swait.ge [sflag:s17], $0x200  }
0x9e: {  	[sflag:s17] =	ssyncset.done $0x0  }
0x9f: {  	[sflag:s17] =	ssyncadd.s32 $0xFFFFFE00  }
0xa0: {  	[tilespmem:s18], [sflag:$0x5] =	stream.linear.gather [hbm4b:s12+s3], $0x200, $0x38;
	[tilespmem:$0x1C800] =	vst v63  }
0xa1: {  	_ =	swait.ge [sflag:s17], $0x200  }
0xa2: {  	[sflag:s17] =	ssyncset.done $0x0  }
0xa3: {  	s10 =	rddreg [dreg:$0x9];
	[sflag:s17] =	ssyncadd.s32 $0xFFFFFE00  }
0xa4: {  	[tilespmem:s19], [sflag:$0x2] =	stream.linear.gather [hbm4b:s10+s3], $0x200, $0x38;
	[tilespmem:$0x1C800] =	vst v63  }
0xa5: {  	s16 =	rddreg [dreg:$0xa]  }
0xa6: {  	[tilespmem:s20], [sflag:$0x2] =	stream.linear.gather [hbm4b:s16+s3], $0x200, $0x38;
	[tilespmem:$0x1C800] =	vst v63  }
0xa7: {  	_ = 	snop  }
0xa8: {  	[tilespmem:s22], [sflag:$0x3] =	stream.indirect.gather [hbm4b:s5+s21], $0x80, s3, s21, $0xb8;
	[tilespmem:$0x1C800] =	vst v63  }
0xa9: {  	s14 =	simm.s32 $0xFFFFF680  }
0xaa: {  	[tilespmem:s23], [sflag:$0x4] =	stream.indirect.gather [hbm4b:s5+s21], $0x80, s21, s21, $0xb8;
	[tilespmem:$0x1C800] =	vst v63  }
.LBB2_3:
0xab: {  	_ =	swait.ge [sflag:s24], $0x4000  }
0xac: {  	[sflag:s24] =	ssyncset.done $0x0  }
0xad: {  	[sflag:s24] =	ssyncadd.s32 $0xFFFFC000  }
0xae: {  	[spmem:s2] =	stream.indirect.scatter.add.f32 [tilespmem:s22], [sflag:$0x5], $0x80, s18, s21, $0xb8;
	[tilespmem:$0x1C800] =	vst v63  }
0xaf: {  	_ =	swait.ge [sflag:s17], $0x4000  }
0xb0: {  	[sflag:s17] =	ssyncset.done $0x0  }
0xb1: {  	[sflag:s17] =	ssyncadd.s32 $0xFFFFC000  }
0xb2: {  	[tilespmem:s22], [sflag:$0x3] =	stream.indirect.gather [hbm4b:s5+s21], $0x80, s25, s21, $0xb8;
	[tilespmem:$0x1C800] =	vst v63  }
0xb3: {  	_ =	swait.ge [sflag:s26], $0x4000  }
0xb4: {  	[sflag:s26] =	ssyncset.done $0x0  }
0xb5: {  	[sflag:s26] =	ssyncadd.s32 $0xFFFFC000  }
0xb6: {  	[spmem:s2] =	stream.indirect.scatter.add.f32 [tilespmem:s23], [sflag:$0x5], $0x80, s28, s21, $0xb8;
	[tilespmem:$0x1C800] =	vst v63  }
0xb7: {  	_ =	swait.ge [sflag:s17], $0x4000  }
0xb8: {  	[sflag:s17] =	ssyncset.done $0x0  }
0xb9: {  	[sflag:s17] =	ssyncadd.s32 $0xFFFFC000  }
0xba: {  	[tilespmem:s23], [sflag:$0x4] =	stream.indirect.gather [hbm4b:s5+s21], $0x80, s29, s21, $0xb8;
	[tilespmem:$0x1C800] =	vst v63  }
0xbb: {  	_ =	swait.ge [sflag:s30], $0x200  }
0xbc: {  	[sflag:s30] =	ssyncset.done $0x0  }
0xbd: {  	[sflag:s30] =	ssyncadd.s32 $0xFFFFFE00  }
0xbe: {  	_ =	swait.ge [sflag:s30], $0x200  }
0xbf: {  	[sflag:s30] =	ssyncset.done $0x0  }
0xc0: {  	[sflag:s30] =	ssyncadd.s32 $0xFFFFFE00  }
0xc1: {  	_ =	swait.ge [sflag:s24], $0x4000  }
0xc2: {  	[sflag:s24] =	ssyncset.done $0x0  }
0xc3: {  	[sflag:s24] =	ssyncadd.s32 $0xFFFFC000  }
0xc4: {  	[spmem:s2] =	stream.indirect.scatter.add.f32 [tilespmem:s22], [sflag:$0x5], $0x80, s31, s21, $0xb8;
	[tilespmem:$0x1C800] =	vst v63  }
0xc5: {  	_ =	swait.ge [sflag:s17], $0x4000  }
0xc6: {  	[sflag:s17] =	ssyncset.done $0x0  }
0xc7: {  	[sflag:s17] =	ssyncadd.s32 $0xFFFFC000  }
0xc8: {  	[tilespmem:s22], [sflag:$0x3] =	stream.indirect.gather [hbm4b:s5+s21], $0x80, s19, s21, $0xb8;
	[tilespmem:$0x1C800] =	vst v63  }
0xc9: {  	_ =	swait.ge [sflag:s26], $0x4000  }
0xca: {  	[sflag:s26] =	ssyncset.done $0x0  }
0xcb: {  	[sflag:s26] =	ssyncadd.s32 $0xFFFFC000  }
0xcc: {  	[spmem:s2] =	stream.indirect.scatter.add.f32 [tilespmem:s23], [sflag:$0x5], $0x80, s0, s21, $0xb8;
	[tilespmem:$0x1C800] =	vst v63  }
0xcd: {  	p1 =	seq.s32 s14, $0x0;
	_ =	swait.ge [sflag:s17], $0x4000  }
0xce: {  	s15 =	sadd.s32 @!p1 s14, s11;
	[sflag:s17] =	ssyncset.done $0x0  }
0xcf: {  	s10 =	simm.s32 @!p1 $0x0;
	s15 =	sadd.s32 @!p1 $0xA00, s15;
	[sflag:s17] =	ssyncadd.s32 $0xFFFFC000  }
0xd0: {  	[tilespmem:s10], [sflag:$0x1] =	stream.linear.gather @!p1 [hbm4b:s15+s10], $0x200, $0x38;
	[tilespmem:$0x1C800] =	vst v63  }
0xd1: {  	s15 =	sadd.s32 @!p1 s14, s12  }
0xd2: {  	s16 =	simm.s32 @!p1 $0x400;
	s15 =	sadd.s32 @!p1 $0xA00, s15  }
0xd3: {  	[tilespmem:s16], [sflag:$0x1] =	stream.linear.gather @!p1 [hbm4b:s15+s10], $0x200, $0x38;
	[tilespmem:$0x1C800] =	vst v63  }
0xd4: {  	_ = 	snop  }
0xd5: {  	[tilespmem:s23], [sflag:$0x4] =	stream.indirect.gather [hbm4b:s5+s21], $0x80, s1, s21, $0xb8;
	[tilespmem:$0x1C800] =	vst v63  }
0xd6: {  	_ =	swait.ge [sflag:s24], $0x4000  }
0xd7: {  	[sflag:s24] =	ssyncset.done $0x0  }
0xd8: {  	[sflag:s24] =	ssyncadd.s32 $0xFFFFC000  }
0xd9: {  	[spmem:s2] =	stream.indirect.scatter.add.f32 [tilespmem:s22], [sflag:$0x5], $0x80, s20, s21, $0xb8;
	[tilespmem:$0x1C800] =	vst v63  }
0xda: {  	_ =	swait.ge [sflag:s17], $0x4000  }
0xdb: {  	[sflag:s17] =	ssyncset.done $0x0  }
0xdc: {  	[sflag:s17] =	ssyncadd.s32 $0xFFFFC000  }
0xdd: {  	[tilespmem:s22], [sflag:$0x3] =	stream.indirect.gather [hbm4b:s5+s21], $0x80, s7, s21, $0xb8;
	[tilespmem:$0x1C800] =	vst v63  }
0xde: {  	_ =	swait.ge [sflag:s26], $0x4000  }
0xdf: {  	[sflag:s26] =	ssyncset.done $0x0  }
0xe0: {  	[sflag:s26] =	ssyncadd.s32 $0xFFFFC000  }
0xe1: {  	[spmem:s2] =	stream.indirect.scatter.add.f32 [tilespmem:s23], [sflag:$0x5], $0x80, s8, s21, $0xb8;
	[tilespmem:$0x1C800] =	vst v63  }
0xe2: {  	_ =	swait.ge [sflag:s17], $0x4000  }
0xe3: {  	[sflag:s17] =	ssyncset.done $0x0  }
0xe4: {  	s15 =	simm.s32 @p1 $0x3;
	[sflag:s17] =	ssyncadd.s32 $0xFFFFC000  }
0xe5: {  	[tilespmem:s23], [sflag:$0x4] =	stream.indirect.gather [hbm4b:s5+s21], $0x80, s4, s21, $0xb8;
	[tilespmem:$0x1C800] =	vst v63  }
0xe6: {  	_ =	swait.ge @p1 [sflag:s15], $0x4000  }
0xe7: {  	s13 =	simm.s32 @p1 $0x800;
	[sflag:s15] =	ssyncset.done @p1 $0x0  }
0xe8: {  	s16 =	simm.s32 @p1 $0x700;
	[sflag:s15] =	ssyncadd.s32 @p1 $0xFFFFC000;
	s15 =	simm.s32 @p1 $0x80  }
0xe9: {  	[spmem:s2] =	stream.indirect.scatter.add.f32 @p1 [tilespmem:s13], [sflag:$0x5], $0x80, s16, s15, $0xb8;
	[tilespmem:$0x1C800] =	vst v63  }
0xea: {  	s13 =	simm.s32 @p1 $0x5  }
0xeb: {  	_ =	swait.ge @p1 [sflag:s13], $0x4000  }
0xec: {  	[sflag:s13] =	ssyncset.done @p1 $0x0  }
0xed: {  	[sflag:s13] =	ssyncadd.s32 @p1 $0xFFFFC000;
	s13 =	simm.s32 @!p1 $0x1  }
0xee: {  	_ =	swait.ge @!p1 [sflag:s13], $0x200  }
0xef: {  	[sflag:s13] =	ssyncset.done @!p1 $0x0  }
0xf0: {  	[sflag:s13] =	ssyncadd.s32 @!p1 $0xFFFFFE00  }
0xf1: {  	_ =	swait.ge @!p1 [sflag:s13], $0x200  }
0xf2: {  	[sflag:s13] =	ssyncset.done @!p1 $0x0  }
0xf3: {  	[sflag:s13] =	ssyncadd.s32 @!p1 $0xFFFFFE00;
	s13 =	simm.s32 @!p1 $0x3  }
0xf4: {  	_ =	swait.ge @!p1 [sflag:s13], $0x4000  }
0xf5: {  	s15 =	simm.s32 @!p1 $0x700;
	[sflag:s13] =	ssyncset.done @!p1 $0x0  }
0xf6: {  	s16 =	simm.s32 @!p1 $0x800;
	[sflag:s13] =	ssyncadd.s32 @!p1 $0xFFFFC000;
	s13 =	simm.s32 @!p1 $0x80  }
0xf7: {  	[spmem:s2] =	stream.indirect.scatter.add.f32 @!p1 [tilespmem:s16], [sflag:$0x5], $0x80, s15, s13, $0xb8;
	[tilespmem:$0x1C800] =	vst v63  }
0xf8: {  	s15 =	simm.s32 @!p1 $0x5  }
0xf9: {  	_ =	swait.ge @!p1 [sflag:s15], $0x4000  }
0xfa: {  	[sflag:s15] =	ssyncset.done @!p1 $0x0  }
0xfb: {  	[sflag:s15] =	ssyncadd.s32 @!p1 $0xFFFFC000  }
0xfc: {  	[tilespmem:s16], [sflag:$0x3] =	stream.indirect.gather @!p1 [hbm4b:s5+s13], $0x80, s10, s13, $0xb8;
	[tilespmem:$0x1C800] =	vst v63  }
0xfd: {  	_ =	swait.ge [sflag:s26], $0x4000  }
0xfe: {  	[sflag:s26] =	ssyncset.done $0x0  }
.Ltmp5:
0xff: {  	[sflag:s26] =	ssyncadd.s32 $0xFFFFC000;
	(pc) =	sbr.rel @p1 .LBB2_4-.Ltmp5, $4  }
0x100: {  	[spmem:s2] =	stream.indirect.scatter.add.f32 [tilespmem:s23], [sflag:$0x5], $0x80, s9, s21, $0xb8;
	[tilespmem:$0x1C800] =	vst v63  }
0x101: {  	_ =	swait.ge [sflag:s17], $0x4000  }
0x102: {  	[sflag:s17] =	ssyncset.done $0x0  }
0x103: {  	[sflag:s17] =	ssyncadd.s32 $0xFFFFC000  }
0x104: {  	s10 =	sadd.s32 s14, s11  }
0x105: {  	s10 =	sadd.s32 $0xA40, s10  }
0x106: {  	[tilespmem:s19], [sflag:$0x2] =	stream.linear.gather [hbm4b:s10+s3], $0x200, $0x38;
	[tilespmem:$0x1C800] =	vst v63  }
.Ltmp6:
0x107: {  	s16 =	sadd.s32 s14, s12;
	(pc) =	sbr.rel .LBB2_3-.Ltmp6, $4  }
0x108: {  	s10 =	sadd.s32 $0xA40, s16  }
0x109: {  	[tilespmem:s20], [sflag:$0x2] =	stream.linear.gather [hbm4b:s10+s3], $0x200, $0x38;
	[tilespmem:$0x1C800] =	vst v63  }
0x10a: {  	s14 =	sadd.s32 $0x80, s14  }
0x10b: {  	[tilespmem:s23], [sflag:$0x4] =	stream.indirect.gather [hbm4b:s5+s21], $0x80, s21, s21, $0xb8;
	[tilespmem:$0x1C800] =	vst v63  }
.LBB2_4:
.Ltmp7:
0x10c: {  	(pc) =	sbr.rel .LBB2_9-.Ltmp7, $4  }
0x10d: {  	_ = 	snop  }
0x10e: {  	s14 =	rddreg [dreg:$0x5]  }
0x10f: {  	s13 =	rddreg [dreg:$0x8]  }
0x110: {  	s15 =	rddreg [dreg:$0xd]  }
.LBB2_10:
0x111: {  	_ =	sfence.sel $0x180000  }
0x112: {  	[bflag:$0x0] =	sbarrier.arrive $0xFFFF  }
0x113: {  	_ =	strace $0x9000004A  }
0x114: {  	s0 =	stileid.u32;
	[bflag:$0x2] =	sbarrier.arrive $0xFFFF  }
0x115: {  	p0 =	sne.s32 s0, $0x0;
	s0 =	rddreg [dreg:$0x3]  }
0x116: {  	s0 =	sadd.s32 @!p0 $0x100000, s0  }
0x117: {  	[sflag:s0] =	ssyncadd.tile.s32 @!p0 $0x1;
	_ =	shalt  }
.Lfunc_end2:
_tile_overlayer_lowered:
.L_overlay_start_2:
0x118: {  	(tag) =	ssettag $0x2  }
0x119: {  	s0 =	rddreg [dreg:$0x0];
	s2 =	stileid.u32  }
0x11a: {  	s1 =	rddreg [dreg:$0x1];
	p0 =	sne.s32 s2, $0x0  }
0x11b: {  	s3 =	rddreg [dreg:$0x2];
	[bflag:$0x3] =	sbarrier.arrive $0xFFFF;
	s2 =	simm.s32 @!p0 $0x1C05  }
0x11c: {  	[timem:s3], [sflag:s2] =	dma.local @!p0 [hbm:s0], s1  }
0x11d: {  	s0 =	simm.s32 @!p0 $0x5  }
0x11e: {  	_ =	swait.ge @!p0 [sflag:s0], s1  }
0x11f: {  	s1 =	ssub.s32 @!p0 $0x0, s1;
	[sflag:s0] =	ssyncset.done @!p0 $0x0  }
0x120: {  	[sflag:s0] =	ssyncadd.s32 @!p0 s1  }
0x121: {  	[bflag:$0x3] =	sbarrier.arrive $0xFFFF  }
0x122: {  	_ =	shalt  }

</sc_bundles>
